<compile_context>
chip_gen: v7x
topology: tpu7x:2x2x1
jax: 0.10.2.dev20260603
libtpu: 0.0.44.dev20260713+nightly
codegen_flags: <defaults>
</compile_context>

<pallas_src>
import functools

import jax
import jax.numpy as jnp
from jax import lax
from jax.experimental import pallas as pl
from jax.experimental.pallas import tpu as pltpu
from jax.experimental.pallas import tpu_sc as plsc

B = 16384
EMB = 64
FEAT = 32
NF = 26
NW = 32
CHUNK = B // NW
NJ = CHUNK // 128

U_G = 8000512
U_LEN = 7999616
I_G = 800768
I_LEN = 799872
FU_FLD = 32768
NFH = NF // 2



def _untile(xT, nwin, wblk, g0=0, ng=None):
    rows, n = xT.shape
    if ng is None:
        ng = rows // 8
    nin = wblk * 128

    def body(x_ref, o_ref):
        x = x_ref[...]
        o_ref[...] = x.reshape(8, wblk, 128).transpose(1, 0, 2)[None]

    return pl.pallas_call(
        body,
        grid=(ng, pl.cdiv(nwin, wblk)),
        in_specs=[pl.BlockSpec((8, nin), lambda g, w: (g + g0, w))],
        out_specs=pl.BlockSpec((1, wblk, 8, 128), lambda g, w: (g, w, 0, 0)),
        out_shape=jax.ShapeDtypeStruct((ng, nwin, 8, 128), jnp.float32),
    )(xT)



def _ui_body(uid_hbm, iid_hbm, u_hbm, i_hbm, ub_hbm, ib_hbm, out_hbm,
             uid_v, iid_v, jju_v, jji_v, ub_v, ib_v, ubuf, ibuf, out_v,
             sem):
    wid = lax.axis_index("s") * 2 + lax.axis_index("c")

    jrow = wid * NJ
    pltpu.sync_copy(uid_hbm.at[pl.ds(jrow, NJ), :], uid_v)
    pltpu.sync_copy(iid_hbm.at[pl.ds(jrow, NJ), :], iid_v)

    bias = []
    for j in range(NJ):
        dst = pl.ds(j * 128, 128)
        bias.append(pltpu.async_copy(ub_hbm.at[uid_v.at[j]],
                                     ub_v.at[dst], sem))
        bias.append(pltpu.async_copy(ib_hbm.at[iid_v.at[j]],
                                     ib_v.at[dst], sem))
    for c in bias:
        c.wait()

    def mkjj(g, _):
        j = g // 8
        sl = pl.ds((g % 8) * 16, 16)
        fl = pl.ds(g * 16, 16)
        u16 = uid_v[j, sl]
        jju_v[fl] = ((u16 >> 7) << 10) + (u16 & 127)
        i16 = iid_v[j, sl]
        jji_v[fl] = ((i16 >> 7) << 10) + (i16 & 127)
        return 0

    lax.fori_loop(0, NJ * 8, mkjj, 0)

    def drain(n):
        for _ in range(n):
            pltpu.make_async_copy(u_hbm.at[jju_v], ubuf.at[0], sem).wait()

    def ui_fire(d, _):
        ub = (d >> 3) * U_G + (d & 7) * 128
        ib = (d >> 3) * I_G + (d & 7) * 128
        pltpu.async_copy(u_hbm.at[pl.ds(ub, U_LEN)].at[jju_v],
                         ubuf.at[d], sem)
        pltpu.async_copy(i_hbm.at[pl.ds(ib, I_LEN)].at[jji_v],
                         ibuf.at[d], sem)

        @pl.when(d >= 16)
        def _():
            drain(2)
        return 0

    lax.fori_loop(0, EMB, ui_fire, 0)
    drain(32)

    def ui_group(g, _):
        sl = pl.ds(g * 16, 16)
        acc = ub_v[sl] + ib_v[sl]
        for d in range(EMB):
            acc = acc + ubuf[d, sl] * ibuf[d, sl]
        out_v[sl] = acc
        return 0

    lax.fori_loop(0, NW, ui_group, 0)

    pltpu.sync_copy(out_v, out_hbm.at[pl.ds(wid * CHUNK, CHUNK)])


def _fields_body(f0, nf, iid_hbm, xf_hbm, fi_hbm, fu_hbm, out_hbm,
                 iid_v, jji_v, xf_v, ftab_v, fib_v, out_v, sem, fsem):
    wid = lax.axis_index("s") * 2 + lax.axis_index("c")
    jrow = wid * NJ
    pltpu.sync_copy(iid_hbm.at[pl.ds(jrow, NJ), :], iid_v)

    def mkjj(g, _):
        j = g // 8
        sl = pl.ds((g % 8) * 16, 16)
        i16 = iid_v[j, sl]
        jji_v[pl.ds(g * 16, 16)] = ((i16 >> 7) << 10) + (i16 & 127)
        return 0

    lax.fori_loop(0, NJ * 8, mkjj, 0)

    def zero(g, _):
        out_v[pl.ds(g * 16, 16)] = jnp.zeros((16,), jnp.float32)
        return 0

    lax.fori_loop(0, NW, zero, 0)

    def drain(n):
        for _ in range(n):
            pltpu.make_async_copy(fu_hbm.at[pl.ds(0, CHUNK)],
                                  fib_v.at[0, 0], sem).wait()

    def fire_field(floc, p):
        def fd(d, _):
            base = (floc * 4 + (d >> 3)) * I_G + (d & 7) * 128
            pltpu.async_copy(fi_hbm.at[pl.ds(base, I_LEN)].at[jji_v],
                             fib_v.at[p, d], sem)
            return 0

        lax.fori_loop(0, FEAT, fd, 0)

    fire_field(0, 0)

    def field(floc, _):
        p = lax.rem(floc, 2)
        fg = floc + f0
        ft = pltpu.async_copy(fu_hbm.at[pl.ds(fg * FU_FLD, FU_FLD)], ftab_v,
                              fsem)
        xc = pltpu.async_copy(xf_hbm.at[fg, pl.ds(jrow, NJ), :], xf_v, fsem)

        @pl.when(floc < nf - 1)
        def _():
            fire_field(floc + 1, 1 - p)

        drain(FEAT)
        ft.wait()
        xc.wait()

        def fgroup(g, _):
            j = g // 8
            sl16 = pl.ds((g % 8) * 16, 16)
            x16 = xf_v[j, sl16]
            xj = ((x16 >> 7) << 10) + (x16 & 127)
            sl = pl.ds(g * 16, 16)
            acc = out_v[sl]
            for d in range(FEAT):
                idx = xj + ((d >> 3) * 8192 + (d & 7) * 128)
                fuv = plsc.load_gather(ftab_v, [idx])
                acc = acc + fuv * fib_v[p, d, sl]
            out_v[sl] = acc
            return 0

        lax.fori_loop(0, NW, fgroup, 0)
        return 0

    lax.fori_loop(0, nf, field, 0)

    pltpu.sync_copy(out_v, out_hbm.at[pl.ds(wid * CHUNK, CHUNK)])


def _sc_ui(mesh, u2, i2, u_t, i_t, ubf, ibf):
    run = pl.kernel(
        _ui_body,
        out_type=jax.ShapeDtypeStruct((B,), jnp.float32),
        mesh=mesh,
        compiler_params=pltpu.CompilerParams(
            needs_layout_passes=False, use_tc_tiling_on_sc=False),
        scratch_types=[
            pltpu.VMEM((NJ, 128), jnp.int32),
            pltpu.VMEM((NJ, 128), jnp.int32),
            pltpu.VMEM((CHUNK,), jnp.int32),
            pltpu.VMEM((CHUNK,), jnp.int32),
            pltpu.VMEM((CHUNK,), jnp.float32),
            pltpu.VMEM((CHUNK,), jnp.float32),
            pltpu.VMEM((EMB, CHUNK), jnp.float32),
            pltpu.VMEM((EMB, CHUNK), jnp.float32),
            pltpu.VMEM((CHUNK,), jnp.float32),
            pltpu.SemaphoreType.DMA,
        ],
    )
    return run(u2, i2, u_t, i_t, ubf, ibf)


def _sc_fields(mesh, f0, nf, i2, xf3, fi_t, fu_t):
    run = pl.kernel(
        functools.partial(_fields_body, f0, nf),
        out_type=jax.ShapeDtypeStruct((B,), jnp.float32),
        mesh=mesh,
        compiler_params=pltpu.CompilerParams(
            needs_layout_passes=False, use_tc_tiling_on_sc=False),
        scratch_types=[
            pltpu.VMEM((NJ, 128), jnp.int32),
            pltpu.VMEM((CHUNK,), jnp.int32),
            pltpu.VMEM((NJ, 128), jnp.int32),
            pltpu.VMEM((FU_FLD,), jnp.float32),
            pltpu.VMEM((2, FEAT, CHUNK), jnp.float32),
            pltpu.VMEM((CHUNK,), jnp.float32),
            pltpu.SemaphoreType.DMA,
            pltpu.SemaphoreType.DMA,
        ],
    )
    return run(i2, xf3, fi_t, fu_t)


def kernel(u_id, i_id, features, user_emb, user_bias, item_emb, item_bias,
           feat_u, feat_i, mean):
    uT = user_emb.T
    iT = item_emb.T
    fuT = jnp.transpose(feat_u, (0, 2, 1)).reshape(NF * FEAT, 1000)
    fiT = jnp.transpose(feat_i, (0, 2, 1)).reshape(NF * FEAT, 100000)

    i_t = _untile(iT, 782, 391).reshape(-1)
    u_t = _untile(uT, 7813, 512).reshape(-1)
    ubf = user_bias.reshape(-1)
    ibf = item_bias.reshape(-1)

    u2 = u_id.astype(jnp.int32).reshape(B // 128, 128)
    i2 = i_id.astype(jnp.int32).reshape(B // 128, 128)
    xf3 = features.astype(jnp.int32).T.reshape(NF, B // 128, 128)

    mesh = plsc.VectorSubcoreMesh(core_axis_name="c", subcore_axis_name="s")
    out_ui = _sc_ui(mesh, u2, i2, u_t, i_t, ubf, ibf)

    fiT, fuT = lax.optimization_barrier((fiT, fuT, u_t, i_t, ubf, ibf))[:2]
    fu_t = _untile(fuT, 8, 8).reshape(-1)
    fi_a = _untile(fiT, 782, 391, 0, NFH * 4).reshape(-1)
    out_fa = _sc_fields(mesh, 0, NFH, i2, xf3, fi_a, fu_t)
    fiT2 = lax.optimization_barrier((fiT, fi_a))[0]
    fi_b = _untile(fiT2, 782, 391, NFH * 4, (NF - NFH) * 4).reshape(-1)
    out_fb = _sc_fields(mesh, NFH, NF - NFH, i2, xf3, fi_b, fu_t)
    return out_ui + out_fa + out_fb + mean[0]

# --- scband reference (transcript-rebuilt; emitter-appended) ---
"""Pipeline reference for scband-mfwith-feature-19636590477649 (READ-ONLY COPY).

The authoritative reference and input builder live on the scoring server;
editing this copy changes nothing except your own understanding.
"""

import jax, jax.numpy as jnp
import numpy as np

NUM_USERS = 1000000
NUM_ITEMS = 100000
N_FIELDS = 26
FIELD_DIM = 1000
EMB = 64
FEAT_EMB = 32
BATCH = 16384


def setup_inputs(seed: int = 0) -> dict:
    key = jax.random.key(seed)
    ks = jax.random.split(key, 9)
    u_id = jax.random.randint(ks[0], (BATCH,), 0, NUM_USERS)
    i_id = jax.random.randint(ks[1], (BATCH,), 0, NUM_ITEMS)
    features = jax.random.randint(ks[2], (BATCH, N_FIELDS), 0, FIELD_DIM)
    user_emb = jax.random.uniform(ks[3], (NUM_USERS, EMB), minval=-0.01, maxval=0.01, dtype=jnp.float32)
    user_bias = jax.random.uniform(ks[4], (NUM_USERS, 1), minval=-0.01, maxval=0.01, dtype=jnp.float32)
    item_emb = jax.random.uniform(ks[5], (NUM_ITEMS, EMB), minval=-0.01, maxval=0.01, dtype=jnp.float32)
    item_bias = jax.random.uniform(ks[6], (NUM_ITEMS, 1), minval=-0.01, maxval=0.01, dtype=jnp.float32)
    feat_u = jax.random.uniform(ks[7], (N_FIELDS, FIELD_DIM, FEAT_EMB), minval=-0.01, maxval=0.01, dtype=jnp.float32)
    feat_i = jax.random.uniform(ks[8], (N_FIELDS, NUM_ITEMS, FEAT_EMB), minval=-0.01, maxval=0.01, dtype=jnp.float32)
    mean = jnp.zeros((1,), dtype=jnp.float32)
    return {
        "u_id": u_id,
        "i_id": i_id,
        "features": features,
        "user_emb": user_emb,
        "user_bias": user_bias,
        "item_emb": item_emb,
        "item_bias": item_bias,
        "feat_u": feat_u,
        "feat_i": feat_i,
        "mean": mean,
    }


def reference(u_id, i_id, features, user_emb, user_bias, item_emb, item_bias, feat_u, feat_i, mean):
    # dropout p=0.0 -> identity
    U = jnp.take(user_emb, u_id, axis=0)
    b_u = jnp.squeeze(jnp.take(user_bias, u_id, axis=0))
    I = jnp.take(item_emb, i_id, axis=0)
    b_i = jnp.squeeze(jnp.take(item_bias, i_id, axis=0))
    Y = jnp.zeros_like(u_id)
    for i in range(features.shape[1]):
        fu = jnp.take(feat_u[i], features[:, i], axis=0)
        fi = jnp.take(feat_i[i], i_id, axis=0)
        Y = Y + jnp.sum(fu * fi, axis=1)
    return jnp.sum(U * I, axis=1) + b_u + b_i + mean + Y

if __name__ == "__main__":
    import jax
    _d = setup_inputs()
    print(jax.jit(kernel)(*tuple(_d.values())))

</pallas_src>

<mosaic_0001>
#map = affine_map<(d0, d1) -> (0, 0)>
#map1 = affine_map<(d0, d1) -> (0)>
module attributes {stable_mosaic.version = 14 : i64} {
  func.func @_ui_body(%arg0: i32, %arg1: i32, %arg2: memref<128x128xi32, #tpu.memory_space<hbm>>, %arg3: memref<128x128xi32, #tpu.memory_space<hbm>>, %arg4: memref<64004096xf32, #tpu.memory_space<hbm>>, %arg5: memref<6406144xf32, #tpu.memory_space<hbm>>, %arg6: memref<1000000xf32, #tpu.memory_space<hbm>>, %arg7: memref<100000xf32, #tpu.memory_space<hbm>>, %arg8: memref<16384xf32, #tpu.memory_space<hbm>>, %arg9: memref<4x128xi32, #tpu.memory_space<vmem>>, %arg10: memref<4x128xi32, #tpu.memory_space<vmem>>, %arg11: memref<512xi32, #tpu.memory_space<vmem>>, %arg12: memref<512xi32, #tpu.memory_space<vmem>>, %arg13: memref<512xf32, #tpu.memory_space<vmem>>, %arg14: memref<512xf32, #tpu.memory_space<vmem>>, %arg15: memref<64x512xf32, #tpu.memory_space<vmem>>, %arg16: memref<64x512xf32, #tpu.memory_space<vmem>>, %arg17: memref<512xf32, #tpu.memory_space<vmem>>, %arg18: memref<!tpu.dma_semaphore, #tpu.memory_space<semaphore_mem>>) attributes {dimension_semantics = [#tpu.dimension_semantics<core_parallel>, #tpu.dimension_semantics<subcore_parallel>], iteration_bounds = array<i64: 2, 16>, scalar_prefetch = 0 : i64, scratch_operands = 10 : i64, tpu.core_type = #tpu.core_type<sc_vector_subcore>, window_params = [{transform_indices = #map}, {transform_indices = #map}, {transform_indices = #map1}, {transform_indices = #map1}, {transform_indices = #map1}, {transform_indices = #map1}, {transform_indices = #map1}]} {
    %mul3A = arith.constant 2 : i32
    %mul3A_0 = arith.muli %arg1, %mul3A : i32
    %add3A = arith.addi %mul3A_0, %arg0 : i32
    %mul3A_1 = arith.constant 4 : i32
    %mul3A_2 = arith.muli %add3A, %mul3A_1 : i32
    "tpu.region"() ({
      %run_scoped3A = tpu.sem_alloc : memref<!tpu.dma_semaphore, #tpu.memory_space<semaphore_mem>>
      %dma_start3A_343 = arith.constant 0 : i32
      %dma_start3A_344 = tpu.memref_slice %arg2[%mul3A_2, %dma_start3A_343] : memref<128x128xi32, #tpu.memory_space<hbm>> -> memref<4x128xi32, #tpu.memory_space<hbm>>
      %dma_start3A_345 = arith.constant 0 : i32
      %dma_start3A_346 = tpu.memref_slice %arg2[%mul3A_2, %dma_start3A_345] : memref<128x128xi32, #tpu.memory_space<hbm>> -> memref<4x128xi32, #tpu.memory_space<hbm>>
      tpu.enqueue_dma source(%dma_start3A_346 : memref<4x128xi32, #tpu.memory_space<hbm>>) target(%arg9 : memref<4x128xi32, #tpu.memory_space<vmem>>) target_semaphore(%run_scoped3A : memref<!tpu.dma_semaphore, #tpu.memory_space<semaphore_mem>>)
      %dma_wait3A_347 = arith.constant 0 : i32
      %dma_wait3A_348 = tpu.memref_slice %arg2[%mul3A_2, %dma_wait3A_347] : memref<128x128xi32, #tpu.memory_space<hbm>> -> memref<4x128xi32, #tpu.memory_space<hbm>>
      %dma_wait3A_349 = arith.constant 0 : i32
      %dma_wait3A_350 = tpu.memref_slice %arg2[%mul3A_2, %dma_wait3A_349] : memref<128x128xi32, #tpu.memory_space<hbm>> -> memref<4x128xi32, #tpu.memory_space<hbm>>
      tpu.wait_dma2 semaphore(%run_scoped3A : memref<!tpu.dma_semaphore, #tpu.memory_space<semaphore_mem>>) src(%dma_wait3A_350 : memref<4x128xi32, #tpu.memory_space<hbm>>) dst(%arg9 : memref<4x128xi32, #tpu.memory_space<vmem>>)
      tpu.yield
    }) : () -> ()
    "tpu.region"() ({
      %run_scoped3A = tpu.sem_alloc : memref<!tpu.dma_semaphore, #tpu.memory_space<semaphore_mem>>
      %dma_start3A_343 = arith.constant 0 : i32
      %dma_start3A_344 = tpu.memref_slice %arg3[%mul3A_2, %dma_start3A_343] : memref<128x128xi32, #tpu.memory_space<hbm>> -> memref<4x128xi32, #tpu.memory_space<hbm>>
      %dma_start3A_345 = arith.constant 0 : i32
      %dma_start3A_346 = tpu.memref_slice %arg3[%mul3A_2, %dma_start3A_345] : memref<128x128xi32, #tpu.memory_space<hbm>> -> memref<4x128xi32, #tpu.memory_space<hbm>>
      tpu.enqueue_dma source(%dma_start3A_346 : memref<4x128xi32, #tpu.memory_space<hbm>>) target(%arg10 : memref<4x128xi32, #tpu.memory_space<vmem>>) target_semaphore(%run_scoped3A : memref<!tpu.dma_semaphore, #tpu.memory_space<semaphore_mem>>)
      %dma_wait3A_347 = arith.constant 0 : i32
      %dma_wait3A_348 = tpu.memref_slice %arg3[%mul3A_2, %dma_wait3A_347] : memref<128x128xi32, #tpu.memory_space<hbm>> -> memref<4x128xi32, #tpu.memory_space<hbm>>
      %dma_wait3A_349 = arith.constant 0 : i32
      %dma_wait3A_350 = tpu.memref_slice %arg3[%mul3A_2, %dma_wait3A_349] : memref<128x128xi32, #tpu.memory_space<hbm>> -> memref<4x128xi32, #tpu.memory_space<hbm>>
      tpu.wait_dma2 semaphore(%run_scoped3A : memref<!tpu.dma_semaphore, #tpu.memory_space<semaphore_mem>>) src(%dma_wait3A_350 : memref<4x128xi32, #tpu.memory_space<hbm>>) dst(%arg10 : memref<4x128xi32, #tpu.memory_space<vmem>>)
      tpu.yield
    }) : () -> ()
    %dma_start3A = arith.constant 0 : i32
    %dma_start3A_3 = arith.constant 0 : i32
    %dma_start3A_4 = tpu.memref_slice %arg13[%dma_start3A_3] : memref<512xf32, #tpu.memory_space<vmem>> -> memref<128xf32, #tpu.memory_space<vmem>>
    %dma_start3A_5 = arith.constant 0 : i32
    %dma_start3A_6 = tpu.memref_slice %arg9[%dma_start3A, %dma_start3A_5] : memref<4x128xi32, #tpu.memory_space<vmem>> -> memref<1x128xi32, #tpu.memory_space<vmem>>
    %dma_start3A_7 = tpu.memref_squeeze %dma_start3A_6 : memref<1x128xi32, #tpu.memory_space<vmem>> -> memref<128xi32, #tpu.memory_space<vmem>>
    %dma_start3A_8 = arith.constant 0 : i32
    %dma_start3A_9 = tpu.memref_slice %arg6[%dma_start3A_8] : memref<1000000xf32, #tpu.memory_space<hbm>> -> memref<1000000xf32, #tpu.memory_space<hbm>>
    tpu.enqueue_indirect_dma source(%dma_start3A_9 : memref<1000000xf32, #tpu.memory_space<hbm>>) target(%dma_start3A_4 : memref<128xf32, #tpu.memory_space<vmem>>) offsets(%dma_start3A_7 : memref<128xi32, #tpu.memory_space<vmem>>) semaphore(%arg18 : memref<!tpu.dma_semaphore, #tpu.memory_space<semaphore_mem>>)
    %dma_start3A_10 = arith.constant 0 : i32
    %dma_start3A_11 = arith.constant 0 : i32
    %dma_start3A_12 = tpu.memref_slice %arg14[%dma_start3A_11] : memref<512xf32, #tpu.memory_space<vmem>> -> memref<128xf32, #tpu.memory_space<vmem>>
    %dma_start3A_13 = arith.constant 0 : i32
    %dma_start3A_14 = tpu.memref_slice %arg10[%dma_start3A_10, %dma_start3A_13] : memref<4x128xi32, #tpu.memory_space<vmem>> -> memref<1x128xi32, #tpu.memory_space<vmem>>
    %dma_start3A_15 = tpu.memref_squeeze %dma_start3A_14 : memref<1x128xi32, #tpu.memory_space<vmem>> -> memref<128xi32, #tpu.memory_space<vmem>>
    %dma_start3A_16 = arith.constant 0 : i32
    %dma_start3A_17 = tpu.memref_slice %arg7[%dma_start3A_16] : memref<100000xf32, #tpu.memory_space<hbm>> -> memref<100000xf32, #tpu.memory_space<hbm>>
    tpu.enqueue_indirect_dma source(%dma_start3A_17 : memref<100000xf32, #tpu.memory_space<hbm>>) target(%dma_start3A_12 : memref<128xf32, #tpu.memory_space<vmem>>) offsets(%dma_start3A_15 : memref<128xi32, #tpu.memory_space<vmem>>) semaphore(%arg18 : memref<!tpu.dma_semaphore, #tpu.memory_space<semaphore_mem>>)
    %dma_start3A_18 = arith.constant 1 : i32
    %dma_start3A_19 = arith.constant 128 : i32
    %dma_start3A_20 = tpu.memref_slice %arg13[%dma_start3A_19] : memref<512xf32, #tpu.memory_space<vmem>> -> memref<128xf32, #tpu.memory_space<vmem>>
    %dma_start3A_21 = arith.constant 0 : i32
    %dma_start3A_22 = tpu.memref_slice %arg9[%dma_start3A_18, %dma_start3A_21] : memref<4x128xi32, #tpu.memory_space<vmem>> -> memref<1x128xi32, #tpu.memory_space<vmem>>
    %dma_start3A_23 = tpu.memref_squeeze %dma_start3A_22 : memref<1x128xi32, #tpu.memory_space<vmem>> -> memref<128xi32, #tpu.memory_space<vmem>>
    %dma_start3A_24 = arith.constant 0 : i32
    %dma_start3A_25 = tpu.memref_slice %arg6[%dma_start3A_24] : memref<1000000xf32, #tpu.memory_space<hbm>> -> memref<1000000xf32, #tpu.memory_space<hbm>>
    tpu.enqueue_indirect_dma source(%dma_start3A_25 : memref<1000000xf32, #tpu.memory_space<hbm>>) target(%dma_start3A_20 : memref<128xf32, #tpu.memory_space<vmem>>) offsets(%dma_start3A_23 : memref<128xi32, #tpu.memory_space<vmem>>) semaphore(%arg18 : memref<!tpu.dma_semaphore, #tpu.memory_space<semaphore_mem>>)
    %dma_start3A_26 = arith.constant 1 : i32
    %dma_start3A_27 = arith.constant 128 : i32
    %dma_start3A_28 = tpu.memref_slice %arg14[%dma_start3A_27] : memref<512xf32, #tpu.memory_space<vmem>> -> memref<128xf32, #tpu.memory_space<vmem>>
    %dma_start3A_29 = arith.constant 0 : i32
    %dma_start3A_30 = tpu.memref_slice %arg10[%dma_start3A_26, %dma_start3A_29] : memref<4x128xi32, #tpu.memory_space<vmem>> -> memref<1x128xi32, #tpu.memory_space<vmem>>
    %dma_start3A_31 = tpu.memref_squeeze %dma_start3A_30 : memref<1x128xi32, #tpu.memory_space<vmem>> -> memref<128xi32, #tpu.memory_space<vmem>>
    %dma_start3A_32 = arith.constant 0 : i32
    %dma_start3A_33 = tpu.memref_slice %arg7[%dma_start3A_32] : memref<100000xf32, #tpu.memory_space<hbm>> -> memref<100000xf32, #tpu.memory_space<hbm>>
    tpu.enqueue_indirect_dma source(%dma_start3A_33 : memref<100000xf32, #tpu.memory_space<hbm>>) target(%dma_start3A_28 : memref<128xf32, #tpu.memory_space<vmem>>) offsets(%dma_start3A_31 : memref<128xi32, #tpu.memory_space<vmem>>) semaphore(%arg18 : memref<!tpu.dma_semaphore, #tpu.memory_space<semaphore_mem>>)
    %dma_start3A_34 = arith.constant 2 : i32
    %dma_start3A_35 = arith.constant 256 : i32
    %dma_start3A_36 = tpu.memref_slice %arg13[%dma_start3A_35] : memref<512xf32, #tpu.memory_space<vmem>> -> memref<128xf32, #tpu.memory_space<vmem>>
    %dma_start3A_37 = arith.constant 0 : i32
    %dma_start3A_38 = tpu.memref_slice %arg9[%dma_start3A_34, %dma_start3A_37] : memref<4x128xi32, #tpu.memory_space<vmem>> -> memref<1x128xi32, #tpu.memory_space<vmem>>
    %dma_start3A_39 = tpu.memref_squeeze %dma_start3A_38 : memref<1x128xi32, #tpu.memory_space<vmem>> -> memref<128xi32, #tpu.memory_space<vmem>>
    %dma_start3A_40 = arith.constant 0 : i32
    %dma_start3A_41 = tpu.memref_slice %arg6[%dma_start3A_40] : memref<1000000xf32, #tpu.memory_space<hbm>> -> memref<1000000xf32, #tpu.memory_space<hbm>>
    tpu.enqueue_indirect_dma source(%dma_start3A_41 : memref<1000000xf32, #tpu.memory_space<hbm>>) target(%dma_start3A_36 : memref<128xf32, #tpu.memory_space<vmem>>) offsets(%dma_start3A_39 : memref<128xi32, #tpu.memory_space<vmem>>) semaphore(%arg18 : memref<!tpu.dma_semaphore, #tpu.memory_space<semaphore_mem>>)
    %dma_start3A_42 = arith.constant 2 : i32
    %dma_start3A_43 = arith.constant 256 : i32
    %dma_start3A_44 = tpu.memref_slice %arg14[%dma_start3A_43] : memref<512xf32, #tpu.memory_space<vmem>> -> memref<128xf32, #tpu.memory_space<vmem>>
    %dma_start3A_45 = arith.constant 0 : i32
    %dma_start3A_46 = tpu.memref_slice %arg10[%dma_start3A_42, %dma_start3A_45] : memref<4x128xi32, #tpu.memory_space<vmem>> -> memref<1x128xi32, #tpu.memory_space<vmem>>
    %dma_start3A_47 = tpu.memref_squeeze %dma_start3A_46 : memref<1x128xi32, #tpu.memory_space<vmem>> -> memref<128xi32, #tpu.memory_space<vmem>>
    %dma_start3A_48 = arith.constant 0 : i32
    %dma_start3A_49 = tpu.memref_slice %arg7[%dma_start3A_48] : memref<100000xf32, #tpu.memory_space<hbm>> -> memref<100000xf32, #tpu.memory_space<hbm>>
    tpu.enqueue_indirect_dma source(%dma_start3A_49 : memref<100000xf32, #tpu.memory_space<hbm>>) target(%dma_start3A_44 : memref<128xf32, #tpu.memory_space<vmem>>) offsets(%dma_start3A_47 : memref<128xi32, #tpu.memory_space<vmem>>) semaphore(%arg18 : memref<!tpu.dma_semaphore, #tpu.memory_space<semaphore_mem>>)
    %dma_start3A_50 = arith.constant 3 : i32
    %dma_start3A_51 = arith.constant 384 : i32
    %dma_start3A_52 = tpu.memref_slice %arg13[%dma_start3A_51] : memref<512xf32, #tpu.memory_space<vmem>> -> memref<128xf32, #tpu.memory_space<vmem>>
    %dma_start3A_53 = arith.constant 0 : i32
    %dma_start3A_54 = tpu.memref_slice %arg9[%dma_start3A_50, %dma_start3A_53] : memref<4x128xi32, #tpu.memory_space<vmem>> -> memref<1x128xi32, #tpu.memory_space<vmem>>
    %dma_start3A_55 = tpu.memref_squeeze %dma_start3A_54 : memref<1x128xi32, #tpu.memory_space<vmem>> -> memref<128xi32, #tpu.memory_space<vmem>>
    %dma_start3A_56 = arith.constant 0 : i32
    %dma_start3A_57 = tpu.memref_slice %arg6[%dma_start3A_56] : memref<1000000xf32, #tpu.memory_space<hbm>> -> memref<1000000xf32, #tpu.memory_space<hbm>>
    tpu.enqueue_indirect_dma source(%dma_start3A_57 : memref<1000000xf32, #tpu.memory_space<hbm>>) target(%dma_start3A_52 : memref<128xf32, #tpu.memory_space<vmem>>) offsets(%dma_start3A_55 : memref<128xi32, #tpu.memory_space<vmem>>) semaphore(%arg18 : memref<!tpu.dma_semaphore, #tpu.memory_space<semaphore_mem>>)
    %dma_start3A_58 = arith.constant 3 : i32
    %dma_start3A_59 = arith.constant 384 : i32
    %dma_start3A_60 = tpu.memref_slice %arg14[%dma_start3A_59] : memref<512xf32, #tpu.memory_space<vmem>> -> memref<128xf32, #tpu.memory_space<vmem>>
    %dma_start3A_61 = arith.constant 0 : i32
    %dma_start3A_62 = tpu.memref_slice %arg10[%dma_start3A_58, %dma_start3A_61] : memref<4x128xi32, #tpu.memory_space<vmem>> -> memref<1x128xi32, #tpu.memory_space<vmem>>
    %dma_start3A_63 = tpu.memref_squeeze %dma_start3A_62 : memref<1x128xi32, #tpu.memory_space<vmem>> -> memref<128xi32, #tpu.memory_space<vmem>>
    %dma_start3A_64 = arith.constant 0 : i32
    %dma_start3A_65 = tpu.memref_slice %arg7[%dma_start3A_64] : memref<100000xf32, #tpu.memory_space<hbm>> -> memref<100000xf32, #tpu.memory_space<hbm>>
    tpu.enqueue_indirect_dma source(%dma_start3A_65 : memref<100000xf32, #tpu.memory_space<hbm>>) target(%dma_start3A_60 : memref<128xf32, #tpu.memory_space<vmem>>) offsets(%dma_start3A_63 : memref<128xi32, #tpu.memory_space<vmem>>) semaphore(%arg18 : memref<!tpu.dma_semaphore, #tpu.memory_space<semaphore_mem>>)
    %dma_wait3A = arith.constant 0 : i32
    %dma_wait3A_66 = arith.constant 0 : i32
    %dma_wait3A_67 = tpu.memref_slice %arg13[%dma_wait3A_66] : memref<512xf32, #tpu.memory_space<vmem>> -> memref<128xf32, #tpu.memory_space<vmem>>
    %dma_wait3A_68 = arith.constant 0 : i32
    %dma_wait3A_69 = tpu.memref_slice %arg9[%dma_wait3A, %dma_wait3A_68] : memref<4x128xi32, #tpu.memory_space<vmem>> -> memref<1x128xi32, #tpu.memory_space<vmem>>
    %dma_wait3A_70 = tpu.memref_squeeze %dma_wait3A_69 : memref<1x128xi32, #tpu.memory_space<vmem>> -> memref<128xi32, #tpu.memory_space<vmem>>
    %dma_wait3A_71 = arith.constant 0 : i32
    %dma_wait3A_72 = tpu.memref_slice %arg6[%dma_wait3A_71] : memref<1000000xf32, #tpu.memory_space<hbm>> -> memref<1000000xf32, #tpu.memory_space<hbm>>
    tpu.wait_indirect_dma semaphore(%arg18 : memref<!tpu.dma_semaphore, #tpu.memory_space<semaphore_mem>>) src(%dma_wait3A_72 : memref<1000000xf32, #tpu.memory_space<hbm>>) dst(%dma_wait3A_67 : memref<128xf32, #tpu.memory_space<vmem>>)
    %dma_wait3A_73 = arith.constant 0 : i32
    %dma_wait3A_74 = arith.constant 0 : i32
    %dma_wait3A_75 = tpu.memref_slice %arg14[%dma_wait3A_74] : memref<512xf32, #tpu.memory_space<vmem>> -> memref<128xf32, #tpu.memory_space<vmem>>
    %dma_wait3A_76 = arith.constant 0 : i32
    %dma_wait3A_77 = tpu.memref_slice %arg10[%dma_wait3A_73, %dma_wait3A_76] : memref<4x128xi32, #tpu.memory_space<vmem>> -> memref<1x128xi32, #tpu.memory_space<vmem>>
    %dma_wait3A_78 = tpu.memref_squeeze %dma_wait3A_77 : memref<1x128xi32, #tpu.memory_space<vmem>> -> memref<128xi32, #tpu.memory_space<vmem>>
    %dma_wait3A_79 = arith.constant 0 : i32
    %dma_wait3A_80 = tpu.memref_slice %arg7[%dma_wait3A_79] : memref<100000xf32, #tpu.memory_space<hbm>> -> memref<100000xf32, #tpu.memory_space<hbm>>
    tpu.wait_indirect_dma semaphore(%arg18 : memref<!tpu.dma_semaphore, #tpu.memory_space<semaphore_mem>>) src(%dma_wait3A_80 : memref<100000xf32, #tpu.memory_space<hbm>>) dst(%dma_wait3A_75 : memref<128xf32, #tpu.memory_space<vmem>>)
    %dma_wait3A_81 = arith.constant 1 : i32
    %dma_wait3A_82 = arith.constant 128 : i32
    %dma_wait3A_83 = tpu.memref_slice %arg13[%dma_wait3A_82] : memref<512xf32, #tpu.memory_space<vmem>> -> memref<128xf32, #tpu.memory_space<vmem>>
    %dma_wait3A_84 = arith.constant 0 : i32
    %dma_wait3A_85 = tpu.memref_slice %arg9[%dma_wait3A_81, %dma_wait3A_84] : memref<4x128xi32, #tpu.memory_space<vmem>> -> memref<1x128xi32, #tpu.memory_space<vmem>>
    %dma_wait3A_86 = tpu.memref_squeeze %dma_wait3A_85 : memref<1x128xi32, #tpu.memory_space<vmem>> -> memref<128xi32, #tpu.memory_space<vmem>>
    %dma_wait3A_87 = arith.constant 0 : i32
    %dma_wait3A_88 = tpu.memref_slice %arg6[%dma_wait3A_87] : memref<1000000xf32, #tpu.memory_space<hbm>> -> memref<1000000xf32, #tpu.memory_space<hbm>>
    tpu.wait_indirect_dma semaphore(%arg18 : memref<!tpu.dma_semaphore, #tpu.memory_space<semaphore_mem>>) src(%dma_wait3A_88 : memref<1000000xf32, #tpu.memory_space<hbm>>) dst(%dma_wait3A_83 : memref<128xf32, #tpu.memory_space<vmem>>)
    %dma_wait3A_89 = arith.constant 1 : i32
    %dma_wait3A_90 = arith.constant 128 : i32
    %dma_wait3A_91 = tpu.memref_slice %arg14[%dma_wait3A_90] : memref<512xf32, #tpu.memory_space<vmem>> -> memref<128xf32, #tpu.memory_space<vmem>>
    %dma_wait3A_92 = arith.constant 0 : i32
    %dma_wait3A_93 = tpu.memref_slice %arg10[%dma_wait3A_89, %dma_wait3A_92] : memref<4x128xi32, #tpu.memory_space<vmem>> -> memref<1x128xi32, #tpu.memory_space<vmem>>
    %dma_wait3A_94 = tpu.memref_squeeze %dma_wait3A_93 : memref<1x128xi32, #tpu.memory_space<vmem>> -> memref<128xi32, #tpu.memory_space<vmem>>
    %dma_wait3A_95 = arith.constant 0 : i32
    %dma_wait3A_96 = tpu.memref_slice %arg7[%dma_wait3A_95] : memref<100000xf32, #tpu.memory_space<hbm>> -> memref<100000xf32, #tpu.memory_space<hbm>>
    tpu.wait_indirect_dma semaphore(%arg18 : memref<!tpu.dma_semaphore, #tpu.memory_space<semaphore_mem>>) src(%dma_wait3A_96 : memref<100000xf32, #tpu.memory_space<hbm>>) dst(%dma_wait3A_91 : memref<128xf32, #tpu.memory_space<vmem>>)
    %dma_wait3A_97 = arith.constant 2 : i32
    %dma_wait3A_98 = arith.constant 256 : i32
    %dma_wait3A_99 = tpu.memref_slice %arg13[%dma_wait3A_98] : memref<512xf32, #tpu.memory_space<vmem>> -> memref<128xf32, #tpu.memory_space<vmem>>
    %dma_wait3A_100 = arith.constant 0 : i32
    %dma_wait3A_101 = tpu.memref_slice %arg9[%dma_wait3A_97, %dma_wait3A_100] : memref<4x128xi32, #tpu.memory_space<vmem>> -> memref<1x128xi32, #tpu.memory_space<vmem>>
    %dma_wait3A_102 = tpu.memref_squeeze %dma_wait3A_101 : memref<1x128xi32, #tpu.memory_space<vmem>> -> memref<128xi32, #tpu.memory_space<vmem>>
    %dma_wait3A_103 = arith.constant 0 : i32
    %dma_wait3A_104 = tpu.memref_slice %arg6[%dma_wait3A_103] : memref<1000000xf32, #tpu.memory_space<hbm>> -> memref<1000000xf32, #tpu.memory_space<hbm>>
    tpu.wait_indirect_dma semaphore(%arg18 : memref<!tpu.dma_semaphore, #tpu.memory_space<semaphore_mem>>) src(%dma_wait3A_104 : memref<1000000xf32, #tpu.memory_space<hbm>>) dst(%dma_wait3A_99 : memref<128xf32, #tpu.memory_space<vmem>>)
    %dma_wait3A_105 = arith.constant 2 : i32
    %dma_wait3A_106 = arith.constant 256 : i32
    %dma_wait3A_107 = tpu.memref_slice %arg14[%dma_wait3A_106] : memref<512xf32, #tpu.memory_space<vmem>> -> memref<128xf32, #tpu.memory_space<vmem>>
    %dma_wait3A_108 = arith.constant 0 : i32
    %dma_wait3A_109 = tpu.memref_slice %arg10[%dma_wait3A_105, %dma_wait3A_108] : memref<4x128xi32, #tpu.memory_space<vmem>> -> memref<1x128xi32, #tpu.memory_space<vmem>>
    %dma_wait3A_110 = tpu.memref_squeeze %dma_wait3A_109 : memref<1x128xi32, #tpu.memory_space<vmem>> -> memref<128xi32, #tpu.memory_space<vmem>>
    %dma_wait3A_111 = arith.constant 0 : i32
    %dma_wait3A_112 = tpu.memref_slice %arg7[%dma_wait3A_111] : memref<100000xf32, #tpu.memory_space<hbm>> -> memref<100000xf32, #tpu.memory_space<hbm>>
    tpu.wait_indirect_dma semaphore(%arg18 : memref<!tpu.dma_semaphore, #tpu.memory_space<semaphore_mem>>) src(%dma_wait3A_112 : memref<100000xf32, #tpu.memory_space<hbm>>) dst(%dma_wait3A_107 : memref<128xf32, #tpu.memory_space<vmem>>)
    %dma_wait3A_113 = arith.constant 3 : i32
    %dma_wait3A_114 = arith.constant 384 : i32
    %dma_wait3A_115 = tpu.memref_slice %arg13[%dma_wait3A_114] : memref<512xf32, #tpu.memory_space<vmem>> -> memref<128xf32, #tpu.memory_space<vmem>>
    %dma_wait3A_116 = arith.constant 0 : i32
    %dma_wait3A_117 = tpu.memref_slice %arg9[%dma_wait3A_113, %dma_wait3A_116] : memref<4x128xi32, #tpu.memory_space<vmem>> -> memref<1x128xi32, #tpu.memory_space<vmem>>
    %dma_wait3A_118 = tpu.memref_squeeze %dma_wait3A_117 : memref<1x128xi32, #tpu.memory_space<vmem>> -> memref<128xi32, #tpu.memory_space<vmem>>
    %dma_wait3A_119 = arith.constant 0 : i32
    %dma_wait3A_120 = tpu.memref_slice %arg6[%dma_wait3A_119] : memref<1000000xf32, #tpu.memory_space<hbm>> -> memref<1000000xf32, #tpu.memory_space<hbm>>
    tpu.wait_indirect_dma semaphore(%arg18 : memref<!tpu.dma_semaphore, #tpu.memory_space<semaphore_mem>>) src(%dma_wait3A_120 : memref<1000000xf32, #tpu.memory_space<hbm>>) dst(%dma_wait3A_115 : memref<128xf32, #tpu.memory_space<vmem>>)
    %dma_wait3A_121 = arith.constant 3 : i32
    %dma_wait3A_122 = arith.constant 384 : i32
    %dma_wait3A_123 = tpu.memref_slice %arg14[%dma_wait3A_122] : memref<512xf32, #tpu.memory_space<vmem>> -> memref<128xf32, #tpu.memory_space<vmem>>
    %dma_wait3A_124 = arith.constant 0 : i32
    %dma_wait3A_125 = tpu.memref_slice %arg10[%dma_wait3A_121, %dma_wait3A_124] : memref<4x128xi32, #tpu.memory_space<vmem>> -> memref<1x128xi32, #tpu.memory_space<vmem>>
    %dma_wait3A_126 = tpu.memref_squeeze %dma_wait3A_125 : memref<1x128xi32, #tpu.memory_space<vmem>> -> memref<128xi32, #tpu.memory_space<vmem>>
    %dma_wait3A_127 = arith.constant 0 : i32
    %dma_wait3A_128 = tpu.memref_slice %arg7[%dma_wait3A_127] : memref<100000xf32, #tpu.memory_space<hbm>> -> memref<100000xf32, #tpu.memory_space<hbm>>
    tpu.wait_indirect_dma semaphore(%arg18 : memref<!tpu.dma_semaphore, #tpu.memory_space<semaphore_mem>>) src(%dma_wait3A_128 : memref<100000xf32, #tpu.memory_space<hbm>>) dst(%dma_wait3A_123 : memref<128xf32, #tpu.memory_space<vmem>>)
    %scan3A = arith.constant 0 : i32
    %scan3A_129 = arith.constant 0 : i32
    %scan3A_130 = arith.constant 32 : i32
    %scan3A_131 = arith.addi %scan3A_129, %scan3A_130 : i32
    %scan3A_132 = arith.constant 1 : i32
    %scan3A_133 = scf.for %scan3A_343 = %scan3A_129 to %scan3A_131 step %scan3A_132 iter_args(%scan3A_344 = %scan3A) -> (i32)  : i32 {
      %jit3A = arith.constant 8 : i32
      %div3A = arith.divsi %scan3A_343, %jit3A : i32
      %sign3A = arith.constant 0 : i32
      %sign3A_345 = arith.cmpi sgt, %scan3A_343, %sign3A : i32
      %sign3A_346 = arith.extui %sign3A_345 : i1 to i32
      %sign3A_347 = arith.constant 0 : i32
      %sign3A_348 = arith.cmpi slt, %scan3A_343, %sign3A_347 : i32
      %sign3A_349 = arith.extui %sign3A_348 : i1 to i32
      %sign3A_350 = arith.subi %sign3A_346, %sign3A_349 : i32
      %sign3A_351 = arith.constant 0 : i32
      %sign3A_352 = arith.cmpi sgt, %jit3A, %sign3A_351 : i32
      %sign3A_353 = arith.extui %sign3A_352 : i1 to i32
      %sign3A_354 = arith.constant 0 : i32
      %sign3A_355 = arith.cmpi slt, %jit3A, %sign3A_354 : i32
      %sign3A_356 = arith.extui %sign3A_355 : i1 to i32
      %sign3A_357 = arith.subi %sign3A_353, %sign3A_356 : i32
      %ne3A = arith.cmpi ne, %sign3A_350, %sign3A_357 : i32
      %rem3A = arith.remsi %scan3A_343, %jit3A : i32
      %ne3A_358 = arith.constant 0 : i32
      %ne3A_359 = arith.cmpi ne, %rem3A, %ne3A_358 : i32
      %and3A = arith.andi %ne3A, %ne3A_359 : i1
      %sub3A = arith.constant 1 : i32
      %sub3A_360 = arith.subi %div3A, %sub3A : i32
      %select_n3A = arith.select %and3A, %sub3A_360, %div3A : i32
      %jit3A_361 = arith.constant 8 : i32
      %eq3A = arith.constant 0 : i32
      %eq3A_362 = arith.cmpi eq, %jit3A_361, %eq3A : i32
      %jit3A_363 = arith.constant 1 : i32
      %select_n3A_364 = arith.select %eq3A_362, %jit3A_363, %jit3A_361 : i32
      %rem3A_365 = arith.remsi %scan3A_343, %select_n3A_364 : i32
      %ne3A_366 = arith.constant 0 : i32
      %ne3A_367 = arith.cmpi ne, %rem3A_365, %ne3A_366 : i32
      %lt3A = arith.constant 0 : i32
      %lt3A_368 = arith.cmpi slt, %rem3A_365, %lt3A : i32
      %lt3A_369 = arith.constant 0 : i32
      %lt3A_370 = arith.cmpi slt, %select_n3A_364, %lt3A_369 : i32
      %ne3A_371 = arith.xori %lt3A_368, %lt3A_370 : i1
      %and3A_372 = arith.andi %ne3A_371, %ne3A_367 : i1
      %add3A_373 = arith.addi %rem3A_365, %select_n3A_364 : i32
      %select_n3A_374 = arith.select %and3A_372, %add3A_373, %rem3A_365 : i32
      %mul3A_375 = arith.constant 16 : i32
      %mul3A_376 = arith.muli %select_n3A_374, %mul3A_375 : i32
      %mul3A_377 = arith.constant 16 : i32
      %mul3A_378 = arith.muli %scan3A_343, %mul3A_377 : i32
      %get3A = arith.index_cast %select_n3A : i32 to index
      %get3A_379 = arith.index_cast %mul3A_376 : i32 to index
      %get3A_380 = tpu.vector_load %arg9[%get3A, %get3A_379] {strides = array<i32>} : memref<4x128xi32, #tpu.memory_space<vmem>>, vector<16xi32>,
      %shift_right_arithmetic3A = arith.constant 7 : i32
      %shift_right_arithmetic3A_381 = vector.broadcast %shift_right_arithmetic3A : i32 to vector<16xi32>
      %shift_right_arithmetic3A_382 = arith.shrsi %get3A_380, %shift_right_arithmetic3A_381 : vector<16xi32>
      %shift_left3A = arith.constant 10 : i32
      %shift_left3A_383 = vector.broadcast %shift_left3A : i32 to vector<16xi32>
      %shift_left3A_384 = arith.shli %shift_right_arithmetic3A_382, %shift_left3A_383 : vector<16xi32>
      %and3A_385 = arith.constant 127 : i32
      %and3A_386 = vector.broadcast %and3A_385 : i32 to vector<16xi32>
      %and3A_387 = arith.andi %get3A_380, %and3A_386 : vector<16xi32>
      %add3A_388 = arith.addi %shift_left3A_384, %and3A_387 : vector<16xi32>
      %swap3A = arith.index_cast %mul3A_378 : i32 to index
      %swap3A_389 = tpu.vector_load %arg11[%swap3A] {strides = array<i32>} : memref<512xi32, #tpu.memory_space<vmem>>, vector<16xi32>,
      tpu.vector_store %arg11[%swap3A], %add3A_388 {strides = array<i32>} : memref<512xi32, #tpu.memory_space<vmem>>, vector<16xi32>,
      %get3A_390 = arith.index_cast %select_n3A : i32 to index
      %get3A_391 = arith.index_cast %mul3A_376 : i32 to index
      %get3A_392 = tpu.vector_load %arg10[%get3A_390, %get3A_391] {strides = array<i32>} : memref<4x128xi32, #tpu.memory_space<vmem>>, vector<16xi32>,
      %shift_right_arithmetic3A_393 = arith.constant 7 : i32
      %shift_right_arithmetic3A_394 = vector.broadcast %shift_right_arithmetic3A_393 : i32 to vector<16xi32>
      %shift_right_arithmetic3A_395 = arith.shrsi %get3A_392, %shift_right_arithmetic3A_394 : vector<16xi32>
      %shift_left3A_396 = arith.constant 10 : i32
      %shift_left3A_397 = vector.broadcast %shift_left3A_396 : i32 to vector<16xi32>
      %shift_left3A_398 = arith.shli %shift_right_arithmetic3A_395, %shift_left3A_397 : vector<16xi32>
      %and3A_399 = arith.constant 127 : i32
      %and3A_400 = vector.broadcast %and3A_399 : i32 to vector<16xi32>
      %and3A_401 = arith.andi %get3A_392, %and3A_400 : vector<16xi32>
      %add3A_402 = arith.addi %shift_left3A_398, %and3A_401 : vector<16xi32>
      %swap3A_403 = arith.index_cast %mul3A_378 : i32 to index
      %swap3A_404 = tpu.vector_load %arg12[%swap3A_403] {strides = array<i32>} : memref<512xi32, #tpu.memory_space<vmem>>, vector<16xi32>,
      tpu.vector_store %arg12[%swap3A_403], %add3A_402 {strides = array<i32>} : memref<512xi32, #tpu.memory_space<vmem>>, vector<16xi32>,
      %scan3A_405 = arith.constant 0 : i32
      scf.yield %scan3A_405 : i32
    }
    %scan3A_134 = arith.constant 32 : i32
    %scan3A_135 = arith.constant 0 : i32
    %scan3A_136 = arith.constant 0 : i32
    %scan3A_137 = arith.constant 64 : i32
    %scan3A_138 = arith.addi %scan3A_136, %scan3A_137 : i32
    %scan3A_139 = arith.constant 1 : i32
    %scan3A_140 = scf.for %scan3A_343 = %scan3A_136 to %scan3A_138 step %scan3A_139 iter_args(%scan3A_344 = %scan3A_135) -> (i32)  : i32 {
      %shift_right_arithmetic3A = arith.constant 3 : i32
      %shift_right_arithmetic3A_345 = arith.shrsi %scan3A_343, %shift_right_arithmetic3A : i32
      %mul3A_346 = arith.constant 8000512 : i32
      %mul3A_347 = arith.muli %shift_right_arithmetic3A_345, %mul3A_346 : i32
      %and3A = arith.constant 7 : i32
      %and3A_348 = arith.andi %scan3A_343, %and3A : i32
      %mul3A_349 = arith.constant 128 : i32
      %mul3A_350 = arith.muli %and3A_348, %mul3A_349 : i32
      %add3A_351 = arith.addi %mul3A_347, %mul3A_350 : i32
      %shift_right_arithmetic3A_352 = arith.constant 3 : i32
      %shift_right_arithmetic3A_353 = arith.shrsi %scan3A_343, %shift_right_arithmetic3A_352 : i32
      %mul3A_354 = arith.constant 800768 : i32
      %mul3A_355 = arith.muli %shift_right_arithmetic3A_353, %mul3A_354 : i32
      %and3A_356 = arith.constant 7 : i32
      %and3A_357 = arith.andi %scan3A_343, %and3A_356 : i32
      %mul3A_358 = arith.constant 128 : i32
      %mul3A_359 = arith.muli %and3A_357, %mul3A_358 : i32
      %add3A_360 = arith.addi %mul3A_355, %mul3A_359 : i32
      %dma_start3A_361 = arith.constant 0 : i32
      %dma_start3A_362 = tpu.memref_slice %arg15[%scan3A_343, %dma_start3A_361] : memref<64x512xf32, #tpu.memory_space<vmem>> -> memref<1x512xf32, #tpu.memory_space<vmem>>
      %dma_start3A_363 = tpu.memref_squeeze %dma_start3A_362 : memref<1x512xf32, #tpu.memory_space<vmem>> -> memref<512xf32, #tpu.memory_space<vmem>>
      %dma_start3A_364 = tpu.memref_slice %arg4[%add3A_351] : memref<64004096xf32, #tpu.memory_space<hbm>> -> memref<7999616xf32, #tpu.memory_space<hbm>>
      %dma_start3A_365 = arith.constant 0 : i32
      %dma_start3A_366 = tpu.memref_slice %dma_start3A_364[%dma_start3A_365] : memref<7999616xf32, #tpu.memory_space<hbm>> -> memref<7999616xf32, #tpu.memory_space<hbm>>
      tpu.enqueue_indirect_dma source(%dma_start3A_366 : memref<7999616xf32, #tpu.memory_space<hbm>>) target(%dma_start3A_363 : memref<512xf32, #tpu.memory_space<vmem>>) offsets(%arg11 : memref<512xi32, #tpu.memory_space<vmem>>) semaphore(%arg18 : memref<!tpu.dma_semaphore, #tpu.memory_space<semaphore_mem>>)
      %dma_start3A_367 = arith.constant 0 : i32
      %dma_start3A_368 = tpu.memref_slice %arg16[%scan3A_343, %dma_start3A_367] : memref<64x512xf32, #tpu.memory_space<vmem>> -> memref<1x512xf32, #tpu.memory_space<vmem>>
      %dma_start3A_369 = tpu.memref_squeeze %dma_start3A_368 : memref<1x512xf32, #tpu.memory_space<vmem>> -> memref<512xf32, #tpu.memory_space<vmem>>
      %dma_start3A_370 = tpu.memref_slice %arg5[%add3A_360] : memref<6406144xf32, #tpu.memory_space<hbm>> -> memref<799872xf32, #tpu.memory_space<hbm>>
      %dma_start3A_371 = arith.constant 0 : i32
      %dma_start3A_372 = tpu.memref_slice %dma_start3A_370[%dma_start3A_371] : memref<799872xf32, #tpu.memory_space<hbm>> -> memref<799872xf32, #tpu.memory_space<hbm>>
      tpu.enqueue_indirect_dma source(%dma_start3A_372 : memref<799872xf32, #tpu.memory_space<hbm>>) target(%dma_start3A_369 : memref<512xf32, #tpu.memory_space<vmem>>) offsets(%arg12 : memref<512xi32, #tpu.memory_space<vmem>>) semaphore(%arg18 : memref<!tpu.dma_semaphore, #tpu.memory_space<semaphore_mem>>)
      %ge3A = arith.constant 16 : i32
      %ge3A_373 = arith.cmpi sge, %scan3A_343, %ge3A : i32
      %convert_element_type3A = arith.extui %ge3A_373 : i1 to i32
      %cond3A = arith.constant 0 : i32
      %cond3A_374 = arith.cmpi ne, %convert_element_type3A, %cond3A : i32
      scf.if %cond3A_374 {
        %dma_wait3A_376 = arith.constant 0 : i32
        %dma_wait3A_377 = arith.constant 0 : i32
        %dma_wait3A_378 = tpu.memref_slice %arg15[%dma_wait3A_376, %dma_wait3A_377] : memref<64x512xf32, #tpu.memory_space<vmem>> -> memref<1x512xf32, #tpu.memory_space<vmem>>
        %dma_wait3A_379 = tpu.memref_squeeze %dma_wait3A_378 : memref<1x512xf32, #tpu.memory_space<vmem>> -> memref<512xf32, #tpu.memory_space<vmem>>
        %dma_wait3A_380 = arith.constant 0 : i32
        %dma_wait3A_381 = tpu.memref_slice %arg4[%dma_wait3A_380] : memref<64004096xf32, #tpu.memory_space<hbm>> -> memref<64004096xf32, #tpu.memory_space<hbm>>
        tpu.wait_indirect_dma semaphore(%arg18 : memref<!tpu.dma_semaphore, #tpu.memory_space<semaphore_mem>>) src(%dma_wait3A_381 : memref<64004096xf32, #tpu.memory_space<hbm>>) dst(%dma_wait3A_379 : memref<512xf32, #tpu.memory_space<vmem>>)
        %dma_wait3A_382 = arith.constant 0 : i32
        %dma_wait3A_383 = arith.constant 0 : i32
        %dma_wait3A_384 = tpu.memref_slice %arg15[%dma_wait3A_382, %dma_wait3A_383] : memref<64x512xf32, #tpu.memory_space<vmem>> -> memref<1x512xf32, #tpu.memory_space<vmem>>
        %dma_wait3A_385 = tpu.memref_squeeze %dma_wait3A_384 : memref<1x512xf32, #tpu.memory_space<vmem>> -> memref<512xf32, #tpu.memory_space<vmem>>
        %dma_wait3A_386 = arith.constant 0 : i32
        %dma_wait3A_387 = tpu.memref_slice %arg4[%dma_wait3A_386] : memref<64004096xf32, #tpu.memory_space<hbm>> -> memref<64004096xf32, #tpu.memory_space<hbm>>
        tpu.wait_indirect_dma semaphore(%arg18 : memref<!tpu.dma_semaphore, #tpu.memory_space<semaphore_mem>>) src(%dma_wait3A_387 : memref<64004096xf32, #tpu.memory_space<hbm>>) dst(%dma_wait3A_385 : memref<512xf32, #tpu.memory_space<vmem>>)
      } else {
      }
      %scan3A_375 = arith.constant 0 : i32
      scf.yield %scan3A_375 : i32
    }
    %scan3A_141 = arith.constant 64 : i32
    %dma_wait3A_142 = arith.constant 0 : i32
    %dma_wait3A_143 = arith.constant 0 : i32
    %dma_wait3A_144 = tpu.memref_slice %arg15[%dma_wait3A_142, %dma_wait3A_143] : memref<64x512xf32, #tpu.memory_space<vmem>> -> memref<1x512xf32, #tpu.memory_space<vmem>>
    %dma_wait3A_145 = tpu.memref_squeeze %dma_wait3A_144 : memref<1x512xf32, #tpu.memory_space<vmem>> -> memref<512xf32, #tpu.memory_space<vmem>>
    %dma_wait3A_146 = arith.constant 0 : i32
    %dma_wait3A_147 = tpu.memref_slice %arg4[%dma_wait3A_146] : memref<64004096xf32, #tpu.memory_space<hbm>> -> memref<64004096xf32, #tpu.memory_space<hbm>>
    tpu.wait_indirect_dma semaphore(%arg18 : memref<!tpu.dma_semaphore, #tpu.memory_space<semaphore_mem>>) src(%dma_wait3A_147 : memref<64004096xf32, #tpu.memory_space<hbm>>) dst(%dma_wait3A_145 : memref<512xf32, #tpu.memory_space<vmem>>)
    %dma_wait3A_148 = arith.constant 0 : i32
    %dma_wait3A_149 = arith.constant 0 : i32
    %dma_wait3A_150 = tpu.memref_slice %arg15[%dma_wait3A_148, %dma_wait3A_149] : memref<64x512xf32, #tpu.memory_space<vmem>> -> memref<1x512xf32, #tpu.memory_space<vmem>>
    %dma_wait3A_151 = tpu.memref_squeeze %dma_wait3A_150 : memref<1x512xf32, #tpu.memory_space<vmem>> -> memref<512xf32, #tpu.memory_space<vmem>>
    %dma_wait3A_152 = arith.constant 0 : i32
    %dma_wait3A_153 = tpu.memref_slice %arg4[%dma_wait3A_152] : memref<64004096xf32, #tpu.memory_space<hbm>> -> memref<64004096xf32, #tpu.memory_space<hbm>>
    tpu.wait_indirect_dma semaphore(%arg18 : memref<!tpu.dma_semaphore, #tpu.memory_space<semaphore_mem>>) src(%dma_wait3A_153 : memref<64004096xf32, #tpu.memory_space<hbm>>) dst(%dma_wait3A_151 : memref<512xf32, #tpu.memory_space<vmem>>)
    %dma_wait3A_154 = arith.constant 0 : i32
    %dma_wait3A_155 = arith.constant 0 : i32
    %dma_wait3A_156 = tpu.memref_slice %arg15[%dma_wait3A_154, %dma_wait3A_155] : memref<64x512xf32, #tpu.memory_space<vmem>> -> memref<1x512xf32, #tpu.memory_space<vmem>>
    %dma_wait3A_157 = tpu.memref_squeeze %dma_wait3A_156 : memref<1x512xf32, #tpu.memory_space<vmem>> -> memref<512xf32, #tpu.memory_space<vmem>>
    %dma_wait3A_158 = arith.constant 0 : i32
    %dma_wait3A_159 = tpu.memref_slice %arg4[%dma_wait3A_158] : memref<64004096xf32, #tpu.memory_space<hbm>> -> memref<64004096xf32, #tpu.memory_space<hbm>>
    tpu.wait_indirect_dma semaphore(%arg18 : memref<!tpu.dma_semaphore, #tpu.memory_space<semaphore_mem>>) src(%dma_wait3A_159 : memref<64004096xf32, #tpu.memory_space<hbm>>) dst(%dma_wait3A_157 : memref<512xf32, #tpu.memory_space<vmem>>)
    %dma_wait3A_160 = arith.constant 0 : i32
    %dma_wait3A_161 = arith.constant 0 : i32
    %dma_wait3A_162 = tpu.memref_slice %arg15[%dma_wait3A_160, %dma_wait3A_161] : memref<64x512xf32, #tpu.memory_space<vmem>> -> memref<1x512xf32, #tpu.memory_space<vmem>>
    %dma_wait3A_163 = tpu.memref_squeeze %dma_wait3A_162 : memref<1x512xf32, #tpu.memory_space<vmem>> -> memref<512xf32, #tpu.memory_space<vmem>>
    %dma_wait3A_164 = arith.constant 0 : i32
    %dma_wait3A_165 = tpu.memref_slice %arg4[%dma_wait3A_164] : memref<64004096xf32, #tpu.memory_space<hbm>> -> memref<64004096xf32, #tpu.memory_space<hbm>>
    tpu.wait_indirect_dma semaphore(%arg18 : memref<!tpu.dma_semaphore, #tpu.memory_space<semaphore_mem>>) src(%dma_wait3A_165 : memref<64004096xf32, #tpu.memory_space<hbm>>) dst(%dma_wait3A_163 : memref<512xf32, #tpu.memory_space<vmem>>)
    %dma_wait3A_166 = arith.constant 0 : i32
    %dma_wait3A_167 = arith.constant 0 : i32
    %dma_wait3A_168 = tpu.memref_slice %arg15[%dma_wait3A_166, %dma_wait3A_167] : memref<64x512xf32, #tpu.memory_space<vmem>> -> memref<1x512xf32, #tpu.memory_space<vmem>>
    %dma_wait3A_169 = tpu.memref_squeeze %dma_wait3A_168 : memref<1x512xf32, #tpu.memory_space<vmem>> -> memref<512xf32, #tpu.memory_space<vmem>>
    %dma_wait3A_170 = arith.constant 0 : i32
    %dma_wait3A_171 = tpu.memref_slice %arg4[%dma_wait3A_170] : memref<64004096xf32, #tpu.memory_space<hbm>> -> memref<64004096xf32, #tpu.memory_space<hbm>>
    tpu.wait_indirect_dma semaphore(%arg18 : memref<!tpu.dma_semaphore, #tpu.memory_space<semaphore_mem>>) src(%dma_wait3A_171 : memref<64004096xf32, #tpu.memory_space<hbm>>) dst(%dma_wait3A_169 : memref<512xf32, #tpu.memory_space<vmem>>)
    %dma_wait3A_172 = arith.constant 0 : i32
    %dma_wait3A_173 = arith.constant 0 : i32
    %dma_wait3A_174 = tpu.memref_slice %arg15[%dma_wait3A_172, %dma_wait3A_173] : memref<64x512xf32, #tpu.memory_space<vmem>> -> memref<1x512xf32, #tpu.memory_space<vmem>>
    %dma_wait3A_175 = tpu.memref_squeeze %dma_wait3A_174 : memref<1x512xf32, #tpu.memory_space<vmem>> -> memref<512xf32, #tpu.memory_space<vmem>>
    %dma_wait3A_176 = arith.constant 0 : i32
    %dma_wait3A_177 = tpu.memref_slice %arg4[%dma_wait3A_176] : memref<64004096xf32, #tpu.memory_space<hbm>> -> memref<64004096xf32, #tpu.memory_space<hbm>>
    tpu.wait_indirect_dma semaphore(%arg18 : memref<!tpu.dma_semaphore, #tpu.memory_space<semaphore_mem>>) src(%dma_wait3A_177 : memref<64004096xf32, #tpu.memory_space<hbm>>) dst(%dma_wait3A_175 : memref<512xf32, #tpu.memory_space<vmem>>)
    %dma_wait3A_178 = arith.constant 0 : i32
    %dma_wait3A_179 = arith.constant 0 : i32
    %dma_wait3A_180 = tpu.memref_slice %arg15[%dma_wait3A_178, %dma_wait3A_179] : memref<64x512xf32, #tpu.memory_space<vmem>> -> memref<1x512xf32, #tpu.memory_space<vmem>>
    %dma_wait3A_181 = tpu.memref_squeeze %dma_wait3A_180 : memref<1x512xf32, #tpu.memory_space<vmem>> -> memref<512xf32, #tpu.memory_space<vmem>>
    %dma_wait3A_182 = arith.constant 0 : i32
    %dma_wait3A_183 = tpu.memref_slice %arg4[%dma_wait3A_182] : memref<64004096xf32, #tpu.memory_space<hbm>> -> memref<64004096xf32, #tpu.memory_space<hbm>>
    tpu.wait_indirect_dma semaphore(%arg18 : memref<!tpu.dma_semaphore, #tpu.memory_space<semaphore_mem>>) src(%dma_wait3A_183 : memref<64004096xf32, #tpu.memory_space<hbm>>) dst(%dma_wait3A_181 : memref<512xf32, #tpu.memory_space<vmem>>)
    %dma_wait3A_184 = arith.constant 0 : i32
    %dma_wait3A_185 = arith.constant 0 : i32
    %dma_wait3A_186 = tpu.memref_slice %arg15[%dma_wait3A_184, %dma_wait3A_185] : memref<64x512xf32, #tpu.memory_space<vmem>> -> memref<1x512xf32, #tpu.memory_space<vmem>>
    %dma_wait3A_187 = tpu.memref_squeeze %dma_wait3A_186 : memref<1x512xf32, #tpu.memory_space<vmem>> -> memref<512xf32, #tpu.memory_space<vmem>>
    %dma_wait3A_188 = arith.constant 0 : i32
    %dma_wait3A_189 = tpu.memref_slice %arg4[%dma_wait3A_188] : memref<64004096xf32, #tpu.memory_space<hbm>> -> memref<64004096xf32, #tpu.memory_space<hbm>>
    tpu.wait_indirect_dma semaphore(%arg18 : memref<!tpu.dma_semaphore, #tpu.memory_space<semaphore_mem>>) src(%dma_wait3A_189 : memref<64004096xf32, #tpu.memory_space<hbm>>) dst(%dma_wait3A_187 : memref<512xf32, #tpu.memory_space<vmem>>)
    %dma_wait3A_190 = arith.constant 0 : i32
    %dma_wait3A_191 = arith.constant 0 : i32
    %dma_wait3A_192 = tpu.memref_slice %arg15[%dma_wait3A_190, %dma_wait3A_191] : memref<64x512xf32, #tpu.memory_space<vmem>> -> memref<1x512xf32, #tpu.memory_space<vmem>>
    %dma_wait3A_193 = tpu.memref_squeeze %dma_wait3A_192 : memref<1x512xf32, #tpu.memory_space<vmem>> -> memref<512xf32, #tpu.memory_space<vmem>>
    %dma_wait3A_194 = arith.constant 0 : i32
    %dma_wait3A_195 = tpu.memref_slice %arg4[%dma_wait3A_194] : memref<64004096xf32, #tpu.memory_space<hbm>> -> memref<64004096xf32, #tpu.memory_space<hbm>>
    tpu.wait_indirect_dma semaphore(%arg18 : memref<!tpu.dma_semaphore, #tpu.memory_space<semaphore_mem>>) src(%dma_wait3A_195 : memref<64004096xf32, #tpu.memory_space<hbm>>) dst(%dma_wait3A_193 : memref<512xf32, #tpu.memory_space<vmem>>)
    %dma_wait3A_196 = arith.constant 0 : i32
    %dma_wait3A_197 = arith.constant 0 : i32
    %dma_wait3A_198 = tpu.memref_slice %arg15[%dma_wait3A_196, %dma_wait3A_197] : memref<64x512xf32, #tpu.memory_space<vmem>> -> memref<1x512xf32, #tpu.memory_space<vmem>>
    %dma_wait3A_199 = tpu.memref_squeeze %dma_wait3A_198 : memref<1x512xf32, #tpu.memory_space<vmem>> -> memref<512xf32, #tpu.memory_space<vmem>>
    %dma_wait3A_200 = arith.constant 0 : i32
    %dma_wait3A_201 = tpu.memref_slice %arg4[%dma_wait3A_200] : memref<64004096xf32, #tpu.memory_space<hbm>> -> memref<64004096xf32, #tpu.memory_space<hbm>>
    tpu.wait_indirect_dma semaphore(%arg18 : memref<!tpu.dma_semaphore, #tpu.memory_space<semaphore_mem>>) src(%dma_wait3A_201 : memref<64004096xf32, #tpu.memory_space<hbm>>) dst(%dma_wait3A_199 : memref<512xf32, #tpu.memory_space<vmem>>)
    %dma_wait3A_202 = arith.constant 0 : i32
    %dma_wait3A_203 = arith.constant 0 : i32
    %dma_wait3A_204 = tpu.memref_slice %arg15[%dma_wait3A_202, %dma_wait3A_203] : memref<64x512xf32, #tpu.memory_space<vmem>> -> memref<1x512xf32, #tpu.memory_space<vmem>>
    %dma_wait3A_205 = tpu.memref_squeeze %dma_wait3A_204 : memref<1x512xf32, #tpu.memory_space<vmem>> -> memref<512xf32, #tpu.memory_space<vmem>>
    %dma_wait3A_206 = arith.constant 0 : i32
    %dma_wait3A_207 = tpu.memref_slice %arg4[%dma_wait3A_206] : memref<64004096xf32, #tpu.memory_space<hbm>> -> memref<64004096xf32, #tpu.memory_space<hbm>>
    tpu.wait_indirect_dma semaphore(%arg18 : memref<!tpu.dma_semaphore, #tpu.memory_space<semaphore_mem>>) src(%dma_wait3A_207 : memref<64004096xf32, #tpu.memory_space<hbm>>) dst(%dma_wait3A_205 : memref<512xf32, #tpu.memory_space<vmem>>)
    %dma_wait3A_208 = arith.constant 0 : i32
    %dma_wait3A_209 = arith.constant 0 : i32
    %dma_wait3A_210 = tpu.memref_slice %arg15[%dma_wait3A_208, %dma_wait3A_209] : memref<64x512xf32, #tpu.memory_space<vmem>> -> memref<1x512xf32, #tpu.memory_space<vmem>>
    %dma_wait3A_211 = tpu.memref_squeeze %dma_wait3A_210 : memref<1x512xf32, #tpu.memory_space<vmem>> -> memref<512xf32, #tpu.memory_space<vmem>>
    %dma_wait3A_212 = arith.constant 0 : i32
    %dma_wait3A_213 = tpu.memref_slice %arg4[%dma_wait3A_212] : memref<64004096xf32, #tpu.memory_space<hbm>> -> memref<64004096xf32, #tpu.memory_space<hbm>>
    tpu.wait_indirect_dma semaphore(%arg18 : memref<!tpu.dma_semaphore, #tpu.memory_space<semaphore_mem>>) src(%dma_wait3A_213 : memref<64004096xf32, #tpu.memory_space<hbm>>) dst(%dma_wait3A_211 : memref<512xf32, #tpu.memory_space<vmem>>)
    %dma_wait3A_214 = arith.constant 0 : i32
    %dma_wait3A_215 = arith.constant 0 : i32
    %dma_wait3A_216 = tpu.memref_slice %arg15[%dma_wait3A_214, %dma_wait3A_215] : memref<64x512xf32, #tpu.memory_space<vmem>> -> memref<1x512xf32, #tpu.memory_space<vmem>>
    %dma_wait3A_217 = tpu.memref_squeeze %dma_wait3A_216 : memref<1x512xf32, #tpu.memory_space<vmem>> -> memref<512xf32, #tpu.memory_space<vmem>>
    %dma_wait3A_218 = arith.constant 0 : i32
    %dma_wait3A_219 = tpu.memref_slice %arg4[%dma_wait3A_218] : memref<64004096xf32, #tpu.memory_space<hbm>> -> memref<64004096xf32, #tpu.memory_space<hbm>>
    tpu.wait_indirect_dma semaphore(%arg18 : memref<!tpu.dma_semaphore, #tpu.memory_space<semaphore_mem>>) src(%dma_wait3A_219 : memref<64004096xf32, #tpu.memory_space<hbm>>) dst(%dma_wait3A_217 : memref<512xf32, #tpu.memory_space<vmem>>)
    %dma_wait3A_220 = arith.constant 0 : i32
    %dma_wait3A_221 = arith.constant 0 : i32
    %dma_wait3A_222 = tpu.memref_slice %arg15[%dma_wait3A_220, %dma_wait3A_221] : memref<64x512xf32, #tpu.memory_space<vmem>> -> memref<1x512xf32, #tpu.memory_space<vmem>>
    %dma_wait3A_223 = tpu.memref_squeeze %dma_wait3A_222 : memref<1x512xf32, #tpu.memory_space<vmem>> -> memref<512xf32, #tpu.memory_space<vmem>>
    %dma_wait3A_224 = arith.constant 0 : i32
    %dma_wait3A_225 = tpu.memref_slice %arg4[%dma_wait3A_224] : memref<64004096xf32, #tpu.memory_space<hbm>> -> memref<64004096xf32, #tpu.memory_space<hbm>>
    tpu.wait_indirect_dma semaphore(%arg18 : memref<!tpu.dma_semaphore, #tpu.memory_space<semaphore_mem>>) src(%dma_wait3A_225 : memref<64004096xf32, #tpu.memory_space<hbm>>) dst(%dma_wait3A_223 : memref<512xf32, #tpu.memory_space<vmem>>)
    %dma_wait3A_226 = arith.constant 0 : i32
    %dma_wait3A_227 = arith.constant 0 : i32
    %dma_wait3A_228 = tpu.memref_slice %arg15[%dma_wait3A_226, %dma_wait3A_227] : memref<64x512xf32, #tpu.memory_space<vmem>> -> memref<1x512xf32, #tpu.memory_space<vmem>>
    %dma_wait3A_229 = tpu.memref_squeeze %dma_wait3A_228 : memref<1x512xf32, #tpu.memory_space<vmem>> -> memref<512xf32, #tpu.memory_space<vmem>>
    %dma_wait3A_230 = arith.constant 0 : i32
    %dma_wait3A_231 = tpu.memref_slice %arg4[%dma_wait3A_230] : memref<64004096xf32, #tpu.memory_space<hbm>> -> memref<64004096xf32, #tpu.memory_space<hbm>>
    tpu.wait_indirect_dma semaphore(%arg18 : memref<!tpu.dma_semaphore, #tpu.memory_space<semaphore_mem>>) src(%dma_wait3A_231 : memref<64004096xf32, #tpu.memory_space<hbm>>) dst(%dma_wait3A_229 : memref<512xf32, #tpu.memory_space<vmem>>)
    %dma_wait3A_232 = arith.constant 0 : i32
    %dma_wait3A_233 = arith.constant 0 : i32
    %dma_wait3A_234 = tpu.memref_slice %arg15[%dma_wait3A_232, %dma_wait3A_233] : memref<64x512xf32, #tpu.memory_space<vmem>> -> memref<1x512xf32, #tpu.memory_space<vmem>>
    %dma_wait3A_235 = tpu.memref_squeeze %dma_wait3A_234 : memref<1x512xf32, #tpu.memory_space<vmem>> -> memref<512xf32, #tpu.memory_space<vmem>>
    %dma_wait3A_236 = arith.constant 0 : i32
    %dma_wait3A_237 = tpu.memref_slice %arg4[%dma_wait3A_236] : memref<64004096xf32, #tpu.memory_space<hbm>> -> memref<64004096xf32, #tpu.memory_space<hbm>>
    tpu.wait_indirect_dma semaphore(%arg18 : memref<!tpu.dma_semaphore, #tpu.memory_space<semaphore_mem>>) src(%dma_wait3A_237 : memref<64004096xf32, #tpu.memory_space<hbm>>) dst(%dma_wait3A_235 : memref<512xf32, #tpu.memory_space<vmem>>)
    %dma_wait3A_238 = arith.constant 0 : i32
    %dma_wait3A_239 = arith.constant 0 : i32
    %dma_wait3A_240 = tpu.memref_slice %arg15[%dma_wait3A_238, %dma_wait3A_239] : memref<64x512xf32, #tpu.memory_space<vmem>> -> memref<1x512xf32, #tpu.memory_space<vmem>>
    %dma_wait3A_241 = tpu.memref_squeeze %dma_wait3A_240 : memref<1x512xf32, #tpu.memory_space<vmem>> -> memref<512xf32, #tpu.memory_space<vmem>>
    %dma_wait3A_242 = arith.constant 0 : i32
    %dma_wait3A_243 = tpu.memref_slice %arg4[%dma_wait3A_242] : memref<64004096xf32, #tpu.memory_space<hbm>> -> memref<64004096xf32, #tpu.memory_space<hbm>>
    tpu.wait_indirect_dma semaphore(%arg18 : memref<!tpu.dma_semaphore, #tpu.memory_space<semaphore_mem>>) src(%dma_wait3A_243 : memref<64004096xf32, #tpu.memory_space<hbm>>) dst(%dma_wait3A_241 : memref<512xf32, #tpu.memory_space<vmem>>)
    %dma_wait3A_244 = arith.constant 0 : i32
    %dma_wait3A_245 = arith.constant 0 : i32
    %dma_wait3A_246 = tpu.memref_slice %arg15[%dma_wait3A_244, %dma_wait3A_245] : memref<64x512xf32, #tpu.memory_space<vmem>> -> memref<1x512xf32, #tpu.memory_space<vmem>>
    %dma_wait3A_247 = tpu.memref_squeeze %dma_wait3A_246 : memref<1x512xf32, #tpu.memory_space<vmem>> -> memref<512xf32, #tpu.memory_space<vmem>>
    %dma_wait3A_248 = arith.constant 0 : i32
    %dma_wait3A_249 = tpu.memref_slice %arg4[%dma_wait3A_248] : memref<64004096xf32, #tpu.memory_space<hbm>> -> memref<64004096xf32, #tpu.memory_space<hbm>>
    tpu.wait_indirect_dma semaphore(%arg18 : memref<!tpu.dma_semaphore, #tpu.memory_space<semaphore_mem>>) src(%dma_wait3A_249 : memref<64004096xf32, #tpu.memory_space<hbm>>) dst(%dma_wait3A_247 : memref<512xf32, #tpu.memory_space<vmem>>)
    %dma_wait3A_250 = arith.constant 0 : i32
    %dma_wait3A_251 = arith.constant 0 : i32
    %dma_wait3A_252 = tpu.memref_slice %arg15[%dma_wait3A_250, %dma_wait3A_251] : memref<64x512xf32, #tpu.memory_space<vmem>> -> memref<1x512xf32, #tpu.memory_space<vmem>>
    %dma_wait3A_253 = tpu.memref_squeeze %dma_wait3A_252 : memref<1x512xf32, #tpu.memory_space<vmem>> -> memref<512xf32, #tpu.memory_space<vmem>>
    %dma_wait3A_254 = arith.constant 0 : i32
    %dma_wait3A_255 = tpu.memref_slice %arg4[%dma_wait3A_254] : memref<64004096xf32, #tpu.memory_space<hbm>> -> memref<64004096xf32, #tpu.memory_space<hbm>>
    tpu.wait_indirect_dma semaphore(%arg18 : memref<!tpu.dma_semaphore, #tpu.memory_space<semaphore_mem>>) src(%dma_wait3A_255 : memref<64004096xf32, #tpu.memory_space<hbm>>) dst(%dma_wait3A_253 : memref<512xf32, #tpu.memory_space<vmem>>)
    %dma_wait3A_256 = arith.constant 0 : i32
    %dma_wait3A_257 = arith.constant 0 : i32
    %dma_wait3A_258 = tpu.memref_slice %arg15[%dma_wait3A_256, %dma_wait3A_257] : memref<64x512xf32, #tpu.memory_space<vmem>> -> memref<1x512xf32, #tpu.memory_space<vmem>>
    %dma_wait3A_259 = tpu.memref_squeeze %dma_wait3A_258 : memref<1x512xf32, #tpu.memory_space<vmem>> -> memref<512xf32, #tpu.memory_space<vmem>>
    %dma_wait3A_260 = arith.constant 0 : i32
    %dma_wait3A_261 = tpu.memref_slice %arg4[%dma_wait3A_260] : memref<64004096xf32, #tpu.memory_space<hbm>> -> memref<64004096xf32, #tpu.memory_space<hbm>>
    tpu.wait_indirect_dma semaphore(%arg18 : memref<!tpu.dma_semaphore, #tpu.memory_space<semaphore_mem>>) src(%dma_wait3A_261 : memref<64004096xf32, #tpu.memory_space<hbm>>) dst(%dma_wait3A_259 : memref<512xf32, #tpu.memory_space<vmem>>)
    %dma_wait3A_262 = arith.constant 0 : i32
    %dma_wait3A_263 = arith.constant 0 : i32
    %dma_wait3A_264 = tpu.memref_slice %arg15[%dma_wait3A_262, %dma_wait3A_263] : memref<64x512xf32, #tpu.memory_space<vmem>> -> memref<1x512xf32, #tpu.memory_space<vmem>>
    %dma_wait3A_265 = tpu.memref_squeeze %dma_wait3A_264 : memref<1x512xf32, #tpu.memory_space<vmem>> -> memref<512xf32, #tpu.memory_space<vmem>>
    %dma_wait3A_266 = arith.constant 0 : i32
    %dma_wait3A_267 = tpu.memref_slice %arg4[%dma_wait3A_266] : memref<64004096xf32, #tpu.memory_space<hbm>> -> memref<64004096xf32, #tpu.memory_space<hbm>>
    tpu.wait_indirect_dma semaphore(%arg18 : memref<!tpu.dma_semaphore, #tpu.memory_space<semaphore_mem>>) src(%dma_wait3A_267 : memref<64004096xf32, #tpu.memory_space<hbm>>) dst(%dma_wait3A_265 : memref<512xf32, #tpu.memory_space<vmem>>)
    %dma_wait3A_268 = arith.constant 0 : i32
    %dma_wait3A_269 = arith.constant 0 : i32
    %dma_wait3A_270 = tpu.memref_slice %arg15[%dma_wait3A_268, %dma_wait3A_269] : memref<64x512xf32, #tpu.memory_space<vmem>> -> memref<1x512xf32, #tpu.memory_space<vmem>>
    %dma_wait3A_271 = tpu.memref_squeeze %dma_wait3A_270 : memref<1x512xf32, #tpu.memory_space<vmem>> -> memref<512xf32, #tpu.memory_space<vmem>>
    %dma_wait3A_272 = arith.constant 0 : i32
    %dma_wait3A_273 = tpu.memref_slice %arg4[%dma_wait3A_272] : memref<64004096xf32, #tpu.memory_space<hbm>> -> memref<64004096xf32, #tpu.memory_space<hbm>>
    tpu.wait_indirect_dma semaphore(%arg18 : memref<!tpu.dma_semaphore, #tpu.memory_space<semaphore_mem>>) src(%dma_wait3A_273 : memref<64004096xf32, #tpu.memory_space<hbm>>) dst(%dma_wait3A_271 : memref<512xf32, #tpu.memory_space<vmem>>)
    %dma_wait3A_274 = arith.constant 0 : i32
    %dma_wait3A_275 = arith.constant 0 : i32
    %dma_wait3A_276 = tpu.memref_slice %arg15[%dma_wait3A_274, %dma_wait3A_275] : memref<64x512xf32, #tpu.memory_space<vmem>> -> memref<1x512xf32, #tpu.memory_space<vmem>>
    %dma_wait3A_277 = tpu.memref_squeeze %dma_wait3A_276 : memref<1x512xf32, #tpu.memory_space<vmem>> -> memref<512xf32, #tpu.memory_space<vmem>>
    %dma_wait3A_278 = arith.constant 0 : i32
    %dma_wait3A_279 = tpu.memref_slice %arg4[%dma_wait3A_278] : memref<64004096xf32, #tpu.memory_space<hbm>> -> memref<64004096xf32, #tpu.memory_space<hbm>>
    tpu.wait_indirect_dma semaphore(%arg18 : memref<!tpu.dma_semaphore, #tpu.memory_space<semaphore_mem>>) src(%dma_wait3A_279 : memref<64004096xf32, #tpu.memory_space<hbm>>) dst(%dma_wait3A_277 : memref<512xf32, #tpu.memory_space<vmem>>)
    %dma_wait3A_280 = arith.constant 0 : i32
    %dma_wait3A_281 = arith.constant 0 : i32
    %dma_wait3A_282 = tpu.memref_slice %arg15[%dma_wait3A_280, %dma_wait3A_281] : memref<64x512xf32, #tpu.memory_space<vmem>> -> memref<1x512xf32, #tpu.memory_space<vmem>>
    %dma_wait3A_283 = tpu.memref_squeeze %dma_wait3A_282 : memref<1x512xf32, #tpu.memory_space<vmem>> -> memref<512xf32, #tpu.memory_space<vmem>>
    %dma_wait3A_284 = arith.constant 0 : i32
    %dma_wait3A_285 = tpu.memref_slice %arg4[%dma_wait3A_284] : memref<64004096xf32, #tpu.memory_space<hbm>> -> memref<64004096xf32, #tpu.memory_space<hbm>>
    tpu.wait_indirect_dma semaphore(%arg18 : memref<!tpu.dma_semaphore, #tpu.memory_space<semaphore_mem>>) src(%dma_wait3A_285 : memref<64004096xf32, #tpu.memory_space<hbm>>) dst(%dma_wait3A_283 : memref<512xf32, #tpu.memory_space<vmem>>)
    %dma_wait3A_286 = arith.constant 0 : i32
    %dma_wait3A_287 = arith.constant 0 : i32
    %dma_wait3A_288 = tpu.memref_slice %arg15[%dma_wait3A_286, %dma_wait3A_287] : memref<64x512xf32, #tpu.memory_space<vmem>> -> memref<1x512xf32, #tpu.memory_space<vmem>>
    %dma_wait3A_289 = tpu.memref_squeeze %dma_wait3A_288 : memref<1x512xf32, #tpu.memory_space<vmem>> -> memref<512xf32, #tpu.memory_space<vmem>>
    %dma_wait3A_290 = arith.constant 0 : i32
    %dma_wait3A_291 = tpu.memref_slice %arg4[%dma_wait3A_290] : memref<64004096xf32, #tpu.memory_space<hbm>> -> memref<64004096xf32, #tpu.memory_space<hbm>>
    tpu.wait_indirect_dma semaphore(%arg18 : memref<!tpu.dma_semaphore, #tpu.memory_space<semaphore_mem>>) src(%dma_wait3A_291 : memref<64004096xf32, #tpu.memory_space<hbm>>) dst(%dma_wait3A_289 : memref<512xf32, #tpu.memory_space<vmem>>)
    %dma_wait3A_292 = arith.constant 0 : i32
    %dma_wait3A_293 = arith.constant 0 : i32
    %dma_wait3A_294 = tpu.memref_slice %arg15[%dma_wait3A_292, %dma_wait3A_293] : memref<64x512xf32, #tpu.memory_space<vmem>> -> memref<1x512xf32, #tpu.memory_space<vmem>>
    %dma_wait3A_295 = tpu.memref_squeeze %dma_wait3A_294 : memref<1x512xf32, #tpu.memory_space<vmem>> -> memref<512xf32, #tpu.memory_space<vmem>>
    %dma_wait3A_296 = arith.constant 0 : i32
    %dma_wait3A_297 = tpu.memref_slice %arg4[%dma_wait3A_296] : memref<64004096xf32, #tpu.memory_space<hbm>> -> memref<64004096xf32, #tpu.memory_space<hbm>>
    tpu.wait_indirect_dma semaphore(%arg18 : memref<!tpu.dma_semaphore, #tpu.memory_space<semaphore_mem>>) src(%dma_wait3A_297 : memref<64004096xf32, #tpu.memory_space<hbm>>) dst(%dma_wait3A_295 : memref<512xf32, #tpu.memory_space<vmem>>)
    %dma_wait3A_298 = arith.constant 0 : i32
    %dma_wait3A_299 = arith.constant 0 : i32
    %dma_wait3A_300 = tpu.memref_slice %arg15[%dma_wait3A_298, %dma_wait3A_299] : memref<64x512xf32, #tpu.memory_space<vmem>> -> memref<1x512xf32, #tpu.memory_space<vmem>>
    %dma_wait3A_301 = tpu.memref_squeeze %dma_wait3A_300 : memref<1x512xf32, #tpu.memory_space<vmem>> -> memref<512xf32, #tpu.memory_space<vmem>>
    %dma_wait3A_302 = arith.constant 0 : i32
    %dma_wait3A_303 = tpu.memref_slice %arg4[%dma_wait3A_302] : memref<64004096xf32, #tpu.memory_space<hbm>> -> memref<64004096xf32, #tpu.memory_space<hbm>>
    tpu.wait_indirect_dma semaphore(%arg18 : memref<!tpu.dma_semaphore, #tpu.memory_space<semaphore_mem>>) src(%dma_wait3A_303 : memref<64004096xf32, #tpu.memory_space<hbm>>) dst(%dma_wait3A_301 : memref<512xf32, #tpu.memory_space<vmem>>)
    %dma_wait3A_304 = arith.constant 0 : i32
    %dma_wait3A_305 = arith.constant 0 : i32
    %dma_wait3A_306 = tpu.memref_slice %arg15[%dma_wait3A_304, %dma_wait3A_305] : memref<64x512xf32, #tpu.memory_space<vmem>> -> memref<1x512xf32, #tpu.memory_space<vmem>>
    %dma_wait3A_307 = tpu.memref_squeeze %dma_wait3A_306 : memref<1x512xf32, #tpu.memory_space<vmem>> -> memref<512xf32, #tpu.memory_space<vmem>>
    %dma_wait3A_308 = arith.constant 0 : i32
    %dma_wait3A_309 = tpu.memref_slice %arg4[%dma_wait3A_308] : memref<64004096xf32, #tpu.memory_space<hbm>> -> memref<64004096xf32, #tpu.memory_space<hbm>>
    tpu.wait_indirect_dma semaphore(%arg18 : memref<!tpu.dma_semaphore, #tpu.memory_space<semaphore_mem>>) src(%dma_wait3A_309 : memref<64004096xf32, #tpu.memory_space<hbm>>) dst(%dma_wait3A_307 : memref<512xf32, #tpu.memory_space<vmem>>)
    %dma_wait3A_310 = arith.constant 0 : i32
    %dma_wait3A_311 = arith.constant 0 : i32
    %dma_wait3A_312 = tpu.memref_slice %arg15[%dma_wait3A_310, %dma_wait3A_311] : memref<64x512xf32, #tpu.memory_space<vmem>> -> memref<1x512xf32, #tpu.memory_space<vmem>>
    %dma_wait3A_313 = tpu.memref_squeeze %dma_wait3A_312 : memref<1x512xf32, #tpu.memory_space<vmem>> -> memref<512xf32, #tpu.memory_space<vmem>>
    %dma_wait3A_314 = arith.constant 0 : i32
    %dma_wait3A_315 = tpu.memref_slice %arg4[%dma_wait3A_314] : memref<64004096xf32, #tpu.memory_space<hbm>> -> memref<64004096xf32, #tpu.memory_space<hbm>>
    tpu.wait_indirect_dma semaphore(%arg18 : memref<!tpu.dma_semaphore, #tpu.memory_space<semaphore_mem>>) src(%dma_wait3A_315 : memref<64004096xf32, #tpu.memory_space<hbm>>) dst(%dma_wait3A_313 : memref<512xf32, #tpu.memory_space<vmem>>)
    %dma_wait3A_316 = arith.constant 0 : i32
    %dma_wait3A_317 = arith.constant 0 : i32
    %dma_wait3A_318 = tpu.memref_slice %arg15[%dma_wait3A_316, %dma_wait3A_317] : memref<64x512xf32, #tpu.memory_space<vmem>> -> memref<1x512xf32, #tpu.memory_space<vmem>>
    %dma_wait3A_319 = tpu.memref_squeeze %dma_wait3A_318 : memref<1x512xf32, #tpu.memory_space<vmem>> -> memref<512xf32, #tpu.memory_space<vmem>>
    %dma_wait3A_320 = arith.constant 0 : i32
    %dma_wait3A_321 = tpu.memref_slice %arg4[%dma_wait3A_320] : memref<64004096xf32, #tpu.memory_space<hbm>> -> memref<64004096xf32, #tpu.memory_space<hbm>>
    tpu.wait_indirect_dma semaphore(%arg18 : memref<!tpu.dma_semaphore, #tpu.memory_space<semaphore_mem>>) src(%dma_wait3A_321 : memref<64004096xf32, #tpu.memory_space<hbm>>) dst(%dma_wait3A_319 : memref<512xf32, #tpu.memory_space<vmem>>)
    %dma_wait3A_322 = arith.constant 0 : i32
    %dma_wait3A_323 = arith.constant 0 : i32
    %dma_wait3A_324 = tpu.memref_slice %arg15[%dma_wait3A_322, %dma_wait3A_323] : memref<64x512xf32, #tpu.memory_space<vmem>> -> memref<1x512xf32, #tpu.memory_space<vmem>>
    %dma_wait3A_325 = tpu.memref_squeeze %dma_wait3A_324 : memref<1x512xf32, #tpu.memory_space<vmem>> -> memref<512xf32, #tpu.memory_space<vmem>>
    %dma_wait3A_326 = arith.constant 0 : i32
    %dma_wait3A_327 = tpu.memref_slice %arg4[%dma_wait3A_326] : memref<64004096xf32, #tpu.memory_space<hbm>> -> memref<64004096xf32, #tpu.memory_space<hbm>>
    tpu.wait_indirect_dma semaphore(%arg18 : memref<!tpu.dma_semaphore, #tpu.memory_space<semaphore_mem>>) src(%dma_wait3A_327 : memref<64004096xf32, #tpu.memory_space<hbm>>) dst(%dma_wait3A_325 : memref<512xf32, #tpu.memory_space<vmem>>)
    %dma_wait3A_328 = arith.constant 0 : i32
    %dma_wait3A_329 = arith.constant 0 : i32
    %dma_wait3A_330 = tpu.memref_slice %arg15[%dma_wait3A_328, %dma_wait3A_329] : memref<64x512xf32, #tpu.memory_space<vmem>> -> memref<1x512xf32, #tpu.memory_space<vmem>>
    %dma_wait3A_331 = tpu.memref_squeeze %dma_wait3A_330 : memref<1x512xf32, #tpu.memory_space<vmem>> -> memref<512xf32, #tpu.memory_space<vmem>>
    %dma_wait3A_332 = arith.constant 0 : i32
    %dma_wait3A_333 = tpu.memref_slice %arg4[%dma_wait3A_332] : memref<64004096xf32, #tpu.memory_space<hbm>> -> memref<64004096xf32, #tpu.memory_space<hbm>>
    tpu.wait_indirect_dma semaphore(%arg18 : memref<!tpu.dma_semaphore, #tpu.memory_space<semaphore_mem>>) src(%dma_wait3A_333 : memref<64004096xf32, #tpu.memory_space<hbm>>) dst(%dma_wait3A_331 : memref<512xf32, #tpu.memory_space<vmem>>)
    %scan3A_334 = arith.constant 0 : i32
    %scan3A_335 = arith.constant 0 : i32
    %scan3A_336 = arith.constant 32 : i32
    %scan3A_337 = arith.addi %scan3A_335, %scan3A_336 : i32
    %scan3A_338 = arith.constant 1 : i32
    %scan3A_339 = scf.for %scan3A_343 = %scan3A_335 to %scan3A_337 step %scan3A_338 iter_args(%scan3A_344 = %scan3A_334) -> (i32)  : i32 {
      %mul3A_345 = arith.constant 16 : i32
      %mul3A_346 = arith.muli %scan3A_343, %mul3A_345 : i32
      %get3A = arith.index_cast %mul3A_346 : i32 to index
      %get3A_347 = tpu.vector_load %arg13[%get3A] {strides = array<i32>} : memref<512xf32, #tpu.memory_space<vmem>>, vector<16xf32>,
      %get3A_348 = arith.index_cast %mul3A_346 : i32 to index
      %get3A_349 = tpu.vector_load %arg14[%get3A_348] {strides = array<i32>} : memref<512xf32, #tpu.memory_space<vmem>>, vector<16xf32>,
      %add3A_350 = arith.addf %get3A_347, %get3A_349 : vector<16xf32>
      %get3A_351 = arith.constant 0 : i32
      %get3A_352 = arith.index_cast %get3A_351 : i32 to index
      %get3A_353 = arith.index_cast %mul3A_346 : i32 to index
      %get3A_354 = tpu.vector_load %arg15[%get3A_352, %get3A_353] {strides = array<i32>} : memref<64x512xf32, #tpu.memory_space<vmem>>, vector<16xf32>,
      %get3A_355 = arith.constant 0 : i32
      %get3A_356 = arith.index_cast %get3A_355 : i32 to index
      %get3A_357 = arith.index_cast %mul3A_346 : i32 to index
      %get3A_358 = tpu.vector_load %arg16[%get3A_356, %get3A_357] {strides = array<i32>} : memref<64x512xf32, #tpu.memory_space<vmem>>, vector<16xf32>,
      %mul3A_359 = arith.mulf %get3A_354, %get3A_358 : vector<16xf32>
      %add3A_360 = arith.addf %add3A_350, %mul3A_359 : vector<16xf32>
      %get3A_361 = arith.constant 1 : i32
      %get3A_362 = arith.index_cast %get3A_361 : i32 to index
      %get3A_363 = arith.index_cast %mul3A_346 : i32 to index
      %get3A_364 = tpu.vector_load %arg15[%get3A_362, %get3A_363] {strides = array<i32>} : memref<64x512xf32, #tpu.memory_space<vmem>>, vector<16xf32>,
      %get3A_365 = arith.constant 1 : i32
      %get3A_366 = arith.index_cast %get3A_365 : i32 to index
      %get3A_367 = arith.index_cast %mul3A_346 : i32 to index
      %get3A_368 = tpu.vector_load %arg16[%get3A_366, %get3A_367] {strides = array<i32>} : memref<64x512xf32, #tpu.memory_space<vmem>>, vector<16xf32>,
      %mul3A_369 = arith.mulf %get3A_364, %get3A_368 : vector<16xf32>
      %add3A_370 = arith.addf %add3A_360, %mul3A_369 : vector<16xf32>
      %get3A_371 = arith.constant 2 : i32
      %get3A_372 = arith.index_cast %get3A_371 : i32 to index
      %get3A_373 = arith.index_cast %mul3A_346 : i32 to index
      %get3A_374 = tpu.vector_load %arg15[%get3A_372, %get3A_373] {strides = array<i32>} : memref<64x512xf32, #tpu.memory_space<vmem>>, vector<16xf32>,
      %get3A_375 = arith.constant 2 : i32
      %get3A_376 = arith.index_cast %get3A_375 : i32 to index
      %get3A_377 = arith.index_cast %mul3A_346 : i32 to index
      %get3A_378 = tpu.vector_load %arg16[%get3A_376, %get3A_377] {strides = array<i32>} : memref<64x512xf32, #tpu.memory_space<vmem>>, vector<16xf32>,
      %mul3A_379 = arith.mulf %get3A_374, %get3A_378 : vector<16xf32>
      %add3A_380 = arith.addf %add3A_370, %mul3A_379 : vector<16xf32>
      %get3A_381 = arith.constant 3 : i32
      %get3A_382 = arith.index_cast %get3A_381 : i32 to index
      %get3A_383 = arith.index_cast %mul3A_346 : i32 to index
      %get3A_384 = tpu.vector_load %arg15[%get3A_382, %get3A_383] {strides = array<i32>} : memref<64x512xf32, #tpu.memory_space<vmem>>, vector<16xf32>,
      %get3A_385 = arith.constant 3 : i32
      %get3A_386 = arith.index_cast %get3A_385 : i32 to index
      %get3A_387 = arith.index_cast %mul3A_346 : i32 to index
      %get3A_388 = tpu.vector_load %arg16[%get3A_386, %get3A_387] {strides = array<i32>} : memref<64x512xf32, #tpu.memory_space<vmem>>, vector<16xf32>,
      %mul3A_389 = arith.mulf %get3A_384, %get3A_388 : vector<16xf32>
      %add3A_390 = arith.addf %add3A_380, %mul3A_389 : vector<16xf32>
      %get3A_391 = arith.constant 4 : i32
      %get3A_392 = arith.index_cast %get3A_391 : i32 to index
      %get3A_393 = arith.index_cast %mul3A_346 : i32 to index
      %get3A_394 = tpu.vector_load %arg15[%get3A_392, %get3A_393] {strides = array<i32>} : memref<64x512xf32, #tpu.memory_space<vmem>>, vector<16xf32>,
      %get3A_395 = arith.constant 4 : i32
      %get3A_396 = arith.index_cast %get3A_395 : i32 to index
      %get3A_397 = arith.index_cast %mul3A_346 : i32 to index
      %get3A_398 = tpu.vector_load %arg16[%get3A_396, %get3A_397] {strides = array<i32>} : memref<64x512xf32, #tpu.memory_space<vmem>>, vector<16xf32>,
      %mul3A_399 = arith.mulf %get3A_394, %get3A_398 : vector<16xf32>
      %add3A_400 = arith.addf %add3A_390, %mul3A_399 : vector<16xf32>
      %get3A_401 = arith.constant 5 : i32
      %get3A_402 = arith.index_cast %get3A_401 : i32 to index
      %get3A_403 = arith.index_cast %mul3A_346 : i32 to index
      %get3A_404 = tpu.vector_load %arg15[%get3A_402, %get3A_403] {strides = array<i32>} : memref<64x512xf32, #tpu.memory_space<vmem>>, vector<16xf32>,
      %get3A_405 = arith.constant 5 : i32
      %get3A_406 = arith.index_cast %get3A_405 : i32 to index
      %get3A_407 = arith.index_cast %mul3A_346 : i32 to index
      %get3A_408 = tpu.vector_load %arg16[%get3A_406, %get3A_407] {strides = array<i32>} : memref<64x512xf32, #tpu.memory_space<vmem>>, vector<16xf32>,
      %mul3A_409 = arith.mulf %get3A_404, %get3A_408 : vector<16xf32>
      %add3A_410 = arith.addf %add3A_400, %mul3A_409 : vector<16xf32>
      %get3A_411 = arith.constant 6 : i32
      %get3A_412 = arith.index_cast %get3A_411 : i32 to index
      %get3A_413 = arith.index_cast %mul3A_346 : i32 to index
      %get3A_414 = tpu.vector_load %arg15[%get3A_412, %get3A_413] {strides = array<i32>} : memref<64x512xf32, #tpu.memory_space<vmem>>, vector<16xf32>,
      %get3A_415 = arith.constant 6 : i32
      %get3A_416 = arith.index_cast %get3A_415 : i32 to index
      %get3A_417 = arith.index_cast %mul3A_346 : i32 to index
      %get3A_418 = tpu.vector_load %arg16[%get3A_416, %get3A_417] {strides = array<i32>} : memref<64x512xf32, #tpu.memory_space<vmem>>, vector<16xf32>,
      %mul3A_419 = arith.mulf %get3A_414, %get3A_418 : vector<16xf32>
      %add3A_420 = arith.addf %add3A_410, %mul3A_419 : vector<16xf32>
      %get3A_421 = arith.constant 7 : i32
      %get3A_422 = arith.index_cast %get3A_421 : i32 to index
      %get3A_423 = arith.index_cast %mul3A_346 : i32 to index
      %get3A_424 = tpu.vector_load %arg15[%get3A_422, %get3A_423] {strides = array<i32>} : memref<64x512xf32, #tpu.memory_space<vmem>>, vector<16xf32>,
      %get3A_425 = arith.constant 7 : i32
      %get3A_426 = arith.index_cast %get3A_425 : i32 to index
      %get3A_427 = arith.index_cast %mul3A_346 : i32 to index
      %get3A_428 = tpu.vector_load %arg16[%get3A_426, %get3A_427] {strides = array<i32>} : memref<64x512xf32, #tpu.memory_space<vmem>>, vector<16xf32>,
      %mul3A_429 = arith.mulf %get3A_424, %get3A_428 : vector<16xf32>
      %add3A_430 = arith.addf %add3A_420, %mul3A_429 : vector<16xf32>
      %get3A_431 = arith.constant 8 : i32
      %get3A_432 = arith.index_cast %get3A_431 : i32 to index
      %get3A_433 = arith.index_cast %mul3A_346 : i32 to index
      %get3A_434 = tpu.vector_load %arg15[%get3A_432, %get3A_433] {strides = array<i32>} : memref<64x512xf32, #tpu.memory_space<vmem>>, vector<16xf32>,
      %get3A_435 = arith.constant 8 : i32
      %get3A_436 = arith.index_cast %get3A_435 : i32 to index
      %get3A_437 = arith.index_cast %mul3A_346 : i32 to index
      %get3A_438 = tpu.vector_load %arg16[%get3A_436, %get3A_437] {strides = array<i32>} : memref<64x512xf32, #tpu.memory_space<vmem>>, vector<16xf32>,
      %mul3A_439 = arith.mulf %get3A_434, %get3A_438 : vector<16xf32>
      %add3A_440 = arith.addf %add3A_430, %mul3A_439 : vector<16xf32>
      %get3A_441 = arith.constant 9 : i32
      %get3A_442 = arith.index_cast %get3A_441 : i32 to index
      %get3A_443 = arith.index_cast %mul3A_346 : i32 to index
      %get3A_444 = tpu.vector_load %arg15[%get3A_442, %get3A_443] {strides = array<i32>} : memref<64x512xf32, #tpu.memory_space<vmem>>, vector<16xf32>,
      %get3A_445 = arith.constant 9 : i32
      %get3A_446 = arith.index_cast %get3A_445 : i32 to index
      %get3A_447 = arith.index_cast %mul3A_346 : i32 to index
      %get3A_448 = tpu.vector_load %arg16[%get3A_446, %get3A_447] {strides = array<i32>} : memref<64x512xf32, #tpu.memory_space<vmem>>, vector<16xf32>,
      %mul3A_449 = arith.mulf %get3A_444, %get3A_448 : vector<16xf32>
      %add3A_450 = arith.addf %add3A_440, %mul3A_449 : vector<16xf32>
      %get3A_451 = arith.constant 10 : i32
      %get3A_452 = arith.index_cast %get3A_451 : i32 to index
      %get3A_453 = arith.index_cast %mul3A_346 : i32 to index
      %get3A_454 = tpu.vector_load %arg15[%get3A_452, %get3A_453] {strides = array<i32>} : memref<64x512xf32, #tpu.memory_space<vmem>>, vector<16xf32>,
      %get3A_455 = arith.constant 10 : i32
      %get3A_456 = arith.index_cast %get3A_455 : i32 to index
      %get3A_457 = arith.index_cast %mul3A_346 : i32 to index
      %get3A_458 = tpu.vector_load %arg16[%get3A_456, %get3A_457] {strides = array<i32>} : memref<64x512xf32, #tpu.memory_space<vmem>>, vector<16xf32>,
      %mul3A_459 = arith.mulf %get3A_454, %get3A_458 : vector<16xf32>
      %add3A_460 = arith.addf %add3A_450, %mul3A_459 : vector<16xf32>
      %get3A_461 = arith.constant 11 : i32
      %get3A_462 = arith.index_cast %get3A_461 : i32 to index
      %get3A_463 = arith.index_cast %mul3A_346 : i32 to index
      %get3A_464 = tpu.vector_load %arg15[%get3A_462, %get3A_463] {strides = array<i32>} : memref<64x512xf32, #tpu.memory_space<vmem>>, vector<16xf32>,
      %get3A_465 = arith.constant 11 : i32
      %get3A_466 = arith.index_cast %get3A_465 : i32 to index
      %get3A_467 = arith.index_cast %mul3A_346 : i32 to index
      %get3A_468 = tpu.vector_load %arg16[%get3A_466, %get3A_467] {strides = array<i32>} : memref<64x512xf32, #tpu.memory_space<vmem>>, vector<16xf32>,
      %mul3A_469 = arith.mulf %get3A_464, %get3A_468 : vector<16xf32>
      %add3A_470 = arith.addf %add3A_460, %mul3A_469 : vector<16xf32>
      %get3A_471 = arith.constant 12 : i32
      %get3A_472 = arith.index_cast %get3A_471 : i32 to index
      %get3A_473 = arith.index_cast %mul3A_346 : i32 to index
      %get3A_474 = tpu.vector_load %arg15[%get3A_472, %get3A_473] {strides = array<i32>} : memref<64x512xf32, #tpu.memory_space<vmem>>, vector<16xf32>,
      %get3A_475 = arith.constant 12 : i32
      %get3A_476 = arith.index_cast %get3A_475 : i32 to index
      %get3A_477 = arith.index_cast %mul3A_346 : i32 to index
      %get3A_478 = tpu.vector_load %arg16[%get3A_476, %get3A_477] {strides = array<i32>} : memref<64x512xf32, #tpu.memory_space<vmem>>, vector<16xf32>,
      %mul3A_479 = arith.mulf %get3A_474, %get3A_478 : vector<16xf32>
      %add3A_480 = arith.addf %add3A_470, %mul3A_479 : vector<16xf32>
      %get3A_481 = arith.constant 13 : i32
      %get3A_482 = arith.index_cast %get3A_481 : i32 to index
      %get3A_483 = arith.index_cast %mul3A_346 : i32 to index
      %get3A_484 = tpu.vector_load %arg15[%get3A_482, %get3A_483] {strides = array<i32>} : memref<64x512xf32, #tpu.memory_space<vmem>>, vector<16xf32>,
      %get3A_485 = arith.constant 13 : i32
      %get3A_486 = arith.index_cast %get3A_485 : i32 to index
      %get3A_487 = arith.index_cast %mul3A_346 : i32 to index
      %get3A_488 = tpu.vector_load %arg16[%get3A_486, %get3A_487] {strides = array<i32>} : memref<64x512xf32, #tpu.memory_space<vmem>>, vector<16xf32>,
      %mul3A_489 = arith.mulf %get3A_484, %get3A_488 : vector<16xf32>
      %add3A_490 = arith.addf %add3A_480, %mul3A_489 : vector<16xf32>
      %get3A_491 = arith.constant 14 : i32
      %get3A_492 = arith.index_cast %get3A_491 : i32 to index
      %get3A_493 = arith.index_cast %mul3A_346 : i32 to index
      %get3A_494 = tpu.vector_load %arg15[%get3A_492, %get3A_493] {strides = array<i32>} : memref<64x512xf32, #tpu.memory_space<vmem>>, vector<16xf32>,
      %get3A_495 = arith.constant 14 : i32
      %get3A_496 = arith.index_cast %get3A_495 : i32 to index
      %get3A_497 = arith.index_cast %mul3A_346 : i32 to index
      %get3A_498 = tpu.vector_load %arg16[%get3A_496, %get3A_497] {strides = array<i32>} : memref<64x512xf32, #tpu.memory_space<vmem>>, vector<16xf32>,
      %mul3A_499 = arith.mulf %get3A_494, %get3A_498 : vector<16xf32>
      %add3A_500 = arith.addf %add3A_490, %mul3A_499 : vector<16xf32>
      %get3A_501 = arith.constant 15 : i32
      %get3A_502 = arith.index_cast %get3A_501 : i32 to index
      %get3A_503 = arith.index_cast %mul3A_346 : i32 to index
      %get3A_504 = tpu.vector_load %arg15[%get3A_502, %get3A_503] {strides = array<i32>} : memref<64x512xf32, #tpu.memory_space<vmem>>, vector<16xf32>,
      %get3A_505 = arith.constant 15 : i32
      %get3A_506 = arith.index_cast %get3A_505 : i32 to index
      %get3A_507 = arith.index_cast %mul3A_346 : i32 to index
      %get3A_508 = tpu.vector_load %arg16[%get3A_506, %get3A_507] {strides = array<i32>} : memref<64x512xf32, #tpu.memory_space<vmem>>, vector<16xf32>,
      %mul3A_509 = arith.mulf %get3A_504, %get3A_508 : vector<16xf32>
      %add3A_510 = arith.addf %add3A_500, %mul3A_509 : vector<16xf32>
      %get3A_511 = arith.constant 16 : i32
      %get3A_512 = arith.index_cast %get3A_511 : i32 to index
      %get3A_513 = arith.index_cast %mul3A_346 : i32 to index
      %get3A_514 = tpu.vector_load %arg15[%get3A_512, %get3A_513] {strides = array<i32>} : memref<64x512xf32, #tpu.memory_space<vmem>>, vector<16xf32>,
      %get3A_515 = arith.constant 16 : i32
      %get3A_516 = arith.index_cast %get3A_515 : i32 to index
      %get3A_517 = arith.index_cast %mul3A_346 : i32 to index
      %get3A_518 = tpu.vector_load %arg16[%get3A_516, %get3A_517] {strides = array<i32>} : memref<64x512xf32, #tpu.memory_space<vmem>>, vector<16xf32>,
      %mul3A_519 = arith.mulf %get3A_514, %get3A_518 : vector<16xf32>
      %add3A_520 = arith.addf %add3A_510, %mul3A_519 : vector<16xf32>
      %get3A_521 = arith.constant 17 : i32
      %get3A_522 = arith.index_cast %get3A_521 : i32 to index
      %get3A_523 = arith.index_cast %mul3A_346 : i32 to index
      %get3A_524 = tpu.vector_load %arg15[%get3A_522, %get3A_523] {strides = array<i32>} : memref<64x512xf32, #tpu.memory_space<vmem>>, vector<16xf32>,
      %get3A_525 = arith.constant 17 : i32
      %get3A_526 = arith.index_cast %get3A_525 : i32 to index
      %get3A_527 = arith.index_cast %mul3A_346 : i32 to index
      %get3A_528 = tpu.vector_load %arg16[%get3A_526, %get3A_527] {strides = array<i32>} : memref<64x512xf32, #tpu.memory_space<vmem>>, vector<16xf32>,
      %mul3A_529 = arith.mulf %get3A_524, %get3A_528 : vector<16xf32>
      %add3A_530 = arith.addf %add3A_520, %mul3A_529 : vector<16xf32>
      %get3A_531 = arith.constant 18 : i32
      %get3A_532 = arith.index_cast %get3A_531 : i32 to index
      %get3A_533 = arith.index_cast %mul3A_346 : i32 to index
      %get3A_534 = tpu.vector_load %arg15[%get3A_532, %get3A_533] {strides = array<i32>} : memref<64x512xf32, #tpu.memory_space<vmem>>, vector<16xf32>,
      %get3A_535 = arith.constant 18 : i32
      %get3A_536 = arith.index_cast %get3A_535 : i32 to index
      %get3A_537 = arith.index_cast %mul3A_346 : i32 to index
      %get3A_538 = tpu.vector_load %arg16[%get3A_536, %get3A_537] {strides = array<i32>} : memref<64x512xf32, #tpu.memory_space<vmem>>, vector<16xf32>,
      %mul3A_539 = arith.mulf %get3A_534, %get3A_538 : vector<16xf32>
      %add3A_540 = arith.addf %add3A_530, %mul3A_539 : vector<16xf32>
      %get3A_541 = arith.constant 19 : i32
      %get3A_542 = arith.index_cast %get3A_541 : i32 to index
      %get3A_543 = arith.index_cast %mul3A_346 : i32 to index
      %get3A_544 = tpu.vector_load %arg15[%get3A_542, %get3A_543] {strides = array<i32>} : memref<64x512xf32, #tpu.memory_space<vmem>>, vector<16xf32>,
      %get3A_545 = arith.constant 19 : i32
      %get3A_546 = arith.index_cast %get3A_545 : i32 to index
      %get3A_547 = arith.index_cast %mul3A_346 : i32 to index
      %get3A_548 = tpu.vector_load %arg16[%get3A_546, %get3A_547] {strides = array<i32>} : memref<64x512xf32, #tpu.memory_space<vmem>>, vector<16xf32>,
      %mul3A_549 = arith.mulf %get3A_544, %get3A_548 : vector<16xf32>
      %add3A_550 = arith.addf %add3A_540, %mul3A_549 : vector<16xf32>
      %get3A_551 = arith.constant 20 : i32
      %get3A_552 = arith.index_cast %get3A_551 : i32 to index
      %get3A_553 = arith.index_cast %mul3A_346 : i32 to index
      %get3A_554 = tpu.vector_load %arg15[%get3A_552, %get3A_553] {strides = array<i32>} : memref<64x512xf32, #tpu.memory_space<vmem>>, vector<16xf32>,
      %get3A_555 = arith.constant 20 : i32
      %get3A_556 = arith.index_cast %get3A_555 : i32 to index
      %get3A_557 = arith.index_cast %mul3A_346 : i32 to index
      %get3A_558 = tpu.vector_load %arg16[%get3A_556, %get3A_557] {strides = array<i32>} : memref<64x512xf32, #tpu.memory_space<vmem>>, vector<16xf32>,
      %mul3A_559 = arith.mulf %get3A_554, %get3A_558 : vector<16xf32>
      %add3A_560 = arith.addf %add3A_550, %mul3A_559 : vector<16xf32>
      %get3A_561 = arith.constant 21 : i32
      %get3A_562 = arith.index_cast %get3A_561 : i32 to index
      %get3A_563 = arith.index_cast %mul3A_346 : i32 to index
      %get3A_564 = tpu.vector_load %arg15[%get3A_562, %get3A_563] {strides = array<i32>} : memref<64x512xf32, #tpu.memory_space<vmem>>, vector<16xf32>,
      %get3A_565 = arith.constant 21 : i32
      %get3A_566 = arith.index_cast %get3A_565 : i32 to index
      %get3A_567 = arith.index_cast %mul3A_346 : i32 to index
      %get3A_568 = tpu.vector_load %arg16[%get3A_566, %get3A_567] {strides = array<i32>} : memref<64x512xf32, #tpu.memory_space<vmem>>, vector<16xf32>,
      %mul3A_569 = arith.mulf %get3A_564, %get3A_568 : vector<16xf32>
      %add3A_570 = arith.addf %add3A_560, %mul3A_569 : vector<16xf32>
      %get3A_571 = arith.constant 22 : i32
      %get3A_572 = arith.index_cast %get3A_571 : i32 to index
      %get3A_573 = arith.index_cast %mul3A_346 : i32 to index
      %get3A_574 = tpu.vector_load %arg15[%get3A_572, %get3A_573] {strides = array<i32>} : memref<64x512xf32, #tpu.memory_space<vmem>>, vector<16xf32>,
      %get3A_575 = arith.constant 22 : i32
      %get3A_576 = arith.index_cast %get3A_575 : i32 to index
      %get3A_577 = arith.index_cast %mul3A_346 : i32 to index
      %get3A_578 = tpu.vector_load %arg16[%get3A_576, %get3A_577] {strides = array<i32>} : memref<64x512xf32, #tpu.memory_space<vmem>>, vector<16xf32>,
      %mul3A_579 = arith.mulf %get3A_574, %get3A_578 : vector<16xf32>
      %add3A_580 = arith.addf %add3A_570, %mul3A_579 : vector<16xf32>
      %get3A_581 = arith.constant 23 : i32
      %get3A_582 = arith.index_cast %get3A_581 : i32 to index
      %get3A_583 = arith.index_cast %mul3A_346 : i32 to index
      %get3A_584 = tpu.vector_load %arg15[%get3A_582, %get3A_583] {strides = array<i32>} : memref<64x512xf32, #tpu.memory_space<vmem>>, vector<16xf32>,
      %get3A_585 = arith.constant 23 : i32
      %get3A_586 = arith.index_cast %get3A_585 : i32 to index
      %get3A_587 = arith.index_cast %mul3A_346 : i32 to index
      %get3A_588 = tpu.vector_load %arg16[%get3A_586, %get3A_587] {strides = array<i32>} : memref<64x512xf32, #tpu.memory_space<vmem>>, vector<16xf32>,
      %mul3A_589 = arith.mulf %get3A_584, %get3A_588 : vector<16xf32>
      %add3A_590 = arith.addf %add3A_580, %mul3A_589 : vector<16xf32>
      %get3A_591 = arith.constant 24 : i32
      %get3A_592 = arith.index_cast %get3A_591 : i32 to index
      %get3A_593 = arith.index_cast %mul3A_346 : i32 to index
      %get3A_594 = tpu.vector_load %arg15[%get3A_592, %get3A_593] {strides = array<i32>} : memref<64x512xf32, #tpu.memory_space<vmem>>, vector<16xf32>,
      %get3A_595 = arith.constant 24 : i32
      %get3A_596 = arith.index_cast %get3A_595 : i32 to index
      %get3A_597 = arith.index_cast %mul3A_346 : i32 to index
      %get3A_598 = tpu.vector_load %arg16[%get3A_596, %get3A_597] {strides = array<i32>} : memref<64x512xf32, #tpu.memory_space<vmem>>, vector<16xf32>,
      %mul3A_599 = arith.mulf %get3A_594, %get3A_598 : vector<16xf32>
      %add3A_600 = arith.addf %add3A_590, %mul3A_599 : vector<16xf32>
      %get3A_601 = arith.constant 25 : i32
      %get3A_602 = arith.index_cast %get3A_601 : i32 to index
      %get3A_603 = arith.index_cast %mul3A_346 : i32 to index
      %get3A_604 = tpu.vector_load %arg15[%get3A_602, %get3A_603] {strides = array<i32>} : memref<64x512xf32, #tpu.memory_space<vmem>>, vector<16xf32>,
      %get3A_605 = arith.constant 25 : i32
      %get3A_606 = arith.index_cast %get3A_605 : i32 to index
      %get3A_607 = arith.index_cast %mul3A_346 : i32 to index
      %get3A_608 = tpu.vector_load %arg16[%get3A_606, %get3A_607] {strides = array<i32>} : memref<64x512xf32, #tpu.memory_space<vmem>>, vector<16xf32>,
      %mul3A_609 = arith.mulf %get3A_604, %get3A_608 : vector<16xf32>
      %add3A_610 = arith.addf %add3A_600, %mul3A_609 : vector<16xf32>
      %get3A_611 = arith.constant 26 : i32
      %get3A_612 = arith.index_cast %get3A_611 : i32 to index
      %get3A_613 = arith.index_cast %mul3A_346 : i32 to index
      %get3A_614 = tpu.vector_load %arg15[%get3A_612, %get3A_613] {strides = array<i32>} : memref<64x512xf32, #tpu.memory_space<vmem>>, vector<16xf32>,
      %get3A_615 = arith.constant 26 : i32
      %get3A_616 = arith.index_cast %get3A_615 : i32 to index
      %get3A_617 = arith.index_cast %mul3A_346 : i32 to index
      %get3A_618 = tpu.vector_load %arg16[%get3A_616, %get3A_617] {strides = array<i32>} : memref<64x512xf32, #tpu.memory_space<vmem>>, vector<16xf32>,
      %mul3A_619 = arith.mulf %get3A_614, %get3A_618 : vector<16xf32>
      %add3A_620 = arith.addf %add3A_610, %mul3A_619 : vector<16xf32>
      %get3A_621 = arith.constant 27 : i32
      %get3A_622 = arith.index_cast %get3A_621 : i32 to index
      %get3A_623 = arith.index_cast %mul3A_346 : i32 to index
      %get3A_624 = tpu.vector_load %arg15[%get3A_622, %get3A_623] {strides = array<i32>} : memref<64x512xf32, #tpu.memory_space<vmem>>, vector<16xf32>,
      %get3A_625 = arith.constant 27 : i32
      %get3A_626 = arith.index_cast %get3A_625 : i32 to index
      %get3A_627 = arith.index_cast %mul3A_346 : i32 to index
      %get3A_628 = tpu.vector_load %arg16[%get3A_626, %get3A_627] {strides = array<i32>} : memref<64x512xf32, #tpu.memory_space<vmem>>, vector<16xf32>,
      %mul3A_629 = arith.mulf %get3A_624, %get3A_628 : vector<16xf32>
      %add3A_630 = arith.addf %add3A_620, %mul3A_629 : vector<16xf32>
      %get3A_631 = arith.constant 28 : i32
      %get3A_632 = arith.index_cast %get3A_631 : i32 to index
      %get3A_633 = arith.index_cast %mul3A_346 : i32 to index
      %get3A_634 = tpu.vector_load %arg15[%get3A_632, %get3A_633] {strides = array<i32>} : memref<64x512xf32, #tpu.memory_space<vmem>>, vector<16xf32>,
      %get3A_635 = arith.constant 28 : i32
      %get3A_636 = arith.index_cast %get3A_635 : i32 to index
      %get3A_637 = arith.index_cast %mul3A_346 : i32 to index
      %get3A_638 = tpu.vector_load %arg16[%get3A_636, %get3A_637] {strides = array<i32>} : memref<64x512xf32, #tpu.memory_space<vmem>>, vector<16xf32>,
      %mul3A_639 = arith.mulf %get3A_634, %get3A_638 : vector<16xf32>
      %add3A_640 = arith.addf %add3A_630, %mul3A_639 : vector<16xf32>
      %get3A_641 = arith.constant 29 : i32
      %get3A_642 = arith.index_cast %get3A_641 : i32 to index
      %get3A_643 = arith.index_cast %mul3A_346 : i32 to index
      %get3A_644 = tpu.vector_load %arg15[%get3A_642, %get3A_643] {strides = array<i32>} : memref<64x512xf32, #tpu.memory_space<vmem>>, vector<16xf32>,
      %get3A_645 = arith.constant 29 : i32
      %get3A_646 = arith.index_cast %get3A_645 : i32 to index
      %get3A_647 = arith.index_cast %mul3A_346 : i32 to index
      %get3A_648 = tpu.vector_load %arg16[%get3A_646, %get3A_647] {strides = array<i32>} : memref<64x512xf32, #tpu.memory_space<vmem>>, vector<16xf32>,
      %mul3A_649 = arith.mulf %get3A_644, %get3A_648 : vector<16xf32>
      %add3A_650 = arith.addf %add3A_640, %mul3A_649 : vector<16xf32>
      %get3A_651 = arith.constant 30 : i32
      %get3A_652 = arith.index_cast %get3A_651 : i32 to index
      %get3A_653 = arith.index_cast %mul3A_346 : i32 to index
      %get3A_654 = tpu.vector_load %arg15[%get3A_652, %get3A_653] {strides = array<i32>} : memref<64x512xf32, #tpu.memory_space<vmem>>, vector<16xf32>,
      %get3A_655 = arith.constant 30 : i32
      %get3A_656 = arith.index_cast %get3A_655 : i32 to index
      %get3A_657 = arith.index_cast %mul3A_346 : i32 to index
      %get3A_658 = tpu.vector_load %arg16[%get3A_656, %get3A_657] {strides = array<i32>} : memref<64x512xf32, #tpu.memory_space<vmem>>, vector<16xf32>,
      %mul3A_659 = arith.mulf %get3A_654, %get3A_658 : vector<16xf32>
      %add3A_660 = arith.addf %add3A_650, %mul3A_659 : vector<16xf32>
      %get3A_661 = arith.constant 31 : i32
      %get3A_662 = arith.index_cast %get3A_661 : i32 to index
      %get3A_663 = arith.index_cast %mul3A_346 : i32 to index
      %get3A_664 = tpu.vector_load %arg15[%get3A_662, %get3A_663] {strides = array<i32>} : memref<64x512xf32, #tpu.memory_space<vmem>>, vector<16xf32>,
      %get3A_665 = arith.constant 31 : i32
      %get3A_666 = arith.index_cast %get3A_665 : i32 to index
      %get3A_667 = arith.index_cast %mul3A_346 : i32 to index
      %get3A_668 = tpu.vector_load %arg16[%get3A_666, %get3A_667] {strides = array<i32>} : memref<64x512xf32, #tpu.memory_space<vmem>>, vector<16xf32>,
      %mul3A_669 = arith.mulf %get3A_664, %get3A_668 : vector<16xf32>
      %add3A_670 = arith.addf %add3A_660, %mul3A_669 : vector<16xf32>
      %get3A_671 = arith.constant 32 : i32
      %get3A_672 = arith.index_cast %get3A_671 : i32 to index
      %get3A_673 = arith.index_cast %mul3A_346 : i32 to index
      %get3A_674 = tpu.vector_load %arg15[%get3A_672, %get3A_673] {strides = array<i32>} : memref<64x512xf32, #tpu.memory_space<vmem>>, vector<16xf32>,
      %get3A_675 = arith.constant 32 : i32
      %get3A_676 = arith.index_cast %get3A_675 : i32 to index
      %get3A_677 = arith.index_cast %mul3A_346 : i32 to index
      %get3A_678 = tpu.vector_load %arg16[%get3A_676, %get3A_677] {strides = array<i32>} : memref<64x512xf32, #tpu.memory_space<vmem>>, vector<16xf32>,
      %mul3A_679 = arith.mulf %get3A_674, %get3A_678 : vector<16xf32>
      %add3A_680 = arith.addf %add3A_670, %mul3A_679 : vector<16xf32>
      %get3A_681 = arith.constant 33 : i32
      %get3A_682 = arith.index_cast %get3A_681 : i32 to index
      %get3A_683 = arith.index_cast %mul3A_346 : i32 to index
      %get3A_684 = tpu.vector_load %arg15[%get3A_682, %get3A_683] {strides = array<i32>} : memref<64x512xf32, #tpu.memory_space<vmem>>, vector<16xf32>,
      %get3A_685 = arith.constant 33 : i32
      %get3A_686 = arith.index_cast %get3A_685 : i32 to index
      %get3A_687 = arith.index_cast %mul3A_346 : i32 to index
      %get3A_688 = tpu.vector_load %arg16[%get3A_686, %get3A_687] {strides = array<i32>} : memref<64x512xf32, #tpu.memory_space<vmem>>, vector<16xf32>,
      %mul3A_689 = arith.mulf %get3A_684, %get3A_688 : vector<16xf32>
      %add3A_690 = arith.addf %add3A_680, %mul3A_689 : vector<16xf32>
      %get3A_691 = arith.constant 34 : i32
      %get3A_692 = arith.index_cast %get3A_691 : i32 to index
      %get3A_693 = arith.index_cast %mul3A_346 : i32 to index
      %get3A_694 = tpu.vector_load %arg15[%get3A_692, %get3A_693] {strides = array<i32>} : memref<64x512xf32, #tpu.memory_space<vmem>>, vector<16xf32>,
      %get3A_695 = arith.constant 34 : i32
      %get3A_696 = arith.index_cast %get3A_695 : i32 to index
      %get3A_697 = arith.index_cast %mul3A_346 : i32 to index
      %get3A_698 = tpu.vector_load %arg16[%get3A_696, %get3A_697] {strides = array<i32>} : memref<64x512xf32, #tpu.memory_space<vmem>>, vector<16xf32>,
      %mul3A_699 = arith.mulf %get3A_694, %get3A_698 : vector<16xf32>
      %add3A_700 = arith.addf %add3A_690, %mul3A_699 : vector<16xf32>
      %get3A_701 = arith.constant 35 : i32
      %get3A_702 = arith.index_cast %get3A_701 : i32 to index
      %get3A_703 = arith.index_cast %mul3A_346 : i32 to index
      %get3A_704 = tpu.vector_load %arg15[%get3A_702, %get3A_703] {strides = array<i32>} : memref<64x512xf32, #tpu.memory_space<vmem>>, vector<16xf32>,
      %get3A_705 = arith.constant 35 : i32
      %get3A_706 = arith.index_cast %get3A_705 : i32 to index
      %get3A_707 = arith.index_cast %mul3A_346 : i32 to index
      %get3A_708 = tpu.vector_load %arg16[%get3A_706, %get3A_707] {strides = array<i32>} : memref<64x512xf32, #tpu.memory_space<vmem>>, vector<16xf32>,
      %mul3A_709 = arith.mulf %get3A_704, %get3A_708 : vector<16xf32>
      %add3A_710 = arith.addf %add3A_700, %mul3A_709 : vector<16xf32>
      %get3A_711 = arith.constant 36 : i32
      %get3A_712 = arith.index_cast %get3A_711 : i32 to index
      %get3A_713 = arith.index_cast %mul3A_346 : i32 to index
      %get3A_714 = tpu.vector_load %arg15[%get3A_712, %get3A_713] {strides = array<i32>} : memref<64x512xf32, #tpu.memory_space<vmem>>, vector<16xf32>,
      %get3A_715 = arith.constant 36 : i32
      %get3A_716 = arith.index_cast %get3A_715 : i32 to index
      %get3A_717 = arith.index_cast %mul3A_346 : i32 to index
      %get3A_718 = tpu.vector_load %arg16[%get3A_716, %get3A_717] {strides = array<i32>} : memref<64x512xf32, #tpu.memory_space<vmem>>, vector<16xf32>,
      %mul3A_719 = arith.mulf %get3A_714, %get3A_718 : vector<16xf32>
      %add3A_720 = arith.addf %add3A_710, %mul3A_719 : vector<16xf32>
      %get3A_721 = arith.constant 37 : i32
      %get3A_722 = arith.index_cast %get3A_721 : i32 to index
      %get3A_723 = arith.index_cast %mul3A_346 : i32 to index
      %get3A_724 = tpu.vector_load %arg15[%get3A_722, %get3A_723] {strides = array<i32>} : memref<64x512xf32, #tpu.memory_space<vmem>>, vector<16xf32>,
      %get3A_725 = arith.constant 37 : i32
      %get3A_726 = arith.index_cast %get3A_725 : i32 to index
      %get3A_727 = arith.index_cast %mul3A_346 : i32 to index
      %get3A_728 = tpu.vector_load %arg16[%get3A_726, %get3A_727] {strides = array<i32>} : memref<64x512xf32, #tpu.memory_space<vmem>>, vector<16xf32>,
      %mul3A_729 = arith.mulf %get3A_724, %get3A_728 : vector<16xf32>
      %add3A_730 = arith.addf %add3A_720, %mul3A_729 : vector<16xf32>
      %get3A_731 = arith.constant 38 : i32
      %get3A_732 = arith.index_cast %get3A_731 : i32 to index
      %get3A_733 = arith.index_cast %mul3A_346 : i32 to index
      %get3A_734 = tpu.vector_load %arg15[%get3A_732, %get3A_733] {strides = array<i32>} : memref<64x512xf32, #tpu.memory_space<vmem>>, vector<16xf32>,
      %get3A_735 = arith.constant 38 : i32
      %get3A_736 = arith.index_cast %get3A_735 : i32 to index
      %get3A_737 = arith.index_cast %mul3A_346 : i32 to index
      %get3A_738 = tpu.vector_load %arg16[%get3A_736, %get3A_737] {strides = array<i32>} : memref<64x512xf32, #tpu.memory_space<vmem>>, vector<16xf32>,
      %mul3A_739 = arith.mulf %get3A_734, %get3A_738 : vector<16xf32>
      %add3A_740 = arith.addf %add3A_730, %mul3A_739 : vector<16xf32>
      %get3A_741 = arith.constant 39 : i32
      %get3A_742 = arith.index_cast %get3A_741 : i32 to index
      %get3A_743 = arith.index_cast %mul3A_346 : i32 to index
      %get3A_744 = tpu.vector_load %arg15[%get3A_742, %get3A_743] {strides = array<i32>} : memref<64x512xf32, #tpu.memory_space<vmem>>, vector<16xf32>,
      %get3A_745 = arith.constant 39 : i32
      %get3A_746 = arith.index_cast %get3A_745 : i32 to index
      %get3A_747 = arith.index_cast %mul3A_346 : i32 to index
      %get3A_748 = tpu.vector_load %arg16[%get3A_746, %get3A_747] {strides = array<i32>} : memref<64x512xf32, #tpu.memory_space<vmem>>, vector<16xf32>,
      %mul3A_749 = arith.mulf %get3A_744, %get3A_748 : vector<16xf32>
      %add3A_750 = arith.addf %add3A_740, %mul3A_749 : vector<16xf32>
      %get3A_751 = arith.constant 40 : i32
      %get3A_752 = arith.index_cast %get3A_751 : i32 to index
      %get3A_753 = arith.index_cast %mul3A_346 : i32 to index
      %get3A_754 = tpu.vector_load %arg15[%get3A_752, %get3A_753] {strides = array<i32>} : memref<64x512xf32, #tpu.memory_space<vmem>>, vector<16xf32>,
      %get3A_755 = arith.constant 40 : i32
      %get3A_756 = arith.index_cast %get3A_755 : i32 to index
      %get3A_757 = arith.index_cast %mul3A_346 : i32 to index
      %get3A_758 = tpu.vector_load %arg16[%get3A_756, %get3A_757] {strides = array<i32>} : memref<64x512xf32, #tpu.memory_space<vmem>>, vector<16xf32>,
      %mul3A_759 = arith.mulf %get3A_754, %get3A_758 : vector<16xf32>
      %add3A_760 = arith.addf %add3A_750, %mul3A_759 : vector<16xf32>
      %get3A_761 = arith.constant 41 : i32
      %get3A_762 = arith.index_cast %get3A_761 : i32 to index
      %get3A_763 = arith.index_cast %mul3A_346 : i32 to index
      %get3A_764 = tpu.vector_load %arg15[%get3A_762, %get3A_763] {strides = array<i32>} : memref<64x512xf32, #tpu.memory_space<vmem>>, vector<16xf32>,
      %get3A_765 = arith.constant 41 : i32
      %get3A_766 = arith.index_cast %get3A_765 : i32 to index
      %get3A_767 = arith.index_cast %mul3A_346 : i32 to index
      %get3A_768 = tpu.vector_load %arg16[%get3A_766, %get3A_767] {strides = array<i32>} : memref<64x512xf32, #tpu.memory_space<vmem>>, vector<16xf32>,
      %mul3A_769 = arith.mulf %get3A_764, %get3A_768 : vector<16xf32>
      %add3A_770 = arith.addf %add3A_760, %mul3A_769 : vector<16xf32>
      %get3A_771 = arith.constant 42 : i32
      %get3A_772 = arith.index_cast %get3A_771 : i32 to index
      %get3A_773 = arith.index_cast %mul3A_346 : i32 to index
      %get3A_774 = tpu.vector_load %arg15[%get3A_772, %get3A_773] {strides = array<i32>} : memref<64x512xf32, #tpu.memory_space<vmem>>, vector<16xf32>,
      %get3A_775 = arith.constant 42 : i32
      %get3A_776 = arith.index_cast %get3A_775 : i32 to index
      %get3A_777 = arith.index_cast %mul3A_346 : i32 to index
      %get3A_778 = tpu.vector_load %arg16[%get3A_776, %get3A_777] {strides = array<i32>} : memref<64x512xf32, #tpu.memory_space<vmem>>, vector<16xf32>,
      %mul3A_779 = arith.mulf %get3A_774, %get3A_778 : vector<16xf32>
      %add3A_780 = arith.addf %add3A_770, %mul3A_779 : vector<16xf32>
      %get3A_781 = arith.constant 43 : i32
      %get3A_782 = arith.index_cast %get3A_781 : i32 to index
      %get3A_783 = arith.index_cast %mul3A_346 : i32 to index
      %get3A_784 = tpu.vector_load %arg15[%get3A_782, %get3A_783] {strides = array<i32>} : memref<64x512xf32, #tpu.memory_space<vmem>>, vector<16xf32>,
      %get3A_785 = arith.constant 43 : i32
      %get3A_786 = arith.index_cast %get3A_785 : i32 to index
      %get3A_787 = arith.index_cast %mul3A_346 : i32 to index
      %get3A_788 = tpu.vector_load %arg16[%get3A_786, %get3A_787] {strides = array<i32>} : memref<64x512xf32, #tpu.memory_space<vmem>>, vector<16xf32>,
      %mul3A_789 = arith.mulf %get3A_784, %get3A_788 : vector<16xf32>
      %add3A_790 = arith.addf %add3A_780, %mul3A_789 : vector<16xf32>
      %get3A_791 = arith.constant 44 : i32
      %get3A_792 = arith.index_cast %get3A_791 : i32 to index
      %get3A_793 = arith.index_cast %mul3A_346 : i32 to index
      %get3A_794 = tpu.vector_load %arg15[%get3A_792, %get3A_793] {strides = array<i32>} : memref<64x512xf32, #tpu.memory_space<vmem>>, vector<16xf32>,
      %get3A_795 = arith.constant 44 : i32
      %get3A_796 = arith.index_cast %get3A_795 : i32 to index
      %get3A_797 = arith.index_cast %mul3A_346 : i32 to index
      %get3A_798 = tpu.vector_load %arg16[%get3A_796, %get3A_797] {strides = array<i32>} : memref<64x512xf32, #tpu.memory_space<vmem>>, vector<16xf32>,
      %mul3A_799 = arith.mulf %get3A_794, %get3A_798 : vector<16xf32>
      %add3A_800 = arith.addf %add3A_790, %mul3A_799 : vector<16xf32>
      %get3A_801 = arith.constant 45 : i32
      %get3A_802 = arith.index_cast %get3A_801 : i32 to index
      %get3A_803 = arith.index_cast %mul3A_346 : i32 to index
      %get3A_804 = tpu.vector_load %arg15[%get3A_802, %get3A_803] {strides = array<i32>} : memref<64x512xf32, #tpu.memory_space<vmem>>, vector<16xf32>,
      %get3A_805 = arith.constant 45 : i32
      %get3A_806 = arith.index_cast %get3A_805 : i32 to index
      %get3A_807 = arith.index_cast %mul3A_346 : i32 to index
      %get3A_808 = tpu.vector_load %arg16[%get3A_806, %get3A_807] {strides = array<i32>} : memref<64x512xf32, #tpu.memory_space<vmem>>, vector<16xf32>,
      %mul3A_809 = arith.mulf %get3A_804, %get3A_808 : vector<16xf32>
      %add3A_810 = arith.addf %add3A_800, %mul3A_809 : vector<16xf32>
      %get3A_811 = arith.constant 46 : i32
      %get3A_812 = arith.index_cast %get3A_811 : i32 to index
      %get3A_813 = arith.index_cast %mul3A_346 : i32 to index
      %get3A_814 = tpu.vector_load %arg15[%get3A_812, %get3A_813] {strides = array<i32>} : memref<64x512xf32, #tpu.memory_space<vmem>>, vector<16xf32>,
      %get3A_815 = arith.constant 46 : i32
      %get3A_816 = arith.index_cast %get3A_815 : i32 to index
      %get3A_817 = arith.index_cast %mul3A_346 : i32 to index
      %get3A_818 = tpu.vector_load %arg16[%get3A_816, %get3A_817] {strides = array<i32>} : memref<64x512xf32, #tpu.memory_space<vmem>>, vector<16xf32>,
      %mul3A_819 = arith.mulf %get3A_814, %get3A_818 : vector<16xf32>
      %add3A_820 = arith.addf %add3A_810, %mul3A_819 : vector<16xf32>
      %get3A_821 = arith.constant 47 : i32
      %get3A_822 = arith.index_cast %get3A_821 : i32 to index
      %get3A_823 = arith.index_cast %mul3A_346 : i32 to index
      %get3A_824 = tpu.vector_load %arg15[%get3A_822, %get3A_823] {strides = array<i32>} : memref<64x512xf32, #tpu.memory_space<vmem>>, vector<16xf32>,
      %get3A_825 = arith.constant 47 : i32
      %get3A_826 = arith.index_cast %get3A_825 : i32 to index
      %get3A_827 = arith.index_cast %mul3A_346 : i32 to index
      %get3A_828 = tpu.vector_load %arg16[%get3A_826, %get3A_827] {strides = array<i32>} : memref<64x512xf32, #tpu.memory_space<vmem>>, vector<16xf32>,
      %mul3A_829 = arith.mulf %get3A_824, %get3A_828 : vector<16xf32>
      %add3A_830 = arith.addf %add3A_820, %mul3A_829 : vector<16xf32>
      %get3A_831 = arith.constant 48 : i32
      %get3A_832 = arith.index_cast %get3A_831 : i32 to index
      %get3A_833 = arith.index_cast %mul3A_346 : i32 to index
      %get3A_834 = tpu.vector_load %arg15[%get3A_832, %get3A_833] {strides = array<i32>} : memref<64x512xf32, #tpu.memory_space<vmem>>, vector<16xf32>,
      %get3A_835 = arith.constant 48 : i32
      %get3A_836 = arith.index_cast %get3A_835 : i32 to index
      %get3A_837 = arith.index_cast %mul3A_346 : i32 to index
      %get3A_838 = tpu.vector_load %arg16[%get3A_836, %get3A_837] {strides = array<i32>} : memref<64x512xf32, #tpu.memory_space<vmem>>, vector<16xf32>,
      %mul3A_839 = arith.mulf %get3A_834, %get3A_838 : vector<16xf32>
      %add3A_840 = arith.addf %add3A_830, %mul3A_839 : vector<16xf32>
      %get3A_841 = arith.constant 49 : i32
      %get3A_842 = arith.index_cast %get3A_841 : i32 to index
      %get3A_843 = arith.index_cast %mul3A_346 : i32 to index
      %get3A_844 = tpu.vector_load %arg15[%get3A_842, %get3A_843] {strides = array<i32>} : memref<64x512xf32, #tpu.memory_space<vmem>>, vector<16xf32>,
      %get3A_845 = arith.constant 49 : i32
      %get3A_846 = arith.index_cast %get3A_845 : i32 to index
      %get3A_847 = arith.index_cast %mul3A_346 : i32 to index
      %get3A_848 = tpu.vector_load %arg16[%get3A_846, %get3A_847] {strides = array<i32>} : memref<64x512xf32, #tpu.memory_space<vmem>>, vector<16xf32>,
      %mul3A_849 = arith.mulf %get3A_844, %get3A_848 : vector<16xf32>
      %add3A_850 = arith.addf %add3A_840, %mul3A_849 : vector<16xf32>
      %get3A_851 = arith.constant 50 : i32
      %get3A_852 = arith.index_cast %get3A_851 : i32 to index
      %get3A_853 = arith.index_cast %mul3A_346 : i32 to index
      %get3A_854 = tpu.vector_load %arg15[%get3A_852, %get3A_853] {strides = array<i32>} : memref<64x512xf32, #tpu.memory_space<vmem>>, vector<16xf32>,
      %get3A_855 = arith.constant 50 : i32
      %get3A_856 = arith.index_cast %get3A_855 : i32 to index
      %get3A_857 = arith.index_cast %mul3A_346 : i32 to index
      %get3A_858 = tpu.vector_load %arg16[%get3A_856, %get3A_857] {strides = array<i32>} : memref<64x512xf32, #tpu.memory_space<vmem>>, vector<16xf32>,
      %mul3A_859 = arith.mulf %get3A_854, %get3A_858 : vector<16xf32>
      %add3A_860 = arith.addf %add3A_850, %mul3A_859 : vector<16xf32>
      %get3A_861 = arith.constant 51 : i32
      %get3A_862 = arith.index_cast %get3A_861 : i32 to index
      %get3A_863 = arith.index_cast %mul3A_346 : i32 to index
      %get3A_864 = tpu.vector_load %arg15[%get3A_862, %get3A_863] {strides = array<i32>} : memref<64x512xf32, #tpu.memory_space<vmem>>, vector<16xf32>,
      %get3A_865 = arith.constant 51 : i32
      %get3A_866 = arith.index_cast %get3A_865 : i32 to index
      %get3A_867 = arith.index_cast %mul3A_346 : i32 to index
      %get3A_868 = tpu.vector_load %arg16[%get3A_866, %get3A_867] {strides = array<i32>} : memref<64x512xf32, #tpu.memory_space<vmem>>, vector<16xf32>,
      %mul3A_869 = arith.mulf %get3A_864, %get3A_868 : vector<16xf32>
      %add3A_870 = arith.addf %add3A_860, %mul3A_869 : vector<16xf32>
      %get3A_871 = arith.constant 52 : i32
      %get3A_872 = arith.index_cast %get3A_871 : i32 to index
      %get3A_873 = arith.index_cast %mul3A_346 : i32 to index
      %get3A_874 = tpu.vector_load %arg15[%get3A_872, %get3A_873] {strides = array<i32>} : memref<64x512xf32, #tpu.memory_space<vmem>>, vector<16xf32>,
      %get3A_875 = arith.constant 52 : i32
      %get3A_876 = arith.index_cast %get3A_875 : i32 to index
      %get3A_877 = arith.index_cast %mul3A_346 : i32 to index
      %get3A_878 = tpu.vector_load %arg16[%get3A_876, %get3A_877] {strides = array<i32>} : memref<64x512xf32, #tpu.memory_space<vmem>>, vector<16xf32>,
      %mul3A_879 = arith.mulf %get3A_874, %get3A_878 : vector<16xf32>
      %add3A_880 = arith.addf %add3A_870, %mul3A_879 : vector<16xf32>
      %get3A_881 = arith.constant 53 : i32
      %get3A_882 = arith.index_cast %get3A_881 : i32 to index
      %get3A_883 = arith.index_cast %mul3A_346 : i32 to index
      %get3A_884 = tpu.vector_load %arg15[%get3A_882, %get3A_883] {strides = array<i32>} : memref<64x512xf32, #tpu.memory_space<vmem>>, vector<16xf32>,
      %get3A_885 = arith.constant 53 : i32
      %get3A_886 = arith.index_cast %get3A_885 : i32 to index
      %get3A_887 = arith.index_cast %mul3A_346 : i32 to index
      %get3A_888 = tpu.vector_load %arg16[%get3A_886, %get3A_887] {strides = array<i32>} : memref<64x512xf32, #tpu.memory_space<vmem>>, vector<16xf32>,
      %mul3A_889 = arith.mulf %get3A_884, %get3A_888 : vector<16xf32>
      %add3A_890 = arith.addf %add3A_880, %mul3A_889 : vector<16xf32>
      %get3A_891 = arith.constant 54 : i32
      %get3A_892 = arith.index_cast %get3A_891 : i32 to index
      %get3A_893 = arith.index_cast %mul3A_346 : i32 to index
      %get3A_894 = tpu.vector_load %arg15[%get3A_892, %get3A_893] {strides = array<i32>} : memref<64x512xf32, #tpu.memory_space<vmem>>, vector<16xf32>,
      %get3A_895 = arith.constant 54 : i32
      %get3A_896 = arith.index_cast %get3A_895 : i32 to index
      %get3A_897 = arith.index_cast %mul3A_346 : i32 to index
      %get3A_898 = tpu.vector_load %arg16[%get3A_896, %get3A_897] {strides = array<i32>} : memref<64x512xf32, #tpu.memory_space<vmem>>, vector<16xf32>,
      %mul3A_899 = arith.mulf %get3A_894, %get3A_898 : vector<16xf32>
      %add3A_900 = arith.addf %add3A_890, %mul3A_899 : vector<16xf32>
      %get3A_901 = arith.constant 55 : i32
      %get3A_902 = arith.index_cast %get3A_901 : i32 to index
      %get3A_903 = arith.index_cast %mul3A_346 : i32 to index
      %get3A_904 = tpu.vector_load %arg15[%get3A_902, %get3A_903] {strides = array<i32>} : memref<64x512xf32, #tpu.memory_space<vmem>>, vector<16xf32>,
      %get3A_905 = arith.constant 55 : i32
      %get3A_906 = arith.index_cast %get3A_905 : i32 to index
      %get3A_907 = arith.index_cast %mul3A_346 : i32 to index
      %get3A_908 = tpu.vector_load %arg16[%get3A_906, %get3A_907] {strides = array<i32>} : memref<64x512xf32, #tpu.memory_space<vmem>>, vector<16xf32>,
      %mul3A_909 = arith.mulf %get3A_904, %get3A_908 : vector<16xf32>
      %add3A_910 = arith.addf %add3A_900, %mul3A_909 : vector<16xf32>
      %get3A_911 = arith.constant 56 : i32
      %get3A_912 = arith.index_cast %get3A_911 : i32 to index
      %get3A_913 = arith.index_cast %mul3A_346 : i32 to index
      %get3A_914 = tpu.vector_load %arg15[%get3A_912, %get3A_913] {strides = array<i32>} : memref<64x512xf32, #tpu.memory_space<vmem>>, vector<16xf32>,
      %get3A_915 = arith.constant 56 : i32
      %get3A_916 = arith.index_cast %get3A_915 : i32 to index
      %get3A_917 = arith.index_cast %mul3A_346 : i32 to index
      %get3A_918 = tpu.vector_load %arg16[%get3A_916, %get3A_917] {strides = array<i32>} : memref<64x512xf32, #tpu.memory_space<vmem>>, vector<16xf32>,
      %mul3A_919 = arith.mulf %get3A_914, %get3A_918 : vector<16xf32>
      %add3A_920 = arith.addf %add3A_910, %mul3A_919 : vector<16xf32>
      %get3A_921 = arith.constant 57 : i32
      %get3A_922 = arith.index_cast %get3A_921 : i32 to index
      %get3A_923 = arith.index_cast %mul3A_346 : i32 to index
      %get3A_924 = tpu.vector_load %arg15[%get3A_922, %get3A_923] {strides = array<i32>} : memref<64x512xf32, #tpu.memory_space<vmem>>, vector<16xf32>,
      %get3A_925 = arith.constant 57 : i32
      %get3A_926 = arith.index_cast %get3A_925 : i32 to index
      %get3A_927 = arith.index_cast %mul3A_346 : i32 to index
      %get3A_928 = tpu.vector_load %arg16[%get3A_926, %get3A_927] {strides = array<i32>} : memref<64x512xf32, #tpu.memory_space<vmem>>, vector<16xf32>,
      %mul3A_929 = arith.mulf %get3A_924, %get3A_928 : vector<16xf32>
      %add3A_930 = arith.addf %add3A_920, %mul3A_929 : vector<16xf32>
      %get3A_931 = arith.constant 58 : i32
      %get3A_932 = arith.index_cast %get3A_931 : i32 to index
      %get3A_933 = arith.index_cast %mul3A_346 : i32 to index
      %get3A_934 = tpu.vector_load %arg15[%get3A_932, %get3A_933] {strides = array<i32>} : memref<64x512xf32, #tpu.memory_space<vmem>>, vector<16xf32>,
      %get3A_935 = arith.constant 58 : i32
      %get3A_936 = arith.index_cast %get3A_935 : i32 to index
      %get3A_937 = arith.index_cast %mul3A_346 : i32 to index
      %get3A_938 = tpu.vector_load %arg16[%get3A_936, %get3A_937] {strides = array<i32>} : memref<64x512xf32, #tpu.memory_space<vmem>>, vector<16xf32>,
      %mul3A_939 = arith.mulf %get3A_934, %get3A_938 : vector<16xf32>
      %add3A_940 = arith.addf %add3A_930, %mul3A_939 : vector<16xf32>
      %get3A_941 = arith.constant 59 : i32
      %get3A_942 = arith.index_cast %get3A_941 : i32 to index
      %get3A_943 = arith.index_cast %mul3A_346 : i32 to index
      %get3A_944 = tpu.vector_load %arg15[%get3A_942, %get3A_943] {strides = array<i32>} : memref<64x512xf32, #tpu.memory_space<vmem>>, vector<16xf32>,
      %get3A_945 = arith.constant 59 : i32
      %get3A_946 = arith.index_cast %get3A_945 : i32 to index
      %get3A_947 = arith.index_cast %mul3A_346 : i32 to index
      %get3A_948 = tpu.vector_load %arg16[%get3A_946, %get3A_947] {strides = array<i32>} : memref<64x512xf32, #tpu.memory_space<vmem>>, vector<16xf32>,
      %mul3A_949 = arith.mulf %get3A_944, %get3A_948 : vector<16xf32>
      %add3A_950 = arith.addf %add3A_940, %mul3A_949 : vector<16xf32>
      %get3A_951 = arith.constant 60 : i32
      %get3A_952 = arith.index_cast %get3A_951 : i32 to index
      %get3A_953 = arith.index_cast %mul3A_346 : i32 to index
      %get3A_954 = tpu.vector_load %arg15[%get3A_952, %get3A_953] {strides = array<i32>} : memref<64x512xf32, #tpu.memory_space<vmem>>, vector<16xf32>,
      %get3A_955 = arith.constant 60 : i32
      %get3A_956 = arith.index_cast %get3A_955 : i32 to index
      %get3A_957 = arith.index_cast %mul3A_346 : i32 to index
      %get3A_958 = tpu.vector_load %arg16[%get3A_956, %get3A_957] {strides = array<i32>} : memref<64x512xf32, #tpu.memory_space<vmem>>, vector<16xf32>,
      %mul3A_959 = arith.mulf %get3A_954, %get3A_958 : vector<16xf32>
      %add3A_960 = arith.addf %add3A_950, %mul3A_959 : vector<16xf32>
      %get3A_961 = arith.constant 61 : i32
      %get3A_962 = arith.index_cast %get3A_961 : i32 to index
      %get3A_963 = arith.index_cast %mul3A_346 : i32 to index
      %get3A_964 = tpu.vector_load %arg15[%get3A_962, %get3A_963] {strides = array<i32>} : memref<64x512xf32, #tpu.memory_space<vmem>>, vector<16xf32>,
      %get3A_965 = arith.constant 61 : i32
      %get3A_966 = arith.index_cast %get3A_965 : i32 to index
      %get3A_967 = arith.index_cast %mul3A_346 : i32 to index
      %get3A_968 = tpu.vector_load %arg16[%get3A_966, %get3A_967] {strides = array<i32>} : memref<64x512xf32, #tpu.memory_space<vmem>>, vector<16xf32>,
      %mul3A_969 = arith.mulf %get3A_964, %get3A_968 : vector<16xf32>
      %add3A_970 = arith.addf %add3A_960, %mul3A_969 : vector<16xf32>
      %get3A_971 = arith.constant 62 : i32
      %get3A_972 = arith.index_cast %get3A_971 : i32 to index
      %get3A_973 = arith.index_cast %mul3A_346 : i32 to index
      %get3A_974 = tpu.vector_load %arg15[%get3A_972, %get3A_973] {strides = array<i32>} : memref<64x512xf32, #tpu.memory_space<vmem>>, vector<16xf32>,
      %get3A_975 = arith.constant 62 : i32
      %get3A_976 = arith.index_cast %get3A_975 : i32 to index
      %get3A_977 = arith.index_cast %mul3A_346 : i32 to index
      %get3A_978 = tpu.vector_load %arg16[%get3A_976, %get3A_977] {strides = array<i32>} : memref<64x512xf32, #tpu.memory_space<vmem>>, vector<16xf32>,
      %mul3A_979 = arith.mulf %get3A_974, %get3A_978 : vector<16xf32>
      %add3A_980 = arith.addf %add3A_970, %mul3A_979 : vector<16xf32>
      %get3A_981 = arith.constant 63 : i32
      %get3A_982 = arith.index_cast %get3A_981 : i32 to index
      %get3A_983 = arith.index_cast %mul3A_346 : i32 to index
      %get3A_984 = tpu.vector_load %arg15[%get3A_982, %get3A_983] {strides = array<i32>} : memref<64x512xf32, #tpu.memory_space<vmem>>, vector<16xf32>,
      %get3A_985 = arith.constant 63 : i32
      %get3A_986 = arith.index_cast %get3A_985 : i32 to index
      %get3A_987 = arith.index_cast %mul3A_346 : i32 to index
      %get3A_988 = tpu.vector_load %arg16[%get3A_986, %get3A_987] {strides = array<i32>} : memref<64x512xf32, #tpu.memory_space<vmem>>, vector<16xf32>,
      %mul3A_989 = arith.mulf %get3A_984, %get3A_988 : vector<16xf32>
      %add3A_990 = arith.addf %add3A_980, %mul3A_989 : vector<16xf32>
      %swap3A = arith.index_cast %mul3A_346 : i32 to index
      %swap3A_991 = tpu.vector_load %arg17[%swap3A] {strides = array<i32>} : memref<512xf32, #tpu.memory_space<vmem>>, vector<16xf32>,
      tpu.vector_store %arg17[%swap3A], %add3A_990 {strides = array<i32>} : memref<512xf32, #tpu.memory_space<vmem>>, vector<16xf32>,
      %scan3A_992 = arith.constant 0 : i32
      scf.yield %scan3A_992 : i32
    }
    %scan3A_340 = arith.constant 32 : i32
    %mul3A_341 = arith.constant 512 : i32
    %mul3A_342 = arith.muli %add3A, %mul3A_341 : i32
    "tpu.region"() ({
      %run_scoped3A = tpu.sem_alloc : memref<!tpu.dma_semaphore, #tpu.memory_space<semaphore_mem>>
      %dma_start3A_343 = tpu.memref_slice %arg8[%mul3A_342] : memref<16384xf32, #tpu.memory_space<hbm>> -> memref<512xf32, #tpu.memory_space<hbm>>
      %dma_start3A_344 = tpu.memref_slice %arg8[%mul3A_342] : memref<16384xf32, #tpu.memory_space<hbm>> -> memref<512xf32, #tpu.memory_space<hbm>>
      tpu.enqueue_dma source(%arg17 : memref<512xf32, #tpu.memory_space<vmem>>) target(%dma_start3A_344 : memref<512xf32, #tpu.memory_space<hbm>>) target_semaphore(%run_scoped3A : memref<!tpu.dma_semaphore, #tpu.memory_space<semaphore_mem>>)
      %dma_wait3A_345 = tpu.memref_slice %arg8[%mul3A_342] : memref<16384xf32, #tpu.memory_space<hbm>> -> memref<512xf32, #tpu.memory_space<hbm>>
      %dma_wait3A_346 = tpu.memref_slice %arg8[%mul3A_342] : memref<16384xf32, #tpu.memory_space<hbm>> -> memref<512xf32, #tpu.memory_space<hbm>>
      tpu.wait_dma2 semaphore(%run_scoped3A : memref<!tpu.dma_semaphore, #tpu.memory_space<semaphore_mem>>) src(%arg17 : memref<512xf32, #tpu.memory_space<vmem>>) dst(%dma_wait3A_346 : memref<512xf32, #tpu.memory_space<hbm>>)
      tpu.yield
    }) : () -> ()
    return
  }
}

#map = affine_map<(d0, d1) -> (0, 0)>
#map1 = affine_map<(d0, d1) -> (0, 0, 0)>
#map2 = affine_map<(d0, d1) -> (0)>
module attributes {stable_mosaic.version = 14 : i64} {
  func.func @_fields_body(%arg0: i32, %arg1: i32, %arg2: memref<128x128xi32, #tpu.memory_space<hbm>>, %arg3: memref<26x128x128xi32, #tpu.memory_space<hbm>>, %arg4: memref<41639936xf32, #tpu.memory_space<hbm>>, %arg5: memref<851968xf32, #tpu.memory_space<hbm>>, %arg6: memref<16384xf32, #tpu.memory_space<hbm>>, %arg7: memref<4x128xi32, #tpu.memory_space<vmem>>, %arg8: memref<512xi32, #tpu.memory_space<vmem>>, %arg9: memref<4x128xi32, #tpu.memory_space<vmem>>, %arg10: memref<32768xf32, #tpu.memory_space<vmem>>, %arg11: memref<2x32x512xf32, #tpu.memory_space<vmem>>, %arg12: memref<512xf32, #tpu.memory_space<vmem>>, %arg13: memref<!tpu.dma_semaphore, #tpu.memory_space<semaphore_mem>>, %arg14: memref<!tpu.dma_semaphore, #tpu.memory_space<semaphore_mem>>) attributes {dimension_semantics = [#tpu.dimension_semantics<core_parallel>, #tpu.dimension_semantics<subcore_parallel>], iteration_bounds = array<i64: 2, 16>, scalar_prefetch = 0 : i64, scratch_operands = 8 : i64, tpu.core_type = #tpu.core_type<sc_vector_subcore>, window_params = [{transform_indices = #map}, {transform_indices = #map1}, {transform_indices = #map2}, {transform_indices = #map2}, {transform_indices = #map2}]} {
    %mul3A = arith.constant 2 : i32
    %mul3A_0 = arith.muli %arg1, %mul3A : i32
    %add3A = arith.addi %mul3A_0, %arg0 : i32
    %mul3A_1 = arith.constant 4 : i32
    %mul3A_2 = arith.muli %add3A, %mul3A_1 : i32
    "tpu.region"() ({
      %run_scoped3A = tpu.sem_alloc : memref<!tpu.dma_semaphore, #tpu.memory_space<semaphore_mem>>
      %dma_start3A = arith.constant 0 : i32
      %dma_start3A_32 = tpu.memref_slice %arg2[%mul3A_2, %dma_start3A] : memref<128x128xi32, #tpu.memory_space<hbm>> -> memref<4x128xi32, #tpu.memory_space<hbm>>
      %dma_start3A_33 = arith.constant 0 : i32
      %dma_start3A_34 = tpu.memref_slice %arg2[%mul3A_2, %dma_start3A_33] : memref<128x128xi32, #tpu.memory_space<hbm>> -> memref<4x128xi32, #tpu.memory_space<hbm>>
      tpu.enqueue_dma source(%dma_start3A_34 : memref<4x128xi32, #tpu.memory_space<hbm>>) target(%arg7 : memref<4x128xi32, #tpu.memory_space<vmem>>) target_semaphore(%run_scoped3A : memref<!tpu.dma_semaphore, #tpu.memory_space<semaphore_mem>>)
      %dma_wait3A = arith.constant 0 : i32
      %dma_wait3A_35 = tpu.memref_slice %arg2[%mul3A_2, %dma_wait3A] : memref<128x128xi32, #tpu.memory_space<hbm>> -> memref<4x128xi32, #tpu.memory_space<hbm>>
      %dma_wait3A_36 = arith.constant 0 : i32
      %dma_wait3A_37 = tpu.memref_slice %arg2[%mul3A_2, %dma_wait3A_36] : memref<128x128xi32, #tpu.memory_space<hbm>> -> memref<4x128xi32, #tpu.memory_space<hbm>>
      tpu.wait_dma2 semaphore(%run_scoped3A : memref<!tpu.dma_semaphore, #tpu.memory_space<semaphore_mem>>) src(%dma_wait3A_37 : memref<4x128xi32, #tpu.memory_space<hbm>>) dst(%arg7 : memref<4x128xi32, #tpu.memory_space<vmem>>)
      tpu.yield
    }) : () -> ()
    %scan3A = arith.constant 0 : i32
    %scan3A_3 = arith.constant 0 : i32
    %scan3A_4 = arith.constant 32 : i32
    %scan3A_5 = arith.addi %scan3A_3, %scan3A_4 : i32
    %scan3A_6 = arith.constant 1 : i32
    %scan3A_7 = scf.for %scan3A_32 = %scan3A_3 to %scan3A_5 step %scan3A_6 iter_args(%scan3A_33 = %scan3A) -> (i32)  : i32 {
      %jit3A = arith.constant 8 : i32
      %div3A = arith.divsi %scan3A_32, %jit3A : i32
      %sign3A = arith.constant 0 : i32
      %sign3A_34 = arith.cmpi sgt, %scan3A_32, %sign3A : i32
      %sign3A_35 = arith.extui %sign3A_34 : i1 to i32
      %sign3A_36 = arith.constant 0 : i32
      %sign3A_37 = arith.cmpi slt, %scan3A_32, %sign3A_36 : i32
      %sign3A_38 = arith.extui %sign3A_37 : i1 to i32
      %sign3A_39 = arith.subi %sign3A_35, %sign3A_38 : i32
      %sign3A_40 = arith.constant 0 : i32
      %sign3A_41 = arith.cmpi sgt, %jit3A, %sign3A_40 : i32
      %sign3A_42 = arith.extui %sign3A_41 : i1 to i32
      %sign3A_43 = arith.constant 0 : i32
      %sign3A_44 = arith.cmpi slt, %jit3A, %sign3A_43 : i32
      %sign3A_45 = arith.extui %sign3A_44 : i1 to i32
      %sign3A_46 = arith.subi %sign3A_42, %sign3A_45 : i32
      %ne3A = arith.cmpi ne, %sign3A_39, %sign3A_46 : i32
      %rem3A = arith.remsi %scan3A_32, %jit3A : i32
      %ne3A_47 = arith.constant 0 : i32
      %ne3A_48 = arith.cmpi ne, %rem3A, %ne3A_47 : i32
      %and3A = arith.andi %ne3A, %ne3A_48 : i1
      %sub3A = arith.constant 1 : i32
      %sub3A_49 = arith.subi %div3A, %sub3A : i32
      %select_n3A = arith.select %and3A, %sub3A_49, %div3A : i32
      %jit3A_50 = arith.constant 8 : i32
      %eq3A = arith.constant 0 : i32
      %eq3A_51 = arith.cmpi eq, %jit3A_50, %eq3A : i32
      %jit3A_52 = arith.constant 1 : i32
      %select_n3A_53 = arith.select %eq3A_51, %jit3A_52, %jit3A_50 : i32
      %rem3A_54 = arith.remsi %scan3A_32, %select_n3A_53 : i32
      %ne3A_55 = arith.constant 0 : i32
      %ne3A_56 = arith.cmpi ne, %rem3A_54, %ne3A_55 : i32
      %lt3A = arith.constant 0 : i32
      %lt3A_57 = arith.cmpi slt, %rem3A_54, %lt3A : i32
      %lt3A_58 = arith.constant 0 : i32
      %lt3A_59 = arith.cmpi slt, %select_n3A_53, %lt3A_58 : i32
      %ne3A_60 = arith.xori %lt3A_57, %lt3A_59 : i1
      %and3A_61 = arith.andi %ne3A_60, %ne3A_56 : i1
      %add3A_62 = arith.addi %rem3A_54, %select_n3A_53 : i32
      %select_n3A_63 = arith.select %and3A_61, %add3A_62, %rem3A_54 : i32
      %mul3A_64 = arith.constant 16 : i32
      %mul3A_65 = arith.muli %select_n3A_63, %mul3A_64 : i32
      %get3A = arith.index_cast %select_n3A : i32 to index
      %get3A_66 = arith.index_cast %mul3A_65 : i32 to index
      %get3A_67 = tpu.vector_load %arg7[%get3A, %get3A_66] {strides = array<i32>} : memref<4x128xi32, #tpu.memory_space<vmem>>, vector<16xi32>,
      %shift_right_arithmetic3A = arith.constant 7 : i32
      %shift_right_arithmetic3A_68 = vector.broadcast %shift_right_arithmetic3A : i32 to vector<16xi32>
      %shift_right_arithmetic3A_69 = arith.shrsi %get3A_67, %shift_right_arithmetic3A_68 : vector<16xi32>
      %shift_left3A = arith.constant 10 : i32
      %shift_left3A_70 = vector.broadcast %shift_left3A : i32 to vector<16xi32>
      %shift_left3A_71 = arith.shli %shift_right_arithmetic3A_69, %shift_left3A_70 : vector<16xi32>
      %and3A_72 = arith.constant 127 : i32
      %and3A_73 = vector.broadcast %and3A_72 : i32 to vector<16xi32>
      %and3A_74 = arith.andi %get3A_67, %and3A_73 : vector<16xi32>
      %add3A_75 = arith.addi %shift_left3A_71, %and3A_74 : vector<16xi32>
      %mul3A_76 = arith.constant 16 : i32
      %mul3A_77 = arith.muli %scan3A_32, %mul3A_76 : i32
      %swap3A = arith.index_cast %mul3A_77 : i32 to index
      %swap3A_78 = tpu.vector_load %arg8[%swap3A] {strides = array<i32>} : memref<512xi32, #tpu.memory_space<vmem>>, vector<16xi32>,
      tpu.vector_store %arg8[%swap3A], %add3A_75 {strides = array<i32>} : memref<512xi32, #tpu.memory_space<vmem>>, vector<16xi32>,
      %scan3A_79 = arith.constant 0 : i32
      scf.yield %scan3A_79 : i32
    }
    %scan3A_8 = arith.constant 32 : i32
    %scan3A_9 = arith.constant 0 : i32
    %scan3A_10 = arith.constant 0 : i32
    %scan3A_11 = arith.constant 32 : i32
    %scan3A_12 = arith.addi %scan3A_10, %scan3A_11 : i32
    %scan3A_13 = arith.constant 1 : i32
    %scan3A_14 = scf.for %scan3A_32 = %scan3A_10 to %scan3A_12 step %scan3A_13 iter_args(%scan3A_33 = %scan3A_9) -> (i32)  : i32 {
      %broadcast_in_dim3A = arith.constant 0.000000e+00 : f32
      %broadcast_in_dim3A_34 = vector.broadcast %broadcast_in_dim3A : f32 to vector<16xf32>
      %mul3A_35 = arith.constant 16 : i32
      %mul3A_36 = arith.muli %scan3A_32, %mul3A_35 : i32
      %swap3A = arith.index_cast %mul3A_36 : i32 to index
      %swap3A_37 = tpu.vector_load %arg12[%swap3A] {strides = array<i32>} : memref<512xf32, #tpu.memory_space<vmem>>, vector<16xf32>,
      tpu.vector_store %arg12[%swap3A], %broadcast_in_dim3A_34 {strides = array<i32>} : memref<512xf32, #tpu.memory_space<vmem>>, vector<16xf32>,
      %scan3A_38 = arith.constant 0 : i32
      scf.yield %scan3A_38 : i32
    }
    %scan3A_15 = arith.constant 32 : i32
    %scan3A_16 = arith.constant 0 : i32
    %scan3A_17 = arith.constant 0 : i32
    %scan3A_18 = arith.constant 32 : i32
    %scan3A_19 = arith.addi %scan3A_17, %scan3A_18 : i32
    %scan3A_20 = arith.constant 1 : i32
    %scan3A_21 = scf.for %scan3A_32 = %scan3A_17 to %scan3A_19 step %scan3A_20 iter_args(%scan3A_33 = %scan3A_16) -> (i32)  : i32 {
      %shift_right_arithmetic3A = arith.constant 3 : i32
      %shift_right_arithmetic3A_34 = arith.shrsi %scan3A_32, %shift_right_arithmetic3A : i32
      %add3A_35 = arith.constant 0 : i32
      %add3A_36 = arith.addi %add3A_35, %shift_right_arithmetic3A_34 : i32
      %mul3A_37 = arith.constant 800768 : i32
      %mul3A_38 = arith.muli %add3A_36, %mul3A_37 : i32
      %and3A = arith.constant 7 : i32
      %and3A_39 = arith.andi %scan3A_32, %and3A : i32
      %mul3A_40 = arith.constant 128 : i32
      %mul3A_41 = arith.muli %and3A_39, %mul3A_40 : i32
      %add3A_42 = arith.addi %mul3A_38, %mul3A_41 : i32
      %dma_start3A = arith.constant 0 : i32
      %dma_start3A_43 = arith.constant 0 : i32
      %dma_start3A_44 = tpu.memref_slice %arg11[%dma_start3A, %scan3A_32, %dma_start3A_43] : memref<2x32x512xf32, #tpu.memory_space<vmem>> -> memref<1x1x512xf32, #tpu.memory_space<vmem>>
      %dma_start3A_45 = tpu.memref_squeeze %dma_start3A_44 : memref<1x1x512xf32, #tpu.memory_space<vmem>> -> memref<512xf32, #tpu.memory_space<vmem>>
      %dma_start3A_46 = tpu.memref_slice %arg4[%add3A_42] : memref<41639936xf32, #tpu.memory_space<hbm>> -> memref<799872xf32, #tpu.memory_space<hbm>>
      %dma_start3A_47 = arith.constant 0 : i32
      %dma_start3A_48 = tpu.memref_slice %dma_start3A_46[%dma_start3A_47] : memref<799872xf32, #tpu.memory_space<hbm>> -> memref<799872xf32, #tpu.memory_space<hbm>>
      tpu.enqueue_indirect_dma source(%dma_start3A_48 : memref<799872xf32, #tpu.memory_space<hbm>>) target(%dma_start3A_45 : memref<512xf32, #tpu.memory_space<vmem>>) offsets(%arg8 : memref<512xi32, #tpu.memory_space<vmem>>) semaphore(%arg13 : memref<!tpu.dma_semaphore, #tpu.memory_space<semaphore_mem>>)
      %scan3A_49 = arith.constant 0 : i32
      scf.yield %scan3A_49 : i32
    }
    %scan3A_22 = arith.constant 32 : i32
    %scan3A_23 = arith.constant 0 : i32
    %scan3A_24 = arith.constant 0 : i32
    %scan3A_25 = arith.constant 13 : i32
    %scan3A_26 = arith.addi %scan3A_24, %scan3A_25 : i32
    %scan3A_27 = arith.constant 1 : i32
    %scan3A_28 = scf.for %scan3A_32 = %scan3A_24 to %scan3A_26 step %scan3A_27 iter_args(%scan3A_33 = %scan3A_23) -> (i32)  : i32 {
      %rem3A = arith.constant 2 : i32
      %rem3A_34 = arith.remsi %scan3A_32, %rem3A : i32
      %add3A_35 = arith.constant 13 : i32
      %add3A_36 = arith.addi %scan3A_32, %add3A_35 : i32
      %mul3A_37 = arith.constant 32768 : i32
      %mul3A_38 = arith.muli %add3A_36, %mul3A_37 : i32
      %dma_start3A = tpu.memref_slice %arg5[%mul3A_38] : memref<851968xf32, #tpu.memory_space<hbm>> -> memref<32768xf32, #tpu.memory_space<hbm>>
      %dma_start3A_39 = tpu.memref_slice %arg5[%mul3A_38] : memref<851968xf32, #tpu.memory_space<hbm>> -> memref<32768xf32, #tpu.memory_space<hbm>>
      tpu.enqueue_dma source(%dma_start3A_39 : memref<32768xf32, #tpu.memory_space<hbm>>) target(%arg10 : memref<32768xf32, #tpu.memory_space<vmem>>) target_semaphore(%arg14 : memref<!tpu.dma_semaphore, #tpu.memory_space<semaphore_mem>>)
      %dma_start3A_40 = arith.constant 0 : i32
      %dma_start3A_41 = tpu.memref_slice %arg3[%add3A_36, %mul3A_2, %dma_start3A_40] : memref<26x128x128xi32, #tpu.memory_space<hbm>> -> memref<1x4x128xi32, #tpu.memory_space<hbm>>
      %dma_start3A_42 = tpu.memref_squeeze %dma_start3A_41 : memref<1x4x128xi32, #tpu.memory_space<hbm>> -> memref<4x128xi32, #tpu.memory_space<hbm>>
      %dma_start3A_43 = arith.constant 0 : i32
      %dma_start3A_44 = tpu.memref_slice %arg3[%add3A_36, %mul3A_2, %dma_start3A_43] : memref<26x128x128xi32, #tpu.memory_space<hbm>> -> memref<1x4x128xi32, #tpu.memory_space<hbm>>
      %dma_start3A_45 = tpu.memref_squeeze %dma_start3A_44 : memref<1x4x128xi32, #tpu.memory_space<hbm>> -> memref<4x128xi32, #tpu.memory_space<hbm>>
      tpu.enqueue_dma source(%dma_start3A_45 : memref<4x128xi32, #tpu.memory_space<hbm>>) target(%arg9 : memref<4x128xi32, #tpu.memory_space<vmem>>) target_semaphore(%arg14 : memref<!tpu.dma_semaphore, #tpu.memory_space<semaphore_mem>>)
      %lt3A = arith.constant 12 : i32
      %lt3A_46 = arith.cmpi slt, %scan3A_32, %lt3A : i32
      %convert_element_type3A = arith.extui %lt3A_46 : i1 to i32
      %cond3A = arith.constant 0 : i32
      %cond3A_47 = arith.cmpi ne, %convert_element_type3A, %cond3A : i32
      scf.if %cond3A_47 {
        %add3A_447 = arith.constant 1 : i32
        %add3A_448 = arith.addi %scan3A_32, %add3A_447 : i32
        %sub3A = arith.constant 1 : i32
        %sub3A_449 = arith.subi %sub3A, %rem3A_34 : i32
        %scan3A_450 = arith.constant 0 : i32
        %scan3A_451 = arith.constant 0 : i32
        %scan3A_452 = arith.constant 32 : i32
        %scan3A_453 = arith.addi %scan3A_451, %scan3A_452 : i32
        %scan3A_454 = arith.constant 1 : i32
        %scan3A_455 = scf.for %scan3A_457 = %scan3A_451 to %scan3A_453 step %scan3A_454 iter_args(%scan3A_458 = %scan3A_450) -> (i32)  : i32 {
          %mul3A_459 = arith.constant 4 : i32
          %mul3A_460 = arith.muli %add3A_448, %mul3A_459 : i32
          %shift_right_arithmetic3A = arith.constant 3 : i32
          %shift_right_arithmetic3A_461 = arith.shrsi %scan3A_457, %shift_right_arithmetic3A : i32
          %add3A_462 = arith.addi %mul3A_460, %shift_right_arithmetic3A_461 : i32
          %mul3A_463 = arith.constant 800768 : i32
          %mul3A_464 = arith.muli %add3A_462, %mul3A_463 : i32
          %and3A = arith.constant 7 : i32
          %and3A_465 = arith.andi %scan3A_457, %and3A : i32
          %mul3A_466 = arith.constant 128 : i32
          %mul3A_467 = arith.muli %and3A_465, %mul3A_466 : i32
          %add3A_468 = arith.addi %mul3A_464, %mul3A_467 : i32
          %dma_start3A_469 = arith.constant 0 : i32
          %dma_start3A_470 = tpu.memref_slice %arg11[%sub3A_449, %scan3A_457, %dma_start3A_469] : memref<2x32x512xf32, #tpu.memory_space<vmem>> -> memref<1x1x512xf32, #tpu.memory_space<vmem>>
          %dma_start3A_471 = tpu.memref_squeeze %dma_start3A_470 : memref<1x1x512xf32, #tpu.memory_space<vmem>> -> memref<512xf32, #tpu.memory_space<vmem>>
          %dma_start3A_472 = tpu.memref_slice %arg4[%add3A_468] : memref<41639936xf32, #tpu.memory_space<hbm>> -> memref<799872xf32, #tpu.memory_space<hbm>>
          %dma_start3A_473 = arith.constant 0 : i32
          %dma_start3A_474 = tpu.memref_slice %dma_start3A_472[%dma_start3A_473] : memref<799872xf32, #tpu.memory_space<hbm>> -> memref<799872xf32, #tpu.memory_space<hbm>>
          tpu.enqueue_indirect_dma source(%dma_start3A_474 : memref<799872xf32, #tpu.memory_space<hbm>>) target(%dma_start3A_471 : memref<512xf32, #tpu.memory_space<vmem>>) offsets(%arg8 : memref<512xi32, #tpu.memory_space<vmem>>) semaphore(%arg13 : memref<!tpu.dma_semaphore, #tpu.memory_space<semaphore_mem>>)
          %scan3A_475 = arith.constant 0 : i32
          scf.yield %scan3A_475 : i32
        }
        %scan3A_456 = arith.constant 32 : i32
      } else {
      }
      %dma_wait3A = arith.constant 0 : i32
      %dma_wait3A_48 = arith.constant 0 : i32
      %dma_wait3A_49 = arith.constant 0 : i32
      %dma_wait3A_50 = tpu.memref_slice %arg11[%dma_wait3A, %dma_wait3A_48, %dma_wait3A_49] : memref<2x32x512xf32, #tpu.memory_space<vmem>> -> memref<1x1x512xf32, #tpu.memory_space<vmem>>
      %dma_wait3A_51 = tpu.memref_squeeze %dma_wait3A_50 : memref<1x1x512xf32, #tpu.memory_space<vmem>> -> memref<512xf32, #tpu.memory_space<vmem>>
      %dma_wait3A_52 = arith.constant 0 : i32
      %dma_wait3A_53 = tpu.memref_slice %arg5[%dma_wait3A_52] : memref<851968xf32, #tpu.memory_space<hbm>> -> memref<512xf32, #tpu.memory_space<hbm>>
      %dma_wait3A_54 = arith.constant 0 : i32
      %dma_wait3A_55 = tpu.memref_slice %arg11[%dma_wait3A, %dma_wait3A_48, %dma_wait3A_54] : memref<2x32x512xf32, #tpu.memory_space<vmem>> -> memref<1x1x512xf32, #tpu.memory_space<vmem>>
      %dma_wait3A_56 = tpu.memref_squeeze %dma_wait3A_55 : memref<1x1x512xf32, #tpu.memory_space<vmem>> -> memref<512xf32, #tpu.memory_space<vmem>>
      %dma_wait3A_57 = arith.constant 0 : i32
      %dma_wait3A_58 = tpu.memref_slice %arg5[%dma_wait3A_57] : memref<851968xf32, #tpu.memory_space<hbm>> -> memref<512xf32, #tpu.memory_space<hbm>>
      tpu.wait_dma2 semaphore(%arg13 : memref<!tpu.dma_semaphore, #tpu.memory_space<semaphore_mem>>) src(%dma_wait3A_58 : memref<512xf32, #tpu.memory_space<hbm>>) dst(%dma_wait3A_56 : memref<512xf32, #tpu.memory_space<vmem>>)
      %dma_wait3A_59 = arith.constant 0 : i32
      %dma_wait3A_60 = arith.constant 0 : i32
      %dma_wait3A_61 = arith.constant 0 : i32
      %dma_wait3A_62 = tpu.memref_slice %arg11[%dma_wait3A_59, %dma_wait3A_60, %dma_wait3A_61] : memref<2x32x512xf32, #tpu.memory_space<vmem>> -> memref<1x1x512xf32, #tpu.memory_space<vmem>>
      %dma_wait3A_63 = tpu.memref_squeeze %dma_wait3A_62 : memref<1x1x512xf32, #tpu.memory_space<vmem>> -> memref<512xf32, #tpu.memory_space<vmem>>
      %dma_wait3A_64 = arith.constant 0 : i32
      %dma_wait3A_65 = tpu.memref_slice %arg5[%dma_wait3A_64] : memref<851968xf32, #tpu.memory_space<hbm>> -> memref<512xf32, #tpu.memory_space<hbm>>
      %dma_wait3A_66 = arith.constant 0 : i32
      %dma_wait3A_67 = tpu.memref_slice %arg11[%dma_wait3A_59, %dma_wait3A_60, %dma_wait3A_66] : memref<2x32x512xf32, #tpu.memory_space<vmem>> -> memref<1x1x512xf32, #tpu.memory_space<vmem>>
      %dma_wait3A_68 = tpu.memref_squeeze %dma_wait3A_67 : memref<1x1x512xf32, #tpu.memory_space<vmem>> -> memref<512xf32, #tpu.memory_space<vmem>>
      %dma_wait3A_69 = arith.constant 0 : i32
      %dma_wait3A_70 = tpu.memref_slice %arg5[%dma_wait3A_69] : memref<851968xf32, #tpu.memory_space<hbm>> -> memref<512xf32, #tpu.memory_space<hbm>>
      tpu.wait_dma2 semaphore(%arg13 : memref<!tpu.dma_semaphore, #tpu.memory_space<semaphore_mem>>) src(%dma_wait3A_70 : memref<512xf32, #tpu.memory_space<hbm>>) dst(%dma_wait3A_68 : memref<512xf32, #tpu.memory_space<vmem>>)
      %dma_wait3A_71 = arith.constant 0 : i32
      %dma_wait3A_72 = arith.constant 0 : i32
      %dma_wait3A_73 = arith.constant 0 : i32
      %dma_wait3A_74 = tpu.memref_slice %arg11[%dma_wait3A_71, %dma_wait3A_72, %dma_wait3A_73] : memref<2x32x512xf32, #tpu.memory_space<vmem>> -> memref<1x1x512xf32, #tpu.memory_space<vmem>>
      %dma_wait3A_75 = tpu.memref_squeeze %dma_wait3A_74 : memref<1x1x512xf32, #tpu.memory_space<vmem>> -> memref<512xf32, #tpu.memory_space<vmem>>
      %dma_wait3A_76 = arith.constant 0 : i32
      %dma_wait3A_77 = tpu.memref_slice %arg5[%dma_wait3A_76] : memref<851968xf32, #tpu.memory_space<hbm>> -> memref<512xf32, #tpu.memory_space<hbm>>
      %dma_wait3A_78 = arith.constant 0 : i32
      %dma_wait3A_79 = tpu.memref_slice %arg11[%dma_wait3A_71, %dma_wait3A_72, %dma_wait3A_78] : memref<2x32x512xf32, #tpu.memory_space<vmem>> -> memref<1x1x512xf32, #tpu.memory_space<vmem>>
      %dma_wait3A_80 = tpu.memref_squeeze %dma_wait3A_79 : memref<1x1x512xf32, #tpu.memory_space<vmem>> -> memref<512xf32, #tpu.memory_space<vmem>>
      %dma_wait3A_81 = arith.constant 0 : i32
      %dma_wait3A_82 = tpu.memref_slice %arg5[%dma_wait3A_81] : memref<851968xf32, #tpu.memory_space<hbm>> -> memref<512xf32, #tpu.memory_space<hbm>>
      tpu.wait_dma2 semaphore(%arg13 : memref<!tpu.dma_semaphore, #tpu.memory_space<semaphore_mem>>) src(%dma_wait3A_82 : memref<512xf32, #tpu.memory_space<hbm>>) dst(%dma_wait3A_80 : memref<512xf32, #tpu.memory_space<vmem>>)
      %dma_wait3A_83 = arith.constant 0 : i32
      %dma_wait3A_84 = arith.constant 0 : i32
      %dma_wait3A_85 = arith.constant 0 : i32
      %dma_wait3A_86 = tpu.memref_slice %arg11[%dma_wait3A_83, %dma_wait3A_84, %dma_wait3A_85] : memref<2x32x512xf32, #tpu.memory_space<vmem>> -> memref<1x1x512xf32, #tpu.memory_space<vmem>>
      %dma_wait3A_87 = tpu.memref_squeeze %dma_wait3A_86 : memref<1x1x512xf32, #tpu.memory_space<vmem>> -> memref<512xf32, #tpu.memory_space<vmem>>
      %dma_wait3A_88 = arith.constant 0 : i32
      %dma_wait3A_89 = tpu.memref_slice %arg5[%dma_wait3A_88] : memref<851968xf32, #tpu.memory_space<hbm>> -> memref<512xf32, #tpu.memory_space<hbm>>
      %dma_wait3A_90 = arith.constant 0 : i32
      %dma_wait3A_91 = tpu.memref_slice %arg11[%dma_wait3A_83, %dma_wait3A_84, %dma_wait3A_90] : memref<2x32x512xf32, #tpu.memory_space<vmem>> -> memref<1x1x512xf32, #tpu.memory_space<vmem>>
      %dma_wait3A_92 = tpu.memref_squeeze %dma_wait3A_91 : memref<1x1x512xf32, #tpu.memory_space<vmem>> -> memref<512xf32, #tpu.memory_space<vmem>>
      %dma_wait3A_93 = arith.constant 0 : i32
      %dma_wait3A_94 = tpu.memref_slice %arg5[%dma_wait3A_93] : memref<851968xf32, #tpu.memory_space<hbm>> -> memref<512xf32, #tpu.memory_space<hbm>>
      tpu.wait_dma2 semaphore(%arg13 : memref<!tpu.dma_semaphore, #tpu.memory_space<semaphore_mem>>) src(%dma_wait3A_94 : memref<512xf32, #tpu.memory_space<hbm>>) dst(%dma_wait3A_92 : memref<512xf32, #tpu.memory_space<vmem>>)
      %dma_wait3A_95 = arith.constant 0 : i32
      %dma_wait3A_96 = arith.constant 0 : i32
      %dma_wait3A_97 = arith.constant 0 : i32
      %dma_wait3A_98 = tpu.memref_slice %arg11[%dma_wait3A_95, %dma_wait3A_96, %dma_wait3A_97] : memref<2x32x512xf32, #tpu.memory_space<vmem>> -> memref<1x1x512xf32, #tpu.memory_space<vmem>>
      %dma_wait3A_99 = tpu.memref_squeeze %dma_wait3A_98 : memref<1x1x512xf32, #tpu.memory_space<vmem>> -> memref<512xf32, #tpu.memory_space<vmem>>
      %dma_wait3A_100 = arith.constant 0 : i32
      %dma_wait3A_101 = tpu.memref_slice %arg5[%dma_wait3A_100] : memref<851968xf32, #tpu.memory_space<hbm>> -> memref<512xf32, #tpu.memory_space<hbm>>
      %dma_wait3A_102 = arith.constant 0 : i32
      %dma_wait3A_103 = tpu.memref_slice %arg11[%dma_wait3A_95, %dma_wait3A_96, %dma_wait3A_102] : memref<2x32x512xf32, #tpu.memory_space<vmem>> -> memref<1x1x512xf32, #tpu.memory_space<vmem>>
      %dma_wait3A_104 = tpu.memref_squeeze %dma_wait3A_103 : memref<1x1x512xf32, #tpu.memory_space<vmem>> -> memref<512xf32, #tpu.memory_space<vmem>>
      %dma_wait3A_105 = arith.constant 0 : i32
      %dma_wait3A_106 = tpu.memref_slice %arg5[%dma_wait3A_105] : memref<851968xf32, #tpu.memory_space<hbm>> -> memref<512xf32, #tpu.memory_space<hbm>>
      tpu.wait_dma2 semaphore(%arg13 : memref<!tpu.dma_semaphore, #tpu.memory_space<semaphore_mem>>) src(%dma_wait3A_106 : memref<512xf32, #tpu.memory_space<hbm>>) dst(%dma_wait3A_104 : memref<512xf32, #tpu.memory_space<vmem>>)
      %dma_wait3A_107 = arith.constant 0 : i32
      %dma_wait3A_108 = arith.constant 0 : i32
      %dma_wait3A_109 = arith.constant 0 : i32
      %dma_wait3A_110 = tpu.memref_slice %arg11[%dma_wait3A_107, %dma_wait3A_108, %dma_wait3A_109] : memref<2x32x512xf32, #tpu.memory_space<vmem>> -> memref<1x1x512xf32, #tpu.memory_space<vmem>>
      %dma_wait3A_111 = tpu.memref_squeeze %dma_wait3A_110 : memref<1x1x512xf32, #tpu.memory_space<vmem>> -> memref<512xf32, #tpu.memory_space<vmem>>
      %dma_wait3A_112 = arith.constant 0 : i32
      %dma_wait3A_113 = tpu.memref_slice %arg5[%dma_wait3A_112] : memref<851968xf32, #tpu.memory_space<hbm>> -> memref<512xf32, #tpu.memory_space<hbm>>
      %dma_wait3A_114 = arith.constant 0 : i32
      %dma_wait3A_115 = tpu.memref_slice %arg11[%dma_wait3A_107, %dma_wait3A_108, %dma_wait3A_114] : memref<2x32x512xf32, #tpu.memory_space<vmem>> -> memref<1x1x512xf32, #tpu.memory_space<vmem>>
      %dma_wait3A_116 = tpu.memref_squeeze %dma_wait3A_115 : memref<1x1x512xf32, #tpu.memory_space<vmem>> -> memref<512xf32, #tpu.memory_space<vmem>>
      %dma_wait3A_117 = arith.constant 0 : i32
      %dma_wait3A_118 = tpu.memref_slice %arg5[%dma_wait3A_117] : memref<851968xf32, #tpu.memory_space<hbm>> -> memref<512xf32, #tpu.memory_space<hbm>>
      tpu.wait_dma2 semaphore(%arg13 : memref<!tpu.dma_semaphore, #tpu.memory_space<semaphore_mem>>) src(%dma_wait3A_118 : memref<512xf32, #tpu.memory_space<hbm>>) dst(%dma_wait3A_116 : memref<512xf32, #tpu.memory_space<vmem>>)
      %dma_wait3A_119 = arith.constant 0 : i32
      %dma_wait3A_120 = arith.constant 0 : i32
      %dma_wait3A_121 = arith.constant 0 : i32
      %dma_wait3A_122 = tpu.memref_slice %arg11[%dma_wait3A_119, %dma_wait3A_120, %dma_wait3A_121] : memref<2x32x512xf32, #tpu.memory_space<vmem>> -> memref<1x1x512xf32, #tpu.memory_space<vmem>>
      %dma_wait3A_123 = tpu.memref_squeeze %dma_wait3A_122 : memref<1x1x512xf32, #tpu.memory_space<vmem>> -> memref<512xf32, #tpu.memory_space<vmem>>
      %dma_wait3A_124 = arith.constant 0 : i32
      %dma_wait3A_125 = tpu.memref_slice %arg5[%dma_wait3A_124] : memref<851968xf32, #tpu.memory_space<hbm>> -> memref<512xf32, #tpu.memory_space<hbm>>
      %dma_wait3A_126 = arith.constant 0 : i32
      %dma_wait3A_127 = tpu.memref_slice %arg11[%dma_wait3A_119, %dma_wait3A_120, %dma_wait3A_126] : memref<2x32x512xf32, #tpu.memory_space<vmem>> -> memref<1x1x512xf32, #tpu.memory_space<vmem>>
      %dma_wait3A_128 = tpu.memref_squeeze %dma_wait3A_127 : memref<1x1x512xf32, #tpu.memory_space<vmem>> -> memref<512xf32, #tpu.memory_space<vmem>>
      %dma_wait3A_129 = arith.constant 0 : i32
      %dma_wait3A_130 = tpu.memref_slice %arg5[%dma_wait3A_129] : memref<851968xf32, #tpu.memory_space<hbm>> -> memref<512xf32, #tpu.memory_space<hbm>>
      tpu.wait_dma2 semaphore(%arg13 : memref<!tpu.dma_semaphore, #tpu.memory_space<semaphore_mem>>) src(%dma_wait3A_130 : memref<512xf32, #tpu.memory_space<hbm>>) dst(%dma_wait3A_128 : memref<512xf32, #tpu.memory_space<vmem>>)
      %dma_wait3A_131 = arith.constant 0 : i32
      %dma_wait3A_132 = arith.constant 0 : i32
      %dma_wait3A_133 = arith.constant 0 : i32
      %dma_wait3A_134 = tpu.memref_slice %arg11[%dma_wait3A_131, %dma_wait3A_132, %dma_wait3A_133] : memref<2x32x512xf32, #tpu.memory_space<vmem>> -> memref<1x1x512xf32, #tpu.memory_space<vmem>>
      %dma_wait3A_135 = tpu.memref_squeeze %dma_wait3A_134 : memref<1x1x512xf32, #tpu.memory_space<vmem>> -> memref<512xf32, #tpu.memory_space<vmem>>
      %dma_wait3A_136 = arith.constant 0 : i32
      %dma_wait3A_137 = tpu.memref_slice %arg5[%dma_wait3A_136] : memref<851968xf32, #tpu.memory_space<hbm>> -> memref<512xf32, #tpu.memory_space<hbm>>
      %dma_wait3A_138 = arith.constant 0 : i32
      %dma_wait3A_139 = tpu.memref_slice %arg11[%dma_wait3A_131, %dma_wait3A_132, %dma_wait3A_138] : memref<2x32x512xf32, #tpu.memory_space<vmem>> -> memref<1x1x512xf32, #tpu.memory_space<vmem>>
      %dma_wait3A_140 = tpu.memref_squeeze %dma_wait3A_139 : memref<1x1x512xf32, #tpu.memory_space<vmem>> -> memref<512xf32, #tpu.memory_space<vmem>>
      %dma_wait3A_141 = arith.constant 0 : i32
      %dma_wait3A_142 = tpu.memref_slice %arg5[%dma_wait3A_141] : memref<851968xf32, #tpu.memory_space<hbm>> -> memref<512xf32, #tpu.memory_space<hbm>>
      tpu.wait_dma2 semaphore(%arg13 : memref<!tpu.dma_semaphore, #tpu.memory_space<semaphore_mem>>) src(%dma_wait3A_142 : memref<512xf32, #tpu.memory_space<hbm>>) dst(%dma_wait3A_140 : memref<512xf32, #tpu.memory_space<vmem>>)
      %dma_wait3A_143 = arith.constant 0 : i32
      %dma_wait3A_144 = arith.constant 0 : i32
      %dma_wait3A_145 = arith.constant 0 : i32
      %dma_wait3A_146 = tpu.memref_slice %arg11[%dma_wait3A_143, %dma_wait3A_144, %dma_wait3A_145] : memref<2x32x512xf32, #tpu.memory_space<vmem>> -> memref<1x1x512xf32, #tpu.memory_space<vmem>>
      %dma_wait3A_147 = tpu.memref_squeeze %dma_wait3A_146 : memref<1x1x512xf32, #tpu.memory_space<vmem>> -> memref<512xf32, #tpu.memory_space<vmem>>
      %dma_wait3A_148 = arith.constant 0 : i32
      %dma_wait3A_149 = tpu.memref_slice %arg5[%dma_wait3A_148] : memref<851968xf32, #tpu.memory_space<hbm>> -> memref<512xf32, #tpu.memory_space<hbm>>
      %dma_wait3A_150 = arith.constant 0 : i32
      %dma_wait3A_151 = tpu.memref_slice %arg11[%dma_wait3A_143, %dma_wait3A_144, %dma_wait3A_150] : memref<2x32x512xf32, #tpu.memory_space<vmem>> -> memref<1x1x512xf32, #tpu.memory_space<vmem>>
      %dma_wait3A_152 = tpu.memref_squeeze %dma_wait3A_151 : memref<1x1x512xf32, #tpu.memory_space<vmem>> -> memref<512xf32, #tpu.memory_space<vmem>>
      %dma_wait3A_153 = arith.constant 0 : i32
      %dma_wait3A_154 = tpu.memref_slice %arg5[%dma_wait3A_153] : memref<851968xf32, #tpu.memory_space<hbm>> -> memref<512xf32, #tpu.memory_space<hbm>>
      tpu.wait_dma2 semaphore(%arg13 : memref<!tpu.dma_semaphore, #tpu.memory_space<semaphore_mem>>) src(%dma_wait3A_154 : memref<512xf32, #tpu.memory_space<hbm>>) dst(%dma_wait3A_152 : memref<512xf32, #tpu.memory_space<vmem>>)
      %dma_wait3A_155 = arith.constant 0 : i32
      %dma_wait3A_156 = arith.constant 0 : i32
      %dma_wait3A_157 = arith.constant 0 : i32
      %dma_wait3A_158 = tpu.memref_slice %arg11[%dma_wait3A_155, %dma_wait3A_156, %dma_wait3A_157] : memref<2x32x512xf32, #tpu.memory_space<vmem>> -> memref<1x1x512xf32, #tpu.memory_space<vmem>>
      %dma_wait3A_159 = tpu.memref_squeeze %dma_wait3A_158 : memref<1x1x512xf32, #tpu.memory_space<vmem>> -> memref<512xf32, #tpu.memory_space<vmem>>
      %dma_wait3A_160 = arith.constant 0 : i32
      %dma_wait3A_161 = tpu.memref_slice %arg5[%dma_wait3A_160] : memref<851968xf32, #tpu.memory_space<hbm>> -> memref<512xf32, #tpu.memory_space<hbm>>
      %dma_wait3A_162 = arith.constant 0 : i32
      %dma_wait3A_163 = tpu.memref_slice %arg11[%dma_wait3A_155, %dma_wait3A_156, %dma_wait3A_162] : memref<2x32x512xf32, #tpu.memory_space<vmem>> -> memref<1x1x512xf32, #tpu.memory_space<vmem>>
      %dma_wait3A_164 = tpu.memref_squeeze %dma_wait3A_163 : memref<1x1x512xf32, #tpu.memory_space<vmem>> -> memref<512xf32, #tpu.memory_space<vmem>>
      %dma_wait3A_165 = arith.constant 0 : i32
      %dma_wait3A_166 = tpu.memref_slice %arg5[%dma_wait3A_165] : memref<851968xf32, #tpu.memory_space<hbm>> -> memref<512xf32, #tpu.memory_space<hbm>>
      tpu.wait_dma2 semaphore(%arg13 : memref<!tpu.dma_semaphore, #tpu.memory_space<semaphore_mem>>) src(%dma_wait3A_166 : memref<512xf32, #tpu.memory_space<hbm>>) dst(%dma_wait3A_164 : memref<512xf32, #tpu.memory_space<vmem>>)
      %dma_wait3A_167 = arith.constant 0 : i32
      %dma_wait3A_168 = arith.constant 0 : i32
      %dma_wait3A_169 = arith.constant 0 : i32
      %dma_wait3A_170 = tpu.memref_slice %arg11[%dma_wait3A_167, %dma_wait3A_168, %dma_wait3A_169] : memref<2x32x512xf32, #tpu.memory_space<vmem>> -> memref<1x1x512xf32, #tpu.memory_space<vmem>>
      %dma_wait3A_171 = tpu.memref_squeeze %dma_wait3A_170 : memref<1x1x512xf32, #tpu.memory_space<vmem>> -> memref<512xf32, #tpu.memory_space<vmem>>
      %dma_wait3A_172 = arith.constant 0 : i32
      %dma_wait3A_173 = tpu.memref_slice %arg5[%dma_wait3A_172] : memref<851968xf32, #tpu.memory_space<hbm>> -> memref<512xf32, #tpu.memory_space<hbm>>
      %dma_wait3A_174 = arith.constant 0 : i32
      %dma_wait3A_175 = tpu.memref_slice %arg11[%dma_wait3A_167, %dma_wait3A_168, %dma_wait3A_174] : memref<2x32x512xf32, #tpu.memory_space<vmem>> -> memref<1x1x512xf32, #tpu.memory_space<vmem>>
      %dma_wait3A_176 = tpu.memref_squeeze %dma_wait3A_175 : memref<1x1x512xf32, #tpu.memory_space<vmem>> -> memref<512xf32, #tpu.memory_space<vmem>>
      %dma_wait3A_177 = arith.constant 0 : i32
      %dma_wait3A_178 = tpu.memref_slice %arg5[%dma_wait3A_177] : memref<851968xf32, #tpu.memory_space<hbm>> -> memref<512xf32, #tpu.memory_space<hbm>>
      tpu.wait_dma2 semaphore(%arg13 : memref<!tpu.dma_semaphore, #tpu.memory_space<semaphore_mem>>) src(%dma_wait3A_178 : memref<512xf32, #tpu.memory_space<hbm>>) dst(%dma_wait3A_176 : memref<512xf32, #tpu.memory_space<vmem>>)
      %dma_wait3A_179 = arith.constant 0 : i32
      %dma_wait3A_180 = arith.constant 0 : i32
      %dma_wait3A_181 = arith.constant 0 : i32
      %dma_wait3A_182 = tpu.memref_slice %arg11[%dma_wait3A_179, %dma_wait3A_180, %dma_wait3A_181] : memref<2x32x512xf32, #tpu.memory_space<vmem>> -> memref<1x1x512xf32, #tpu.memory_space<vmem>>
      %dma_wait3A_183 = tpu.memref_squeeze %dma_wait3A_182 : memref<1x1x512xf32, #tpu.memory_space<vmem>> -> memref<512xf32, #tpu.memory_space<vmem>>
      %dma_wait3A_184 = arith.constant 0 : i32
      %dma_wait3A_185 = tpu.memref_slice %arg5[%dma_wait3A_184] : memref<851968xf32, #tpu.memory_space<hbm>> -> memref<512xf32, #tpu.memory_space<hbm>>
      %dma_wait3A_186 = arith.constant 0 : i32
      %dma_wait3A_187 = tpu.memref_slice %arg11[%dma_wait3A_179, %dma_wait3A_180, %dma_wait3A_186] : memref<2x32x512xf32, #tpu.memory_space<vmem>> -> memref<1x1x512xf32, #tpu.memory_space<vmem>>
      %dma_wait3A_188 = tpu.memref_squeeze %dma_wait3A_187 : memref<1x1x512xf32, #tpu.memory_space<vmem>> -> memref<512xf32, #tpu.memory_space<vmem>>
      %dma_wait3A_189 = arith.constant 0 : i32
      %dma_wait3A_190 = tpu.memref_slice %arg5[%dma_wait3A_189] : memref<851968xf32, #tpu.memory_space<hbm>> -> memref<512xf32, #tpu.memory_space<hbm>>
      tpu.wait_dma2 semaphore(%arg13 : memref<!tpu.dma_semaphore, #tpu.memory_space<semaphore_mem>>) src(%dma_wait3A_190 : memref<512xf32, #tpu.memory_space<hbm>>) dst(%dma_wait3A_188 : memref<512xf32, #tpu.memory_space<vmem>>)
      %dma_wait3A_191 = arith.constant 0 : i32
      %dma_wait3A_192 = arith.constant 0 : i32
      %dma_wait3A_193 = arith.constant 0 : i32
      %dma_wait3A_194 = tpu.memref_slice %arg11[%dma_wait3A_191, %dma_wait3A_192, %dma_wait3A_193] : memref<2x32x512xf32, #tpu.memory_space<vmem>> -> memref<1x1x512xf32, #tpu.memory_space<vmem>>
      %dma_wait3A_195 = tpu.memref_squeeze %dma_wait3A_194 : memref<1x1x512xf32, #tpu.memory_space<vmem>> -> memref<512xf32, #tpu.memory_space<vmem>>
      %dma_wait3A_196 = arith.constant 0 : i32
      %dma_wait3A_197 = tpu.memref_slice %arg5[%dma_wait3A_196] : memref<851968xf32, #tpu.memory_space<hbm>> -> memref<512xf32, #tpu.memory_space<hbm>>
      %dma_wait3A_198 = arith.constant 0 : i32
      %dma_wait3A_199 = tpu.memref_slice %arg11[%dma_wait3A_191, %dma_wait3A_192, %dma_wait3A_198] : memref<2x32x512xf32, #tpu.memory_space<vmem>> -> memref<1x1x512xf32, #tpu.memory_space<vmem>>
      %dma_wait3A_200 = tpu.memref_squeeze %dma_wait3A_199 : memref<1x1x512xf32, #tpu.memory_space<vmem>> -> memref<512xf32, #tpu.memory_space<vmem>>
      %dma_wait3A_201 = arith.constant 0 : i32
      %dma_wait3A_202 = tpu.memref_slice %arg5[%dma_wait3A_201] : memref<851968xf32, #tpu.memory_space<hbm>> -> memref<512xf32, #tpu.memory_space<hbm>>
      tpu.wait_dma2 semaphore(%arg13 : memref<!tpu.dma_semaphore, #tpu.memory_space<semaphore_mem>>) src(%dma_wait3A_202 : memref<512xf32, #tpu.memory_space<hbm>>) dst(%dma_wait3A_200 : memref<512xf32, #tpu.memory_space<vmem>>)
      %dma_wait3A_203 = arith.constant 0 : i32
      %dma_wait3A_204 = arith.constant 0 : i32
      %dma_wait3A_205 = arith.constant 0 : i32
      %dma_wait3A_206 = tpu.memref_slice %arg11[%dma_wait3A_203, %dma_wait3A_204, %dma_wait3A_205] : memref<2x32x512xf32, #tpu.memory_space<vmem>> -> memref<1x1x512xf32, #tpu.memory_space<vmem>>
      %dma_wait3A_207 = tpu.memref_squeeze %dma_wait3A_206 : memref<1x1x512xf32, #tpu.memory_space<vmem>> -> memref<512xf32, #tpu.memory_space<vmem>>
      %dma_wait3A_208 = arith.constant 0 : i32
      %dma_wait3A_209 = tpu.memref_slice %arg5[%dma_wait3A_208] : memref<851968xf32, #tpu.memory_space<hbm>> -> memref<512xf32, #tpu.memory_space<hbm>>
      %dma_wait3A_210 = arith.constant 0 : i32
      %dma_wait3A_211 = tpu.memref_slice %arg11[%dma_wait3A_203, %dma_wait3A_204, %dma_wait3A_210] : memref<2x32x512xf32, #tpu.memory_space<vmem>> -> memref<1x1x512xf32, #tpu.memory_space<vmem>>
      %dma_wait3A_212 = tpu.memref_squeeze %dma_wait3A_211 : memref<1x1x512xf32, #tpu.memory_space<vmem>> -> memref<512xf32, #tpu.memory_space<vmem>>
      %dma_wait3A_213 = arith.constant 0 : i32
      %dma_wait3A_214 = tpu.memref_slice %arg5[%dma_wait3A_213] : memref<851968xf32, #tpu.memory_space<hbm>> -> memref<512xf32, #tpu.memory_space<hbm>>
      tpu.wait_dma2 semaphore(%arg13 : memref<!tpu.dma_semaphore, #tpu.memory_space<semaphore_mem>>) src(%dma_wait3A_214 : memref<512xf32, #tpu.memory_space<hbm>>) dst(%dma_wait3A_212 : memref<512xf32, #tpu.memory_space<vmem>>)
      %dma_wait3A_215 = arith.constant 0 : i32
      %dma_wait3A_216 = arith.constant 0 : i32
      %dma_wait3A_217 = arith.constant 0 : i32
      %dma_wait3A_218 = tpu.memref_slice %arg11[%dma_wait3A_215, %dma_wait3A_216, %dma_wait3A_217] : memref<2x32x512xf32, #tpu.memory_space<vmem>> -> memref<1x1x512xf32, #tpu.memory_space<vmem>>
      %dma_wait3A_219 = tpu.memref_squeeze %dma_wait3A_218 : memref<1x1x512xf32, #tpu.memory_space<vmem>> -> memref<512xf32, #tpu.memory_space<vmem>>
      %dma_wait3A_220 = arith.constant 0 : i32
      %dma_wait3A_221 = tpu.memref_slice %arg5[%dma_wait3A_220] : memref<851968xf32, #tpu.memory_space<hbm>> -> memref<512xf32, #tpu.memory_space<hbm>>
      %dma_wait3A_222 = arith.constant 0 : i32
      %dma_wait3A_223 = tpu.memref_slice %arg11[%dma_wait3A_215, %dma_wait3A_216, %dma_wait3A_222] : memref<2x32x512xf32, #tpu.memory_space<vmem>> -> memref<1x1x512xf32, #tpu.memory_space<vmem>>
      %dma_wait3A_224 = tpu.memref_squeeze %dma_wait3A_223 : memref<1x1x512xf32, #tpu.memory_space<vmem>> -> memref<512xf32, #tpu.memory_space<vmem>>
      %dma_wait3A_225 = arith.constant 0 : i32
      %dma_wait3A_226 = tpu.memref_slice %arg5[%dma_wait3A_225] : memref<851968xf32, #tpu.memory_space<hbm>> -> memref<512xf32, #tpu.memory_space<hbm>>
      tpu.wait_dma2 semaphore(%arg13 : memref<!tpu.dma_semaphore, #tpu.memory_space<semaphore_mem>>) src(%dma_wait3A_226 : memref<512xf32, #tpu.memory_space<hbm>>) dst(%dma_wait3A_224 : memref<512xf32, #tpu.memory_space<vmem>>)
      %dma_wait3A_227 = arith.constant 0 : i32
      %dma_wait3A_228 = arith.constant 0 : i32
      %dma_wait3A_229 = arith.constant 0 : i32
      %dma_wait3A_230 = tpu.memref_slice %arg11[%dma_wait3A_227, %dma_wait3A_228, %dma_wait3A_229] : memref<2x32x512xf32, #tpu.memory_space<vmem>> -> memref<1x1x512xf32, #tpu.memory_space<vmem>>
      %dma_wait3A_231 = tpu.memref_squeeze %dma_wait3A_230 : memref<1x1x512xf32, #tpu.memory_space<vmem>> -> memref<512xf32, #tpu.memory_space<vmem>>
      %dma_wait3A_232 = arith.constant 0 : i32
      %dma_wait3A_233 = tpu.memref_slice %arg5[%dma_wait3A_232] : memref<851968xf32, #tpu.memory_space<hbm>> -> memref<512xf32, #tpu.memory_space<hbm>>
      %dma_wait3A_234 = arith.constant 0 : i32
      %dma_wait3A_235 = tpu.memref_slice %arg11[%dma_wait3A_227, %dma_wait3A_228, %dma_wait3A_234] : memref<2x32x512xf32, #tpu.memory_space<vmem>> -> memref<1x1x512xf32, #tpu.memory_space<vmem>>
      %dma_wait3A_236 = tpu.memref_squeeze %dma_wait3A_235 : memref<1x1x512xf32, #tpu.memory_space<vmem>> -> memref<512xf32, #tpu.memory_space<vmem>>
      %dma_wait3A_237 = arith.constant 0 : i32
      %dma_wait3A_238 = tpu.memref_slice %arg5[%dma_wait3A_237] : memref<851968xf32, #tpu.memory_space<hbm>> -> memref<512xf32, #tpu.memory_space<hbm>>
      tpu.wait_dma2 semaphore(%arg13 : memref<!tpu.dma_semaphore, #tpu.memory_space<semaphore_mem>>) src(%dma_wait3A_238 : memref<512xf32, #tpu.memory_space<hbm>>) dst(%dma_wait3A_236 : memref<512xf32, #tpu.memory_space<vmem>>)
      %dma_wait3A_239 = arith.constant 0 : i32
      %dma_wait3A_240 = arith.constant 0 : i32
      %dma_wait3A_241 = arith.constant 0 : i32
      %dma_wait3A_242 = tpu.memref_slice %arg11[%dma_wait3A_239, %dma_wait3A_240, %dma_wait3A_241] : memref<2x32x512xf32, #tpu.memory_space<vmem>> -> memref<1x1x512xf32, #tpu.memory_space<vmem>>
      %dma_wait3A_243 = tpu.memref_squeeze %dma_wait3A_242 : memref<1x1x512xf32, #tpu.memory_space<vmem>> -> memref<512xf32, #tpu.memory_space<vmem>>
      %dma_wait3A_244 = arith.constant 0 : i32
      %dma_wait3A_245 = tpu.memref_slice %arg5[%dma_wait3A_244] : memref<851968xf32, #tpu.memory_space<hbm>> -> memref<512xf32, #tpu.memory_space<hbm>>
      %dma_wait3A_246 = arith.constant 0 : i32
      %dma_wait3A_247 = tpu.memref_slice %arg11[%dma_wait3A_239, %dma_wait3A_240, %dma_wait3A_246] : memref<2x32x512xf32, #tpu.memory_space<vmem>> -> memref<1x1x512xf32, #tpu.memory_space<vmem>>
      %dma_wait3A_248 = tpu.memref_squeeze %dma_wait3A_247 : memref<1x1x512xf32, #tpu.memory_space<vmem>> -> memref<512xf32, #tpu.memory_space<vmem>>
      %dma_wait3A_249 = arith.constant 0 : i32
      %dma_wait3A_250 = tpu.memref_slice %arg5[%dma_wait3A_249] : memref<851968xf32, #tpu.memory_space<hbm>> -> memref<512xf32, #tpu.memory_space<hbm>>
      tpu.wait_dma2 semaphore(%arg13 : memref<!tpu.dma_semaphore, #tpu.memory_space<semaphore_mem>>) src(%dma_wait3A_250 : memref<512xf32, #tpu.memory_space<hbm>>) dst(%dma_wait3A_248 : memref<512xf32, #tpu.memory_space<vmem>>)
      %dma_wait3A_251 = arith.constant 0 : i32
      %dma_wait3A_252 = arith.constant 0 : i32
      %dma_wait3A_253 = arith.constant 0 : i32
      %dma_wait3A_254 = tpu.memref_slice %arg11[%dma_wait3A_251, %dma_wait3A_252, %dma_wait3A_253] : memref<2x32x512xf32, #tpu.memory_space<vmem>> -> memref<1x1x512xf32, #tpu.memory_space<vmem>>
      %dma_wait3A_255 = tpu.memref_squeeze %dma_wait3A_254 : memref<1x1x512xf32, #tpu.memory_space<vmem>> -> memref<512xf32, #tpu.memory_space<vmem>>
      %dma_wait3A_256 = arith.constant 0 : i32
      %dma_wait3A_257 = tpu.memref_slice %arg5[%dma_wait3A_256] : memref<851968xf32, #tpu.memory_space<hbm>> -> memref<512xf32, #tpu.memory_space<hbm>>
      %dma_wait3A_258 = arith.constant 0 : i32
      %dma_wait3A_259 = tpu.memref_slice %arg11[%dma_wait3A_251, %dma_wait3A_252, %dma_wait3A_258] : memref<2x32x512xf32, #tpu.memory_space<vmem>> -> memref<1x1x512xf32, #tpu.memory_space<vmem>>
      %dma_wait3A_260 = tpu.memref_squeeze %dma_wait3A_259 : memref<1x1x512xf32, #tpu.memory_space<vmem>> -> memref<512xf32, #tpu.memory_space<vmem>>
      %dma_wait3A_261 = arith.constant 0 : i32
      %dma_wait3A_262 = tpu.memref_slice %arg5[%dma_wait3A_261] : memref<851968xf32, #tpu.memory_space<hbm>> -> memref<512xf32, #tpu.memory_space<hbm>>
      tpu.wait_dma2 semaphore(%arg13 : memref<!tpu.dma_semaphore, #tpu.memory_space<semaphore_mem>>) src(%dma_wait3A_262 : memref<512xf32, #tpu.memory_space<hbm>>) dst(%dma_wait3A_260 : memref<512xf32, #tpu.memory_space<vmem>>)
      %dma_wait3A_263 = arith.constant 0 : i32
      %dma_wait3A_264 = arith.constant 0 : i32
      %dma_wait3A_265 = arith.constant 0 : i32
      %dma_wait3A_266 = tpu.memref_slice %arg11[%dma_wait3A_263, %dma_wait3A_264, %dma_wait3A_265] : memref<2x32x512xf32, #tpu.memory_space<vmem>> -> memref<1x1x512xf32, #tpu.memory_space<vmem>>
      %dma_wait3A_267 = tpu.memref_squeeze %dma_wait3A_266 : memref<1x1x512xf32, #tpu.memory_space<vmem>> -> memref<512xf32, #tpu.memory_space<vmem>>
      %dma_wait3A_268 = arith.constant 0 : i32
      %dma_wait3A_269 = tpu.memref_slice %arg5[%dma_wait3A_268] : memref<851968xf32, #tpu.memory_space<hbm>> -> memref<512xf32, #tpu.memory_space<hbm>>
      %dma_wait3A_270 = arith.constant 0 : i32
      %dma_wait3A_271 = tpu.memref_slice %arg11[%dma_wait3A_263, %dma_wait3A_264, %dma_wait3A_270] : memref<2x32x512xf32, #tpu.memory_space<vmem>> -> memref<1x1x512xf32, #tpu.memory_space<vmem>>
      %dma_wait3A_272 = tpu.memref_squeeze %dma_wait3A_271 : memref<1x1x512xf32, #tpu.memory_space<vmem>> -> memref<512xf32, #tpu.memory_space<vmem>>
      %dma_wait3A_273 = arith.constant 0 : i32
      %dma_wait3A_274 = tpu.memref_slice %arg5[%dma_wait3A_273] : memref<851968xf32, #tpu.memory_space<hbm>> -> memref<512xf32, #tpu.memory_space<hbm>>
      tpu.wait_dma2 semaphore(%arg13 : memref<!tpu.dma_semaphore, #tpu.memory_space<semaphore_mem>>) src(%dma_wait3A_274 : memref<512xf32, #tpu.memory_space<hbm>>) dst(%dma_wait3A_272 : memref<512xf32, #tpu.memory_space<vmem>>)
      %dma_wait3A_275 = arith.constant 0 : i32
      %dma_wait3A_276 = arith.constant 0 : i32
      %dma_wait3A_277 = arith.constant 0 : i32
      %dma_wait3A_278 = tpu.memref_slice %arg11[%dma_wait3A_275, %dma_wait3A_276, %dma_wait3A_277] : memref<2x32x512xf32, #tpu.memory_space<vmem>> -> memref<1x1x512xf32, #tpu.memory_space<vmem>>
      %dma_wait3A_279 = tpu.memref_squeeze %dma_wait3A_278 : memref<1x1x512xf32, #tpu.memory_space<vmem>> -> memref<512xf32, #tpu.memory_space<vmem>>
      %dma_wait3A_280 = arith.constant 0 : i32
      %dma_wait3A_281 = tpu.memref_slice %arg5[%dma_wait3A_280] : memref<851968xf32, #tpu.memory_space<hbm>> -> memref<512xf32, #tpu.memory_space<hbm>>
      %dma_wait3A_282 = arith.constant 0 : i32
      %dma_wait3A_283 = tpu.memref_slice %arg11[%dma_wait3A_275, %dma_wait3A_276, %dma_wait3A_282] : memref<2x32x512xf32, #tpu.memory_space<vmem>> -> memref<1x1x512xf32, #tpu.memory_space<vmem>>
      %dma_wait3A_284 = tpu.memref_squeeze %dma_wait3A_283 : memref<1x1x512xf32, #tpu.memory_space<vmem>> -> memref<512xf32, #tpu.memory_space<vmem>>
      %dma_wait3A_285 = arith.constant 0 : i32
      %dma_wait3A_286 = tpu.memref_slice %arg5[%dma_wait3A_285] : memref<851968xf32, #tpu.memory_space<hbm>> -> memref<512xf32, #tpu.memory_space<hbm>>
      tpu.wait_dma2 semaphore(%arg13 : memref<!tpu.dma_semaphore, #tpu.memory_space<semaphore_mem>>) src(%dma_wait3A_286 : memref<512xf32, #tpu.memory_space<hbm>>) dst(%dma_wait3A_284 : memref<512xf32, #tpu.memory_space<vmem>>)
      %dma_wait3A_287 = arith.constant 0 : i32
      %dma_wait3A_288 = arith.constant 0 : i32
      %dma_wait3A_289 = arith.constant 0 : i32
      %dma_wait3A_290 = tpu.memref_slice %arg11[%dma_wait3A_287, %dma_wait3A_288, %dma_wait3A_289] : memref<2x32x512xf32, #tpu.memory_space<vmem>> -> memref<1x1x512xf32, #tpu.memory_space<vmem>>
      %dma_wait3A_291 = tpu.memref_squeeze %dma_wait3A_290 : memref<1x1x512xf32, #tpu.memory_space<vmem>> -> memref<512xf32, #tpu.memory_space<vmem>>
      %dma_wait3A_292 = arith.constant 0 : i32
      %dma_wait3A_293 = tpu.memref_slice %arg5[%dma_wait3A_292] : memref<851968xf32, #tpu.memory_space<hbm>> -> memref<512xf32, #tpu.memory_space<hbm>>
      %dma_wait3A_294 = arith.constant 0 : i32
      %dma_wait3A_295 = tpu.memref_slice %arg11[%dma_wait3A_287, %dma_wait3A_288, %dma_wait3A_294] : memref<2x32x512xf32, #tpu.memory_space<vmem>> -> memref<1x1x512xf32, #tpu.memory_space<vmem>>
      %dma_wait3A_296 = tpu.memref_squeeze %dma_wait3A_295 : memref<1x1x512xf32, #tpu.memory_space<vmem>> -> memref<512xf32, #tpu.memory_space<vmem>>
      %dma_wait3A_297 = arith.constant 0 : i32
      %dma_wait3A_298 = tpu.memref_slice %arg5[%dma_wait3A_297] : memref<851968xf32, #tpu.memory_space<hbm>> -> memref<512xf32, #tpu.memory_space<hbm>>
      tpu.wait_dma2 semaphore(%arg13 : memref<!tpu.dma_semaphore, #tpu.memory_space<semaphore_mem>>) src(%dma_wait3A_298 : memref<512xf32, #tpu.memory_space<hbm>>) dst(%dma_wait3A_296 : memref<512xf32, #tpu.memory_space<vmem>>)
      %dma_wait3A_299 = arith.constant 0 : i32
      %dma_wait3A_300 = arith.constant 0 : i32
      %dma_wait3A_301 = arith.constant 0 : i32
      %dma_wait3A_302 = tpu.memref_slice %arg11[%dma_wait3A_299, %dma_wait3A_300, %dma_wait3A_301] : memref<2x32x512xf32, #tpu.memory_space<vmem>> -> memref<1x1x512xf32, #tpu.memory_space<vmem>>
      %dma_wait3A_303 = tpu.memref_squeeze %dma_wait3A_302 : memref<1x1x512xf32, #tpu.memory_space<vmem>> -> memref<512xf32, #tpu.memory_space<vmem>>
      %dma_wait3A_304 = arith.constant 0 : i32
      %dma_wait3A_305 = tpu.memref_slice %arg5[%dma_wait3A_304] : memref<851968xf32, #tpu.memory_space<hbm>> -> memref<512xf32, #tpu.memory_space<hbm>>
      %dma_wait3A_306 = arith.constant 0 : i32
      %dma_wait3A_307 = tpu.memref_slice %arg11[%dma_wait3A_299, %dma_wait3A_300, %dma_wait3A_306] : memref<2x32x512xf32, #tpu.memory_space<vmem>> -> memref<1x1x512xf32, #tpu.memory_space<vmem>>
      %dma_wait3A_308 = tpu.memref_squeeze %dma_wait3A_307 : memref<1x1x512xf32, #tpu.memory_space<vmem>> -> memref<512xf32, #tpu.memory_space<vmem>>
      %dma_wait3A_309 = arith.constant 0 : i32
      %dma_wait3A_310 = tpu.memref_slice %arg5[%dma_wait3A_309] : memref<851968xf32, #tpu.memory_space<hbm>> -> memref<512xf32, #tpu.memory_space<hbm>>
      tpu.wait_dma2 semaphore(%arg13 : memref<!tpu.dma_semaphore, #tpu.memory_space<semaphore_mem>>) src(%dma_wait3A_310 : memref<512xf32, #tpu.memory_space<hbm>>) dst(%dma_wait3A_308 : memref<512xf32, #tpu.memory_space<vmem>>)
      %dma_wait3A_311 = arith.constant 0 : i32
      %dma_wait3A_312 = arith.constant 0 : i32
      %dma_wait3A_313 = arith.constant 0 : i32
      %dma_wait3A_314 = tpu.memref_slice %arg11[%dma_wait3A_311, %dma_wait3A_312, %dma_wait3A_313] : memref<2x32x512xf32, #tpu.memory_space<vmem>> -> memref<1x1x512xf32, #tpu.memory_space<vmem>>
      %dma_wait3A_315 = tpu.memref_squeeze %dma_wait3A_314 : memref<1x1x512xf32, #tpu.memory_space<vmem>> -> memref<512xf32, #tpu.memory_space<vmem>>
      %dma_wait3A_316 = arith.constant 0 : i32
      %dma_wait3A_317 = tpu.memref_slice %arg5[%dma_wait3A_316] : memref<851968xf32, #tpu.memory_space<hbm>> -> memref<512xf32, #tpu.memory_space<hbm>>
      %dma_wait3A_318 = arith.constant 0 : i32
      %dma_wait3A_319 = tpu.memref_slice %arg11[%dma_wait3A_311, %dma_wait3A_312, %dma_wait3A_318] : memref<2x32x512xf32, #tpu.memory_space<vmem>> -> memref<1x1x512xf32, #tpu.memory_space<vmem>>
      %dma_wait3A_320 = tpu.memref_squeeze %dma_wait3A_319 : memref<1x1x512xf32, #tpu.memory_space<vmem>> -> memref<512xf32, #tpu.memory_space<vmem>>
      %dma_wait3A_321 = arith.constant 0 : i32
      %dma_wait3A_322 = tpu.memref_slice %arg5[%dma_wait3A_321] : memref<851968xf32, #tpu.memory_space<hbm>> -> memref<512xf32, #tpu.memory_space<hbm>>
      tpu.wait_dma2 semaphore(%arg13 : memref<!tpu.dma_semaphore, #tpu.memory_space<semaphore_mem>>) src(%dma_wait3A_322 : memref<512xf32, #tpu.memory_space<hbm>>) dst(%dma_wait3A_320 : memref<512xf32, #tpu.memory_space<vmem>>)
      %dma_wait3A_323 = arith.constant 0 : i32
      %dma_wait3A_324 = arith.constant 0 : i32
      %dma_wait3A_325 = arith.constant 0 : i32
      %dma_wait3A_326 = tpu.memref_slice %arg11[%dma_wait3A_323, %dma_wait3A_324, %dma_wait3A_325] : memref<2x32x512xf32, #tpu.memory_space<vmem>> -> memref<1x1x512xf32, #tpu.memory_space<vmem>>
      %dma_wait3A_327 = tpu.memref_squeeze %dma_wait3A_326 : memref<1x1x512xf32, #tpu.memory_space<vmem>> -> memref<512xf32, #tpu.memory_space<vmem>>
      %dma_wait3A_328 = arith.constant 0 : i32
      %dma_wait3A_329 = tpu.memref_slice %arg5[%dma_wait3A_328] : memref<851968xf32, #tpu.memory_space<hbm>> -> memref<512xf32, #tpu.memory_space<hbm>>
      %dma_wait3A_330 = arith.constant 0 : i32
      %dma_wait3A_331 = tpu.memref_slice %arg11[%dma_wait3A_323, %dma_wait3A_324, %dma_wait3A_330] : memref<2x32x512xf32, #tpu.memory_space<vmem>> -> memref<1x1x512xf32, #tpu.memory_space<vmem>>
      %dma_wait3A_332 = tpu.memref_squeeze %dma_wait3A_331 : memref<1x1x512xf32, #tpu.memory_space<vmem>> -> memref<512xf32, #tpu.memory_space<vmem>>
      %dma_wait3A_333 = arith.constant 0 : i32
      %dma_wait3A_334 = tpu.memref_slice %arg5[%dma_wait3A_333] : memref<851968xf32, #tpu.memory_space<hbm>> -> memref<512xf32, #tpu.memory_space<hbm>>
      tpu.wait_dma2 semaphore(%arg13 : memref<!tpu.dma_semaphore, #tpu.memory_space<semaphore_mem>>) src(%dma_wait3A_334 : memref<512xf32, #tpu.memory_space<hbm>>) dst(%dma_wait3A_332 : memref<512xf32, #tpu.memory_space<vmem>>)
      %dma_wait3A_335 = arith.constant 0 : i32
      %dma_wait3A_336 = arith.constant 0 : i32
      %dma_wait3A_337 = arith.constant 0 : i32
      %dma_wait3A_338 = tpu.memref_slice %arg11[%dma_wait3A_335, %dma_wait3A_336, %dma_wait3A_337] : memref<2x32x512xf32, #tpu.memory_space<vmem>> -> memref<1x1x512xf32, #tpu.memory_space<vmem>>
      %dma_wait3A_339 = tpu.memref_squeeze %dma_wait3A_338 : memref<1x1x512xf32, #tpu.memory_space<vmem>> -> memref<512xf32, #tpu.memory_space<vmem>>
      %dma_wait3A_340 = arith.constant 0 : i32
      %dma_wait3A_341 = tpu.memref_slice %arg5[%dma_wait3A_340] : memref<851968xf32, #tpu.memory_space<hbm>> -> memref<512xf32, #tpu.memory_space<hbm>>
      %dma_wait3A_342 = arith.constant 0 : i32
      %dma_wait3A_343 = tpu.memref_slice %arg11[%dma_wait3A_335, %dma_wait3A_336, %dma_wait3A_342] : memref<2x32x512xf32, #tpu.memory_space<vmem>> -> memref<1x1x512xf32, #tpu.memory_space<vmem>>
      %dma_wait3A_344 = tpu.memref_squeeze %dma_wait3A_343 : memref<1x1x512xf32, #tpu.memory_space<vmem>> -> memref<512xf32, #tpu.memory_space<vmem>>
      %dma_wait3A_345 = arith.constant 0 : i32
      %dma_wait3A_346 = tpu.memref_slice %arg5[%dma_wait3A_345] : memref<851968xf32, #tpu.memory_space<hbm>> -> memref<512xf32, #tpu.memory_space<hbm>>
      tpu.wait_dma2 semaphore(%arg13 : memref<!tpu.dma_semaphore, #tpu.memory_space<semaphore_mem>>) src(%dma_wait3A_346 : memref<512xf32, #tpu.memory_space<hbm>>) dst(%dma_wait3A_344 : memref<512xf32, #tpu.memory_space<vmem>>)
      %dma_wait3A_347 = arith.constant 0 : i32
      %dma_wait3A_348 = arith.constant 0 : i32
      %dma_wait3A_349 = arith.constant 0 : i32
      %dma_wait3A_350 = tpu.memref_slice %arg11[%dma_wait3A_347, %dma_wait3A_348, %dma_wait3A_349] : memref<2x32x512xf32, #tpu.memory_space<vmem>> -> memref<1x1x512xf32, #tpu.memory_space<vmem>>
      %dma_wait3A_351 = tpu.memref_squeeze %dma_wait3A_350 : memref<1x1x512xf32, #tpu.memory_space<vmem>> -> memref<512xf32, #tpu.memory_space<vmem>>
      %dma_wait3A_352 = arith.constant 0 : i32
      %dma_wait3A_353 = tpu.memref_slice %arg5[%dma_wait3A_352] : memref<851968xf32, #tpu.memory_space<hbm>> -> memref<512xf32, #tpu.memory_space<hbm>>
      %dma_wait3A_354 = arith.constant 0 : i32
      %dma_wait3A_355 = tpu.memref_slice %arg11[%dma_wait3A_347, %dma_wait3A_348, %dma_wait3A_354] : memref<2x32x512xf32, #tpu.memory_space<vmem>> -> memref<1x1x512xf32, #tpu.memory_space<vmem>>
      %dma_wait3A_356 = tpu.memref_squeeze %dma_wait3A_355 : memref<1x1x512xf32, #tpu.memory_space<vmem>> -> memref<512xf32, #tpu.memory_space<vmem>>
      %dma_wait3A_357 = arith.constant 0 : i32
      %dma_wait3A_358 = tpu.memref_slice %arg5[%dma_wait3A_357] : memref<851968xf32, #tpu.memory_space<hbm>> -> memref<512xf32, #tpu.memory_space<hbm>>
      tpu.wait_dma2 semaphore(%arg13 : memref<!tpu.dma_semaphore, #tpu.memory_space<semaphore_mem>>) src(%dma_wait3A_358 : memref<512xf32, #tpu.memory_space<hbm>>) dst(%dma_wait3A_356 : memref<512xf32, #tpu.memory_space<vmem>>)
      %dma_wait3A_359 = arith.constant 0 : i32
      %dma_wait3A_360 = arith.constant 0 : i32
      %dma_wait3A_361 = arith.constant 0 : i32
      %dma_wait3A_362 = tpu.memref_slice %arg11[%dma_wait3A_359, %dma_wait3A_360, %dma_wait3A_361] : memref<2x32x512xf32, #tpu.memory_space<vmem>> -> memref<1x1x512xf32, #tpu.memory_space<vmem>>
      %dma_wait3A_363 = tpu.memref_squeeze %dma_wait3A_362 : memref<1x1x512xf32, #tpu.memory_space<vmem>> -> memref<512xf32, #tpu.memory_space<vmem>>
      %dma_wait3A_364 = arith.constant 0 : i32
      %dma_wait3A_365 = tpu.memref_slice %arg5[%dma_wait3A_364] : memref<851968xf32, #tpu.memory_space<hbm>> -> memref<512xf32, #tpu.memory_space<hbm>>
      %dma_wait3A_366 = arith.constant 0 : i32
      %dma_wait3A_367 = tpu.memref_slice %arg11[%dma_wait3A_359, %dma_wait3A_360, %dma_wait3A_366] : memref<2x32x512xf32, #tpu.memory_space<vmem>> -> memref<1x1x512xf32, #tpu.memory_space<vmem>>
      %dma_wait3A_368 = tpu.memref_squeeze %dma_wait3A_367 : memref<1x1x512xf32, #tpu.memory_space<vmem>> -> memref<512xf32, #tpu.memory_space<vmem>>
      %dma_wait3A_369 = arith.constant 0 : i32
      %dma_wait3A_370 = tpu.memref_slice %arg5[%dma_wait3A_369] : memref<851968xf32, #tpu.memory_space<hbm>> -> memref<512xf32, #tpu.memory_space<hbm>>
      tpu.wait_dma2 semaphore(%arg13 : memref<!tpu.dma_semaphore, #tpu.memory_space<semaphore_mem>>) src(%dma_wait3A_370 : memref<512xf32, #tpu.memory_space<hbm>>) dst(%dma_wait3A_368 : memref<512xf32, #tpu.memory_space<vmem>>)
      %dma_wait3A_371 = arith.constant 0 : i32
      %dma_wait3A_372 = arith.constant 0 : i32
      %dma_wait3A_373 = arith.constant 0 : i32
      %dma_wait3A_374 = tpu.memref_slice %arg11[%dma_wait3A_371, %dma_wait3A_372, %dma_wait3A_373] : memref<2x32x512xf32, #tpu.memory_space<vmem>> -> memref<1x1x512xf32, #tpu.memory_space<vmem>>
      %dma_wait3A_375 = tpu.memref_squeeze %dma_wait3A_374 : memref<1x1x512xf32, #tpu.memory_space<vmem>> -> memref<512xf32, #tpu.memory_space<vmem>>
      %dma_wait3A_376 = arith.constant 0 : i32
      %dma_wait3A_377 = tpu.memref_slice %arg5[%dma_wait3A_376] : memref<851968xf32, #tpu.memory_space<hbm>> -> memref<512xf32, #tpu.memory_space<hbm>>
      %dma_wait3A_378 = arith.constant 0 : i32
      %dma_wait3A_379 = tpu.memref_slice %arg11[%dma_wait3A_371, %dma_wait3A_372, %dma_wait3A_378] : memref<2x32x512xf32, #tpu.memory_space<vmem>> -> memref<1x1x512xf32, #tpu.memory_space<vmem>>
      %dma_wait3A_380 = tpu.memref_squeeze %dma_wait3A_379 : memref<1x1x512xf32, #tpu.memory_space<vmem>> -> memref<512xf32, #tpu.memory_space<vmem>>
      %dma_wait3A_381 = arith.constant 0 : i32
      %dma_wait3A_382 = tpu.memref_slice %arg5[%dma_wait3A_381] : memref<851968xf32, #tpu.memory_space<hbm>> -> memref<512xf32, #tpu.memory_space<hbm>>
      tpu.wait_dma2 semaphore(%arg13 : memref<!tpu.dma_semaphore, #tpu.memory_space<semaphore_mem>>) src(%dma_wait3A_382 : memref<512xf32, #tpu.memory_space<hbm>>) dst(%dma_wait3A_380 : memref<512xf32, #tpu.memory_space<vmem>>)
      %dma_wait3A_383 = arith.constant 0 : i32
      %dma_wait3A_384 = arith.constant 0 : i32
      %dma_wait3A_385 = arith.constant 0 : i32
      %dma_wait3A_386 = tpu.memref_slice %arg11[%dma_wait3A_383, %dma_wait3A_384, %dma_wait3A_385] : memref<2x32x512xf32, #tpu.memory_space<vmem>> -> memref<1x1x512xf32, #tpu.memory_space<vmem>>
      %dma_wait3A_387 = tpu.memref_squeeze %dma_wait3A_386 : memref<1x1x512xf32, #tpu.memory_space<vmem>> -> memref<512xf32, #tpu.memory_space<vmem>>
      %dma_wait3A_388 = arith.constant 0 : i32
      %dma_wait3A_389 = tpu.memref_slice %arg5[%dma_wait3A_388] : memref<851968xf32, #tpu.memory_space<hbm>> -> memref<512xf32, #tpu.memory_space<hbm>>
      %dma_wait3A_390 = arith.constant 0 : i32
      %dma_wait3A_391 = tpu.memref_slice %arg11[%dma_wait3A_383, %dma_wait3A_384, %dma_wait3A_390] : memref<2x32x512xf32, #tpu.memory_space<vmem>> -> memref<1x1x512xf32, #tpu.memory_space<vmem>>
      %dma_wait3A_392 = tpu.memref_squeeze %dma_wait3A_391 : memref<1x1x512xf32, #tpu.memory_space<vmem>> -> memref<512xf32, #tpu.memory_space<vmem>>
      %dma_wait3A_393 = arith.constant 0 : i32
      %dma_wait3A_394 = tpu.memref_slice %arg5[%dma_wait3A_393] : memref<851968xf32, #tpu.memory_space<hbm>> -> memref<512xf32, #tpu.memory_space<hbm>>
      tpu.wait_dma2 semaphore(%arg13 : memref<!tpu.dma_semaphore, #tpu.memory_space<semaphore_mem>>) src(%dma_wait3A_394 : memref<512xf32, #tpu.memory_space<hbm>>) dst(%dma_wait3A_392 : memref<512xf32, #tpu.memory_space<vmem>>)
      %dma_wait3A_395 = arith.constant 0 : i32
      %dma_wait3A_396 = arith.constant 0 : i32
      %dma_wait3A_397 = arith.constant 0 : i32
      %dma_wait3A_398 = tpu.memref_slice %arg11[%dma_wait3A_395, %dma_wait3A_396, %dma_wait3A_397] : memref<2x32x512xf32, #tpu.memory_space<vmem>> -> memref<1x1x512xf32, #tpu.memory_space<vmem>>
      %dma_wait3A_399 = tpu.memref_squeeze %dma_wait3A_398 : memref<1x1x512xf32, #tpu.memory_space<vmem>> -> memref<512xf32, #tpu.memory_space<vmem>>
      %dma_wait3A_400 = arith.constant 0 : i32
      %dma_wait3A_401 = tpu.memref_slice %arg5[%dma_wait3A_400] : memref<851968xf32, #tpu.memory_space<hbm>> -> memref<512xf32, #tpu.memory_space<hbm>>
      %dma_wait3A_402 = arith.constant 0 : i32
      %dma_wait3A_403 = tpu.memref_slice %arg11[%dma_wait3A_395, %dma_wait3A_396, %dma_wait3A_402] : memref<2x32x512xf32, #tpu.memory_space<vmem>> -> memref<1x1x512xf32, #tpu.memory_space<vmem>>
      %dma_wait3A_404 = tpu.memref_squeeze %dma_wait3A_403 : memref<1x1x512xf32, #tpu.memory_space<vmem>> -> memref<512xf32, #tpu.memory_space<vmem>>
      %dma_wait3A_405 = arith.constant 0 : i32
      %dma_wait3A_406 = tpu.memref_slice %arg5[%dma_wait3A_405] : memref<851968xf32, #tpu.memory_space<hbm>> -> memref<512xf32, #tpu.memory_space<hbm>>
      tpu.wait_dma2 semaphore(%arg13 : memref<!tpu.dma_semaphore, #tpu.memory_space<semaphore_mem>>) src(%dma_wait3A_406 : memref<512xf32, #tpu.memory_space<hbm>>) dst(%dma_wait3A_404 : memref<512xf32, #tpu.memory_space<vmem>>)
      %dma_wait3A_407 = arith.constant 0 : i32
      %dma_wait3A_408 = arith.constant 0 : i32
      %dma_wait3A_409 = arith.constant 0 : i32
      %dma_wait3A_410 = tpu.memref_slice %arg11[%dma_wait3A_407, %dma_wait3A_408, %dma_wait3A_409] : memref<2x32x512xf32, #tpu.memory_space<vmem>> -> memref<1x1x512xf32, #tpu.memory_space<vmem>>
      %dma_wait3A_411 = tpu.memref_squeeze %dma_wait3A_410 : memref<1x1x512xf32, #tpu.memory_space<vmem>> -> memref<512xf32, #tpu.memory_space<vmem>>
      %dma_wait3A_412 = arith.constant 0 : i32
      %dma_wait3A_413 = tpu.memref_slice %arg5[%dma_wait3A_412] : memref<851968xf32, #tpu.memory_space<hbm>> -> memref<512xf32, #tpu.memory_space<hbm>>
      %dma_wait3A_414 = arith.constant 0 : i32
      %dma_wait3A_415 = tpu.memref_slice %arg11[%dma_wait3A_407, %dma_wait3A_408, %dma_wait3A_414] : memref<2x32x512xf32, #tpu.memory_space<vmem>> -> memref<1x1x512xf32, #tpu.memory_space<vmem>>
      %dma_wait3A_416 = tpu.memref_squeeze %dma_wait3A_415 : memref<1x1x512xf32, #tpu.memory_space<vmem>> -> memref<512xf32, #tpu.memory_space<vmem>>
      %dma_wait3A_417 = arith.constant 0 : i32
      %dma_wait3A_418 = tpu.memref_slice %arg5[%dma_wait3A_417] : memref<851968xf32, #tpu.memory_space<hbm>> -> memref<512xf32, #tpu.memory_space<hbm>>
      tpu.wait_dma2 semaphore(%arg13 : memref<!tpu.dma_semaphore, #tpu.memory_space<semaphore_mem>>) src(%dma_wait3A_418 : memref<512xf32, #tpu.memory_space<hbm>>) dst(%dma_wait3A_416 : memref<512xf32, #tpu.memory_space<vmem>>)
      %dma_wait3A_419 = arith.constant 0 : i32
      %dma_wait3A_420 = arith.constant 0 : i32
      %dma_wait3A_421 = arith.constant 0 : i32
      %dma_wait3A_422 = tpu.memref_slice %arg11[%dma_wait3A_419, %dma_wait3A_420, %dma_wait3A_421] : memref<2x32x512xf32, #tpu.memory_space<vmem>> -> memref<1x1x512xf32, #tpu.memory_space<vmem>>
      %dma_wait3A_423 = tpu.memref_squeeze %dma_wait3A_422 : memref<1x1x512xf32, #tpu.memory_space<vmem>> -> memref<512xf32, #tpu.memory_space<vmem>>
      %dma_wait3A_424 = arith.constant 0 : i32
      %dma_wait3A_425 = tpu.memref_slice %arg5[%dma_wait3A_424] : memref<851968xf32, #tpu.memory_space<hbm>> -> memref<512xf32, #tpu.memory_space<hbm>>
      %dma_wait3A_426 = arith.constant 0 : i32
      %dma_wait3A_427 = tpu.memref_slice %arg11[%dma_wait3A_419, %dma_wait3A_420, %dma_wait3A_426] : memref<2x32x512xf32, #tpu.memory_space<vmem>> -> memref<1x1x512xf32, #tpu.memory_space<vmem>>
      %dma_wait3A_428 = tpu.memref_squeeze %dma_wait3A_427 : memref<1x1x512xf32, #tpu.memory_space<vmem>> -> memref<512xf32, #tpu.memory_space<vmem>>
      %dma_wait3A_429 = arith.constant 0 : i32
      %dma_wait3A_430 = tpu.memref_slice %arg5[%dma_wait3A_429] : memref<851968xf32, #tpu.memory_space<hbm>> -> memref<512xf32, #tpu.memory_space<hbm>>
      tpu.wait_dma2 semaphore(%arg13 : memref<!tpu.dma_semaphore, #tpu.memory_space<semaphore_mem>>) src(%dma_wait3A_430 : memref<512xf32, #tpu.memory_space<hbm>>) dst(%dma_wait3A_428 : memref<512xf32, #tpu.memory_space<vmem>>)
      %dma_wait3A_431 = tpu.memref_slice %arg5[%mul3A_38] : memref<851968xf32, #tpu.memory_space<hbm>> -> memref<32768xf32, #tpu.memory_space<hbm>>
      %dma_wait3A_432 = tpu.memref_slice %arg5[%mul3A_38] : memref<851968xf32, #tpu.memory_space<hbm>> -> memref<32768xf32, #tpu.memory_space<hbm>>
      tpu.wait_dma2 semaphore(%arg14 : memref<!tpu.dma_semaphore, #tpu.memory_space<semaphore_mem>>) src(%dma_wait3A_432 : memref<32768xf32, #tpu.memory_space<hbm>>) dst(%arg10 : memref<32768xf32, #tpu.memory_space<vmem>>)
      %dma_wait3A_433 = arith.constant 0 : i32
      %dma_wait3A_434 = tpu.memref_slice %arg3[%add3A_36, %mul3A_2, %dma_wait3A_433] : memref<26x128x128xi32, #tpu.memory_space<hbm>> -> memref<1x4x128xi32, #tpu.memory_space<hbm>>
      %dma_wait3A_435 = tpu.memref_squeeze %dma_wait3A_434 : memref<1x4x128xi32, #tpu.memory_space<hbm>> -> memref<4x128xi32, #tpu.memory_space<hbm>>
      %dma_wait3A_436 = arith.constant 0 : i32
      %dma_wait3A_437 = tpu.memref_slice %arg3[%add3A_36, %mul3A_2, %dma_wait3A_436] : memref<26x128x128xi32, #tpu.memory_space<hbm>> -> memref<1x4x128xi32, #tpu.memory_space<hbm>>
      %dma_wait3A_438 = tpu.memref_squeeze %dma_wait3A_437 : memref<1x4x128xi32, #tpu.memory_space<hbm>> -> memref<4x128xi32, #tpu.memory_space<hbm>>
      tpu.wait_dma2 semaphore(%arg14 : memref<!tpu.dma_semaphore, #tpu.memory_space<semaphore_mem>>) src(%dma_wait3A_438 : memref<4x128xi32, #tpu.memory_space<hbm>>) dst(%arg9 : memref<4x128xi32, #tpu.memory_space<vmem>>)
      %scan3A_439 = arith.constant 0 : i32
      %scan3A_440 = arith.constant 0 : i32
      %scan3A_441 = arith.constant 32 : i32
      %scan3A_442 = arith.addi %scan3A_440, %scan3A_441 : i32
      %scan3A_443 = arith.constant 1 : i32
      %scan3A_444 = scf.for %scan3A_447 = %scan3A_440 to %scan3A_442 step %scan3A_443 iter_args(%scan3A_448 = %scan3A_439) -> (i32)  : i32 {
        %jit3A = arith.constant 8 : i32
        %div3A = arith.divsi %scan3A_447, %jit3A : i32
        %sign3A = arith.constant 0 : i32
        %sign3A_449 = arith.cmpi sgt, %scan3A_447, %sign3A : i32
        %sign3A_450 = arith.extui %sign3A_449 : i1 to i32
        %sign3A_451 = arith.constant 0 : i32
        %sign3A_452 = arith.cmpi slt, %scan3A_447, %sign3A_451 : i32
        %sign3A_453 = arith.extui %sign3A_452 : i1 to i32
        %sign3A_454 = arith.subi %sign3A_450, %sign3A_453 : i32
        %sign3A_455 = arith.constant 0 : i32
        %sign3A_456 = arith.cmpi sgt, %jit3A, %sign3A_455 : i32
        %sign3A_457 = arith.extui %sign3A_456 : i1 to i32
        %sign3A_458 = arith.constant 0 : i32
        %sign3A_459 = arith.cmpi slt, %jit3A, %sign3A_458 : i32
        %sign3A_460 = arith.extui %sign3A_459 : i1 to i32
        %sign3A_461 = arith.subi %sign3A_457, %sign3A_460 : i32
        %ne3A = arith.cmpi ne, %sign3A_454, %sign3A_461 : i32
        %rem3A_462 = arith.remsi %scan3A_447, %jit3A : i32
        %ne3A_463 = arith.constant 0 : i32
        %ne3A_464 = arith.cmpi ne, %rem3A_462, %ne3A_463 : i32
        %and3A = arith.andi %ne3A, %ne3A_464 : i1
        %sub3A = arith.constant 1 : i32
        %sub3A_465 = arith.subi %div3A, %sub3A : i32
        %select_n3A = arith.select %and3A, %sub3A_465, %div3A : i32
        %jit3A_466 = arith.constant 8 : i32
        %eq3A = arith.constant 0 : i32
        %eq3A_467 = arith.cmpi eq, %jit3A_466, %eq3A : i32
        %jit3A_468 = arith.constant 1 : i32
        %select_n3A_469 = arith.select %eq3A_467, %jit3A_468, %jit3A_466 : i32
        %rem3A_470 = arith.remsi %scan3A_447, %select_n3A_469 : i32
        %ne3A_471 = arith.constant 0 : i32
        %ne3A_472 = arith.cmpi ne, %rem3A_470, %ne3A_471 : i32
        %lt3A_473 = arith.constant 0 : i32
        %lt3A_474 = arith.cmpi slt, %rem3A_470, %lt3A_473 : i32
        %lt3A_475 = arith.constant 0 : i32
        %lt3A_476 = arith.cmpi slt, %select_n3A_469, %lt3A_475 : i32
        %ne3A_477 = arith.xori %lt3A_474, %lt3A_476 : i1
        %and3A_478 = arith.andi %ne3A_477, %ne3A_472 : i1
        %add3A_479 = arith.addi %rem3A_470, %select_n3A_469 : i32
        %select_n3A_480 = arith.select %and3A_478, %add3A_479, %rem3A_470 : i32
        %mul3A_481 = arith.constant 16 : i32
        %mul3A_482 = arith.muli %select_n3A_480, %mul3A_481 : i32
        %get3A = arith.index_cast %select_n3A : i32 to index
        %get3A_483 = arith.index_cast %mul3A_482 : i32 to index
        %get3A_484 = tpu.vector_load %arg9[%get3A, %get3A_483] {strides = array<i32>} : memref<4x128xi32, #tpu.memory_space<vmem>>, vector<16xi32>,
        %shift_right_arithmetic3A = arith.constant 7 : i32
        %shift_right_arithmetic3A_485 = vector.broadcast %shift_right_arithmetic3A : i32 to vector<16xi32>
        %shift_right_arithmetic3A_486 = arith.shrsi %get3A_484, %shift_right_arithmetic3A_485 : vector<16xi32>
        %shift_left3A = arith.constant 10 : i32
        %shift_left3A_487 = vector.broadcast %shift_left3A : i32 to vector<16xi32>
        %shift_left3A_488 = arith.shli %shift_right_arithmetic3A_486, %shift_left3A_487 : vector<16xi32>
        %and3A_489 = arith.constant 127 : i32
        %and3A_490 = vector.broadcast %and3A_489 : i32 to vector<16xi32>
        %and3A_491 = arith.andi %get3A_484, %and3A_490 : vector<16xi32>
        %add3A_492 = arith.addi %shift_left3A_488, %and3A_491 : vector<16xi32>
        %mul3A_493 = arith.constant 16 : i32
        %mul3A_494 = arith.muli %scan3A_447, %mul3A_493 : i32
        %get3A_495 = arith.index_cast %mul3A_494 : i32 to index
        %get3A_496 = tpu.vector_load %arg12[%get3A_495] {strides = array<i32>} : memref<512xf32, #tpu.memory_space<vmem>>, vector<16xf32>,
        %add3A_497 = arith.constant 0 : i32
        %add3A_498 = vector.broadcast %add3A_497 : i32 to vector<16xi32>
        %add3A_499 = arith.addi %add3A_492, %add3A_498 : vector<16xi32>
        %gather3A = tpu.vector_load_idx %arg10[%add3A_499] : memref<32768xf32, #tpu.memory_space<vmem>>[vector<16xi32>], vector<16xf32>,
        %get3A_500 = arith.constant 0 : i32
        %get3A_501 = arith.index_cast %rem3A_34 : i32 to index
        %get3A_502 = arith.index_cast %get3A_500 : i32 to index
        %get3A_503 = arith.index_cast %mul3A_494 : i32 to index
        %get3A_504 = tpu.vector_load %arg11[%get3A_501, %get3A_502, %get3A_503] {strides = array<i32>} : memref<2x32x512xf32, #tpu.memory_space<vmem>>, vector<16xf32>,
        %mul3A_505 = arith.mulf %gather3A, %get3A_504 : vector<16xf32>
        %add3A_506 = arith.addf %get3A_496, %mul3A_505 : vector<16xf32>
        %add3A_507 = arith.constant 128 : i32
        %add3A_508 = vector.broadcast %add3A_507 : i32 to vector<16xi32>
        %add3A_509 = arith.addi %add3A_492, %add3A_508 : vector<16xi32>
        %gather3A_510 = tpu.vector_load_idx %arg10[%add3A_509] : memref<32768xf32, #tpu.memory_space<vmem>>[vector<16xi32>], vector<16xf32>,
        %get3A_511 = arith.constant 1 : i32
        %get3A_512 = arith.index_cast %rem3A_34 : i32 to index
        %get3A_513 = arith.index_cast %get3A_511 : i32 to index
        %get3A_514 = arith.index_cast %mul3A_494 : i32 to index
        %get3A_515 = tpu.vector_load %arg11[%get3A_512, %get3A_513, %get3A_514] {strides = array<i32>} : memref<2x32x512xf32, #tpu.memory_space<vmem>>, vector<16xf32>,
        %mul3A_516 = arith.mulf %gather3A_510, %get3A_515 : vector<16xf32>
        %add3A_517 = arith.addf %add3A_506, %mul3A_516 : vector<16xf32>
        %add3A_518 = arith.constant 256 : i32
        %add3A_519 = vector.broadcast %add3A_518 : i32 to vector<16xi32>
        %add3A_520 = arith.addi %add3A_492, %add3A_519 : vector<16xi32>
        %gather3A_521 = tpu.vector_load_idx %arg10[%add3A_520] : memref<32768xf32, #tpu.memory_space<vmem>>[vector<16xi32>], vector<16xf32>,
        %get3A_522 = arith.constant 2 : i32
        %get3A_523 = arith.index_cast %rem3A_34 : i32 to index
        %get3A_524 = arith.index_cast %get3A_522 : i32 to index
        %get3A_525 = arith.index_cast %mul3A_494 : i32 to index
        %get3A_526 = tpu.vector_load %arg11[%get3A_523, %get3A_524, %get3A_525] {strides = array<i32>} : memref<2x32x512xf32, #tpu.memory_space<vmem>>, vector<16xf32>,
        %mul3A_527 = arith.mulf %gather3A_521, %get3A_526 : vector<16xf32>
        %add3A_528 = arith.addf %add3A_517, %mul3A_527 : vector<16xf32>
        %add3A_529 = arith.constant 384 : i32
        %add3A_530 = vector.broadcast %add3A_529 : i32 to vector<16xi32>
        %add3A_531 = arith.addi %add3A_492, %add3A_530 : vector<16xi32>
        %gather3A_532 = tpu.vector_load_idx %arg10[%add3A_531] : memref<32768xf32, #tpu.memory_space<vmem>>[vector<16xi32>], vector<16xf32>,
        %get3A_533 = arith.constant 3 : i32
        %get3A_534 = arith.index_cast %rem3A_34 : i32 to index
        %get3A_535 = arith.index_cast %get3A_533 : i32 to index
        %get3A_536 = arith.index_cast %mul3A_494 : i32 to index
        %get3A_537 = tpu.vector_load %arg11[%get3A_534, %get3A_535, %get3A_536] {strides = array<i32>} : memref<2x32x512xf32, #tpu.memory_space<vmem>>, vector<16xf32>,
        %mul3A_538 = arith.mulf %gather3A_532, %get3A_537 : vector<16xf32>
        %add3A_539 = arith.addf %add3A_528, %mul3A_538 : vector<16xf32>
        %add3A_540 = arith.constant 512 : i32
        %add3A_541 = vector.broadcast %add3A_540 : i32 to vector<16xi32>
        %add3A_542 = arith.addi %add3A_492, %add3A_541 : vector<16xi32>
        %gather3A_543 = tpu.vector_load_idx %arg10[%add3A_542] : memref<32768xf32, #tpu.memory_space<vmem>>[vector<16xi32>], vector<16xf32>,
        %get3A_544 = arith.constant 4 : i32
        %get3A_545 = arith.index_cast %rem3A_34 : i32 to index
        %get3A_546 = arith.index_cast %get3A_544 : i32 to index
        %get3A_547 = arith.index_cast %mul3A_494 : i32 to index
        %get3A_548 = tpu.vector_load %arg11[%get3A_545, %get3A_546, %get3A_547] {strides = array<i32>} : memref<2x32x512xf32, #tpu.memory_space<vmem>>, vector<16xf32>,
        %mul3A_549 = arith.mulf %gather3A_543, %get3A_548 : vector<16xf32>
        %add3A_550 = arith.addf %add3A_539, %mul3A_549 : vector<16xf32>
        %add3A_551 = arith.constant 640 : i32
        %add3A_552 = vector.broadcast %add3A_551 : i32 to vector<16xi32>
        %add3A_553 = arith.addi %add3A_492, %add3A_552 : vector<16xi32>
        %gather3A_554 = tpu.vector_load_idx %arg10[%add3A_553] : memref<32768xf32, #tpu.memory_space<vmem>>[vector<16xi32>], vector<16xf32>,
        %get3A_555 = arith.constant 5 : i32
        %get3A_556 = arith.index_cast %rem3A_34 : i32 to index
        %get3A_557 = arith.index_cast %get3A_555 : i32 to index
        %get3A_558 = arith.index_cast %mul3A_494 : i32 to index
        %get3A_559 = tpu.vector_load %arg11[%get3A_556, %get3A_557, %get3A_558] {strides = array<i32>} : memref<2x32x512xf32, #tpu.memory_space<vmem>>, vector<16xf32>,
        %mul3A_560 = arith.mulf %gather3A_554, %get3A_559 : vector<16xf32>
        %add3A_561 = arith.addf %add3A_550, %mul3A_560 : vector<16xf32>
        %add3A_562 = arith.constant 768 : i32
        %add3A_563 = vector.broadcast %add3A_562 : i32 to vector<16xi32>
        %add3A_564 = arith.addi %add3A_492, %add3A_563 : vector<16xi32>
        %gather3A_565 = tpu.vector_load_idx %arg10[%add3A_564] : memref<32768xf32, #tpu.memory_space<vmem>>[vector<16xi32>], vector<16xf32>,
        %get3A_566 = arith.constant 6 : i32
        %get3A_567 = arith.index_cast %rem3A_34 : i32 to index
        %get3A_568 = arith.index_cast %get3A_566 : i32 to index
        %get3A_569 = arith.index_cast %mul3A_494 : i32 to index
        %get3A_570 = tpu.vector_load %arg11[%get3A_567, %get3A_568, %get3A_569] {strides = array<i32>} : memref<2x32x512xf32, #tpu.memory_space<vmem>>, vector<16xf32>,
        %mul3A_571 = arith.mulf %gather3A_565, %get3A_570 : vector<16xf32>
        %add3A_572 = arith.addf %add3A_561, %mul3A_571 : vector<16xf32>
        %add3A_573 = arith.constant 896 : i32
        %add3A_574 = vector.broadcast %add3A_573 : i32 to vector<16xi32>
        %add3A_575 = arith.addi %add3A_492, %add3A_574 : vector<16xi32>
        %gather3A_576 = tpu.vector_load_idx %arg10[%add3A_575] : memref<32768xf32, #tpu.memory_space<vmem>>[vector<16xi32>], vector<16xf32>,
        %get3A_577 = arith.constant 7 : i32
        %get3A_578 = arith.index_cast %rem3A_34 : i32 to index
        %get3A_579 = arith.index_cast %get3A_577 : i32 to index
        %get3A_580 = arith.index_cast %mul3A_494 : i32 to index
        %get3A_581 = tpu.vector_load %arg11[%get3A_578, %get3A_579, %get3A_580] {strides = array<i32>} : memref<2x32x512xf32, #tpu.memory_space<vmem>>, vector<16xf32>,
        %mul3A_582 = arith.mulf %gather3A_576, %get3A_581 : vector<16xf32>
        %add3A_583 = arith.addf %add3A_572, %mul3A_582 : vector<16xf32>
        %add3A_584 = arith.constant 8192 : i32
        %add3A_585 = vector.broadcast %add3A_584 : i32 to vector<16xi32>
        %add3A_586 = arith.addi %add3A_492, %add3A_585 : vector<16xi32>
        %gather3A_587 = tpu.vector_load_idx %arg10[%add3A_586] : memref<32768xf32, #tpu.memory_space<vmem>>[vector<16xi32>], vector<16xf32>,
        %get3A_588 = arith.constant 8 : i32
        %get3A_589 = arith.index_cast %rem3A_34 : i32 to index
        %get3A_590 = arith.index_cast %get3A_588 : i32 to index
        %get3A_591 = arith.index_cast %mul3A_494 : i32 to index
        %get3A_592 = tpu.vector_load %arg11[%get3A_589, %get3A_590, %get3A_591] {strides = array<i32>} : memref<2x32x512xf32, #tpu.memory_space<vmem>>, vector<16xf32>,
        %mul3A_593 = arith.mulf %gather3A_587, %get3A_592 : vector<16xf32>
        %add3A_594 = arith.addf %add3A_583, %mul3A_593 : vector<16xf32>
        %add3A_595 = arith.constant 8320 : i32
        %add3A_596 = vector.broadcast %add3A_595 : i32 to vector<16xi32>
        %add3A_597 = arith.addi %add3A_492, %add3A_596 : vector<16xi32>
        %gather3A_598 = tpu.vector_load_idx %arg10[%add3A_597] : memref<32768xf32, #tpu.memory_space<vmem>>[vector<16xi32>], vector<16xf32>,
        %get3A_599 = arith.constant 9 : i32
        %get3A_600 = arith.index_cast %rem3A_34 : i32 to index
        %get3A_601 = arith.index_cast %get3A_599 : i32 to index
        %get3A_602 = arith.index_cast %mul3A_494 : i32 to index
        %get3A_603 = tpu.vector_load %arg11[%get3A_600, %get3A_601, %get3A_602] {strides = array<i32>} : memref<2x32x512xf32, #tpu.memory_space<vmem>>, vector<16xf32>,
        %mul3A_604 = arith.mulf %gather3A_598, %get3A_603 : vector<16xf32>
        %add3A_605 = arith.addf %add3A_594, %mul3A_604 : vector<16xf32>
        %add3A_606 = arith.constant 8448 : i32
        %add3A_607 = vector.broadcast %add3A_606 : i32 to vector<16xi32>
        %add3A_608 = arith.addi %add3A_492, %add3A_607 : vector<16xi32>
        %gather3A_609 = tpu.vector_load_idx %arg10[%add3A_608] : memref<32768xf32, #tpu.memory_space<vmem>>[vector<16xi32>], vector<16xf32>,
        %get3A_610 = arith.constant 10 : i32
        %get3A_611 = arith.index_cast %rem3A_34 : i32 to index
        %get3A_612 = arith.index_cast %get3A_610 : i32 to index
        %get3A_613 = arith.index_cast %mul3A_494 : i32 to index
        %get3A_614 = tpu.vector_load %arg11[%get3A_611, %get3A_612, %get3A_613] {strides = array<i32>} : memref<2x32x512xf32, #tpu.memory_space<vmem>>, vector<16xf32>,
        %mul3A_615 = arith.mulf %gather3A_609, %get3A_614 : vector<16xf32>
        %add3A_616 = arith.addf %add3A_605, %mul3A_615 : vector<16xf32>
        %add3A_617 = arith.constant 8576 : i32
        %add3A_618 = vector.broadcast %add3A_617 : i32 to vector<16xi32>
        %add3A_619 = arith.addi %add3A_492, %add3A_618 : vector<16xi32>
        %gather3A_620 = tpu.vector_load_idx %arg10[%add3A_619] : memref<32768xf32, #tpu.memory_space<vmem>>[vector<16xi32>], vector<16xf32>,
        %get3A_621 = arith.constant 11 : i32
        %get3A_622 = arith.index_cast %rem3A_34 : i32 to index
        %get3A_623 = arith.index_cast %get3A_621 : i32 to index
        %get3A_624 = arith.index_cast %mul3A_494 : i32 to index
        %get3A_625 = tpu.vector_load %arg11[%get3A_622, %get3A_623, %get3A_624] {strides = array<i32>} : memref<2x32x512xf32, #tpu.memory_space<vmem>>, vector<16xf32>,
        %mul3A_626 = arith.mulf %gather3A_620, %get3A_625 : vector<16xf32>
        %add3A_627 = arith.addf %add3A_616, %mul3A_626 : vector<16xf32>
        %add3A_628 = arith.constant 8704 : i32
        %add3A_629 = vector.broadcast %add3A_628 : i32 to vector<16xi32>
        %add3A_630 = arith.addi %add3A_492, %add3A_629 : vector<16xi32>
        %gather3A_631 = tpu.vector_load_idx %arg10[%add3A_630] : memref<32768xf32, #tpu.memory_space<vmem>>[vector<16xi32>], vector<16xf32>,
        %get3A_632 = arith.constant 12 : i32
        %get3A_633 = arith.index_cast %rem3A_34 : i32 to index
        %get3A_634 = arith.index_cast %get3A_632 : i32 to index
        %get3A_635 = arith.index_cast %mul3A_494 : i32 to index
        %get3A_636 = tpu.vector_load %arg11[%get3A_633, %get3A_634, %get3A_635] {strides = array<i32>} : memref<2x32x512xf32, #tpu.memory_space<vmem>>, vector<16xf32>,
        %mul3A_637 = arith.mulf %gather3A_631, %get3A_636 : vector<16xf32>
        %add3A_638 = arith.addf %add3A_627, %mul3A_637 : vector<16xf32>
        %add3A_639 = arith.constant 8832 : i32
        %add3A_640 = vector.broadcast %add3A_639 : i32 to vector<16xi32>
        %add3A_641 = arith.addi %add3A_492, %add3A_640 : vector<16xi32>
        %gather3A_642 = tpu.vector_load_idx %arg10[%add3A_641] : memref<32768xf32, #tpu.memory_space<vmem>>[vector<16xi32>], vector<16xf32>,
        %get3A_643 = arith.constant 13 : i32
        %get3A_644 = arith.index_cast %rem3A_34 : i32 to index
        %get3A_645 = arith.index_cast %get3A_643 : i32 to index
        %get3A_646 = arith.index_cast %mul3A_494 : i32 to index
        %get3A_647 = tpu.vector_load %arg11[%get3A_644, %get3A_645, %get3A_646] {strides = array<i32>} : memref<2x32x512xf32, #tpu.memory_space<vmem>>, vector<16xf32>,
        %mul3A_648 = arith.mulf %gather3A_642, %get3A_647 : vector<16xf32>
        %add3A_649 = arith.addf %add3A_638, %mul3A_648 : vector<16xf32>
        %add3A_650 = arith.constant 8960 : i32
        %add3A_651 = vector.broadcast %add3A_650 : i32 to vector<16xi32>
        %add3A_652 = arith.addi %add3A_492, %add3A_651 : vector<16xi32>
        %gather3A_653 = tpu.vector_load_idx %arg10[%add3A_652] : memref<32768xf32, #tpu.memory_space<vmem>>[vector<16xi32>], vector<16xf32>,
        %get3A_654 = arith.constant 14 : i32
        %get3A_655 = arith.index_cast %rem3A_34 : i32 to index
        %get3A_656 = arith.index_cast %get3A_654 : i32 to index
        %get3A_657 = arith.index_cast %mul3A_494 : i32 to index
        %get3A_658 = tpu.vector_load %arg11[%get3A_655, %get3A_656, %get3A_657] {strides = array<i32>} : memref<2x32x512xf32, #tpu.memory_space<vmem>>, vector<16xf32>,
        %mul3A_659 = arith.mulf %gather3A_653, %get3A_658 : vector<16xf32>
        %add3A_660 = arith.addf %add3A_649, %mul3A_659 : vector<16xf32>
        %add3A_661 = arith.constant 9088 : i32
        %add3A_662 = vector.broadcast %add3A_661 : i32 to vector<16xi32>
        %add3A_663 = arith.addi %add3A_492, %add3A_662 : vector<16xi32>
        %gather3A_664 = tpu.vector_load_idx %arg10[%add3A_663] : memref<32768xf32, #tpu.memory_space<vmem>>[vector<16xi32>], vector<16xf32>,
        %get3A_665 = arith.constant 15 : i32
        %get3A_666 = arith.index_cast %rem3A_34 : i32 to index
        %get3A_667 = arith.index_cast %get3A_665 : i32 to index
        %get3A_668 = arith.index_cast %mul3A_494 : i32 to index
        %get3A_669 = tpu.vector_load %arg11[%get3A_666, %get3A_667, %get3A_668] {strides = array<i32>} : memref<2x32x512xf32, #tpu.memory_space<vmem>>, vector<16xf32>,
        %mul3A_670 = arith.mulf %gather3A_664, %get3A_669 : vector<16xf32>
        %add3A_671 = arith.addf %add3A_660, %mul3A_670 : vector<16xf32>
        %add3A_672 = arith.constant 16384 : i32
        %add3A_673 = vector.broadcast %add3A_672 : i32 to vector<16xi32>
        %add3A_674 = arith.addi %add3A_492, %add3A_673 : vector<16xi32>
        %gather3A_675 = tpu.vector_load_idx %arg10[%add3A_674] : memref<32768xf32, #tpu.memory_space<vmem>>[vector<16xi32>], vector<16xf32>,
        %get3A_676 = arith.constant 16 : i32
        %get3A_677 = arith.index_cast %rem3A_34 : i32 to index
        %get3A_678 = arith.index_cast %get3A_676 : i32 to index
        %get3A_679 = arith.index_cast %mul3A_494 : i32 to index
        %get3A_680 = tpu.vector_load %arg11[%get3A_677, %get3A_678, %get3A_679] {strides = array<i32>} : memref<2x32x512xf32, #tpu.memory_space<vmem>>, vector<16xf32>,
        %mul3A_681 = arith.mulf %gather3A_675, %get3A_680 : vector<16xf32>
        %add3A_682 = arith.addf %add3A_671, %mul3A_681 : vector<16xf32>
        %add3A_683 = arith.constant 16512 : i32
        %add3A_684 = vector.broadcast %add3A_683 : i32 to vector<16xi32>
        %add3A_685 = arith.addi %add3A_492, %add3A_684 : vector<16xi32>
        %gather3A_686 = tpu.vector_load_idx %arg10[%add3A_685] : memref<32768xf32, #tpu.memory_space<vmem>>[vector<16xi32>], vector<16xf32>,
        %get3A_687 = arith.constant 17 : i32
        %get3A_688 = arith.index_cast %rem3A_34 : i32 to index
        %get3A_689 = arith.index_cast %get3A_687 : i32 to index
        %get3A_690 = arith.index_cast %mul3A_494 : i32 to index
        %get3A_691 = tpu.vector_load %arg11[%get3A_688, %get3A_689, %get3A_690] {strides = array<i32>} : memref<2x32x512xf32, #tpu.memory_space<vmem>>, vector<16xf32>,
        %mul3A_692 = arith.mulf %gather3A_686, %get3A_691 : vector<16xf32>
        %add3A_693 = arith.addf %add3A_682, %mul3A_692 : vector<16xf32>
        %add3A_694 = arith.constant 16640 : i32
        %add3A_695 = vector.broadcast %add3A_694 : i32 to vector<16xi32>
        %add3A_696 = arith.addi %add3A_492, %add3A_695 : vector<16xi32>
        %gather3A_697 = tpu.vector_load_idx %arg10[%add3A_696] : memref<32768xf32, #tpu.memory_space<vmem>>[vector<16xi32>], vector<16xf32>,
        %get3A_698 = arith.constant 18 : i32
        %get3A_699 = arith.index_cast %rem3A_34 : i32 to index
        %get3A_700 = arith.index_cast %get3A_698 : i32 to index
        %get3A_701 = arith.index_cast %mul3A_494 : i32 to index
        %get3A_702 = tpu.vector_load %arg11[%get3A_699, %get3A_700, %get3A_701] {strides = array<i32>} : memref<2x32x512xf32, #tpu.memory_space<vmem>>, vector<16xf32>,
        %mul3A_703 = arith.mulf %gather3A_697, %get3A_702 : vector<16xf32>
        %add3A_704 = arith.addf %add3A_693, %mul3A_703 : vector<16xf32>
        %add3A_705 = arith.constant 16768 : i32
        %add3A_706 = vector.broadcast %add3A_705 : i32 to vector<16xi32>
        %add3A_707 = arith.addi %add3A_492, %add3A_706 : vector<16xi32>
        %gather3A_708 = tpu.vector_load_idx %arg10[%add3A_707] : memref<32768xf32, #tpu.memory_space<vmem>>[vector<16xi32>], vector<16xf32>,
        %get3A_709 = arith.constant 19 : i32
        %get3A_710 = arith.index_cast %rem3A_34 : i32 to index
        %get3A_711 = arith.index_cast %get3A_709 : i32 to index
        %get3A_712 = arith.index_cast %mul3A_494 : i32 to index
        %get3A_713 = tpu.vector_load %arg11[%get3A_710, %get3A_711, %get3A_712] {strides = array<i32>} : memref<2x32x512xf32, #tpu.memory_space<vmem>>, vector<16xf32>,
        %mul3A_714 = arith.mulf %gather3A_708, %get3A_713 : vector<16xf32>
        %add3A_715 = arith.addf %add3A_704, %mul3A_714 : vector<16xf32>
        %add3A_716 = arith.constant 16896 : i32
        %add3A_717 = vector.broadcast %add3A_716 : i32 to vector<16xi32>
        %add3A_718 = arith.addi %add3A_492, %add3A_717 : vector<16xi32>
        %gather3A_719 = tpu.vector_load_idx %arg10[%add3A_718] : memref<32768xf32, #tpu.memory_space<vmem>>[vector<16xi32>], vector<16xf32>,
        %get3A_720 = arith.constant 20 : i32
        %get3A_721 = arith.index_cast %rem3A_34 : i32 to index
        %get3A_722 = arith.index_cast %get3A_720 : i32 to index
        %get3A_723 = arith.index_cast %mul3A_494 : i32 to index
        %get3A_724 = tpu.vector_load %arg11[%get3A_721, %get3A_722, %get3A_723] {strides = array<i32>} : memref<2x32x512xf32, #tpu.memory_space<vmem>>, vector<16xf32>,
        %mul3A_725 = arith.mulf %gather3A_719, %get3A_724 : vector<16xf32>
        %add3A_726 = arith.addf %add3A_715, %mul3A_725 : vector<16xf32>
        %add3A_727 = arith.constant 17024 : i32
        %add3A_728 = vector.broadcast %add3A_727 : i32 to vector<16xi32>
        %add3A_729 = arith.addi %add3A_492, %add3A_728 : vector<16xi32>
        %gather3A_730 = tpu.vector_load_idx %arg10[%add3A_729] : memref<32768xf32, #tpu.memory_space<vmem>>[vector<16xi32>], vector<16xf32>,
        %get3A_731 = arith.constant 21 : i32
        %get3A_732 = arith.index_cast %rem3A_34 : i32 to index
        %get3A_733 = arith.index_cast %get3A_731 : i32 to index
        %get3A_734 = arith.index_cast %mul3A_494 : i32 to index
        %get3A_735 = tpu.vector_load %arg11[%get3A_732, %get3A_733, %get3A_734] {strides = array<i32>} : memref<2x32x512xf32, #tpu.memory_space<vmem>>, vector<16xf32>,
        %mul3A_736 = arith.mulf %gather3A_730, %get3A_735 : vector<16xf32>
        %add3A_737 = arith.addf %add3A_726, %mul3A_736 : vector<16xf32>
        %add3A_738 = arith.constant 17152 : i32
        %add3A_739 = vector.broadcast %add3A_738 : i32 to vector<16xi32>
        %add3A_740 = arith.addi %add3A_492, %add3A_739 : vector<16xi32>
        %gather3A_741 = tpu.vector_load_idx %arg10[%add3A_740] : memref<32768xf32, #tpu.memory_space<vmem>>[vector<16xi32>], vector<16xf32>,
        %get3A_742 = arith.constant 22 : i32
        %get3A_743 = arith.index_cast %rem3A_34 : i32 to index
        %get3A_744 = arith.index_cast %get3A_742 : i32 to index
        %get3A_745 = arith.index_cast %mul3A_494 : i32 to index
        %get3A_746 = tpu.vector_load %arg11[%get3A_743, %get3A_744, %get3A_745] {strides = array<i32>} : memref<2x32x512xf32, #tpu.memory_space<vmem>>, vector<16xf32>,
        %mul3A_747 = arith.mulf %gather3A_741, %get3A_746 : vector<16xf32>
        %add3A_748 = arith.addf %add3A_737, %mul3A_747 : vector<16xf32>
        %add3A_749 = arith.constant 17280 : i32
        %add3A_750 = vector.broadcast %add3A_749 : i32 to vector<16xi32>
        %add3A_751 = arith.addi %add3A_492, %add3A_750 : vector<16xi32>
        %gather3A_752 = tpu.vector_load_idx %arg10[%add3A_751] : memref<32768xf32, #tpu.memory_space<vmem>>[vector<16xi32>], vector<16xf32>,
        %get3A_753 = arith.constant 23 : i32
        %get3A_754 = arith.index_cast %rem3A_34 : i32 to index
        %get3A_755 = arith.index_cast %get3A_753 : i32 to index
        %get3A_756 = arith.index_cast %mul3A_494 : i32 to index
        %get3A_757 = tpu.vector_load %arg11[%get3A_754, %get3A_755, %get3A_756] {strides = array<i32>} : memref<2x32x512xf32, #tpu.memory_space<vmem>>, vector<16xf32>,
        %mul3A_758 = arith.mulf %gather3A_752, %get3A_757 : vector<16xf32>
        %add3A_759 = arith.addf %add3A_748, %mul3A_758 : vector<16xf32>
        %add3A_760 = arith.constant 24576 : i32
        %add3A_761 = vector.broadcast %add3A_760 : i32 to vector<16xi32>
        %add3A_762 = arith.addi %add3A_492, %add3A_761 : vector<16xi32>
        %gather3A_763 = tpu.vector_load_idx %arg10[%add3A_762] : memref<32768xf32, #tpu.memory_space<vmem>>[vector<16xi32>], vector<16xf32>,
        %get3A_764 = arith.constant 24 : i32
        %get3A_765 = arith.index_cast %rem3A_34 : i32 to index
        %get3A_766 = arith.index_cast %get3A_764 : i32 to index
        %get3A_767 = arith.index_cast %mul3A_494 : i32 to index
        %get3A_768 = tpu.vector_load %arg11[%get3A_765, %get3A_766, %get3A_767] {strides = array<i32>} : memref<2x32x512xf32, #tpu.memory_space<vmem>>, vector<16xf32>,
        %mul3A_769 = arith.mulf %gather3A_763, %get3A_768 : vector<16xf32>
        %add3A_770 = arith.addf %add3A_759, %mul3A_769 : vector<16xf32>
        %add3A_771 = arith.constant 24704 : i32
        %add3A_772 = vector.broadcast %add3A_771 : i32 to vector<16xi32>
        %add3A_773 = arith.addi %add3A_492, %add3A_772 : vector<16xi32>
        %gather3A_774 = tpu.vector_load_idx %arg10[%add3A_773] : memref<32768xf32, #tpu.memory_space<vmem>>[vector<16xi32>], vector<16xf32>,
        %get3A_775 = arith.constant 25 : i32
        %get3A_776 = arith.index_cast %rem3A_34 : i32 to index
        %get3A_777 = arith.index_cast %get3A_775 : i32 to index
        %get3A_778 = arith.index_cast %mul3A_494 : i32 to index
        %get3A_779 = tpu.vector_load %arg11[%get3A_776, %get3A_777, %get3A_778] {strides = array<i32>} : memref<2x32x512xf32, #tpu.memory_space<vmem>>, vector<16xf32>,
        %mul3A_780 = arith.mulf %gather3A_774, %get3A_779 : vector<16xf32>
        %add3A_781 = arith.addf %add3A_770, %mul3A_780 : vector<16xf32>
        %add3A_782 = arith.constant 24832 : i32
        %add3A_783 = vector.broadcast %add3A_782 : i32 to vector<16xi32>
        %add3A_784 = arith.addi %add3A_492, %add3A_783 : vector<16xi32>
        %gather3A_785 = tpu.vector_load_idx %arg10[%add3A_784] : memref<32768xf32, #tpu.memory_space<vmem>>[vector<16xi32>], vector<16xf32>,
        %get3A_786 = arith.constant 26 : i32
        %get3A_787 = arith.index_cast %rem3A_34 : i32 to index
        %get3A_788 = arith.index_cast %get3A_786 : i32 to index
        %get3A_789 = arith.index_cast %mul3A_494 : i32 to index
        %get3A_790 = tpu.vector_load %arg11[%get3A_787, %get3A_788, %get3A_789] {strides = array<i32>} : memref<2x32x512xf32, #tpu.memory_space<vmem>>, vector<16xf32>,
        %mul3A_791 = arith.mulf %gather3A_785, %get3A_790 : vector<16xf32>
        %add3A_792 = arith.addf %add3A_781, %mul3A_791 : vector<16xf32>
        %add3A_793 = arith.constant 24960 : i32
        %add3A_794 = vector.broadcast %add3A_793 : i32 to vector<16xi32>
        %add3A_795 = arith.addi %add3A_492, %add3A_794 : vector<16xi32>
        %gather3A_796 = tpu.vector_load_idx %arg10[%add3A_795] : memref<32768xf32, #tpu.memory_space<vmem>>[vector<16xi32>], vector<16xf32>,
        %get3A_797 = arith.constant 27 : i32
        %get3A_798 = arith.index_cast %rem3A_34 : i32 to index
        %get3A_799 = arith.index_cast %get3A_797 : i32 to index
        %get3A_800 = arith.index_cast %mul3A_494 : i32 to index
        %get3A_801 = tpu.vector_load %arg11[%get3A_798, %get3A_799, %get3A_800] {strides = array<i32>} : memref<2x32x512xf32, #tpu.memory_space<vmem>>, vector<16xf32>,
        %mul3A_802 = arith.mulf %gather3A_796, %get3A_801 : vector<16xf32>
        %add3A_803 = arith.addf %add3A_792, %mul3A_802 : vector<16xf32>
        %add3A_804 = arith.constant 25088 : i32
        %add3A_805 = vector.broadcast %add3A_804 : i32 to vector<16xi32>
        %add3A_806 = arith.addi %add3A_492, %add3A_805 : vector<16xi32>
        %gather3A_807 = tpu.vector_load_idx %arg10[%add3A_806] : memref<32768xf32, #tpu.memory_space<vmem>>[vector<16xi32>], vector<16xf32>,
        %get3A_808 = arith.constant 28 : i32
        %get3A_809 = arith.index_cast %rem3A_34 : i32 to index
        %get3A_810 = arith.index_cast %get3A_808 : i32 to index
        %get3A_811 = arith.index_cast %mul3A_494 : i32 to index
        %get3A_812 = tpu.vector_load %arg11[%get3A_809, %get3A_810, %get3A_811] {strides = array<i32>} : memref<2x32x512xf32, #tpu.memory_space<vmem>>, vector<16xf32>,
        %mul3A_813 = arith.mulf %gather3A_807, %get3A_812 : vector<16xf32>
        %add3A_814 = arith.addf %add3A_803, %mul3A_813 : vector<16xf32>
        %add3A_815 = arith.constant 25216 : i32
        %add3A_816 = vector.broadcast %add3A_815 : i32 to vector<16xi32>
        %add3A_817 = arith.addi %add3A_492, %add3A_816 : vector<16xi32>
        %gather3A_818 = tpu.vector_load_idx %arg10[%add3A_817] : memref<32768xf32, #tpu.memory_space<vmem>>[vector<16xi32>], vector<16xf32>,
        %get3A_819 = arith.constant 29 : i32
        %get3A_820 = arith.index_cast %rem3A_34 : i32 to index
        %get3A_821 = arith.index_cast %get3A_819 : i32 to index
        %get3A_822 = arith.index_cast %mul3A_494 : i32 to index
        %get3A_823 = tpu.vector_load %arg11[%get3A_820, %get3A_821, %get3A_822] {strides = array<i32>} : memref<2x32x512xf32, #tpu.memory_space<vmem>>, vector<16xf32>,
        %mul3A_824 = arith.mulf %gather3A_818, %get3A_823 : vector<16xf32>
        %add3A_825 = arith.addf %add3A_814, %mul3A_824 : vector<16xf32>
        %add3A_826 = arith.constant 25344 : i32
        %add3A_827 = vector.broadcast %add3A_826 : i32 to vector<16xi32>
        %add3A_828 = arith.addi %add3A_492, %add3A_827 : vector<16xi32>
        %gather3A_829 = tpu.vector_load_idx %arg10[%add3A_828] : memref<32768xf32, #tpu.memory_space<vmem>>[vector<16xi32>], vector<16xf32>,
        %get3A_830 = arith.constant 30 : i32
        %get3A_831 = arith.index_cast %rem3A_34 : i32 to index
        %get3A_832 = arith.index_cast %get3A_830 : i32 to index
        %get3A_833 = arith.index_cast %mul3A_494 : i32 to index
        %get3A_834 = tpu.vector_load %arg11[%get3A_831, %get3A_832, %get3A_833] {strides = array<i32>} : memref<2x32x512xf32, #tpu.memory_space<vmem>>, vector<16xf32>,
        %mul3A_835 = arith.mulf %gather3A_829, %get3A_834 : vector<16xf32>
        %add3A_836 = arith.addf %add3A_825, %mul3A_835 : vector<16xf32>
        %add3A_837 = arith.constant 25472 : i32
        %add3A_838 = vector.broadcast %add3A_837 : i32 to vector<16xi32>
        %add3A_839 = arith.addi %add3A_492, %add3A_838 : vector<16xi32>
        %gather3A_840 = tpu.vector_load_idx %arg10[%add3A_839] : memref<32768xf32, #tpu.memory_space<vmem>>[vector<16xi32>], vector<16xf32>,
        %get3A_841 = arith.constant 31 : i32
        %get3A_842 = arith.index_cast %rem3A_34 : i32 to index
        %get3A_843 = arith.index_cast %get3A_841 : i32 to index
        %get3A_844 = arith.index_cast %mul3A_494 : i32 to index
        %get3A_845 = tpu.vector_load %arg11[%get3A_842, %get3A_843, %get3A_844] {strides = array<i32>} : memref<2x32x512xf32, #tpu.memory_space<vmem>>, vector<16xf32>,
        %mul3A_846 = arith.mulf %gather3A_840, %get3A_845 : vector<16xf32>
        %add3A_847 = arith.addf %add3A_836, %mul3A_846 : vector<16xf32>
        %swap3A = arith.index_cast %mul3A_494 : i32 to index
        %swap3A_848 = tpu.vector_load %arg12[%swap3A] {strides = array<i32>} : memref<512xf32, #tpu.memory_space<vmem>>, vector<16xf32>,
        tpu.vector_store %arg12[%swap3A], %add3A_847 {strides = array<i32>} : memref<512xf32, #tpu.memory_space<vmem>>, vector<16xf32>,
        %scan3A_849 = arith.constant 0 : i32
        scf.yield %scan3A_849 : i32
      }
      %scan3A_445 = arith.constant 32 : i32
      %scan3A_446 = arith.constant 0 : i32
      scf.yield %scan3A_446 : i32
    }
    %scan3A_29 = arith.constant 13 : i32
    %mul3A_30 = arith.constant 512 : i32
    %mul3A_31 = arith.muli %add3A, %mul3A_30 : i32
    "tpu.region"() ({
      %run_scoped3A = tpu.sem_alloc : memref<!tpu.dma_semaphore, #tpu.memory_space<semaphore_mem>>
      %dma_start3A = tpu.memref_slice %arg6[%mul3A_31] : memref<16384xf32, #tpu.memory_space<hbm>> -> memref<512xf32, #tpu.memory_space<hbm>>
      %dma_start3A_32 = tpu.memref_slice %arg6[%mul3A_31] : memref<16384xf32, #tpu.memory_space<hbm>> -> memref<512xf32, #tpu.memory_space<hbm>>
      tpu.enqueue_dma source(%arg12 : memref<512xf32, #tpu.memory_space<vmem>>) target(%dma_start3A_32 : memref<512xf32, #tpu.memory_space<hbm>>) target_semaphore(%run_scoped3A : memref<!tpu.dma_semaphore, #tpu.memory_space<semaphore_mem>>)
      %dma_wait3A = tpu.memref_slice %arg6[%mul3A_31] : memref<16384xf32, #tpu.memory_space<hbm>> -> memref<512xf32, #tpu.memory_space<hbm>>
      %dma_wait3A_33 = tpu.memref_slice %arg6[%mul3A_31] : memref<16384xf32, #tpu.memory_space<hbm>> -> memref<512xf32, #tpu.memory_space<hbm>>
      tpu.wait_dma2 semaphore(%run_scoped3A : memref<!tpu.dma_semaphore, #tpu.memory_space<semaphore_mem>>) src(%arg12 : memref<512xf32, #tpu.memory_space<vmem>>) dst(%dma_wait3A_33 : memref<512xf32, #tpu.memory_space<hbm>>)
      tpu.yield
    }) : () -> ()
    return
  }
}

#map = affine_map<(d0, d1) -> (0, 0)>
#map1 = affine_map<(d0, d1) -> (0, 0, 0)>
#map2 = affine_map<(d0, d1) -> (0)>
module attributes {stable_mosaic.version = 14 : i64} {
  func.func @_fields_body(%arg0: i32, %arg1: i32, %arg2: memref<128x128xi32, #tpu.memory_space<hbm>>, %arg3: memref<26x128x128xi32, #tpu.memory_space<hbm>>, %arg4: memref<41639936xf32, #tpu.memory_space<hbm>>, %arg5: memref<851968xf32, #tpu.memory_space<hbm>>, %arg6: memref<16384xf32, #tpu.memory_space<hbm>>, %arg7: memref<4x128xi32, #tpu.memory_space<vmem>>, %arg8: memref<512xi32, #tpu.memory_space<vmem>>, %arg9: memref<4x128xi32, #tpu.memory_space<vmem>>, %arg10: memref<32768xf32, #tpu.memory_space<vmem>>, %arg11: memref<2x32x512xf32, #tpu.memory_space<vmem>>, %arg12: memref<512xf32, #tpu.memory_space<vmem>>, %arg13: memref<!tpu.dma_semaphore, #tpu.memory_space<semaphore_mem>>, %arg14: memref<!tpu.dma_semaphore, #tpu.memory_space<semaphore_mem>>) attributes {dimension_semantics = [#tpu.dimension_semantics<core_parallel>, #tpu.dimension_semantics<subcore_parallel>], iteration_bounds = array<i64: 2, 16>, scalar_prefetch = 0 : i64, scratch_operands = 8 : i64, tpu.core_type = #tpu.core_type<sc_vector_subcore>, window_params = [{transform_indices = #map}, {transform_indices = #map1}, {transform_indices = #map2}, {transform_indices = #map2}, {transform_indices = #map2}]} {
    %mul3A = arith.constant 2 : i32
    %mul3A_0 = arith.muli %arg1, %mul3A : i32
    %add3A = arith.addi %mul3A_0, %arg0 : i32
    %mul3A_1 = arith.constant 4 : i32
    %mul3A_2 = arith.muli %add3A, %mul3A_1 : i32
    "tpu.region"() ({
      %run_scoped3A = tpu.sem_alloc : memref<!tpu.dma_semaphore, #tpu.memory_space<semaphore_mem>>
      %dma_start3A = arith.constant 0 : i32
      %dma_start3A_32 = tpu.memref_slice %arg2[%mul3A_2, %dma_start3A] : memref<128x128xi32, #tpu.memory_space<hbm>> -> memref<4x128xi32, #tpu.memory_space<hbm>>
      %dma_start3A_33 = arith.constant 0 : i32
      %dma_start3A_34 = tpu.memref_slice %arg2[%mul3A_2, %dma_start3A_33] : memref<128x128xi32, #tpu.memory_space<hbm>> -> memref<4x128xi32, #tpu.memory_space<hbm>>
      tpu.enqueue_dma source(%dma_start3A_34 : memref<4x128xi32, #tpu.memory_space<hbm>>) target(%arg7 : memref<4x128xi32, #tpu.memory_space<vmem>>) target_semaphore(%run_scoped3A : memref<!tpu.dma_semaphore, #tpu.memory_space<semaphore_mem>>)
      %dma_wait3A = arith.constant 0 : i32
      %dma_wait3A_35 = tpu.memref_slice %arg2[%mul3A_2, %dma_wait3A] : memref<128x128xi32, #tpu.memory_space<hbm>> -> memref<4x128xi32, #tpu.memory_space<hbm>>
      %dma_wait3A_36 = arith.constant 0 : i32
      %dma_wait3A_37 = tpu.memref_slice %arg2[%mul3A_2, %dma_wait3A_36] : memref<128x128xi32, #tpu.memory_space<hbm>> -> memref<4x128xi32, #tpu.memory_space<hbm>>
      tpu.wait_dma2 semaphore(%run_scoped3A : memref<!tpu.dma_semaphore, #tpu.memory_space<semaphore_mem>>) src(%dma_wait3A_37 : memref<4x128xi32, #tpu.memory_space<hbm>>) dst(%arg7 : memref<4x128xi32, #tpu.memory_space<vmem>>)
      tpu.yield
    }) : () -> ()
    %scan3A = arith.constant 0 : i32
    %scan3A_3 = arith.constant 0 : i32
    %scan3A_4 = arith.constant 32 : i32
    %scan3A_5 = arith.addi %scan3A_3, %scan3A_4 : i32
    %scan3A_6 = arith.constant 1 : i32
    %scan3A_7 = scf.for %scan3A_32 = %scan3A_3 to %scan3A_5 step %scan3A_6 iter_args(%scan3A_33 = %scan3A) -> (i32)  : i32 {
      %jit3A = arith.constant 8 : i32
      %div3A = arith.divsi %scan3A_32, %jit3A : i32
      %sign3A = arith.constant 0 : i32
      %sign3A_34 = arith.cmpi sgt, %scan3A_32, %sign3A : i32
      %sign3A_35 = arith.extui %sign3A_34 : i1 to i32
      %sign3A_36 = arith.constant 0 : i32
      %sign3A_37 = arith.cmpi slt, %scan3A_32, %sign3A_36 : i32
      %sign3A_38 = arith.extui %sign3A_37 : i1 to i32
      %sign3A_39 = arith.subi %sign3A_35, %sign3A_38 : i32
      %sign3A_40 = arith.constant 0 : i32
      %sign3A_41 = arith.cmpi sgt, %jit3A, %sign3A_40 : i32
      %sign3A_42 = arith.extui %sign3A_41 : i1 to i32
      %sign3A_43 = arith.constant 0 : i32
      %sign3A_44 = arith.cmpi slt, %jit3A, %sign3A_43 : i32
      %sign3A_45 = arith.extui %sign3A_44 : i1 to i32
      %sign3A_46 = arith.subi %sign3A_42, %sign3A_45 : i32
      %ne3A = arith.cmpi ne, %sign3A_39, %sign3A_46 : i32
      %rem3A = arith.remsi %scan3A_32, %jit3A : i32
      %ne3A_47 = arith.constant 0 : i32
      %ne3A_48 = arith.cmpi ne, %rem3A, %ne3A_47 : i32
      %and3A = arith.andi %ne3A, %ne3A_48 : i1
      %sub3A = arith.constant 1 : i32
      %sub3A_49 = arith.subi %div3A, %sub3A : i32
      %select_n3A = arith.select %and3A, %sub3A_49, %div3A : i32
      %jit3A_50 = arith.constant 8 : i32
      %eq3A = arith.constant 0 : i32
      %eq3A_51 = arith.cmpi eq, %jit3A_50, %eq3A : i32
      %jit3A_52 = arith.constant 1 : i32
      %select_n3A_53 = arith.select %eq3A_51, %jit3A_52, %jit3A_50 : i32
      %rem3A_54 = arith.remsi %scan3A_32, %select_n3A_53 : i32
      %ne3A_55 = arith.constant 0 : i32
      %ne3A_56 = arith.cmpi ne, %rem3A_54, %ne3A_55 : i32
      %lt3A = arith.constant 0 : i32
      %lt3A_57 = arith.cmpi slt, %rem3A_54, %lt3A : i32
      %lt3A_58 = arith.constant 0 : i32
      %lt3A_59 = arith.cmpi slt, %select_n3A_53, %lt3A_58 : i32
      %ne3A_60 = arith.xori %lt3A_57, %lt3A_59 : i1
      %and3A_61 = arith.andi %ne3A_60, %ne3A_56 : i1
      %add3A_62 = arith.addi %rem3A_54, %select_n3A_53 : i32
      %select_n3A_63 = arith.select %and3A_61, %add3A_62, %rem3A_54 : i32
      %mul3A_64 = arith.constant 16 : i32
      %mul3A_65 = arith.muli %select_n3A_63, %mul3A_64 : i32
      %get3A = arith.index_cast %select_n3A : i32 to index
      %get3A_66 = arith.index_cast %mul3A_65 : i32 to index
      %get3A_67 = tpu.vector_load %arg7[%get3A, %get3A_66] {strides = array<i32>} : memref<4x128xi32, #tpu.memory_space<vmem>>, vector<16xi32>,
      %shift_right_arithmetic3A = arith.constant 7 : i32
      %shift_right_arithmetic3A_68 = vector.broadcast %shift_right_arithmetic3A : i32 to vector<16xi32>
      %shift_right_arithmetic3A_69 = arith.shrsi %get3A_67, %shift_right_arithmetic3A_68 : vector<16xi32>
      %shift_left3A = arith.constant 10 : i32
      %shift_left3A_70 = vector.broadcast %shift_left3A : i32 to vector<16xi32>
      %shift_left3A_71 = arith.shli %shift_right_arithmetic3A_69, %shift_left3A_70 : vector<16xi32>
      %and3A_72 = arith.constant 127 : i32
      %and3A_73 = vector.broadcast %and3A_72 : i32 to vector<16xi32>
      %and3A_74 = arith.andi %get3A_67, %and3A_73 : vector<16xi32>
      %add3A_75 = arith.addi %shift_left3A_71, %and3A_74 : vector<16xi32>
      %mul3A_76 = arith.constant 16 : i32
      %mul3A_77 = arith.muli %scan3A_32, %mul3A_76 : i32
      %swap3A = arith.index_cast %mul3A_77 : i32 to index
      %swap3A_78 = tpu.vector_load %arg8[%swap3A] {strides = array<i32>} : memref<512xi32, #tpu.memory_space<vmem>>, vector<16xi32>,
      tpu.vector_store %arg8[%swap3A], %add3A_75 {strides = array<i32>} : memref<512xi32, #tpu.memory_space<vmem>>, vector<16xi32>,
      %scan3A_79 = arith.constant 0 : i32
      scf.yield %scan3A_79 : i32
    }
    %scan3A_8 = arith.constant 32 : i32
    %scan3A_9 = arith.constant 0 : i32
    %scan3A_10 = arith.constant 0 : i32
    %scan3A_11 = arith.constant 32 : i32
    %scan3A_12 = arith.addi %scan3A_10, %scan3A_11 : i32
    %scan3A_13 = arith.constant 1 : i32
    %scan3A_14 = scf.for %scan3A_32 = %scan3A_10 to %scan3A_12 step %scan3A_13 iter_args(%scan3A_33 = %scan3A_9) -> (i32)  : i32 {
      %broadcast_in_dim3A = arith.constant 0.000000e+00 : f32
      %broadcast_in_dim3A_34 = vector.broadcast %broadcast_in_dim3A : f32 to vector<16xf32>
      %mul3A_35 = arith.constant 16 : i32
      %mul3A_36 = arith.muli %scan3A_32, %mul3A_35 : i32
      %swap3A = arith.index_cast %mul3A_36 : i32 to index
      %swap3A_37 = tpu.vector_load %arg12[%swap3A] {strides = array<i32>} : memref<512xf32, #tpu.memory_space<vmem>>, vector<16xf32>,
      tpu.vector_store %arg12[%swap3A], %broadcast_in_dim3A_34 {strides = array<i32>} : memref<512xf32, #tpu.memory_space<vmem>>, vector<16xf32>,
      %scan3A_38 = arith.constant 0 : i32
      scf.yield %scan3A_38 : i32
    }
    %scan3A_15 = arith.constant 32 : i32
    %scan3A_16 = arith.constant 0 : i32
    %scan3A_17 = arith.constant 0 : i32
    %scan3A_18 = arith.constant 32 : i32
    %scan3A_19 = arith.addi %scan3A_17, %scan3A_18 : i32
    %scan3A_20 = arith.constant 1 : i32
    %scan3A_21 = scf.for %scan3A_32 = %scan3A_17 to %scan3A_19 step %scan3A_20 iter_args(%scan3A_33 = %scan3A_16) -> (i32)  : i32 {
      %shift_right_arithmetic3A = arith.constant 3 : i32
      %shift_right_arithmetic3A_34 = arith.shrsi %scan3A_32, %shift_right_arithmetic3A : i32
      %add3A_35 = arith.constant 0 : i32
      %add3A_36 = arith.addi %add3A_35, %shift_right_arithmetic3A_34 : i32
      %mul3A_37 = arith.constant 800768 : i32
      %mul3A_38 = arith.muli %add3A_36, %mul3A_37 : i32
      %and3A = arith.constant 7 : i32
      %and3A_39 = arith.andi %scan3A_32, %and3A : i32
      %mul3A_40 = arith.constant 128 : i32
      %mul3A_41 = arith.muli %and3A_39, %mul3A_40 : i32
      %add3A_42 = arith.addi %mul3A_38, %mul3A_41 : i32
      %dma_start3A = arith.constant 0 : i32
      %dma_start3A_43 = arith.constant 0 : i32
      %dma_start3A_44 = tpu.memref_slice %arg11[%dma_start3A, %scan3A_32, %dma_start3A_43] : memref<2x32x512xf32, #tpu.memory_space<vmem>> -> memref<1x1x512xf32, #tpu.memory_space<vmem>>
      %dma_start3A_45 = tpu.memref_squeeze %dma_start3A_44 : memref<1x1x512xf32, #tpu.memory_space<vmem>> -> memref<512xf32, #tpu.memory_space<vmem>>
      %dma_start3A_46 = tpu.memref_slice %arg4[%add3A_42] : memref<41639936xf32, #tpu.memory_space<hbm>> -> memref<799872xf32, #tpu.memory_space<hbm>>
      %dma_start3A_47 = arith.constant 0 : i32
      %dma_start3A_48 = tpu.memref_slice %dma_start3A_46[%dma_start3A_47] : memref<799872xf32, #tpu.memory_space<hbm>> -> memref<799872xf32, #tpu.memory_space<hbm>>
      tpu.enqueue_indirect_dma source(%dma_start3A_48 : memref<799872xf32, #tpu.memory_space<hbm>>) target(%dma_start3A_45 : memref<512xf32, #tpu.memory_space<vmem>>) offsets(%arg8 : memref<512xi32, #tpu.memory_space<vmem>>) semaphore(%arg13 : memref<!tpu.dma_semaphore, #tpu.memory_space<semaphore_mem>>)
      %scan3A_49 = arith.constant 0 : i32
      scf.yield %scan3A_49 : i32
    }
    %scan3A_22 = arith.constant 32 : i32
    %scan3A_23 = arith.constant 0 : i32
    %scan3A_24 = arith.constant 0 : i32
    %scan3A_25 = arith.constant 13 : i32
    %scan3A_26 = arith.addi %scan3A_24, %scan3A_25 : i32
    %scan3A_27 = arith.constant 1 : i32
    %scan3A_28 = scf.for %scan3A_32 = %scan3A_24 to %scan3A_26 step %scan3A_27 iter_args(%scan3A_33 = %scan3A_23) -> (i32)  : i32 {
      %rem3A = arith.constant 2 : i32
      %rem3A_34 = arith.remsi %scan3A_32, %rem3A : i32
      %add3A_35 = arith.constant 0 : i32
      %add3A_36 = arith.addi %scan3A_32, %add3A_35 : i32
      %mul3A_37 = arith.constant 32768 : i32
      %mul3A_38 = arith.muli %add3A_36, %mul3A_37 : i32
      %dma_start3A = tpu.memref_slice %arg5[%mul3A_38] : memref<851968xf32, #tpu.memory_space<hbm>> -> memref<32768xf32, #tpu.memory_space<hbm>>
      %dma_start3A_39 = tpu.memref_slice %arg5[%mul3A_38] : memref<851968xf32, #tpu.memory_space<hbm>> -> memref<32768xf32, #tpu.memory_space<hbm>>
      tpu.enqueue_dma source(%dma_start3A_39 : memref<32768xf32, #tpu.memory_space<hbm>>) target(%arg10 : memref<32768xf32, #tpu.memory_space<vmem>>) target_semaphore(%arg14 : memref<!tpu.dma_semaphore, #tpu.memory_space<semaphore_mem>>)
      %dma_start3A_40 = arith.constant 0 : i32
      %dma_start3A_41 = tpu.memref_slice %arg3[%add3A_36, %mul3A_2, %dma_start3A_40] : memref<26x128x128xi32, #tpu.memory_space<hbm>> -> memref<1x4x128xi32, #tpu.memory_space<hbm>>
      %dma_start3A_42 = tpu.memref_squeeze %dma_start3A_41 : memref<1x4x128xi32, #tpu.memory_space<hbm>> -> memref<4x128xi32, #tpu.memory_space<hbm>>
      %dma_start3A_43 = arith.constant 0 : i32
      %dma_start3A_44 = tpu.memref_slice %arg3[%add3A_36, %mul3A_2, %dma_start3A_43] : memref<26x128x128xi32, #tpu.memory_space<hbm>> -> memref<1x4x128xi32, #tpu.memory_space<hbm>>
      %dma_start3A_45 = tpu.memref_squeeze %dma_start3A_44 : memref<1x4x128xi32, #tpu.memory_space<hbm>> -> memref<4x128xi32, #tpu.memory_space<hbm>>
      tpu.enqueue_dma source(%dma_start3A_45 : memref<4x128xi32, #tpu.memory_space<hbm>>) target(%arg9 : memref<4x128xi32, #tpu.memory_space<vmem>>) target_semaphore(%arg14 : memref<!tpu.dma_semaphore, #tpu.memory_space<semaphore_mem>>)
      %lt3A = arith.constant 12 : i32
      %lt3A_46 = arith.cmpi slt, %scan3A_32, %lt3A : i32
      %convert_element_type3A = arith.extui %lt3A_46 : i1 to i32
      %cond3A = arith.constant 0 : i32
      %cond3A_47 = arith.cmpi ne, %convert_element_type3A, %cond3A : i32
      scf.if %cond3A_47 {
        %add3A_447 = arith.constant 1 : i32
        %add3A_448 = arith.addi %scan3A_32, %add3A_447 : i32
        %sub3A = arith.constant 1 : i32
        %sub3A_449 = arith.subi %sub3A, %rem3A_34 : i32
        %scan3A_450 = arith.constant 0 : i32
        %scan3A_451 = arith.constant 0 : i32
        %scan3A_452 = arith.constant 32 : i32
        %scan3A_453 = arith.addi %scan3A_451, %scan3A_452 : i32
        %scan3A_454 = arith.constant 1 : i32
        %scan3A_455 = scf.for %scan3A_457 = %scan3A_451 to %scan3A_453 step %scan3A_454 iter_args(%scan3A_458 = %scan3A_450) -> (i32)  : i32 {
          %mul3A_459 = arith.constant 4 : i32
          %mul3A_460 = arith.muli %add3A_448, %mul3A_459 : i32
          %shift_right_arithmetic3A = arith.constant 3 : i32
          %shift_right_arithmetic3A_461 = arith.shrsi %scan3A_457, %shift_right_arithmetic3A : i32
          %add3A_462 = arith.addi %mul3A_460, %shift_right_arithmetic3A_461 : i32
          %mul3A_463 = arith.constant 800768 : i32
          %mul3A_464 = arith.muli %add3A_462, %mul3A_463 : i32
          %and3A = arith.constant 7 : i32
          %and3A_465 = arith.andi %scan3A_457, %and3A : i32
          %mul3A_466 = arith.constant 128 : i32
          %mul3A_467 = arith.muli %and3A_465, %mul3A_466 : i32
          %add3A_468 = arith.addi %mul3A_464, %mul3A_467 : i32
          %dma_start3A_469 = arith.constant 0 : i32
          %dma_start3A_470 = tpu.memref_slice %arg11[%sub3A_449, %scan3A_457, %dma_start3A_469] : memref<2x32x512xf32, #tpu.memory_space<vmem>> -> memref<1x1x512xf32, #tpu.memory_space<vmem>>
          %dma_start3A_471 = tpu.memref_squeeze %dma_start3A_470 : memref<1x1x512xf32, #tpu.memory_space<vmem>> -> memref<512xf32, #tpu.memory_space<vmem>>
          %dma_start3A_472 = tpu.memref_slice %arg4[%add3A_468] : memref<41639936xf32, #tpu.memory_space<hbm>> -> memref<799872xf32, #tpu.memory_space<hbm>>
          %dma_start3A_473 = arith.constant 0 : i32
          %dma_start3A_474 = tpu.memref_slice %dma_start3A_472[%dma_start3A_473] : memref<799872xf32, #tpu.memory_space<hbm>> -> memref<799872xf32, #tpu.memory_space<hbm>>
          tpu.enqueue_indirect_dma source(%dma_start3A_474 : memref<799872xf32, #tpu.memory_space<hbm>>) target(%dma_start3A_471 : memref<512xf32, #tpu.memory_space<vmem>>) offsets(%arg8 : memref<512xi32, #tpu.memory_space<vmem>>) semaphore(%arg13 : memref<!tpu.dma_semaphore, #tpu.memory_space<semaphore_mem>>)
          %scan3A_475 = arith.constant 0 : i32
          scf.yield %scan3A_475 : i32
        }
        %scan3A_456 = arith.constant 32 : i32
      } else {
      }
      %dma_wait3A = arith.constant 0 : i32
      %dma_wait3A_48 = arith.constant 0 : i32
      %dma_wait3A_49 = arith.constant 0 : i32
      %dma_wait3A_50 = tpu.memref_slice %arg11[%dma_wait3A, %dma_wait3A_48, %dma_wait3A_49] : memref<2x32x512xf32, #tpu.memory_space<vmem>> -> memref<1x1x512xf32, #tpu.memory_space<vmem>>
      %dma_wait3A_51 = tpu.memref_squeeze %dma_wait3A_50 : memref<1x1x512xf32, #tpu.memory_space<vmem>> -> memref<512xf32, #tpu.memory_space<vmem>>
      %dma_wait3A_52 = arith.constant 0 : i32
      %dma_wait3A_53 = tpu.memref_slice %arg5[%dma_wait3A_52] : memref<851968xf32, #tpu.memory_space<hbm>> -> memref<512xf32, #tpu.memory_space<hbm>>
      %dma_wait3A_54 = arith.constant 0 : i32
      %dma_wait3A_55 = tpu.memref_slice %arg11[%dma_wait3A, %dma_wait3A_48, %dma_wait3A_54] : memref<2x32x512xf32, #tpu.memory_space<vmem>> -> memref<1x1x512xf32, #tpu.memory_space<vmem>>
      %dma_wait3A_56 = tpu.memref_squeeze %dma_wait3A_55 : memref<1x1x512xf32, #tpu.memory_space<vmem>> -> memref<512xf32, #tpu.memory_space<vmem>>
      %dma_wait3A_57 = arith.constant 0 : i32
      %dma_wait3A_58 = tpu.memref_slice %arg5[%dma_wait3A_57] : memref<851968xf32, #tpu.memory_space<hbm>> -> memref<512xf32, #tpu.memory_space<hbm>>
      tpu.wait_dma2 semaphore(%arg13 : memref<!tpu.dma_semaphore, #tpu.memory_space<semaphore_mem>>) src(%dma_wait3A_58 : memref<512xf32, #tpu.memory_space<hbm>>) dst(%dma_wait3A_56 : memref<512xf32, #tpu.memory_space<vmem>>)
      %dma_wait3A_59 = arith.constant 0 : i32
      %dma_wait3A_60 = arith.constant 0 : i32
      %dma_wait3A_61 = arith.constant 0 : i32
      %dma_wait3A_62 = tpu.memref_slice %arg11[%dma_wait3A_59, %dma_wait3A_60, %dma_wait3A_61] : memref<2x32x512xf32, #tpu.memory_space<vmem>> -> memref<1x1x512xf32, #tpu.memory_space<vmem>>
      %dma_wait3A_63 = tpu.memref_squeeze %dma_wait3A_62 : memref<1x1x512xf32, #tpu.memory_space<vmem>> -> memref<512xf32, #tpu.memory_space<vmem>>
      %dma_wait3A_64 = arith.constant 0 : i32
      %dma_wait3A_65 = tpu.memref_slice %arg5[%dma_wait3A_64] : memref<851968xf32, #tpu.memory_space<hbm>> -> memref<512xf32, #tpu.memory_space<hbm>>
      %dma_wait3A_66 = arith.constant 0 : i32
      %dma_wait3A_67 = tpu.memref_slice %arg11[%dma_wait3A_59, %dma_wait3A_60, %dma_wait3A_66] : memref<2x32x512xf32, #tpu.memory_space<vmem>> -> memref<1x1x512xf32, #tpu.memory_space<vmem>>
      %dma_wait3A_68 = tpu.memref_squeeze %dma_wait3A_67 : memref<1x1x512xf32, #tpu.memory_space<vmem>> -> memref<512xf32, #tpu.memory_space<vmem>>
      %dma_wait3A_69 = arith.constant 0 : i32
      %dma_wait3A_70 = tpu.memref_slice %arg5[%dma_wait3A_69] : memref<851968xf32, #tpu.memory_space<hbm>> -> memref<512xf32, #tpu.memory_space<hbm>>
      tpu.wait_dma2 semaphore(%arg13 : memref<!tpu.dma_semaphore, #tpu.memory_space<semaphore_mem>>) src(%dma_wait3A_70 : memref<512xf32, #tpu.memory_space<hbm>>) dst(%dma_wait3A_68 : memref<512xf32, #tpu.memory_space<vmem>>)
      %dma_wait3A_71 = arith.constant 0 : i32
      %dma_wait3A_72 = arith.constant 0 : i32
      %dma_wait3A_73 = arith.constant 0 : i32
      %dma_wait3A_74 = tpu.memref_slice %arg11[%dma_wait3A_71, %dma_wait3A_72, %dma_wait3A_73] : memref<2x32x512xf32, #tpu.memory_space<vmem>> -> memref<1x1x512xf32, #tpu.memory_space<vmem>>
      %dma_wait3A_75 = tpu.memref_squeeze %dma_wait3A_74 : memref<1x1x512xf32, #tpu.memory_space<vmem>> -> memref<512xf32, #tpu.memory_space<vmem>>
      %dma_wait3A_76 = arith.constant 0 : i32
      %dma_wait3A_77 = tpu.memref_slice %arg5[%dma_wait3A_76] : memref<851968xf32, #tpu.memory_space<hbm>> -> memref<512xf32, #tpu.memory_space<hbm>>
      %dma_wait3A_78 = arith.constant 0 : i32
      %dma_wait3A_79 = tpu.memref_slice %arg11[%dma_wait3A_71, %dma_wait3A_72, %dma_wait3A_78] : memref<2x32x512xf32, #tpu.memory_space<vmem>> -> memref<1x1x512xf32, #tpu.memory_space<vmem>>
      %dma_wait3A_80 = tpu.memref_squeeze %dma_wait3A_79 : memref<1x1x512xf32, #tpu.memory_space<vmem>> -> memref<512xf32, #tpu.memory_space<vmem>>
      %dma_wait3A_81 = arith.constant 0 : i32
      %dma_wait3A_82 = tpu.memref_slice %arg5[%dma_wait3A_81] : memref<851968xf32, #tpu.memory_space<hbm>> -> memref<512xf32, #tpu.memory_space<hbm>>
      tpu.wait_dma2 semaphore(%arg13 : memref<!tpu.dma_semaphore, #tpu.memory_space<semaphore_mem>>) src(%dma_wait3A_82 : memref<512xf32, #tpu.memory_space<hbm>>) dst(%dma_wait3A_80 : memref<512xf32, #tpu.memory_space<vmem>>)
      %dma_wait3A_83 = arith.constant 0 : i32
      %dma_wait3A_84 = arith.constant 0 : i32
      %dma_wait3A_85 = arith.constant 0 : i32
      %dma_wait3A_86 = tpu.memref_slice %arg11[%dma_wait3A_83, %dma_wait3A_84, %dma_wait3A_85] : memref<2x32x512xf32, #tpu.memory_space<vmem>> -> memref<1x1x512xf32, #tpu.memory_space<vmem>>
      %dma_wait3A_87 = tpu.memref_squeeze %dma_wait3A_86 : memref<1x1x512xf32, #tpu.memory_space<vmem>> -> memref<512xf32, #tpu.memory_space<vmem>>
      %dma_wait3A_88 = arith.constant 0 : i32
      %dma_wait3A_89 = tpu.memref_slice %arg5[%dma_wait3A_88] : memref<851968xf32, #tpu.memory_space<hbm>> -> memref<512xf32, #tpu.memory_space<hbm>>
      %dma_wait3A_90 = arith.constant 0 : i32
      %dma_wait3A_91 = tpu.memref_slice %arg11[%dma_wait3A_83, %dma_wait3A_84, %dma_wait3A_90] : memref<2x32x512xf32, #tpu.memory_space<vmem>> -> memref<1x1x512xf32, #tpu.memory_space<vmem>>
      %dma_wait3A_92 = tpu.memref_squeeze %dma_wait3A_91 : memref<1x1x512xf32, #tpu.memory_space<vmem>> -> memref<512xf32, #tpu.memory_space<vmem>>
      %dma_wait3A_93 = arith.constant 0 : i32
      %dma_wait3A_94 = tpu.memref_slice %arg5[%dma_wait3A_93] : memref<851968xf32, #tpu.memory_space<hbm>> -> memref<512xf32, #tpu.memory_space<hbm>>
      tpu.wait_dma2 semaphore(%arg13 : memref<!tpu.dma_semaphore, #tpu.memory_space<semaphore_mem>>) src(%dma_wait3A_94 : memref<512xf32, #tpu.memory_space<hbm>>) dst(%dma_wait3A_92 : memref<512xf32, #tpu.memory_space<vmem>>)
      %dma_wait3A_95 = arith.constant 0 : i32
      %dma_wait3A_96 = arith.constant 0 : i32
      %dma_wait3A_97 = arith.constant 0 : i32
      %dma_wait3A_98 = tpu.memref_slice %arg11[%dma_wait3A_95, %dma_wait3A_96, %dma_wait3A_97] : memref<2x32x512xf32, #tpu.memory_space<vmem>> -> memref<1x1x512xf32, #tpu.memory_space<vmem>>
      %dma_wait3A_99 = tpu.memref_squeeze %dma_wait3A_98 : memref<1x1x512xf32, #tpu.memory_space<vmem>> -> memref<512xf32, #tpu.memory_space<vmem>>
      %dma_wait3A_100 = arith.constant 0 : i32
      %dma_wait3A_101 = tpu.memref_slice %arg5[%dma_wait3A_100] : memref<851968xf32, #tpu.memory_space<hbm>> -> memref<512xf32, #tpu.memory_space<hbm>>
      %dma_wait3A_102 = arith.constant 0 : i32
      %dma_wait3A_103 = tpu.memref_slice %arg11[%dma_wait3A_95, %dma_wait3A_96, %dma_wait3A_102] : memref<2x32x512xf32, #tpu.memory_space<vmem>> -> memref<1x1x512xf32, #tpu.memory_space<vmem>>
      %dma_wait3A_104 = tpu.memref_squeeze %dma_wait3A_103 : memref<1x1x512xf32, #tpu.memory_space<vmem>> -> memref<512xf32, #tpu.memory_space<vmem>>
      %dma_wait3A_105 = arith.constant 0 : i32
      %dma_wait3A_106 = tpu.memref_slice %arg5[%dma_wait3A_105] : memref<851968xf32, #tpu.memory_space<hbm>> -> memref<512xf32, #tpu.memory_space<hbm>>
      tpu.wait_dma2 semaphore(%arg13 : memref<!tpu.dma_semaphore, #tpu.memory_space<semaphore_mem>>) src(%dma_wait3A_106 : memref<512xf32, #tpu.memory_space<hbm>>) dst(%dma_wait3A_104 : memref<512xf32, #tpu.memory_space<vmem>>)
      %dma_wait3A_107 = arith.constant 0 : i32
      %dma_wait3A_108 = arith.constant 0 : i32
      %dma_wait3A_109 = arith.constant 0 : i32
      %dma_wait3A_110 = tpu.memref_slice %arg11[%dma_wait3A_107, %dma_wait3A_108, %dma_wait3A_109] : memref<2x32x512xf32, #tpu.memory_space<vmem>> -> memref<1x1x512xf32, #tpu.memory_space<vmem>>
      %dma_wait3A_111 = tpu.memref_squeeze %dma_wait3A_110 : memref<1x1x512xf32, #tpu.memory_space<vmem>> -> memref<512xf32, #tpu.memory_space<vmem>>
      %dma_wait3A_112 = arith.constant 0 : i32
      %dma_wait3A_113 = tpu.memref_slice %arg5[%dma_wait3A_112] : memref<851968xf32, #tpu.memory_space<hbm>> -> memref<512xf32, #tpu.memory_space<hbm>>
      %dma_wait3A_114 = arith.constant 0 : i32
      %dma_wait3A_115 = tpu.memref_slice %arg11[%dma_wait3A_107, %dma_wait3A_108, %dma_wait3A_114] : memref<2x32x512xf32, #tpu.memory_space<vmem>> -> memref<1x1x512xf32, #tpu.memory_space<vmem>>
      %dma_wait3A_116 = tpu.memref_squeeze %dma_wait3A_115 : memref<1x1x512xf32, #tpu.memory_space<vmem>> -> memref<512xf32, #tpu.memory_space<vmem>>
      %dma_wait3A_117 = arith.constant 0 : i32
      %dma_wait3A_118 = tpu.memref_slice %arg5[%dma_wait3A_117] : memref<851968xf32, #tpu.memory_space<hbm>> -> memref<512xf32, #tpu.memory_space<hbm>>
      tpu.wait_dma2 semaphore(%arg13 : memref<!tpu.dma_semaphore, #tpu.memory_space<semaphore_mem>>) src(%dma_wait3A_118 : memref<512xf32, #tpu.memory_space<hbm>>) dst(%dma_wait3A_116 : memref<512xf32, #tpu.memory_space<vmem>>)
      %dma_wait3A_119 = arith.constant 0 : i32
      %dma_wait3A_120 = arith.constant 0 : i32
      %dma_wait3A_121 = arith.constant 0 : i32
      %dma_wait3A_122 = tpu.memref_slice %arg11[%dma_wait3A_119, %dma_wait3A_120, %dma_wait3A_121] : memref<2x32x512xf32, #tpu.memory_space<vmem>> -> memref<1x1x512xf32, #tpu.memory_space<vmem>>
      %dma_wait3A_123 = tpu.memref_squeeze %dma_wait3A_122 : memref<1x1x512xf32, #tpu.memory_space<vmem>> -> memref<512xf32, #tpu.memory_space<vmem>>
      %dma_wait3A_124 = arith.constant 0 : i32
      %dma_wait3A_125 = tpu.memref_slice %arg5[%dma_wait3A_124] : memref<851968xf32, #tpu.memory_space<hbm>> -> memref<512xf32, #tpu.memory_space<hbm>>
      %dma_wait3A_126 = arith.constant 0 : i32
      %dma_wait3A_127 = tpu.memref_slice %arg11[%dma_wait3A_119, %dma_wait3A_120, %dma_wait3A_126] : memref<2x32x512xf32, #tpu.memory_space<vmem>> -> memref<1x1x512xf32, #tpu.memory_space<vmem>>
      %dma_wait3A_128 = tpu.memref_squeeze %dma_wait3A_127 : memref<1x1x512xf32, #tpu.memory_space<vmem>> -> memref<512xf32, #tpu.memory_space<vmem>>
      %dma_wait3A_129 = arith.constant 0 : i32
      %dma_wait3A_130 = tpu.memref_slice %arg5[%dma_wait3A_129] : memref<851968xf32, #tpu.memory_space<hbm>> -> memref<512xf32, #tpu.memory_space<hbm>>
      tpu.wait_dma2 semaphore(%arg13 : memref<!tpu.dma_semaphore, #tpu.memory_space<semaphore_mem>>) src(%dma_wait3A_130 : memref<512xf32, #tpu.memory_space<hbm>>) dst(%dma_wait3A_128 : memref<512xf32, #tpu.memory_space<vmem>>)
      %dma_wait3A_131 = arith.constant 0 : i32
      %dma_wait3A_132 = arith.constant 0 : i32
      %dma_wait3A_133 = arith.constant 0 : i32
      %dma_wait3A_134 = tpu.memref_slice %arg11[%dma_wait3A_131, %dma_wait3A_132, %dma_wait3A_133] : memref<2x32x512xf32, #tpu.memory_space<vmem>> -> memref<1x1x512xf32, #tpu.memory_space<vmem>>
      %dma_wait3A_135 = tpu.memref_squeeze %dma_wait3A_134 : memref<1x1x512xf32, #tpu.memory_space<vmem>> -> memref<512xf32, #tpu.memory_space<vmem>>
      %dma_wait3A_136 = arith.constant 0 : i32
      %dma_wait3A_137 = tpu.memref_slice %arg5[%dma_wait3A_136] : memref<851968xf32, #tpu.memory_space<hbm>> -> memref<512xf32, #tpu.memory_space<hbm>>
      %dma_wait3A_138 = arith.constant 0 : i32
      %dma_wait3A_139 = tpu.memref_slice %arg11[%dma_wait3A_131, %dma_wait3A_132, %dma_wait3A_138] : memref<2x32x512xf32, #tpu.memory_space<vmem>> -> memref<1x1x512xf32, #tpu.memory_space<vmem>>
      %dma_wait3A_140 = tpu.memref_squeeze %dma_wait3A_139 : memref<1x1x512xf32, #tpu.memory_space<vmem>> -> memref<512xf32, #tpu.memory_space<vmem>>
      %dma_wait3A_141 = arith.constant 0 : i32
      %dma_wait3A_142 = tpu.memref_slice %arg5[%dma_wait3A_141] : memref<851968xf32, #tpu.memory_space<hbm>> -> memref<512xf32, #tpu.memory_space<hbm>>
      tpu.wait_dma2 semaphore(%arg13 : memref<!tpu.dma_semaphore, #tpu.memory_space<semaphore_mem>>) src(%dma_wait3A_142 : memref<512xf32, #tpu.memory_space<hbm>>) dst(%dma_wait3A_140 : memref<512xf32, #tpu.memory_space<vmem>>)
      %dma_wait3A_143 = arith.constant 0 : i32
      %dma_wait3A_144 = arith.constant 0 : i32
      %dma_wait3A_145 = arith.constant 0 : i32
      %dma_wait3A_146 = tpu.memref_slice %arg11[%dma_wait3A_143, %dma_wait3A_144, %dma_wait3A_145] : memref<2x32x512xf32, #tpu.memory_space<vmem>> -> memref<1x1x512xf32, #tpu.memory_space<vmem>>
      %dma_wait3A_147 = tpu.memref_squeeze %dma_wait3A_146 : memref<1x1x512xf32, #tpu.memory_space<vmem>> -> memref<512xf32, #tpu.memory_space<vmem>>
      %dma_wait3A_148 = arith.constant 0 : i32
      %dma_wait3A_149 = tpu.memref_slice %arg5[%dma_wait3A_148] : memref<851968xf32, #tpu.memory_space<hbm>> -> memref<512xf32, #tpu.memory_space<hbm>>
      %dma_wait3A_150 = arith.constant 0 : i32
      %dma_wait3A_151 = tpu.memref_slice %arg11[%dma_wait3A_143, %dma_wait3A_144, %dma_wait3A_150] : memref<2x32x512xf32, #tpu.memory_space<vmem>> -> memref<1x1x512xf32, #tpu.memory_space<vmem>>
      %dma_wait3A_152 = tpu.memref_squeeze %dma_wait3A_151 : memref<1x1x512xf32, #tpu.memory_space<vmem>> -> memref<512xf32, #tpu.memory_space<vmem>>
      %dma_wait3A_153 = arith.constant 0 : i32
      %dma_wait3A_154 = tpu.memref_slice %arg5[%dma_wait3A_153] : memref<851968xf32, #tpu.memory_space<hbm>> -> memref<512xf32, #tpu.memory_space<hbm>>
      tpu.wait_dma2 semaphore(%arg13 : memref<!tpu.dma_semaphore, #tpu.memory_space<semaphore_mem>>) src(%dma_wait3A_154 : memref<512xf32, #tpu.memory_space<hbm>>) dst(%dma_wait3A_152 : memref<512xf32, #tpu.memory_space<vmem>>)
      %dma_wait3A_155 = arith.constant 0 : i32
      %dma_wait3A_156 = arith.constant 0 : i32
      %dma_wait3A_157 = arith.constant 0 : i32
      %dma_wait3A_158 = tpu.memref_slice %arg11[%dma_wait3A_155, %dma_wait3A_156, %dma_wait3A_157] : memref<2x32x512xf32, #tpu.memory_space<vmem>> -> memref<1x1x512xf32, #tpu.memory_space<vmem>>
      %dma_wait3A_159 = tpu.memref_squeeze %dma_wait3A_158 : memref<1x1x512xf32, #tpu.memory_space<vmem>> -> memref<512xf32, #tpu.memory_space<vmem>>
      %dma_wait3A_160 = arith.constant 0 : i32
      %dma_wait3A_161 = tpu.memref_slice %arg5[%dma_wait3A_160] : memref<851968xf32, #tpu.memory_space<hbm>> -> memref<512xf32, #tpu.memory_space<hbm>>
      %dma_wait3A_162 = arith.constant 0 : i32
      %dma_wait3A_163 = tpu.memref_slice %arg11[%dma_wait3A_155, %dma_wait3A_156, %dma_wait3A_162] : memref<2x32x512xf32, #tpu.memory_space<vmem>> -> memref<1x1x512xf32, #tpu.memory_space<vmem>>
      %dma_wait3A_164 = tpu.memref_squeeze %dma_wait3A_163 : memref<1x1x512xf32, #tpu.memory_space<vmem>> -> memref<512xf32, #tpu.memory_space<vmem>>
      %dma_wait3A_165 = arith.constant 0 : i32
      %dma_wait3A_166 = tpu.memref_slice %arg5[%dma_wait3A_165] : memref<851968xf32, #tpu.memory_space<hbm>> -> memref<512xf32, #tpu.memory_space<hbm>>
      tpu.wait_dma2 semaphore(%arg13 : memref<!tpu.dma_semaphore, #tpu.memory_space<semaphore_mem>>) src(%dma_wait3A_166 : memref<512xf32, #tpu.memory_space<hbm>>) dst(%dma_wait3A_164 : memref<512xf32, #tpu.memory_space<vmem>>)
      %dma_wait3A_167 = arith.constant 0 : i32
      %dma_wait3A_168 = arith.constant 0 : i32
      %dma_wait3A_169 = arith.constant 0 : i32
      %dma_wait3A_170 = tpu.memref_slice %arg11[%dma_wait3A_167, %dma_wait3A_168, %dma_wait3A_169] : memref<2x32x512xf32, #tpu.memory_space<vmem>> -> memref<1x1x512xf32, #tpu.memory_space<vmem>>
      %dma_wait3A_171 = tpu.memref_squeeze %dma_wait3A_170 : memref<1x1x512xf32, #tpu.memory_space<vmem>> -> memref<512xf32, #tpu.memory_space<vmem>>
      %dma_wait3A_172 = arith.constant 0 : i32
      %dma_wait3A_173 = tpu.memref_slice %arg5[%dma_wait3A_172] : memref<851968xf32, #tpu.memory_space<hbm>> -> memref<512xf32, #tpu.memory_space<hbm>>
      %dma_wait3A_174 = arith.constant 0 : i32
      %dma_wait3A_175 = tpu.memref_slice %arg11[%dma_wait3A_167, %dma_wait3A_168, %dma_wait3A_174] : memref<2x32x512xf32, #tpu.memory_space<vmem>> -> memref<1x1x512xf32, #tpu.memory_space<vmem>>
      %dma_wait3A_176 = tpu.memref_squeeze %dma_wait3A_175 : memref<1x1x512xf32, #tpu.memory_space<vmem>> -> memref<512xf32, #tpu.memory_space<vmem>>
      %dma_wait3A_177 = arith.constant 0 : i32
      %dma_wait3A_178 = tpu.memref_slice %arg5[%dma_wait3A_177] : memref<851968xf32, #tpu.memory_space<hbm>> -> memref<512xf32, #tpu.memory_space<hbm>>
      tpu.wait_dma2 semaphore(%arg13 : memref<!tpu.dma_semaphore, #tpu.memory_space<semaphore_mem>>) src(%dma_wait3A_178 : memref<512xf32, #tpu.memory_space<hbm>>) dst(%dma_wait3A_176 : memref<512xf32, #tpu.memory_space<vmem>>)
      %dma_wait3A_179 = arith.constant 0 : i32
      %dma_wait3A_180 = arith.constant 0 : i32
      %dma_wait3A_181 = arith.constant 0 : i32
      %dma_wait3A_182 = tpu.memref_slice %arg11[%dma_wait3A_179, %dma_wait3A_180, %dma_wait3A_181] : memref<2x32x512xf32, #tpu.memory_space<vmem>> -> memref<1x1x512xf32, #tpu.memory_space<vmem>>
      %dma_wait3A_183 = tpu.memref_squeeze %dma_wait3A_182 : memref<1x1x512xf32, #tpu.memory_space<vmem>> -> memref<512xf32, #tpu.memory_space<vmem>>
      %dma_wait3A_184 = arith.constant 0 : i32
      %dma_wait3A_185 = tpu.memref_slice %arg5[%dma_wait3A_184] : memref<851968xf32, #tpu.memory_space<hbm>> -> memref<512xf32, #tpu.memory_space<hbm>>
      %dma_wait3A_186 = arith.constant 0 : i32
      %dma_wait3A_187 = tpu.memref_slice %arg11[%dma_wait3A_179, %dma_wait3A_180, %dma_wait3A_186] : memref<2x32x512xf32, #tpu.memory_space<vmem>> -> memref<1x1x512xf32, #tpu.memory_space<vmem>>
      %dma_wait3A_188 = tpu.memref_squeeze %dma_wait3A_187 : memref<1x1x512xf32, #tpu.memory_space<vmem>> -> memref<512xf32, #tpu.memory_space<vmem>>
      %dma_wait3A_189 = arith.constant 0 : i32
      %dma_wait3A_190 = tpu.memref_slice %arg5[%dma_wait3A_189] : memref<851968xf32, #tpu.memory_space<hbm>> -> memref<512xf32, #tpu.memory_space<hbm>>
      tpu.wait_dma2 semaphore(%arg13 : memref<!tpu.dma_semaphore, #tpu.memory_space<semaphore_mem>>) src(%dma_wait3A_190 : memref<512xf32, #tpu.memory_space<hbm>>) dst(%dma_wait3A_188 : memref<512xf32, #tpu.memory_space<vmem>>)
      %dma_wait3A_191 = arith.constant 0 : i32
      %dma_wait3A_192 = arith.constant 0 : i32
      %dma_wait3A_193 = arith.constant 0 : i32
      %dma_wait3A_194 = tpu.memref_slice %arg11[%dma_wait3A_191, %dma_wait3A_192, %dma_wait3A_193] : memref<2x32x512xf32, #tpu.memory_space<vmem>> -> memref<1x1x512xf32, #tpu.memory_space<vmem>>
      %dma_wait3A_195 = tpu.memref_squeeze %dma_wait3A_194 : memref<1x1x512xf32, #tpu.memory_space<vmem>> -> memref<512xf32, #tpu.memory_space<vmem>>
      %dma_wait3A_196 = arith.constant 0 : i32
      %dma_wait3A_197 = tpu.memref_slice %arg5[%dma_wait3A_196] : memref<851968xf32, #tpu.memory_space<hbm>> -> memref<512xf32, #tpu.memory_space<hbm>>
      %dma_wait3A_198 = arith.constant 0 : i32
      %dma_wait3A_199 = tpu.memref_slice %arg11[%dma_wait3A_191, %dma_wait3A_192, %dma_wait3A_198] : memref<2x32x512xf32, #tpu.memory_space<vmem>> -> memref<1x1x512xf32, #tpu.memory_space<vmem>>
      %dma_wait3A_200 = tpu.memref_squeeze %dma_wait3A_199 : memref<1x1x512xf32, #tpu.memory_space<vmem>> -> memref<512xf32, #tpu.memory_space<vmem>>
      %dma_wait3A_201 = arith.constant 0 : i32
      %dma_wait3A_202 = tpu.memref_slice %arg5[%dma_wait3A_201] : memref<851968xf32, #tpu.memory_space<hbm>> -> memref<512xf32, #tpu.memory_space<hbm>>
      tpu.wait_dma2 semaphore(%arg13 : memref<!tpu.dma_semaphore, #tpu.memory_space<semaphore_mem>>) src(%dma_wait3A_202 : memref<512xf32, #tpu.memory_space<hbm>>) dst(%dma_wait3A_200 : memref<512xf32, #tpu.memory_space<vmem>>)
      %dma_wait3A_203 = arith.constant 0 : i32
      %dma_wait3A_204 = arith.constant 0 : i32
      %dma_wait3A_205 = arith.constant 0 : i32
      %dma_wait3A_206 = tpu.memref_slice %arg11[%dma_wait3A_203, %dma_wait3A_204, %dma_wait3A_205] : memref<2x32x512xf32, #tpu.memory_space<vmem>> -> memref<1x1x512xf32, #tpu.memory_space<vmem>>
      %dma_wait3A_207 = tpu.memref_squeeze %dma_wait3A_206 : memref<1x1x512xf32, #tpu.memory_space<vmem>> -> memref<512xf32, #tpu.memory_space<vmem>>
      %dma_wait3A_208 = arith.constant 0 : i32
      %dma_wait3A_209 = tpu.memref_slice %arg5[%dma_wait3A_208] : memref<851968xf32, #tpu.memory_space<hbm>> -> memref<512xf32, #tpu.memory_space<hbm>>
      %dma_wait3A_210 = arith.constant 0 : i32
      %dma_wait3A_211 = tpu.memref_slice %arg11[%dma_wait3A_203, %dma_wait3A_204, %dma_wait3A_210] : memref<2x32x512xf32, #tpu.memory_space<vmem>> -> memref<1x1x512xf32, #tpu.memory_space<vmem>>
      %dma_wait3A_212 = tpu.memref_squeeze %dma_wait3A_211 : memref<1x1x512xf32, #tpu.memory_space<vmem>> -> memref<512xf32, #tpu.memory_space<vmem>>
      %dma_wait3A_213 = arith.constant 0 : i32
      %dma_wait3A_214 = tpu.memref_slice %arg5[%dma_wait3A_213] : memref<851968xf32, #tpu.memory_space<hbm>> -> memref<512xf32, #tpu.memory_space<hbm>>
      tpu.wait_dma2 semaphore(%arg13 : memref<!tpu.dma_semaphore, #tpu.memory_space<semaphore_mem>>) src(%dma_wait3A_214 : memref<512xf32, #tpu.memory_space<hbm>>) dst(%dma_wait3A_212 : memref<512xf32, #tpu.memory_space<vmem>>)
      %dma_wait3A_215 = arith.constant 0 : i32
      %dma_wait3A_216 = arith.constant 0 : i32
      %dma_wait3A_217 = arith.constant 0 : i32
      %dma_wait3A_218 = tpu.memref_slice %arg11[%dma_wait3A_215, %dma_wait3A_216, %dma_wait3A_217] : memref<2x32x512xf32, #tpu.memory_space<vmem>> -> memref<1x1x512xf32, #tpu.memory_space<vmem>>
      %dma_wait3A_219 = tpu.memref_squeeze %dma_wait3A_218 : memref<1x1x512xf32, #tpu.memory_space<vmem>> -> memref<512xf32, #tpu.memory_space<vmem>>
      %dma_wait3A_220 = arith.constant 0 : i32
      %dma_wait3A_221 = tpu.memref_slice %arg5[%dma_wait3A_220] : memref<851968xf32, #tpu.memory_space<hbm>> -> memref<512xf32, #tpu.memory_space<hbm>>
      %dma_wait3A_222 = arith.constant 0 : i32
      %dma_wait3A_223 = tpu.memref_slice %arg11[%dma_wait3A_215, %dma_wait3A_216, %dma_wait3A_222] : memref<2x32x512xf32, #tpu.memory_space<vmem>> -> memref<1x1x512xf32, #tpu.memory_space<vmem>>
      %dma_wait3A_224 = tpu.memref_squeeze %dma_wait3A_223 : memref<1x1x512xf32, #tpu.memory_space<vmem>> -> memref<512xf32, #tpu.memory_space<vmem>>
      %dma_wait3A_225 = arith.constant 0 : i32
      %dma_wait3A_226 = tpu.memref_slice %arg5[%dma_wait3A_225] : memref<851968xf32, #tpu.memory_space<hbm>> -> memref<512xf32, #tpu.memory_space<hbm>>
      tpu.wait_dma2 semaphore(%arg13 : memref<!tpu.dma_semaphore, #tpu.memory_space<semaphore_mem>>) src(%dma_wait3A_226 : memref<512xf32, #tpu.memory_space<hbm>>) dst(%dma_wait3A_224 : memref<512xf32, #tpu.memory_space<vmem>>)
      %dma_wait3A_227 = arith.constant 0 : i32
      %dma_wait3A_228 = arith.constant 0 : i32
      %dma_wait3A_229 = arith.constant 0 : i32
      %dma_wait3A_230 = tpu.memref_slice %arg11[%dma_wait3A_227, %dma_wait3A_228, %dma_wait3A_229] : memref<2x32x512xf32, #tpu.memory_space<vmem>> -> memref<1x1x512xf32, #tpu.memory_space<vmem>>
      %dma_wait3A_231 = tpu.memref_squeeze %dma_wait3A_230 : memref<1x1x512xf32, #tpu.memory_space<vmem>> -> memref<512xf32, #tpu.memory_space<vmem>>
      %dma_wait3A_232 = arith.constant 0 : i32
      %dma_wait3A_233 = tpu.memref_slice %arg5[%dma_wait3A_232] : memref<851968xf32, #tpu.memory_space<hbm>> -> memref<512xf32, #tpu.memory_space<hbm>>
      %dma_wait3A_234 = arith.constant 0 : i32
      %dma_wait3A_235 = tpu.memref_slice %arg11[%dma_wait3A_227, %dma_wait3A_228, %dma_wait3A_234] : memref<2x32x512xf32, #tpu.memory_space<vmem>> -> memref<1x1x512xf32, #tpu.memory_space<vmem>>
      %dma_wait3A_236 = tpu.memref_squeeze %dma_wait3A_235 : memref<1x1x512xf32, #tpu.memory_space<vmem>> -> memref<512xf32, #tpu.memory_space<vmem>>
      %dma_wait3A_237 = arith.constant 0 : i32
      %dma_wait3A_238 = tpu.memref_slice %arg5[%dma_wait3A_237] : memref<851968xf32, #tpu.memory_space<hbm>> -> memref<512xf32, #tpu.memory_space<hbm>>
      tpu.wait_dma2 semaphore(%arg13 : memref<!tpu.dma_semaphore, #tpu.memory_space<semaphore_mem>>) src(%dma_wait3A_238 : memref<512xf32, #tpu.memory_space<hbm>>) dst(%dma_wait3A_236 : memref<512xf32, #tpu.memory_space<vmem>>)
      %dma_wait3A_239 = arith.constant 0 : i32
      %dma_wait3A_240 = arith.constant 0 : i32
      %dma_wait3A_241 = arith.constant 0 : i32
      %dma_wait3A_242 = tpu.memref_slice %arg11[%dma_wait3A_239, %dma_wait3A_240, %dma_wait3A_241] : memref<2x32x512xf32, #tpu.memory_space<vmem>> -> memref<1x1x512xf32, #tpu.memory_space<vmem>>
      %dma_wait3A_243 = tpu.memref_squeeze %dma_wait3A_242 : memref<1x1x512xf32, #tpu.memory_space<vmem>> -> memref<512xf32, #tpu.memory_space<vmem>>
      %dma_wait3A_244 = arith.constant 0 : i32
      %dma_wait3A_245 = tpu.memref_slice %arg5[%dma_wait3A_244] : memref<851968xf32, #tpu.memory_space<hbm>> -> memref<512xf32, #tpu.memory_space<hbm>>
      %dma_wait3A_246 = arith.constant 0 : i32
      %dma_wait3A_247 = tpu.memref_slice %arg11[%dma_wait3A_239, %dma_wait3A_240, %dma_wait3A_246] : memref<2x32x512xf32, #tpu.memory_space<vmem>> -> memref<1x1x512xf32, #tpu.memory_space<vmem>>
      %dma_wait3A_248 = tpu.memref_squeeze %dma_wait3A_247 : memref<1x1x512xf32, #tpu.memory_space<vmem>> -> memref<512xf32, #tpu.memory_space<vmem>>
      %dma_wait3A_249 = arith.constant 0 : i32
      %dma_wait3A_250 = tpu.memref_slice %arg5[%dma_wait3A_249] : memref<851968xf32, #tpu.memory_space<hbm>> -> memref<512xf32, #tpu.memory_space<hbm>>
      tpu.wait_dma2 semaphore(%arg13 : memref<!tpu.dma_semaphore, #tpu.memory_space<semaphore_mem>>) src(%dma_wait3A_250 : memref<512xf32, #tpu.memory_space<hbm>>) dst(%dma_wait3A_248 : memref<512xf32, #tpu.memory_space<vmem>>)
      %dma_wait3A_251 = arith.constant 0 : i32
      %dma_wait3A_252 = arith.constant 0 : i32
      %dma_wait3A_253 = arith.constant 0 : i32
      %dma_wait3A_254 = tpu.memref_slice %arg11[%dma_wait3A_251, %dma_wait3A_252, %dma_wait3A_253] : memref<2x32x512xf32, #tpu.memory_space<vmem>> -> memref<1x1x512xf32, #tpu.memory_space<vmem>>
      %dma_wait3A_255 = tpu.memref_squeeze %dma_wait3A_254 : memref<1x1x512xf32, #tpu.memory_space<vmem>> -> memref<512xf32, #tpu.memory_space<vmem>>
      %dma_wait3A_256 = arith.constant 0 : i32
      %dma_wait3A_257 = tpu.memref_slice %arg5[%dma_wait3A_256] : memref<851968xf32, #tpu.memory_space<hbm>> -> memref<512xf32, #tpu.memory_space<hbm>>
      %dma_wait3A_258 = arith.constant 0 : i32
      %dma_wait3A_259 = tpu.memref_slice %arg11[%dma_wait3A_251, %dma_wait3A_252, %dma_wait3A_258] : memref<2x32x512xf32, #tpu.memory_space<vmem>> -> memref<1x1x512xf32, #tpu.memory_space<vmem>>
      %dma_wait3A_260 = tpu.memref_squeeze %dma_wait3A_259 : memref<1x1x512xf32, #tpu.memory_space<vmem>> -> memref<512xf32, #tpu.memory_space<vmem>>
      %dma_wait3A_261 = arith.constant 0 : i32
      %dma_wait3A_262 = tpu.memref_slice %arg5[%dma_wait3A_261] : memref<851968xf32, #tpu.memory_space<hbm>> -> memref<512xf32, #tpu.memory_space<hbm>>
      tpu.wait_dma2 semaphore(%arg13 : memref<!tpu.dma_semaphore, #tpu.memory_space<semaphore_mem>>) src(%dma_wait3A_262 : memref<512xf32, #tpu.memory_space<hbm>>) dst(%dma_wait3A_260 : memref<512xf32, #tpu.memory_space<vmem>>)
      %dma_wait3A_263 = arith.constant 0 : i32
      %dma_wait3A_264 = arith.constant 0 : i32
      %dma_wait3A_265 = arith.constant 0 : i32
      %dma_wait3A_266 = tpu.memref_slice %arg11[%dma_wait3A_263, %dma_wait3A_264, %dma_wait3A_265] : memref<2x32x512xf32, #tpu.memory_space<vmem>> -> memref<1x1x512xf32, #tpu.memory_space<vmem>>
      %dma_wait3A_267 = tpu.memref_squeeze %dma_wait3A_266 : memref<1x1x512xf32, #tpu.memory_space<vmem>> -> memref<512xf32, #tpu.memory_space<vmem>>
      %dma_wait3A_268 = arith.constant 0 : i32
      %dma_wait3A_269 = tpu.memref_slice %arg5[%dma_wait3A_268] : memref<851968xf32, #tpu.memory_space<hbm>> -> memref<512xf32, #tpu.memory_space<hbm>>
      %dma_wait3A_270 = arith.constant 0 : i32
      %dma_wait3A_271 = tpu.memref_slice %arg11[%dma_wait3A_263, %dma_wait3A_264, %dma_wait3A_270] : memref<2x32x512xf32, #tpu.memory_space<vmem>> -> memref<1x1x512xf32, #tpu.memory_space<vmem>>
      %dma_wait3A_272 = tpu.memref_squeeze %dma_wait3A_271 : memref<1x1x512xf32, #tpu.memory_space<vmem>> -> memref<512xf32, #tpu.memory_space<vmem>>
      %dma_wait3A_273 = arith.constant 0 : i32
      %dma_wait3A_274 = tpu.memref_slice %arg5[%dma_wait3A_273] : memref<851968xf32, #tpu.memory_space<hbm>> -> memref<512xf32, #tpu.memory_space<hbm>>
      tpu.wait_dma2 semaphore(%arg13 : memref<!tpu.dma_semaphore, #tpu.memory_space<semaphore_mem>>) src(%dma_wait3A_274 : memref<512xf32, #tpu.memory_space<hbm>>) dst(%dma_wait3A_272 : memref<512xf32, #tpu.memory_space<vmem>>)
      %dma_wait3A_275 = arith.constant 0 : i32
      %dma_wait3A_276 = arith.constant 0 : i32
      %dma_wait3A_277 = arith.constant 0 : i32
      %dma_wait3A_278 = tpu.memref_slice %arg11[%dma_wait3A_275, %dma_wait3A_276, %dma_wait3A_277] : memref<2x32x512xf32, #tpu.memory_space<vmem>> -> memref<1x1x512xf32, #tpu.memory_space<vmem>>
      %dma_wait3A_279 = tpu.memref_squeeze %dma_wait3A_278 : memref<1x1x512xf32, #tpu.memory_space<vmem>> -> memref<512xf32, #tpu.memory_space<vmem>>
      %dma_wait3A_280 = arith.constant 0 : i32
      %dma_wait3A_281 = tpu.memref_slice %arg5[%dma_wait3A_280] : memref<851968xf32, #tpu.memory_space<hbm>> -> memref<512xf32, #tpu.memory_space<hbm>>
      %dma_wait3A_282 = arith.constant 0 : i32
      %dma_wait3A_283 = tpu.memref_slice %arg11[%dma_wait3A_275, %dma_wait3A_276, %dma_wait3A_282] : memref<2x32x512xf32, #tpu.memory_space<vmem>> -> memref<1x1x512xf32, #tpu.memory_space<vmem>>
      %dma_wait3A_284 = tpu.memref_squeeze %dma_wait3A_283 : memref<1x1x512xf32, #tpu.memory_space<vmem>> -> memref<512xf32, #tpu.memory_space<vmem>>
      %dma_wait3A_285 = arith.constant 0 : i32
      %dma_wait3A_286 = tpu.memref_slice %arg5[%dma_wait3A_285] : memref<851968xf32, #tpu.memory_space<hbm>> -> memref<512xf32, #tpu.memory_space<hbm>>
      tpu.wait_dma2 semaphore(%arg13 : memref<!tpu.dma_semaphore, #tpu.memory_space<semaphore_mem>>) src(%dma_wait3A_286 : memref<512xf32, #tpu.memory_space<hbm>>) dst(%dma_wait3A_284 : memref<512xf32, #tpu.memory_space<vmem>>)
      %dma_wait3A_287 = arith.constant 0 : i32
      %dma_wait3A_288 = arith.constant 0 : i32
      %dma_wait3A_289 = arith.constant 0 : i32
      %dma_wait3A_290 = tpu.memref_slice %arg11[%dma_wait3A_287, %dma_wait3A_288, %dma_wait3A_289] : memref<2x32x512xf32, #tpu.memory_space<vmem>> -> memref<1x1x512xf32, #tpu.memory_space<vmem>>
      %dma_wait3A_291 = tpu.memref_squeeze %dma_wait3A_290 : memref<1x1x512xf32, #tpu.memory_space<vmem>> -> memref<512xf32, #tpu.memory_space<vmem>>
      %dma_wait3A_292 = arith.constant 0 : i32
      %dma_wait3A_293 = tpu.memref_slice %arg5[%dma_wait3A_292] : memref<851968xf32, #tpu.memory_space<hbm>> -> memref<512xf32, #tpu.memory_space<hbm>>
      %dma_wait3A_294 = arith.constant 0 : i32
      %dma_wait3A_295 = tpu.memref_slice %arg11[%dma_wait3A_287, %dma_wait3A_288, %dma_wait3A_294] : memref<2x32x512xf32, #tpu.memory_space<vmem>> -> memref<1x1x512xf32, #tpu.memory_space<vmem>>
      %dma_wait3A_296 = tpu.memref_squeeze %dma_wait3A_295 : memref<1x1x512xf32, #tpu.memory_space<vmem>> -> memref<512xf32, #tpu.memory_space<vmem>>
      %dma_wait3A_297 = arith.constant 0 : i32
      %dma_wait3A_298 = tpu.memref_slice %arg5[%dma_wait3A_297] : memref<851968xf32, #tpu.memory_space<hbm>> -> memref<512xf32, #tpu.memory_space<hbm>>
      tpu.wait_dma2 semaphore(%arg13 : memref<!tpu.dma_semaphore, #tpu.memory_space<semaphore_mem>>) src(%dma_wait3A_298 : memref<512xf32, #tpu.memory_space<hbm>>) dst(%dma_wait3A_296 : memref<512xf32, #tpu.memory_space<vmem>>)
      %dma_wait3A_299 = arith.constant 0 : i32
      %dma_wait3A_300 = arith.constant 0 : i32
      %dma_wait3A_301 = arith.constant 0 : i32
      %dma_wait3A_302 = tpu.memref_slice %arg11[%dma_wait3A_299, %dma_wait3A_300, %dma_wait3A_301] : memref<2x32x512xf32, #tpu.memory_space<vmem>> -> memref<1x1x512xf32, #tpu.memory_space<vmem>>
      %dma_wait3A_303 = tpu.memref_squeeze %dma_wait3A_302 : memref<1x1x512xf32, #tpu.memory_space<vmem>> -> memref<512xf32, #tpu.memory_space<vmem>>
      %dma_wait3A_304 = arith.constant 0 : i32
      %dma_wait3A_305 = tpu.memref_slice %arg5[%dma_wait3A_304] : memref<851968xf32, #tpu.memory_space<hbm>> -> memref<512xf32, #tpu.memory_space<hbm>>
      %dma_wait3A_306 = arith.constant 0 : i32
      %dma_wait3A_307 = tpu.memref_slice %arg11[%dma_wait3A_299, %dma_wait3A_300, %dma_wait3A_306] : memref<2x32x512xf32, #tpu.memory_space<vmem>> -> memref<1x1x512xf32, #tpu.memory_space<vmem>>
      %dma_wait3A_308 = tpu.memref_squeeze %dma_wait3A_307 : memref<1x1x512xf32, #tpu.memory_space<vmem>> -> memref<512xf32, #tpu.memory_space<vmem>>
      %dma_wait3A_309 = arith.constant 0 : i32
      %dma_wait3A_310 = tpu.memref_slice %arg5[%dma_wait3A_309] : memref<851968xf32, #tpu.memory_space<hbm>> -> memref<512xf32, #tpu.memory_space<hbm>>
      tpu.wait_dma2 semaphore(%arg13 : memref<!tpu.dma_semaphore, #tpu.memory_space<semaphore_mem>>) src(%dma_wait3A_310 : memref<512xf32, #tpu.memory_space<hbm>>) dst(%dma_wait3A_308 : memref<512xf32, #tpu.memory_space<vmem>>)
      %dma_wait3A_311 = arith.constant 0 : i32
      %dma_wait3A_312 = arith.constant 0 : i32
      %dma_wait3A_313 = arith.constant 0 : i32
      %dma_wait3A_314 = tpu.memref_slice %arg11[%dma_wait3A_311, %dma_wait3A_312, %dma_wait3A_313] : memref<2x32x512xf32, #tpu.memory_space<vmem>> -> memref<1x1x512xf32, #tpu.memory_space<vmem>>
      %dma_wait3A_315 = tpu.memref_squeeze %dma_wait3A_314 : memref<1x1x512xf32, #tpu.memory_space<vmem>> -> memref<512xf32, #tpu.memory_space<vmem>>
      %dma_wait3A_316 = arith.constant 0 : i32
      %dma_wait3A_317 = tpu.memref_slice %arg5[%dma_wait3A_316] : memref<851968xf32, #tpu.memory_space<hbm>> -> memref<512xf32, #tpu.memory_space<hbm>>
      %dma_wait3A_318 = arith.constant 0 : i32
      %dma_wait3A_319 = tpu.memref_slice %arg11[%dma_wait3A_311, %dma_wait3A_312, %dma_wait3A_318] : memref<2x32x512xf32, #tpu.memory_space<vmem>> -> memref<1x1x512xf32, #tpu.memory_space<vmem>>
      %dma_wait3A_320 = tpu.memref_squeeze %dma_wait3A_319 : memref<1x1x512xf32, #tpu.memory_space<vmem>> -> memref<512xf32, #tpu.memory_space<vmem>>
      %dma_wait3A_321 = arith.constant 0 : i32
      %dma_wait3A_322 = tpu.memref_slice %arg5[%dma_wait3A_321] : memref<851968xf32, #tpu.memory_space<hbm>> -> memref<512xf32, #tpu.memory_space<hbm>>
      tpu.wait_dma2 semaphore(%arg13 : memref<!tpu.dma_semaphore, #tpu.memory_space<semaphore_mem>>) src(%dma_wait3A_322 : memref<512xf32, #tpu.memory_space<hbm>>) dst(%dma_wait3A_320 : memref<512xf32, #tpu.memory_space<vmem>>)
      %dma_wait3A_323 = arith.constant 0 : i32
      %dma_wait3A_324 = arith.constant 0 : i32
      %dma_wait3A_325 = arith.constant 0 : i32
      %dma_wait3A_326 = tpu.memref_slice %arg11[%dma_wait3A_323, %dma_wait3A_324, %dma_wait3A_325] : memref<2x32x512xf32, #tpu.memory_space<vmem>> -> memref<1x1x512xf32, #tpu.memory_space<vmem>>
      %dma_wait3A_327 = tpu.memref_squeeze %dma_wait3A_326 : memref<1x1x512xf32, #tpu.memory_space<vmem>> -> memref<512xf32, #tpu.memory_space<vmem>>
      %dma_wait3A_328 = arith.constant 0 : i32
      %dma_wait3A_329 = tpu.memref_slice %arg5[%dma_wait3A_328] : memref<851968xf32, #tpu.memory_space<hbm>> -> memref<512xf32, #tpu.memory_space<hbm>>
      %dma_wait3A_330 = arith.constant 0 : i32
      %dma_wait3A_331 = tpu.memref_slice %arg11[%dma_wait3A_323, %dma_wait3A_324, %dma_wait3A_330] : memref<2x32x512xf32, #tpu.memory_space<vmem>> -> memref<1x1x512xf32, #tpu.memory_space<vmem>>
      %dma_wait3A_332 = tpu.memref_squeeze %dma_wait3A_331 : memref<1x1x512xf32, #tpu.memory_space<vmem>> -> memref<512xf32, #tpu.memory_space<vmem>>
      %dma_wait3A_333 = arith.constant 0 : i32
      %dma_wait3A_334 = tpu.memref_slice %arg5[%dma_wait3A_333] : memref<851968xf32, #tpu.memory_space<hbm>> -> memref<512xf32, #tpu.memory_space<hbm>>
      tpu.wait_dma2 semaphore(%arg13 : memref<!tpu.dma_semaphore, #tpu.memory_space<semaphore_mem>>) src(%dma_wait3A_334 : memref<512xf32, #tpu.memory_space<hbm>>) dst(%dma_wait3A_332 : memref<512xf32, #tpu.memory_space<vmem>>)
      %dma_wait3A_335 = arith.constant 0 : i32
      %dma_wait3A_336 = arith.constant 0 : i32
      %dma_wait3A_337 = arith.constant 0 : i32
      %dma_wait3A_338 = tpu.memref_slice %arg11[%dma_wait3A_335, %dma_wait3A_336, %dma_wait3A_337] : memref<2x32x512xf32, #tpu.memory_space<vmem>> -> memref<1x1x512xf32, #tpu.memory_space<vmem>>
      %dma_wait3A_339 = tpu.memref_squeeze %dma_wait3A_338 : memref<1x1x512xf32, #tpu.memory_space<vmem>> -> memref<512xf32, #tpu.memory_space<vmem>>
      %dma_wait3A_340 = arith.constant 0 : i32
      %dma_wait3A_341 = tpu.memref_slice %arg5[%dma_wait3A_340] : memref<851968xf32, #tpu.memory_space<hbm>> -> memref<512xf32, #tpu.memory_space<hbm>>
      %dma_wait3A_342 = arith.constant 0 : i32
      %dma_wait3A_343 = tpu.memref_slice %arg11[%dma_wait3A_335, %dma_wait3A_336, %dma_wait3A_342] : memref<2x32x512xf32, #tpu.memory_space<vmem>> -> memref<1x1x512xf32, #tpu.memory_space<vmem>>
      %dma_wait3A_344 = tpu.memref_squeeze %dma_wait3A_343 : memref<1x1x512xf32, #tpu.memory_space<vmem>> -> memref<512xf32, #tpu.memory_space<vmem>>
      %dma_wait3A_345 = arith.constant 0 : i32
      %dma_wait3A_346 = tpu.memref_slice %arg5[%dma_wait3A_345] : memref<851968xf32, #tpu.memory_space<hbm>> -> memref<512xf32, #tpu.memory_space<hbm>>
      tpu.wait_dma2 semaphore(%arg13 : memref<!tpu.dma_semaphore, #tpu.memory_space<semaphore_mem>>) src(%dma_wait3A_346 : memref<512xf32, #tpu.memory_space<hbm>>) dst(%dma_wait3A_344 : memref<512xf32, #tpu.memory_space<vmem>>)
      %dma_wait3A_347 = arith.constant 0 : i32
      %dma_wait3A_348 = arith.constant 0 : i32
      %dma_wait3A_349 = arith.constant 0 : i32
      %dma_wait3A_350 = tpu.memref_slice %arg11[%dma_wait3A_347, %dma_wait3A_348, %dma_wait3A_349] : memref<2x32x512xf32, #tpu.memory_space<vmem>> -> memref<1x1x512xf32, #tpu.memory_space<vmem>>
      %dma_wait3A_351 = tpu.memref_squeeze %dma_wait3A_350 : memref<1x1x512xf32, #tpu.memory_space<vmem>> -> memref<512xf32, #tpu.memory_space<vmem>>
      %dma_wait3A_352 = arith.constant 0 : i32
      %dma_wait3A_353 = tpu.memref_slice %arg5[%dma_wait3A_352] : memref<851968xf32, #tpu.memory_space<hbm>> -> memref<512xf32, #tpu.memory_space<hbm>>
      %dma_wait3A_354 = arith.constant 0 : i32
      %dma_wait3A_355 = tpu.memref_slice %arg11[%dma_wait3A_347, %dma_wait3A_348, %dma_wait3A_354] : memref<2x32x512xf32, #tpu.memory_space<vmem>> -> memref<1x1x512xf32, #tpu.memory_space<vmem>>
      %dma_wait3A_356 = tpu.memref_squeeze %dma_wait3A_355 : memref<1x1x512xf32, #tpu.memory_space<vmem>> -> memref<512xf32, #tpu.memory_space<vmem>>
      %dma_wait3A_357 = arith.constant 0 : i32
      %dma_wait3A_358 = tpu.memref_slice %arg5[%dma_wait3A_357] : memref<851968xf32, #tpu.memory_space<hbm>> -> memref<512xf32, #tpu.memory_space<hbm>>
      tpu.wait_dma2 semaphore(%arg13 : memref<!tpu.dma_semaphore, #tpu.memory_space<semaphore_mem>>) src(%dma_wait3A_358 : memref<512xf32, #tpu.memory_space<hbm>>) dst(%dma_wait3A_356 : memref<512xf32, #tpu.memory_space<vmem>>)
      %dma_wait3A_359 = arith.constant 0 : i32
      %dma_wait3A_360 = arith.constant 0 : i32
      %dma_wait3A_361 = arith.constant 0 : i32
      %dma_wait3A_362 = tpu.memref_slice %arg11[%dma_wait3A_359, %dma_wait3A_360, %dma_wait3A_361] : memref<2x32x512xf32, #tpu.memory_space<vmem>> -> memref<1x1x512xf32, #tpu.memory_space<vmem>>
      %dma_wait3A_363 = tpu.memref_squeeze %dma_wait3A_362 : memref<1x1x512xf32, #tpu.memory_space<vmem>> -> memref<512xf32, #tpu.memory_space<vmem>>
      %dma_wait3A_364 = arith.constant 0 : i32
      %dma_wait3A_365 = tpu.memref_slice %arg5[%dma_wait3A_364] : memref<851968xf32, #tpu.memory_space<hbm>> -> memref<512xf32, #tpu.memory_space<hbm>>
      %dma_wait3A_366 = arith.constant 0 : i32
      %dma_wait3A_367 = tpu.memref_slice %arg11[%dma_wait3A_359, %dma_wait3A_360, %dma_wait3A_366] : memref<2x32x512xf32, #tpu.memory_space<vmem>> -> memref<1x1x512xf32, #tpu.memory_space<vmem>>
      %dma_wait3A_368 = tpu.memref_squeeze %dma_wait3A_367 : memref<1x1x512xf32, #tpu.memory_space<vmem>> -> memref<512xf32, #tpu.memory_space<vmem>>
      %dma_wait3A_369 = arith.constant 0 : i32
      %dma_wait3A_370 = tpu.memref_slice %arg5[%dma_wait3A_369] : memref<851968xf32, #tpu.memory_space<hbm>> -> memref<512xf32, #tpu.memory_space<hbm>>
      tpu.wait_dma2 semaphore(%arg13 : memref<!tpu.dma_semaphore, #tpu.memory_space<semaphore_mem>>) src(%dma_wait3A_370 : memref<512xf32, #tpu.memory_space<hbm>>) dst(%dma_wait3A_368 : memref<512xf32, #tpu.memory_space<vmem>>)
      %dma_wait3A_371 = arith.constant 0 : i32
      %dma_wait3A_372 = arith.constant 0 : i32
      %dma_wait3A_373 = arith.constant 0 : i32
      %dma_wait3A_374 = tpu.memref_slice %arg11[%dma_wait3A_371, %dma_wait3A_372, %dma_wait3A_373] : memref<2x32x512xf32, #tpu.memory_space<vmem>> -> memref<1x1x512xf32, #tpu.memory_space<vmem>>
      %dma_wait3A_375 = tpu.memref_squeeze %dma_wait3A_374 : memref<1x1x512xf32, #tpu.memory_space<vmem>> -> memref<512xf32, #tpu.memory_space<vmem>>
      %dma_wait3A_376 = arith.constant 0 : i32
      %dma_wait3A_377 = tpu.memref_slice %arg5[%dma_wait3A_376] : memref<851968xf32, #tpu.memory_space<hbm>> -> memref<512xf32, #tpu.memory_space<hbm>>
      %dma_wait3A_378 = arith.constant 0 : i32
      %dma_wait3A_379 = tpu.memref_slice %arg11[%dma_wait3A_371, %dma_wait3A_372, %dma_wait3A_378] : memref<2x32x512xf32, #tpu.memory_space<vmem>> -> memref<1x1x512xf32, #tpu.memory_space<vmem>>
      %dma_wait3A_380 = tpu.memref_squeeze %dma_wait3A_379 : memref<1x1x512xf32, #tpu.memory_space<vmem>> -> memref<512xf32, #tpu.memory_space<vmem>>
      %dma_wait3A_381 = arith.constant 0 : i32
      %dma_wait3A_382 = tpu.memref_slice %arg5[%dma_wait3A_381] : memref<851968xf32, #tpu.memory_space<hbm>> -> memref<512xf32, #tpu.memory_space<hbm>>
      tpu.wait_dma2 semaphore(%arg13 : memref<!tpu.dma_semaphore, #tpu.memory_space<semaphore_mem>>) src(%dma_wait3A_382 : memref<512xf32, #tpu.memory_space<hbm>>) dst(%dma_wait3A_380 : memref<512xf32, #tpu.memory_space<vmem>>)
      %dma_wait3A_383 = arith.constant 0 : i32
      %dma_wait3A_384 = arith.constant 0 : i32
      %dma_wait3A_385 = arith.constant 0 : i32
      %dma_wait3A_386 = tpu.memref_slice %arg11[%dma_wait3A_383, %dma_wait3A_384, %dma_wait3A_385] : memref<2x32x512xf32, #tpu.memory_space<vmem>> -> memref<1x1x512xf32, #tpu.memory_space<vmem>>
      %dma_wait3A_387 = tpu.memref_squeeze %dma_wait3A_386 : memref<1x1x512xf32, #tpu.memory_space<vmem>> -> memref<512xf32, #tpu.memory_space<vmem>>
      %dma_wait3A_388 = arith.constant 0 : i32
      %dma_wait3A_389 = tpu.memref_slice %arg5[%dma_wait3A_388] : memref<851968xf32, #tpu.memory_space<hbm>> -> memref<512xf32, #tpu.memory_space<hbm>>
      %dma_wait3A_390 = arith.constant 0 : i32
      %dma_wait3A_391 = tpu.memref_slice %arg11[%dma_wait3A_383, %dma_wait3A_384, %dma_wait3A_390] : memref<2x32x512xf32, #tpu.memory_space<vmem>> -> memref<1x1x512xf32, #tpu.memory_space<vmem>>
      %dma_wait3A_392 = tpu.memref_squeeze %dma_wait3A_391 : memref<1x1x512xf32, #tpu.memory_space<vmem>> -> memref<512xf32, #tpu.memory_space<vmem>>
      %dma_wait3A_393 = arith.constant 0 : i32
      %dma_wait3A_394 = tpu.memref_slice %arg5[%dma_wait3A_393] : memref<851968xf32, #tpu.memory_space<hbm>> -> memref<512xf32, #tpu.memory_space<hbm>>
      tpu.wait_dma2 semaphore(%arg13 : memref<!tpu.dma_semaphore, #tpu.memory_space<semaphore_mem>>) src(%dma_wait3A_394 : memref<512xf32, #tpu.memory_space<hbm>>) dst(%dma_wait3A_392 : memref<512xf32, #tpu.memory_space<vmem>>)
      %dma_wait3A_395 = arith.constant 0 : i32
      %dma_wait3A_396 = arith.constant 0 : i32
      %dma_wait3A_397 = arith.constant 0 : i32
      %dma_wait3A_398 = tpu.memref_slice %arg11[%dma_wait3A_395, %dma_wait3A_396, %dma_wait3A_397] : memref<2x32x512xf32, #tpu.memory_space<vmem>> -> memref<1x1x512xf32, #tpu.memory_space<vmem>>
      %dma_wait3A_399 = tpu.memref_squeeze %dma_wait3A_398 : memref<1x1x512xf32, #tpu.memory_space<vmem>> -> memref<512xf32, #tpu.memory_space<vmem>>
      %dma_wait3A_400 = arith.constant 0 : i32
      %dma_wait3A_401 = tpu.memref_slice %arg5[%dma_wait3A_400] : memref<851968xf32, #tpu.memory_space<hbm>> -> memref<512xf32, #tpu.memory_space<hbm>>
      %dma_wait3A_402 = arith.constant 0 : i32
      %dma_wait3A_403 = tpu.memref_slice %arg11[%dma_wait3A_395, %dma_wait3A_396, %dma_wait3A_402] : memref<2x32x512xf32, #tpu.memory_space<vmem>> -> memref<1x1x512xf32, #tpu.memory_space<vmem>>
      %dma_wait3A_404 = tpu.memref_squeeze %dma_wait3A_403 : memref<1x1x512xf32, #tpu.memory_space<vmem>> -> memref<512xf32, #tpu.memory_space<vmem>>
      %dma_wait3A_405 = arith.constant 0 : i32
      %dma_wait3A_406 = tpu.memref_slice %arg5[%dma_wait3A_405] : memref<851968xf32, #tpu.memory_space<hbm>> -> memref<512xf32, #tpu.memory_space<hbm>>
      tpu.wait_dma2 semaphore(%arg13 : memref<!tpu.dma_semaphore, #tpu.memory_space<semaphore_mem>>) src(%dma_wait3A_406 : memref<512xf32, #tpu.memory_space<hbm>>) dst(%dma_wait3A_404 : memref<512xf32, #tpu.memory_space<vmem>>)
      %dma_wait3A_407 = arith.constant 0 : i32
      %dma_wait3A_408 = arith.constant 0 : i32
      %dma_wait3A_409 = arith.constant 0 : i32
      %dma_wait3A_410 = tpu.memref_slice %arg11[%dma_wait3A_407, %dma_wait3A_408, %dma_wait3A_409] : memref<2x32x512xf32, #tpu.memory_space<vmem>> -> memref<1x1x512xf32, #tpu.memory_space<vmem>>
      %dma_wait3A_411 = tpu.memref_squeeze %dma_wait3A_410 : memref<1x1x512xf32, #tpu.memory_space<vmem>> -> memref<512xf32, #tpu.memory_space<vmem>>
      %dma_wait3A_412 = arith.constant 0 : i32
      %dma_wait3A_413 = tpu.memref_slice %arg5[%dma_wait3A_412] : memref<851968xf32, #tpu.memory_space<hbm>> -> memref<512xf32, #tpu.memory_space<hbm>>
      %dma_wait3A_414 = arith.constant 0 : i32
      %dma_wait3A_415 = tpu.memref_slice %arg11[%dma_wait3A_407, %dma_wait3A_408, %dma_wait3A_414] : memref<2x32x512xf32, #tpu.memory_space<vmem>> -> memref<1x1x512xf32, #tpu.memory_space<vmem>>
      %dma_wait3A_416 = tpu.memref_squeeze %dma_wait3A_415 : memref<1x1x512xf32, #tpu.memory_space<vmem>> -> memref<512xf32, #tpu.memory_space<vmem>>
      %dma_wait3A_417 = arith.constant 0 : i32
      %dma_wait3A_418 = tpu.memref_slice %arg5[%dma_wait3A_417] : memref<851968xf32, #tpu.memory_space<hbm>> -> memref<512xf32, #tpu.memory_space<hbm>>
      tpu.wait_dma2 semaphore(%arg13 : memref<!tpu.dma_semaphore, #tpu.memory_space<semaphore_mem>>) src(%dma_wait3A_418 : memref<512xf32, #tpu.memory_space<hbm>>) dst(%dma_wait3A_416 : memref<512xf32, #tpu.memory_space<vmem>>)
      %dma_wait3A_419 = arith.constant 0 : i32
      %dma_wait3A_420 = arith.constant 0 : i32
      %dma_wait3A_421 = arith.constant 0 : i32
      %dma_wait3A_422 = tpu.memref_slice %arg11[%dma_wait3A_419, %dma_wait3A_420, %dma_wait3A_421] : memref<2x32x512xf32, #tpu.memory_space<vmem>> -> memref<1x1x512xf32, #tpu.memory_space<vmem>>
      %dma_wait3A_423 = tpu.memref_squeeze %dma_wait3A_422 : memref<1x1x512xf32, #tpu.memory_space<vmem>> -> memref<512xf32, #tpu.memory_space<vmem>>
      %dma_wait3A_424 = arith.constant 0 : i32
      %dma_wait3A_425 = tpu.memref_slice %arg5[%dma_wait3A_424] : memref<851968xf32, #tpu.memory_space<hbm>> -> memref<512xf32, #tpu.memory_space<hbm>>
      %dma_wait3A_426 = arith.constant 0 : i32
      %dma_wait3A_427 = tpu.memref_slice %arg11[%dma_wait3A_419, %dma_wait3A_420, %dma_wait3A_426] : memref<2x32x512xf32, #tpu.memory_space<vmem>> -> memref<1x1x512xf32, #tpu.memory_space<vmem>>
      %dma_wait3A_428 = tpu.memref_squeeze %dma_wait3A_427 : memref<1x1x512xf32, #tpu.memory_space<vmem>> -> memref<512xf32, #tpu.memory_space<vmem>>
      %dma_wait3A_429 = arith.constant 0 : i32
      %dma_wait3A_430 = tpu.memref_slice %arg5[%dma_wait3A_429] : memref<851968xf32, #tpu.memory_space<hbm>> -> memref<512xf32, #tpu.memory_space<hbm>>
      tpu.wait_dma2 semaphore(%arg13 : memref<!tpu.dma_semaphore, #tpu.memory_space<semaphore_mem>>) src(%dma_wait3A_430 : memref<512xf32, #tpu.memory_space<hbm>>) dst(%dma_wait3A_428 : memref<512xf32, #tpu.memory_space<vmem>>)
      %dma_wait3A_431 = tpu.memref_slice %arg5[%mul3A_38] : memref<851968xf32, #tpu.memory_space<hbm>> -> memref<32768xf32, #tpu.memory_space<hbm>>
      %dma_wait3A_432 = tpu.memref_slice %arg5[%mul3A_38] : memref<851968xf32, #tpu.memory_space<hbm>> -> memref<32768xf32, #tpu.memory_space<hbm>>
      tpu.wait_dma2 semaphore(%arg14 : memref<!tpu.dma_semaphore, #tpu.memory_space<semaphore_mem>>) src(%dma_wait3A_432 : memref<32768xf32, #tpu.memory_space<hbm>>) dst(%arg10 : memref<32768xf32, #tpu.memory_space<vmem>>)
      %dma_wait3A_433 = arith.constant 0 : i32
      %dma_wait3A_434 = tpu.memref_slice %arg3[%add3A_36, %mul3A_2, %dma_wait3A_433] : memref<26x128x128xi32, #tpu.memory_space<hbm>> -> memref<1x4x128xi32, #tpu.memory_space<hbm>>
      %dma_wait3A_435 = tpu.memref_squeeze %dma_wait3A_434 : memref<1x4x128xi32, #tpu.memory_space<hbm>> -> memref<4x128xi32, #tpu.memory_space<hbm>>
      %dma_wait3A_436 = arith.constant 0 : i32
      %dma_wait3A_437 = tpu.memref_slice %arg3[%add3A_36, %mul3A_2, %dma_wait3A_436] : memref<26x128x128xi32, #tpu.memory_space<hbm>> -> memref<1x4x128xi32, #tpu.memory_space<hbm>>
      %dma_wait3A_438 = tpu.memref_squeeze %dma_wait3A_437 : memref<1x4x128xi32, #tpu.memory_space<hbm>> -> memref<4x128xi32, #tpu.memory_space<hbm>>
      tpu.wait_dma2 semaphore(%arg14 : memref<!tpu.dma_semaphore, #tpu.memory_space<semaphore_mem>>) src(%dma_wait3A_438 : memref<4x128xi32, #tpu.memory_space<hbm>>) dst(%arg9 : memref<4x128xi32, #tpu.memory_space<vmem>>)
      %scan3A_439 = arith.constant 0 : i32
      %scan3A_440 = arith.constant 0 : i32
      %scan3A_441 = arith.constant 32 : i32
      %scan3A_442 = arith.addi %scan3A_440, %scan3A_441 : i32
      %scan3A_443 = arith.constant 1 : i32
      %scan3A_444 = scf.for %scan3A_447 = %scan3A_440 to %scan3A_442 step %scan3A_443 iter_args(%scan3A_448 = %scan3A_439) -> (i32)  : i32 {
        %jit3A = arith.constant 8 : i32
        %div3A = arith.divsi %scan3A_447, %jit3A : i32
        %sign3A = arith.constant 0 : i32
        %sign3A_449 = arith.cmpi sgt, %scan3A_447, %sign3A : i32
        %sign3A_450 = arith.extui %sign3A_449 : i1 to i32
        %sign3A_451 = arith.constant 0 : i32
        %sign3A_452 = arith.cmpi slt, %scan3A_447, %sign3A_451 : i32
        %sign3A_453 = arith.extui %sign3A_452 : i1 to i32
        %sign3A_454 = arith.subi %sign3A_450, %sign3A_453 : i32
        %sign3A_455 = arith.constant 0 : i32
        %sign3A_456 = arith.cmpi sgt, %jit3A, %sign3A_455 : i32
        %sign3A_457 = arith.extui %sign3A_456 : i1 to i32
        %sign3A_458 = arith.constant 0 : i32
        %sign3A_459 = arith.cmpi slt, %jit3A, %sign3A_458 : i32
        %sign3A_460 = arith.extui %sign3A_459 : i1 to i32
        %sign3A_461 = arith.subi %sign3A_457, %sign3A_460 : i32
        %ne3A = arith.cmpi ne, %sign3A_454, %sign3A_461 : i32
        %rem3A_462 = arith.remsi %scan3A_447, %jit3A : i32
        %ne3A_463 = arith.constant 0 : i32
        %ne3A_464 = arith.cmpi ne, %rem3A_462, %ne3A_463 : i32
        %and3A = arith.andi %ne3A, %ne3A_464 : i1
        %sub3A = arith.constant 1 : i32
        %sub3A_465 = arith.subi %div3A, %sub3A : i32
        %select_n3A = arith.select %and3A, %sub3A_465, %div3A : i32
        %jit3A_466 = arith.constant 8 : i32
        %eq3A = arith.constant 0 : i32
        %eq3A_467 = arith.cmpi eq, %jit3A_466, %eq3A : i32
        %jit3A_468 = arith.constant 1 : i32
        %select_n3A_469 = arith.select %eq3A_467, %jit3A_468, %jit3A_466 : i32
        %rem3A_470 = arith.remsi %scan3A_447, %select_n3A_469 : i32
        %ne3A_471 = arith.constant 0 : i32
        %ne3A_472 = arith.cmpi ne, %rem3A_470, %ne3A_471 : i32
        %lt3A_473 = arith.constant 0 : i32
        %lt3A_474 = arith.cmpi slt, %rem3A_470, %lt3A_473 : i32
        %lt3A_475 = arith.constant 0 : i32
        %lt3A_476 = arith.cmpi slt, %select_n3A_469, %lt3A_475 : i32
        %ne3A_477 = arith.xori %lt3A_474, %lt3A_476 : i1
        %and3A_478 = arith.andi %ne3A_477, %ne3A_472 : i1
        %add3A_479 = arith.addi %rem3A_470, %select_n3A_469 : i32
        %select_n3A_480 = arith.select %and3A_478, %add3A_479, %rem3A_470 : i32
        %mul3A_481 = arith.constant 16 : i32
        %mul3A_482 = arith.muli %select_n3A_480, %mul3A_481 : i32
        %get3A = arith.index_cast %select_n3A : i32 to index
        %get3A_483 = arith.index_cast %mul3A_482 : i32 to index
        %get3A_484 = tpu.vector_load %arg9[%get3A, %get3A_483] {strides = array<i32>} : memref<4x128xi32, #tpu.memory_space<vmem>>, vector<16xi32>,
        %shift_right_arithmetic3A = arith.constant 7 : i32
        %shift_right_arithmetic3A_485 = vector.broadcast %shift_right_arithmetic3A : i32 to vector<16xi32>
        %shift_right_arithmetic3A_486 = arith.shrsi %get3A_484, %shift_right_arithmetic3A_485 : vector<16xi32>
        %shift_left3A = arith.constant 10 : i32
        %shift_left3A_487 = vector.broadcast %shift_left3A : i32 to vector<16xi32>
        %shift_left3A_488 = arith.shli %shift_right_arithmetic3A_486, %shift_left3A_487 : vector<16xi32>
        %and3A_489 = arith.constant 127 : i32
        %and3A_490 = vector.broadcast %and3A_489 : i32 to vector<16xi32>
        %and3A_491 = arith.andi %get3A_484, %and3A_490 : vector<16xi32>
        %add3A_492 = arith.addi %shift_left3A_488, %and3A_491 : vector<16xi32>
        %mul3A_493 = arith.constant 16 : i32
        %mul3A_494 = arith.muli %scan3A_447, %mul3A_493 : i32
        %get3A_495 = arith.index_cast %mul3A_494 : i32 to index
        %get3A_496 = tpu.vector_load %arg12[%get3A_495] {strides = array<i32>} : memref<512xf32, #tpu.memory_space<vmem>>, vector<16xf32>,
        %add3A_497 = arith.constant 0 : i32
        %add3A_498 = vector.broadcast %add3A_497 : i32 to vector<16xi32>
        %add3A_499 = arith.addi %add3A_492, %add3A_498 : vector<16xi32>
        %gather3A = tpu.vector_load_idx %arg10[%add3A_499] : memref<32768xf32, #tpu.memory_space<vmem>>[vector<16xi32>], vector<16xf32>,
        %get3A_500 = arith.constant 0 : i32
        %get3A_501 = arith.index_cast %rem3A_34 : i32 to index
        %get3A_502 = arith.index_cast %get3A_500 : i32 to index
        %get3A_503 = arith.index_cast %mul3A_494 : i32 to index
        %get3A_504 = tpu.vector_load %arg11[%get3A_501, %get3A_502, %get3A_503] {strides = array<i32>} : memref<2x32x512xf32, #tpu.memory_space<vmem>>, vector<16xf32>,
        %mul3A_505 = arith.mulf %gather3A, %get3A_504 : vector<16xf32>
        %add3A_506 = arith.addf %get3A_496, %mul3A_505 : vector<16xf32>
        %add3A_507 = arith.constant 128 : i32
        %add3A_508 = vector.broadcast %add3A_507 : i32 to vector<16xi32>
        %add3A_509 = arith.addi %add3A_492, %add3A_508 : vector<16xi32>
        %gather3A_510 = tpu.vector_load_idx %arg10[%add3A_509] : memref<32768xf32, #tpu.memory_space<vmem>>[vector<16xi32>], vector<16xf32>,
        %get3A_511 = arith.constant 1 : i32
        %get3A_512 = arith.index_cast %rem3A_34 : i32 to index
        %get3A_513 = arith.index_cast %get3A_511 : i32 to index
        %get3A_514 = arith.index_cast %mul3A_494 : i32 to index
        %get3A_515 = tpu.vector_load %arg11[%get3A_512, %get3A_513, %get3A_514] {strides = array<i32>} : memref<2x32x512xf32, #tpu.memory_space<vmem>>, vector<16xf32>,
        %mul3A_516 = arith.mulf %gather3A_510, %get3A_515 : vector<16xf32>
        %add3A_517 = arith.addf %add3A_506, %mul3A_516 : vector<16xf32>
        %add3A_518 = arith.constant 256 : i32
        %add3A_519 = vector.broadcast %add3A_518 : i32 to vector<16xi32>
        %add3A_520 = arith.addi %add3A_492, %add3A_519 : vector<16xi32>
        %gather3A_521 = tpu.vector_load_idx %arg10[%add3A_520] : memref<32768xf32, #tpu.memory_space<vmem>>[vector<16xi32>], vector<16xf32>,
        %get3A_522 = arith.constant 2 : i32
        %get3A_523 = arith.index_cast %rem3A_34 : i32 to index
        %get3A_524 = arith.index_cast %get3A_522 : i32 to index
        %get3A_525 = arith.index_cast %mul3A_494 : i32 to index
        %get3A_526 = tpu.vector_load %arg11[%get3A_523, %get3A_524, %get3A_525] {strides = array<i32>} : memref<2x32x512xf32, #tpu.memory_space<vmem>>, vector<16xf32>,
        %mul3A_527 = arith.mulf %gather3A_521, %get3A_526 : vector<16xf32>
        %add3A_528 = arith.addf %add3A_517, %mul3A_527 : vector<16xf32>
        %add3A_529 = arith.constant 384 : i32
        %add3A_530 = vector.broadcast %add3A_529 : i32 to vector<16xi32>
        %add3A_531 = arith.addi %add3A_492, %add3A_530 : vector<16xi32>
        %gather3A_532 = tpu.vector_load_idx %arg10[%add3A_531] : memref<32768xf32, #tpu.memory_space<vmem>>[vector<16xi32>], vector<16xf32>,
        %get3A_533 = arith.constant 3 : i32
        %get3A_534 = arith.index_cast %rem3A_34 : i32 to index
        %get3A_535 = arith.index_cast %get3A_533 : i32 to index
        %get3A_536 = arith.index_cast %mul3A_494 : i32 to index
        %get3A_537 = tpu.vector_load %arg11[%get3A_534, %get3A_535, %get3A_536] {strides = array<i32>} : memref<2x32x512xf32, #tpu.memory_space<vmem>>, vector<16xf32>,
        %mul3A_538 = arith.mulf %gather3A_532, %get3A_537 : vector<16xf32>
        %add3A_539 = arith.addf %add3A_528, %mul3A_538 : vector<16xf32>
        %add3A_540 = arith.constant 512 : i32
        %add3A_541 = vector.broadcast %add3A_540 : i32 to vector<16xi32>
        %add3A_542 = arith.addi %add3A_492, %add3A_541 : vector<16xi32>
        %gather3A_543 = tpu.vector_load_idx %arg10[%add3A_542] : memref<32768xf32, #tpu.memory_space<vmem>>[vector<16xi32>], vector<16xf32>,
        %get3A_544 = arith.constant 4 : i32
        %get3A_545 = arith.index_cast %rem3A_34 : i32 to index
        %get3A_546 = arith.index_cast %get3A_544 : i32 to index
        %get3A_547 = arith.index_cast %mul3A_494 : i32 to index
        %get3A_548 = tpu.vector_load %arg11[%get3A_545, %get3A_546, %get3A_547] {strides = array<i32>} : memref<2x32x512xf32, #tpu.memory_space<vmem>>, vector<16xf32>,
        %mul3A_549 = arith.mulf %gather3A_543, %get3A_548 : vector<16xf32>
        %add3A_550 = arith.addf %add3A_539, %mul3A_549 : vector<16xf32>
        %add3A_551 = arith.constant 640 : i32
        %add3A_552 = vector.broadcast %add3A_551 : i32 to vector<16xi32>
        %add3A_553 = arith.addi %add3A_492, %add3A_552 : vector<16xi32>
        %gather3A_554 = tpu.vector_load_idx %arg10[%add3A_553] : memref<32768xf32, #tpu.memory_space<vmem>>[vector<16xi32>], vector<16xf32>,
        %get3A_555 = arith.constant 5 : i32
        %get3A_556 = arith.index_cast %rem3A_34 : i32 to index
        %get3A_557 = arith.index_cast %get3A_555 : i32 to index
        %get3A_558 = arith.index_cast %mul3A_494 : i32 to index
        %get3A_559 = tpu.vector_load %arg11[%get3A_556, %get3A_557, %get3A_558] {strides = array<i32>} : memref<2x32x512xf32, #tpu.memory_space<vmem>>, vector<16xf32>,
        %mul3A_560 = arith.mulf %gather3A_554, %get3A_559 : vector<16xf32>
        %add3A_561 = arith.addf %add3A_550, %mul3A_560 : vector<16xf32>
        %add3A_562 = arith.constant 768 : i32
        %add3A_563 = vector.broadcast %add3A_562 : i32 to vector<16xi32>
        %add3A_564 = arith.addi %add3A_492, %add3A_563 : vector<16xi32>
        %gather3A_565 = tpu.vector_load_idx %arg10[%add3A_564] : memref<32768xf32, #tpu.memory_space<vmem>>[vector<16xi32>], vector<16xf32>,
        %get3A_566 = arith.constant 6 : i32
        %get3A_567 = arith.index_cast %rem3A_34 : i32 to index
        %get3A_568 = arith.index_cast %get3A_566 : i32 to index
        %get3A_569 = arith.index_cast %mul3A_494 : i32 to index
        %get3A_570 = tpu.vector_load %arg11[%get3A_567, %get3A_568, %get3A_569] {strides = array<i32>} : memref<2x32x512xf32, #tpu.memory_space<vmem>>, vector<16xf32>,
        %mul3A_571 = arith.mulf %gather3A_565, %get3A_570 : vector<16xf32>
        %add3A_572 = arith.addf %add3A_561, %mul3A_571 : vector<16xf32>
        %add3A_573 = arith.constant 896 : i32
        %add3A_574 = vector.broadcast %add3A_573 : i32 to vector<16xi32>
        %add3A_575 = arith.addi %add3A_492, %add3A_574 : vector<16xi32>
        %gather3A_576 = tpu.vector_load_idx %arg10[%add3A_575] : memref<32768xf32, #tpu.memory_space<vmem>>[vector<16xi32>], vector<16xf32>,
        %get3A_577 = arith.constant 7 : i32
        %get3A_578 = arith.index_cast %rem3A_34 : i32 to index
        %get3A_579 = arith.index_cast %get3A_577 : i32 to index
        %get3A_580 = arith.index_cast %mul3A_494 : i32 to index
        %get3A_581 = tpu.vector_load %arg11[%get3A_578, %get3A_579, %get3A_580] {strides = array<i32>} : memref<2x32x512xf32, #tpu.memory_space<vmem>>, vector<16xf32>,
        %mul3A_582 = arith.mulf %gather3A_576, %get3A_581 : vector<16xf32>
        %add3A_583 = arith.addf %add3A_572, %mul3A_582 : vector<16xf32>
        %add3A_584 = arith.constant 8192 : i32
        %add3A_585 = vector.broadcast %add3A_584 : i32 to vector<16xi32>
        %add3A_586 = arith.addi %add3A_492, %add3A_585 : vector<16xi32>
        %gather3A_587 = tpu.vector_load_idx %arg10[%add3A_586] : memref<32768xf32, #tpu.memory_space<vmem>>[vector<16xi32>], vector<16xf32>,
        %get3A_588 = arith.constant 8 : i32
        %get3A_589 = arith.index_cast %rem3A_34 : i32 to index
        %get3A_590 = arith.index_cast %get3A_588 : i32 to index
        %get3A_591 = arith.index_cast %mul3A_494 : i32 to index
        %get3A_592 = tpu.vector_load %arg11[%get3A_589, %get3A_590, %get3A_591] {strides = array<i32>} : memref<2x32x512xf32, #tpu.memory_space<vmem>>, vector<16xf32>,
        %mul3A_593 = arith.mulf %gather3A_587, %get3A_592 : vector<16xf32>
        %add3A_594 = arith.addf %add3A_583, %mul3A_593 : vector<16xf32>
        %add3A_595 = arith.constant 8320 : i32
        %add3A_596 = vector.broadcast %add3A_595 : i32 to vector<16xi32>
        %add3A_597 = arith.addi %add3A_492, %add3A_596 : vector<16xi32>
        %gather3A_598 = tpu.vector_load_idx %arg10[%add3A_597] : memref<32768xf32, #tpu.memory_space<vmem>>[vector<16xi32>], vector<16xf32>,
        %get3A_599 = arith.constant 9 : i32
        %get3A_600 = arith.index_cast %rem3A_34 : i32 to index
        %get3A_601 = arith.index_cast %get3A_599 : i32 to index
        %get3A_602 = arith.index_cast %mul3A_494 : i32 to index
        %get3A_603 = tpu.vector_load %arg11[%get3A_600, %get3A_601, %get3A_602] {strides = array<i32>} : memref<2x32x512xf32, #tpu.memory_space<vmem>>, vector<16xf32>,
        %mul3A_604 = arith.mulf %gather3A_598, %get3A_603 : vector<16xf32>
        %add3A_605 = arith.addf %add3A_594, %mul3A_604 : vector<16xf32>
        %add3A_606 = arith.constant 8448 : i32
        %add3A_607 = vector.broadcast %add3A_606 : i32 to vector<16xi32>
        %add3A_608 = arith.addi %add3A_492, %add3A_607 : vector<16xi32>
        %gather3A_609 = tpu.vector_load_idx %arg10[%add3A_608] : memref<32768xf32, #tpu.memory_space<vmem>>[vector<16xi32>], vector<16xf32>,
        %get3A_610 = arith.constant 10 : i32
        %get3A_611 = arith.index_cast %rem3A_34 : i32 to index
        %get3A_612 = arith.index_cast %get3A_610 : i32 to index
        %get3A_613 = arith.index_cast %mul3A_494 : i32 to index
        %get3A_614 = tpu.vector_load %arg11[%get3A_611, %get3A_612, %get3A_613] {strides = array<i32>} : memref<2x32x512xf32, #tpu.memory_space<vmem>>, vector<16xf32>,
        %mul3A_615 = arith.mulf %gather3A_609, %get3A_614 : vector<16xf32>
        %add3A_616 = arith.addf %add3A_605, %mul3A_615 : vector<16xf32>
        %add3A_617 = arith.constant 8576 : i32
        %add3A_618 = vector.broadcast %add3A_617 : i32 to vector<16xi32>
        %add3A_619 = arith.addi %add3A_492, %add3A_618 : vector<16xi32>
        %gather3A_620 = tpu.vector_load_idx %arg10[%add3A_619] : memref<32768xf32, #tpu.memory_space<vmem>>[vector<16xi32>], vector<16xf32>,
        %get3A_621 = arith.constant 11 : i32
        %get3A_622 = arith.index_cast %rem3A_34 : i32 to index
        %get3A_623 = arith.index_cast %get3A_621 : i32 to index
        %get3A_624 = arith.index_cast %mul3A_494 : i32 to index
        %get3A_625 = tpu.vector_load %arg11[%get3A_622, %get3A_623, %get3A_624] {strides = array<i32>} : memref<2x32x512xf32, #tpu.memory_space<vmem>>, vector<16xf32>,
        %mul3A_626 = arith.mulf %gather3A_620, %get3A_625 : vector<16xf32>
        %add3A_627 = arith.addf %add3A_616, %mul3A_626 : vector<16xf32>
        %add3A_628 = arith.constant 8704 : i32
        %add3A_629 = vector.broadcast %add3A_628 : i32 to vector<16xi32>
        %add3A_630 = arith.addi %add3A_492, %add3A_629 : vector<16xi32>
        %gather3A_631 = tpu.vector_load_idx %arg10[%add3A_630] : memref<32768xf32, #tpu.memory_space<vmem>>[vector<16xi32>], vector<16xf32>,
        %get3A_632 = arith.constant 12 : i32
        %get3A_633 = arith.index_cast %rem3A_34 : i32 to index
        %get3A_634 = arith.index_cast %get3A_632 : i32 to index
        %get3A_635 = arith.index_cast %mul3A_494 : i32 to index
        %get3A_636 = tpu.vector_load %arg11[%get3A_633, %get3A_634, %get3A_635] {strides = array<i32>} : memref<2x32x512xf32, #tpu.memory_space<vmem>>, vector<16xf32>,
        %mul3A_637 = arith.mulf %gather3A_631, %get3A_636 : vector<16xf32>
        %add3A_638 = arith.addf %add3A_627, %mul3A_637 : vector<16xf32>
        %add3A_639 = arith.constant 8832 : i32
        %add3A_640 = vector.broadcast %add3A_639 : i32 to vector<16xi32>
        %add3A_641 = arith.addi %add3A_492, %add3A_640 : vector<16xi32>
        %gather3A_642 = tpu.vector_load_idx %arg10[%add3A_641] : memref<32768xf32, #tpu.memory_space<vmem>>[vector<16xi32>], vector<16xf32>,
        %get3A_643 = arith.constant 13 : i32
        %get3A_644 = arith.index_cast %rem3A_34 : i32 to index
        %get3A_645 = arith.index_cast %get3A_643 : i32 to index
        %get3A_646 = arith.index_cast %mul3A_494 : i32 to index
        %get3A_647 = tpu.vector_load %arg11[%get3A_644, %get3A_645, %get3A_646] {strides = array<i32>} : memref<2x32x512xf32, #tpu.memory_space<vmem>>, vector<16xf32>,
        %mul3A_648 = arith.mulf %gather3A_642, %get3A_647 : vector<16xf32>
        %add3A_649 = arith.addf %add3A_638, %mul3A_648 : vector<16xf32>
        %add3A_650 = arith.constant 8960 : i32
        %add3A_651 = vector.broadcast %add3A_650 : i32 to vector<16xi32>
        %add3A_652 = arith.addi %add3A_492, %add3A_651 : vector<16xi32>
        %gather3A_653 = tpu.vector_load_idx %arg10[%add3A_652] : memref<32768xf32, #tpu.memory_space<vmem>>[vector<16xi32>], vector<16xf32>,
        %get3A_654 = arith.constant 14 : i32
        %get3A_655 = arith.index_cast %rem3A_34 : i32 to index
        %get3A_656 = arith.index_cast %get3A_654 : i32 to index
        %get3A_657 = arith.index_cast %mul3A_494 : i32 to index
        %get3A_658 = tpu.vector_load %arg11[%get3A_655, %get3A_656, %get3A_657] {strides = array<i32>} : memref<2x32x512xf32, #tpu.memory_space<vmem>>, vector<16xf32>,
        %mul3A_659 = arith.mulf %gather3A_653, %get3A_658 : vector<16xf32>
        %add3A_660 = arith.addf %add3A_649, %mul3A_659 : vector<16xf32>
        %add3A_661 = arith.constant 9088 : i32
        %add3A_662 = vector.broadcast %add3A_661 : i32 to vector<16xi32>
        %add3A_663 = arith.addi %add3A_492, %add3A_662 : vector<16xi32>
        %gather3A_664 = tpu.vector_load_idx %arg10[%add3A_663] : memref<32768xf32, #tpu.memory_space<vmem>>[vector<16xi32>], vector<16xf32>,
        %get3A_665 = arith.constant 15 : i32
        %get3A_666 = arith.index_cast %rem3A_34 : i32 to index
        %get3A_667 = arith.index_cast %get3A_665 : i32 to index
        %get3A_668 = arith.index_cast %mul3A_494 : i32 to index
        %get3A_669 = tpu.vector_load %arg11[%get3A_666, %get3A_667, %get3A_668] {strides = array<i32>} : memref<2x32x512xf32, #tpu.memory_space<vmem>>, vector<16xf32>,
        %mul3A_670 = arith.mulf %gather3A_664, %get3A_669 : vector<16xf32>
        %add3A_671 = arith.addf %add3A_660, %mul3A_670 : vector<16xf32>
        %add3A_672 = arith.constant 16384 : i32
        %add3A_673 = vector.broadcast %add3A_672 : i32 to vector<16xi32>
        %add3A_674 = arith.addi %add3A_492, %add3A_673 : vector<16xi32>
        %gather3A_675 = tpu.vector_load_idx %arg10[%add3A_674] : memref<32768xf32, #tpu.memory_space<vmem>>[vector<16xi32>], vector<16xf32>,
        %get3A_676 = arith.constant 16 : i32
        %get3A_677 = arith.index_cast %rem3A_34 : i32 to index
        %get3A_678 = arith.index_cast %get3A_676 : i32 to index
        %get3A_679 = arith.index_cast %mul3A_494 : i32 to index
        %get3A_680 = tpu.vector_load %arg11[%get3A_677, %get3A_678, %get3A_679] {strides = array<i32>} : memref<2x32x512xf32, #tpu.memory_space<vmem>>, vector<16xf32>,
        %mul3A_681 = arith.mulf %gather3A_675, %get3A_680 : vector<16xf32>
        %add3A_682 = arith.addf %add3A_671, %mul3A_681 : vector<16xf32>
        %add3A_683 = arith.constant 16512 : i32
        %add3A_684 = vector.broadcast %add3A_683 : i32 to vector<16xi32>
        %add3A_685 = arith.addi %add3A_492, %add3A_684 : vector<16xi32>
        %gather3A_686 = tpu.vector_load_idx %arg10[%add3A_685] : memref<32768xf32, #tpu.memory_space<vmem>>[vector<16xi32>], vector<16xf32>,
        %get3A_687 = arith.constant 17 : i32
        %get3A_688 = arith.index_cast %rem3A_34 : i32 to index
        %get3A_689 = arith.index_cast %get3A_687 : i32 to index
        %get3A_690 = arith.index_cast %mul3A_494 : i32 to index
        %get3A_691 = tpu.vector_load %arg11[%get3A_688, %get3A_689, %get3A_690] {strides = array<i32>} : memref<2x32x512xf32, #tpu.memory_space<vmem>>, vector<16xf32>,
        %mul3A_692 = arith.mulf %gather3A_686, %get3A_691 : vector<16xf32>
        %add3A_693 = arith.addf %add3A_682, %mul3A_692 : vector<16xf32>
        %add3A_694 = arith.constant 16640 : i32
        %add3A_695 = vector.broadcast %add3A_694 : i32 to vector<16xi32>
        %add3A_696 = arith.addi %add3A_492, %add3A_695 : vector<16xi32>
        %gather3A_697 = tpu.vector_load_idx %arg10[%add3A_696] : memref<32768xf32, #tpu.memory_space<vmem>>[vector<16xi32>], vector<16xf32>,
        %get3A_698 = arith.constant 18 : i32
        %get3A_699 = arith.index_cast %rem3A_34 : i32 to index
        %get3A_700 = arith.index_cast %get3A_698 : i32 to index
        %get3A_701 = arith.index_cast %mul3A_494 : i32 to index
        %get3A_702 = tpu.vector_load %arg11[%get3A_699, %get3A_700, %get3A_701] {strides = array<i32>} : memref<2x32x512xf32, #tpu.memory_space<vmem>>, vector<16xf32>,
        %mul3A_703 = arith.mulf %gather3A_697, %get3A_702 : vector<16xf32>
        %add3A_704 = arith.addf %add3A_693, %mul3A_703 : vector<16xf32>
        %add3A_705 = arith.constant 16768 : i32
        %add3A_706 = vector.broadcast %add3A_705 : i32 to vector<16xi32>
        %add3A_707 = arith.addi %add3A_492, %add3A_706 : vector<16xi32>
        %gather3A_708 = tpu.vector_load_idx %arg10[%add3A_707] : memref<32768xf32, #tpu.memory_space<vmem>>[vector<16xi32>], vector<16xf32>,
        %get3A_709 = arith.constant 19 : i32
        %get3A_710 = arith.index_cast %rem3A_34 : i32 to index
        %get3A_711 = arith.index_cast %get3A_709 : i32 to index
        %get3A_712 = arith.index_cast %mul3A_494 : i32 to index
        %get3A_713 = tpu.vector_load %arg11[%get3A_710, %get3A_711, %get3A_712] {strides = array<i32>} : memref<2x32x512xf32, #tpu.memory_space<vmem>>, vector<16xf32>,
        %mul3A_714 = arith.mulf %gather3A_708, %get3A_713 : vector<16xf32>
        %add3A_715 = arith.addf %add3A_704, %mul3A_714 : vector<16xf32>
        %add3A_716 = arith.constant 16896 : i32
        %add3A_717 = vector.broadcast %add3A_716 : i32 to vector<16xi32>
        %add3A_718 = arith.addi %add3A_492, %add3A_717 : vector<16xi32>
        %gather3A_719 = tpu.vector_load_idx %arg10[%add3A_718] : memref<32768xf32, #tpu.memory_space<vmem>>[vector<16xi32>], vector<16xf32>,
        %get3A_720 = arith.constant 20 : i32
        %get3A_721 = arith.index_cast %rem3A_34 : i32 to index
        %get3A_722 = arith.index_cast %get3A_720 : i32 to index
        %get3A_723 = arith.index_cast %mul3A_494 : i32 to index
        %get3A_724 = tpu.vector_load %arg11[%get3A_721, %get3A_722, %get3A_723] {strides = array<i32>} : memref<2x32x512xf32, #tpu.memory_space<vmem>>, vector<16xf32>,
        %mul3A_725 = arith.mulf %gather3A_719, %get3A_724 : vector<16xf32>
        %add3A_726 = arith.addf %add3A_715, %mul3A_725 : vector<16xf32>
        %add3A_727 = arith.constant 17024 : i32
        %add3A_728 = vector.broadcast %add3A_727 : i32 to vector<16xi32>
        %add3A_729 = arith.addi %add3A_492, %add3A_728 : vector<16xi32>
        %gather3A_730 = tpu.vector_load_idx %arg10[%add3A_729] : memref<32768xf32, #tpu.memory_space<vmem>>[vector<16xi32>], vector<16xf32>,
        %get3A_731 = arith.constant 21 : i32
        %get3A_732 = arith.index_cast %rem3A_34 : i32 to index
        %get3A_733 = arith.index_cast %get3A_731 : i32 to index
        %get3A_734 = arith.index_cast %mul3A_494 : i32 to index
        %get3A_735 = tpu.vector_load %arg11[%get3A_732, %get3A_733, %get3A_734] {strides = array<i32>} : memref<2x32x512xf32, #tpu.memory_space<vmem>>, vector<16xf32>,
        %mul3A_736 = arith.mulf %gather3A_730, %get3A_735 : vector<16xf32>
        %add3A_737 = arith.addf %add3A_726, %mul3A_736 : vector<16xf32>
        %add3A_738 = arith.constant 17152 : i32
        %add3A_739 = vector.broadcast %add3A_738 : i32 to vector<16xi32>
        %add3A_740 = arith.addi %add3A_492, %add3A_739 : vector<16xi32>
        %gather3A_741 = tpu.vector_load_idx %arg10[%add3A_740] : memref<32768xf32, #tpu.memory_space<vmem>>[vector<16xi32>], vector<16xf32>,
        %get3A_742 = arith.constant 22 : i32
        %get3A_743 = arith.index_cast %rem3A_34 : i32 to index
        %get3A_744 = arith.index_cast %get3A_742 : i32 to index
        %get3A_745 = arith.index_cast %mul3A_494 : i32 to index
        %get3A_746 = tpu.vector_load %arg11[%get3A_743, %get3A_744, %get3A_745] {strides = array<i32>} : memref<2x32x512xf32, #tpu.memory_space<vmem>>, vector<16xf32>,
        %mul3A_747 = arith.mulf %gather3A_741, %get3A_746 : vector<16xf32>
        %add3A_748 = arith.addf %add3A_737, %mul3A_747 : vector<16xf32>
        %add3A_749 = arith.constant 17280 : i32
        %add3A_750 = vector.broadcast %add3A_749 : i32 to vector<16xi32>
        %add3A_751 = arith.addi %add3A_492, %add3A_750 : vector<16xi32>
        %gather3A_752 = tpu.vector_load_idx %arg10[%add3A_751] : memref<32768xf32, #tpu.memory_space<vmem>>[vector<16xi32>], vector<16xf32>,
        %get3A_753 = arith.constant 23 : i32
        %get3A_754 = arith.index_cast %rem3A_34 : i32 to index
        %get3A_755 = arith.index_cast %get3A_753 : i32 to index
        %get3A_756 = arith.index_cast %mul3A_494 : i32 to index
        %get3A_757 = tpu.vector_load %arg11[%get3A_754, %get3A_755, %get3A_756] {strides = array<i32>} : memref<2x32x512xf32, #tpu.memory_space<vmem>>, vector<16xf32>,
        %mul3A_758 = arith.mulf %gather3A_752, %get3A_757 : vector<16xf32>
        %add3A_759 = arith.addf %add3A_748, %mul3A_758 : vector<16xf32>
        %add3A_760 = arith.constant 24576 : i32
        %add3A_761 = vector.broadcast %add3A_760 : i32 to vector<16xi32>
        %add3A_762 = arith.addi %add3A_492, %add3A_761 : vector<16xi32>
        %gather3A_763 = tpu.vector_load_idx %arg10[%add3A_762] : memref<32768xf32, #tpu.memory_space<vmem>>[vector<16xi32>], vector<16xf32>,
        %get3A_764 = arith.constant 24 : i32
        %get3A_765 = arith.index_cast %rem3A_34 : i32 to index
        %get3A_766 = arith.index_cast %get3A_764 : i32 to index
        %get3A_767 = arith.index_cast %mul3A_494 : i32 to index
        %get3A_768 = tpu.vector_load %arg11[%get3A_765, %get3A_766, %get3A_767] {strides = array<i32>} : memref<2x32x512xf32, #tpu.memory_space<vmem>>, vector<16xf32>,
        %mul3A_769 = arith.mulf %gather3A_763, %get3A_768 : vector<16xf32>
        %add3A_770 = arith.addf %add3A_759, %mul3A_769 : vector<16xf32>
        %add3A_771 = arith.constant 24704 : i32
        %add3A_772 = vector.broadcast %add3A_771 : i32 to vector<16xi32>
        %add3A_773 = arith.addi %add3A_492, %add3A_772 : vector<16xi32>
        %gather3A_774 = tpu.vector_load_idx %arg10[%add3A_773] : memref<32768xf32, #tpu.memory_space<vmem>>[vector<16xi32>], vector<16xf32>,
        %get3A_775 = arith.constant 25 : i32
        %get3A_776 = arith.index_cast %rem3A_34 : i32 to index
        %get3A_777 = arith.index_cast %get3A_775 : i32 to index
        %get3A_778 = arith.index_cast %mul3A_494 : i32 to index
        %get3A_779 = tpu.vector_load %arg11[%get3A_776, %get3A_777, %get3A_778] {strides = array<i32>} : memref<2x32x512xf32, #tpu.memory_space<vmem>>, vector<16xf32>,
        %mul3A_780 = arith.mulf %gather3A_774, %get3A_779 : vector<16xf32>
        %add3A_781 = arith.addf %add3A_770, %mul3A_780 : vector<16xf32>
        %add3A_782 = arith.constant 24832 : i32
        %add3A_783 = vector.broadcast %add3A_782 : i32 to vector<16xi32>
        %add3A_784 = arith.addi %add3A_492, %add3A_783 : vector<16xi32>
        %gather3A_785 = tpu.vector_load_idx %arg10[%add3A_784] : memref<32768xf32, #tpu.memory_space<vmem>>[vector<16xi32>], vector<16xf32>,
        %get3A_786 = arith.constant 26 : i32
        %get3A_787 = arith.index_cast %rem3A_34 : i32 to index
        %get3A_788 = arith.index_cast %get3A_786 : i32 to index
        %get3A_789 = arith.index_cast %mul3A_494 : i32 to index
        %get3A_790 = tpu.vector_load %arg11[%get3A_787, %get3A_788, %get3A_789] {strides = array<i32>} : memref<2x32x512xf32, #tpu.memory_space<vmem>>, vector<16xf32>,
        %mul3A_791 = arith.mulf %gather3A_785, %get3A_790 : vector<16xf32>
        %add3A_792 = arith.addf %add3A_781, %mul3A_791 : vector<16xf32>
        %add3A_793 = arith.constant 24960 : i32
        %add3A_794 = vector.broadcast %add3A_793 : i32 to vector<16xi32>
        %add3A_795 = arith.addi %add3A_492, %add3A_794 : vector<16xi32>
        %gather3A_796 = tpu.vector_load_idx %arg10[%add3A_795] : memref<32768xf32, #tpu.memory_space<vmem>>[vector<16xi32>], vector<16xf32>,
        %get3A_797 = arith.constant 27 : i32
        %get3A_798 = arith.index_cast %rem3A_34 : i32 to index
        %get3A_799 = arith.index_cast %get3A_797 : i32 to index
        %get3A_800 = arith.index_cast %mul3A_494 : i32 to index
        %get3A_801 = tpu.vector_load %arg11[%get3A_798, %get3A_799, %get3A_800] {strides = array<i32>} : memref<2x32x512xf32, #tpu.memory_space<vmem>>, vector<16xf32>,
        %mul3A_802 = arith.mulf %gather3A_796, %get3A_801 : vector<16xf32>
        %add3A_803 = arith.addf %add3A_792, %mul3A_802 : vector<16xf32>
        %add3A_804 = arith.constant 25088 : i32
        %add3A_805 = vector.broadcast %add3A_804 : i32 to vector<16xi32>
        %add3A_806 = arith.addi %add3A_492, %add3A_805 : vector<16xi32>
        %gather3A_807 = tpu.vector_load_idx %arg10[%add3A_806] : memref<32768xf32, #tpu.memory_space<vmem>>[vector<16xi32>], vector<16xf32>,
        %get3A_808 = arith.constant 28 : i32
        %get3A_809 = arith.index_cast %rem3A_34 : i32 to index
        %get3A_810 = arith.index_cast %get3A_808 : i32 to index
        %get3A_811 = arith.index_cast %mul3A_494 : i32 to index
        %get3A_812 = tpu.vector_load %arg11[%get3A_809, %get3A_810, %get3A_811] {strides = array<i32>} : memref<2x32x512xf32, #tpu.memory_space<vmem>>, vector<16xf32>,
        %mul3A_813 = arith.mulf %gather3A_807, %get3A_812 : vector<16xf32>
        %add3A_814 = arith.addf %add3A_803, %mul3A_813 : vector<16xf32>
        %add3A_815 = arith.constant 25216 : i32
        %add3A_816 = vector.broadcast %add3A_815 : i32 to vector<16xi32>
        %add3A_817 = arith.addi %add3A_492, %add3A_816 : vector<16xi32>
        %gather3A_818 = tpu.vector_load_idx %arg10[%add3A_817] : memref<32768xf32, #tpu.memory_space<vmem>>[vector<16xi32>], vector<16xf32>,
        %get3A_819 = arith.constant 29 : i32
        %get3A_820 = arith.index_cast %rem3A_34 : i32 to index
        %get3A_821 = arith.index_cast %get3A_819 : i32 to index
        %get3A_822 = arith.index_cast %mul3A_494 : i32 to index
        %get3A_823 = tpu.vector_load %arg11[%get3A_820, %get3A_821, %get3A_822] {strides = array<i32>} : memref<2x32x512xf32, #tpu.memory_space<vmem>>, vector<16xf32>,
        %mul3A_824 = arith.mulf %gather3A_818, %get3A_823 : vector<16xf32>
        %add3A_825 = arith.addf %add3A_814, %mul3A_824 : vector<16xf32>
        %add3A_826 = arith.constant 25344 : i32
        %add3A_827 = vector.broadcast %add3A_826 : i32 to vector<16xi32>
        %add3A_828 = arith.addi %add3A_492, %add3A_827 : vector<16xi32>
        %gather3A_829 = tpu.vector_load_idx %arg10[%add3A_828] : memref<32768xf32, #tpu.memory_space<vmem>>[vector<16xi32>], vector<16xf32>,
        %get3A_830 = arith.constant 30 : i32
        %get3A_831 = arith.index_cast %rem3A_34 : i32 to index
        %get3A_832 = arith.index_cast %get3A_830 : i32 to index
        %get3A_833 = arith.index_cast %mul3A_494 : i32 to index
        %get3A_834 = tpu.vector_load %arg11[%get3A_831, %get3A_832, %get3A_833] {strides = array<i32>} : memref<2x32x512xf32, #tpu.memory_space<vmem>>, vector<16xf32>,
        %mul3A_835 = arith.mulf %gather3A_829, %get3A_834 : vector<16xf32>
        %add3A_836 = arith.addf %add3A_825, %mul3A_835 : vector<16xf32>
        %add3A_837 = arith.constant 25472 : i32
        %add3A_838 = vector.broadcast %add3A_837 : i32 to vector<16xi32>
        %add3A_839 = arith.addi %add3A_492, %add3A_838 : vector<16xi32>
        %gather3A_840 = tpu.vector_load_idx %arg10[%add3A_839] : memref<32768xf32, #tpu.memory_space<vmem>>[vector<16xi32>], vector<16xf32>,
        %get3A_841 = arith.constant 31 : i32
        %get3A_842 = arith.index_cast %rem3A_34 : i32 to index
        %get3A_843 = arith.index_cast %get3A_841 : i32 to index
        %get3A_844 = arith.index_cast %mul3A_494 : i32 to index
        %get3A_845 = tpu.vector_load %arg11[%get3A_842, %get3A_843, %get3A_844] {strides = array<i32>} : memref<2x32x512xf32, #tpu.memory_space<vmem>>, vector<16xf32>,
        %mul3A_846 = arith.mulf %gather3A_840, %get3A_845 : vector<16xf32>
        %add3A_847 = arith.addf %add3A_836, %mul3A_846 : vector<16xf32>
        %swap3A = arith.index_cast %mul3A_494 : i32 to index
        %swap3A_848 = tpu.vector_load %arg12[%swap3A] {strides = array<i32>} : memref<512xf32, #tpu.memory_space<vmem>>, vector<16xf32>,
        tpu.vector_store %arg12[%swap3A], %add3A_847 {strides = array<i32>} : memref<512xf32, #tpu.memory_space<vmem>>, vector<16xf32>,
        %scan3A_849 = arith.constant 0 : i32
        scf.yield %scan3A_849 : i32
      }
      %scan3A_445 = arith.constant 32 : i32
      %scan3A_446 = arith.constant 0 : i32
      scf.yield %scan3A_446 : i32
    }
    %scan3A_29 = arith.constant 13 : i32
    %mul3A_30 = arith.constant 512 : i32
    %mul3A_31 = arith.muli %add3A, %mul3A_30 : i32
    "tpu.region"() ({
      %run_scoped3A = tpu.sem_alloc : memref<!tpu.dma_semaphore, #tpu.memory_space<semaphore_mem>>
      %dma_start3A = tpu.memref_slice %arg6[%mul3A_31] : memref<16384xf32, #tpu.memory_space<hbm>> -> memref<512xf32, #tpu.memory_space<hbm>>
      %dma_start3A_32 = tpu.memref_slice %arg6[%mul3A_31] : memref<16384xf32, #tpu.memory_space<hbm>> -> memref<512xf32, #tpu.memory_space<hbm>>
      tpu.enqueue_dma source(%arg12 : memref<512xf32, #tpu.memory_space<vmem>>) target(%dma_start3A_32 : memref<512xf32, #tpu.memory_space<hbm>>) target_semaphore(%run_scoped3A : memref<!tpu.dma_semaphore, #tpu.memory_space<semaphore_mem>>)
      %dma_wait3A = tpu.memref_slice %arg6[%mul3A_31] : memref<16384xf32, #tpu.memory_space<hbm>> -> memref<512xf32, #tpu.memory_space<hbm>>
      %dma_wait3A_33 = tpu.memref_slice %arg6[%mul3A_31] : memref<16384xf32, #tpu.memory_space<hbm>> -> memref<512xf32, #tpu.memory_space<hbm>>
      tpu.wait_dma2 semaphore(%run_scoped3A : memref<!tpu.dma_semaphore, #tpu.memory_space<semaphore_mem>>) src(%arg12 : memref<512xf32, #tpu.memory_space<vmem>>) dst(%dma_wait3A_33 : memref<512xf32, #tpu.memory_space<hbm>>)
      tpu.yield
    }) : () -> ()
    return
  }
}

module attributes {stable_mosaic.version = 14 : i64} {
  func.func @body(%arg0: i32, %arg1: i32, %arg2: memref<8x1024xf32, #tpu.memory_space<vmem>>, %arg3: memref<1x8x8x128xf32, #tpu.memory_space<vmem>>) attributes {dimension_semantics = [#tpu.dimension_semantics<arbitrary>, #tpu.dimension_semantics<arbitrary>], iteration_bounds = array<i64: 104, 1>, scalar_prefetch = 0 : i64, scratch_operands = 0 : i64, tpu.core_type = #tpu.core_type<tc>, window_params = [{transform_indices = @transform_0, window_bounds = array<i64: 8, 1024>}, {transform_indices = @transform_1, window_bounds = array<i64: 1, 8, 8, 128>}]} {
    %get3A = arith.constant 0 : index
    %get3A_0 = arith.constant 0 : index
    %get3A_1 = vector.load %arg2[%get3A, %get3A_0] : memref<8x1024xf32, #tpu.memory_space<vmem>>, vector<8x1024xf32>
    %reshape3A = vector.shape_cast %get3A_1 : vector<8x1024xf32> to vector<8x8x128xf32>
    %transpose3A = tpu.transpose %reshape3A, [1, 0, 2] : vector<8x8x128xf32> -> vector<8x8x128xf32>
    %broadcast_in_dim3A = vector.shape_cast %transpose3A : vector<8x8x128xf32> to vector<1x8x8x128xf32>
    %swap3A = arith.constant 0 : index
    %swap3A_2 = arith.constant 0 : index
    %swap3A_3 = arith.constant 0 : index
    %swap3A_4 = arith.constant 0 : index
    %swap3A_5 = vector.load %arg3[%swap3A, %swap3A_2, %swap3A_3, %swap3A_4] : memref<1x8x8x128xf32, #tpu.memory_space<vmem>>, vector<1x8x8x128xf32>
    tpu.vector_store %arg3[%swap3A, %swap3A_2, %swap3A_3, %swap3A_4], %broadcast_in_dim3A {strides = array<i32>} : memref<1x8x8x128xf32, #tpu.memory_space<vmem>>, vector<1x8x8x128xf32>,
    return
  }
  func.func @transform_0(%arg0: i32, %arg1: i32) -> (i32, i32) {
    %add3A = arith.constant 0 : i32
    %add3A_0 = arith.addi %arg0, %add3A : i32
    %c0_i32 = arith.constant 0 : i32
    return %add3A_0, %arg1 : i32, i32
  }
  func.func @transform_1(%arg0: i32, %arg1: i32) -> (i32, i32, i32, i32) {
    %c0_i32 = arith.constant 0 : i32
    %c0_i32_0 = arith.constant 0 : i32
    %c0_i32_1 = arith.constant 0 : i32
    return %arg0, %arg1, %c0_i32, %c0_i32_0 : i32, i32, i32, i32
  }
}

module attributes {stable_mosaic.version = 14 : i64} {
  func.func @body(%arg0: i32, %arg1: i32, %arg2: memref<8x50048xf32, #tpu.memory_space<vmem>>, %arg3: memref<1x391x8x128xf32, #tpu.memory_space<vmem>>) attributes {dimension_semantics = [#tpu.dimension_semantics<arbitrary>, #tpu.dimension_semantics<arbitrary>], iteration_bounds = array<i64: 52, 2>, scalar_prefetch = 0 : i64, scratch_operands = 0 : i64, tpu.core_type = #tpu.core_type<tc>, window_params = [{transform_indices = @transform_0, window_bounds = array<i64: 8, 50048>}, {transform_indices = @transform_1, window_bounds = array<i64: 1, 391, 8, 128>}]} {
    %get3A = arith.constant 0 : index
    %get3A_0 = arith.constant 0 : index
    %get3A_1 = vector.load %arg2[%get3A, %get3A_0] : memref<8x50048xf32, #tpu.memory_space<vmem>>, vector<8x50048xf32>
    %reshape3A = vector.shape_cast %get3A_1 : vector<8x50048xf32> to vector<8x391x128xf32>
    %transpose3A = tpu.transpose %reshape3A, [1, 0, 2] : vector<8x391x128xf32> -> vector<391x8x128xf32>
    %broadcast_in_dim3A = vector.shape_cast %transpose3A : vector<391x8x128xf32> to vector<1x391x8x128xf32>
    %swap3A = arith.constant 0 : index
    %swap3A_2 = arith.constant 0 : index
    %swap3A_3 = arith.constant 0 : index
    %swap3A_4 = arith.constant 0 : index
    %swap3A_5 = vector.load %arg3[%swap3A, %swap3A_2, %swap3A_3, %swap3A_4] : memref<1x391x8x128xf32, #tpu.memory_space<vmem>>, vector<1x391x8x128xf32>
    tpu.vector_store %arg3[%swap3A, %swap3A_2, %swap3A_3, %swap3A_4], %broadcast_in_dim3A {strides = array<i32>} : memref<1x391x8x128xf32, #tpu.memory_space<vmem>>, vector<1x391x8x128xf32>,
    return
  }
  func.func @transform_0(%arg0: i32, %arg1: i32) -> (i32, i32) {
    %add3A = arith.constant 0 : i32
    %add3A_0 = arith.addi %arg0, %add3A : i32
    %c0_i32 = arith.constant 0 : i32
    return %add3A_0, %arg1 : i32, i32
  }
  func.func @transform_1(%arg0: i32, %arg1: i32) -> (i32, i32, i32, i32) {
    %c0_i32 = arith.constant 0 : i32
    %c0_i32_0 = arith.constant 0 : i32
    %c0_i32_1 = arith.constant 0 : i32
    return %arg0, %arg1, %c0_i32, %c0_i32_0 : i32, i32, i32, i32
  }
}

module attributes {stable_mosaic.version = 14 : i64} {
  func.func @body(%arg0: i32, %arg1: i32, %arg2: memref<8x50048xf32, #tpu.memory_space<vmem>>, %arg3: memref<1x391x8x128xf32, #tpu.memory_space<vmem>>) attributes {dimension_semantics = [#tpu.dimension_semantics<arbitrary>, #tpu.dimension_semantics<arbitrary>], iteration_bounds = array<i64: 52, 2>, scalar_prefetch = 0 : i64, scratch_operands = 0 : i64, tpu.core_type = #tpu.core_type<tc>, window_params = [{transform_indices = @transform_0, window_bounds = array<i64: 8, 50048>}, {transform_indices = @transform_1, window_bounds = array<i64: 1, 391, 8, 128>}]} {
    %get3A = arith.constant 0 : index
    %get3A_0 = arith.constant 0 : index
    %get3A_1 = vector.load %arg2[%get3A, %get3A_0] : memref<8x50048xf32, #tpu.memory_space<vmem>>, vector<8x50048xf32>
    %reshape3A = vector.shape_cast %get3A_1 : vector<8x50048xf32> to vector<8x391x128xf32>
    %transpose3A = tpu.transpose %reshape3A, [1, 0, 2] : vector<8x391x128xf32> -> vector<391x8x128xf32>
    %broadcast_in_dim3A = vector.shape_cast %transpose3A : vector<391x8x128xf32> to vector<1x391x8x128xf32>
    %swap3A = arith.constant 0 : index
    %swap3A_2 = arith.constant 0 : index
    %swap3A_3 = arith.constant 0 : index
    %swap3A_4 = arith.constant 0 : index
    %swap3A_5 = vector.load %arg3[%swap3A, %swap3A_2, %swap3A_3, %swap3A_4] : memref<1x391x8x128xf32, #tpu.memory_space<vmem>>, vector<1x391x8x128xf32>
    tpu.vector_store %arg3[%swap3A, %swap3A_2, %swap3A_3, %swap3A_4], %broadcast_in_dim3A {strides = array<i32>} : memref<1x391x8x128xf32, #tpu.memory_space<vmem>>, vector<1x391x8x128xf32>,
    return
  }
  func.func @transform_0(%arg0: i32, %arg1: i32) -> (i32, i32) {
    %add3A = arith.constant 52 : i32
    %add3A_0 = arith.addi %arg0, %add3A : i32
    %c0_i32 = arith.constant 0 : i32
    return %add3A_0, %arg1 : i32, i32
  }
  func.func @transform_1(%arg0: i32, %arg1: i32) -> (i32, i32, i32, i32) {
    %c0_i32 = arith.constant 0 : i32
    %c0_i32_0 = arith.constant 0 : i32
    %c0_i32_1 = arith.constant 0 : i32
    return %arg0, %arg1, %c0_i32, %c0_i32_0 : i32, i32, i32, i32
  }
}

module attributes {stable_mosaic.version = 14 : i64} {
  func.func @body(%arg0: i32, %arg1: i32, %arg2: memref<8x65536xf32, #tpu.memory_space<vmem>>, %arg3: memref<1x512x8x128xf32, #tpu.memory_space<vmem>>) attributes {dimension_semantics = [#tpu.dimension_semantics<arbitrary>, #tpu.dimension_semantics<arbitrary>], iteration_bounds = array<i64: 8, 16>, scalar_prefetch = 0 : i64, scratch_operands = 0 : i64, tpu.core_type = #tpu.core_type<tc>, window_params = [{transform_indices = @transform_0, window_bounds = array<i64: 8, 65536>}, {transform_indices = @transform_1, window_bounds = array<i64: 1, 512, 8, 128>}]} {
    %get3A = arith.constant 0 : index
    %get3A_0 = arith.constant 0 : index
    %get3A_1 = vector.load %arg2[%get3A, %get3A_0] : memref<8x65536xf32, #tpu.memory_space<vmem>>, vector<8x65536xf32>
    %reshape3A = vector.shape_cast %get3A_1 : vector<8x65536xf32> to vector<8x512x128xf32>
    %transpose3A = tpu.transpose %reshape3A, [1, 0, 2] : vector<8x512x128xf32> -> vector<512x8x128xf32>
    %broadcast_in_dim3A = vector.shape_cast %transpose3A : vector<512x8x128xf32> to vector<1x512x8x128xf32>
    %swap3A = arith.constant 0 : index
    %swap3A_2 = arith.constant 0 : index
    %swap3A_3 = arith.constant 0 : index
    %swap3A_4 = arith.constant 0 : index
    %swap3A_5 = vector.load %arg3[%swap3A, %swap3A_2, %swap3A_3, %swap3A_4] : memref<1x512x8x128xf32, #tpu.memory_space<vmem>>, vector<1x512x8x128xf32>
    tpu.vector_store %arg3[%swap3A, %swap3A_2, %swap3A_3, %swap3A_4], %broadcast_in_dim3A {strides = array<i32>} : memref<1x512x8x128xf32, #tpu.memory_space<vmem>>, vector<1x512x8x128xf32>,
    return
  }
  func.func @transform_0(%arg0: i32, %arg1: i32) -> (i32, i32) {
    %add3A = arith.constant 0 : i32
    %add3A_0 = arith.addi %arg0, %add3A : i32
    %c0_i32 = arith.constant 0 : i32
    return %add3A_0, %arg1 : i32, i32
  }
  func.func @transform_1(%arg0: i32, %arg1: i32) -> (i32, i32, i32, i32) {
    %c0_i32 = arith.constant 0 : i32
    %c0_i32_0 = arith.constant 0 : i32
    %c0_i32_1 = arith.constant 0 : i32
    return %arg0, %arg1, %c0_i32, %c0_i32_0 : i32, i32, i32, i32
  }
}

module attributes {stable_mosaic.version = 14 : i64} {
  func.func @body(%arg0: i32, %arg1: i32, %arg2: memref<8x50048xf32, #tpu.memory_space<vmem>>, %arg3: memref<1x391x8x128xf32, #tpu.memory_space<vmem>>) attributes {dimension_semantics = [#tpu.dimension_semantics<arbitrary>, #tpu.dimension_semantics<arbitrary>], iteration_bounds = array<i64: 8, 2>, scalar_prefetch = 0 : i64, scratch_operands = 0 : i64, tpu.core_type = #tpu.core_type<tc>, window_params = [{transform_indices = @transform_0, window_bounds = array<i64: 8, 50048>}, {transform_indices = @transform_1, window_bounds = array<i64: 1, 391, 8, 128>}]} {
    %get3A = arith.constant 0 : index
    %get3A_0 = arith.constant 0 : index
    %get3A_1 = vector.load %arg2[%get3A, %get3A_0] : memref<8x50048xf32, #tpu.memory_space<vmem>>, vector<8x50048xf32>
    %reshape3A = vector.shape_cast %get3A_1 : vector<8x50048xf32> to vector<8x391x128xf32>
    %transpose3A = tpu.transpose %reshape3A, [1, 0, 2] : vector<8x391x128xf32> -> vector<391x8x128xf32>
    %broadcast_in_dim3A = vector.shape_cast %transpose3A : vector<391x8x128xf32> to vector<1x391x8x128xf32>
    %swap3A = arith.constant 0 : index
    %swap3A_2 = arith.constant 0 : index
    %swap3A_3 = arith.constant 0 : index
    %swap3A_4 = arith.constant 0 : index
    %swap3A_5 = vector.load %arg3[%swap3A, %swap3A_2, %swap3A_3, %swap3A_4] : memref<1x391x8x128xf32, #tpu.memory_space<vmem>>, vector<1x391x8x128xf32>
    tpu.vector_store %arg3[%swap3A, %swap3A_2, %swap3A_3, %swap3A_4], %broadcast_in_dim3A {strides = array<i32>} : memref<1x391x8x128xf32, #tpu.memory_space<vmem>>, vector<1x391x8x128xf32>,
    return
  }
  func.func @transform_0(%arg0: i32, %arg1: i32) -> (i32, i32) {
    %add3A = arith.constant 0 : i32
    %add3A_0 = arith.addi %arg0, %add3A : i32
    %c0_i32 = arith.constant 0 : i32
    return %add3A_0, %arg1 : i32, i32
  }
  func.func @transform_1(%arg0: i32, %arg1: i32) -> (i32, i32, i32, i32) {
    %c0_i32 = arith.constant 0 : i32
    %c0_i32_0 = arith.constant 0 : i32
    %c0_i32_1 = arith.constant 0 : i32
    return %arg0, %arg1, %c0_i32, %c0_i32_0 : i32, i32, i32, i32
  }
}

</mosaic_0001>

<sc_bundles>
// kernel: kernel.10.cloned.1.call-start
scs
__scs_entry_jumppad:
0x0: {  	(pc) =	sbr.rel $0x88, $3  }
0x1: {  	(tag) =	ssettag $0x0;
	lr =	simm.s32 $0x1  }
0x2: {  	[smem:$0x3F97] =	sst lr;
	_ =	strace $0xD0000000  }
0x3: {  	_ = 	snop  }
0x4: {  	_ = 	snop  }
0x5: {  	_ = 	snop  }
0x6: {  	_ = 	snop  }
0x7: {  	_ = 	snop  }
__scs_overlays_trampoline_lowered:
0x8: {  	[smem:$0x3FA6] =	sst s0  }
0x9: {  	[smem:$0x3FA7] =	sst s1  }
0xa: {  	[smem:$0x3FA8] =	sst s2  }
0xb: {  	[smem:$0x3FA9] =	sst s3  }
0xc: {  	[smem:$0x3FAA] =	sst s4  }
0xd: {  	[smem:$0x3FAB] =	sst s5  }
0xe: {  	[smem:$0x3FAC] =	sst s6  }
0xf: {  	[smem:$0x3FAD] =	sst s7  }
0x10: {  	[smem:$0x3FAE] =	sst s8  }
0x11: {  	[smem:$0x3FAF] =	sst s9;
	s0 =	simm.s32 @!p0 $0x0  }
0x12: {  	s1 =	sld [smem:$0x3F95];
	s0 =	simm.s32 @p0 $0x1  }
0x13: {  	[smem:$0x3FB0] =	sst s0;
	s0 =	simm.s32 @!p1 $0x0  }
0x14: {  	s2 =	sld [smem:$0x3F94];
	s0 =	simm.s32 @p1 $0x1  }
0x15: {  	[smem:$0x3FB1] =	sst s0;
	s0 =	simm.s32 @!p2 $0x0  }
0x16: {  	s3 =	sld [smem:$0x3FDB];
	s0 =	simm.s32 @p2 $0x1  }
0x17: {  	s4 =	simm.s32 $0x1BF5;
	[smem:$0x3FB3] =	sst s0  }
0x18: {  	s0 =	sld [smem:$0x3F96];
	_ =	swait.ge [sflag:s4], $0x0  }
0x19: {  	s7 =	sld [smem:$0x3F97]  }
0x1a: {  	s8 =	sadd.s32 $0xFFFFE003, lr  }
0x1b: {  	s9 =	sadd.s32 $0xFFFFFEF7, lr;
	s5 =	simm.s32 $0xFFFFFFFF;
	p2 =	slt.u32 s8, $0xFFFFF086  }
0x1c: {  	p1 =	slt.u32 s9, $0xF7A;
	s5 =	simm.s32 @!p2 $0x0  }
0x1d: {  	s5 =	simm.s32 @p1 $0x1;
	p0 =	seq.s32 s7, s2  }
0x1e: {  	s7 =	smul.u32 @!p0 $0xF7A, s2;
	p2 =	seq.s32 @!p0 s5, $0x0  }
0x1f: {  	s9 =	smul.u32 $0xF7A, s1;
	s8 =	simm.s32 @!p0 $0x1BF5;
	p2 =	por !p2, p0  }
0x20: {  	[sflag:s8] =	ssyncset.s32 @!p0 $0xFFFFF086;
	s6 =	sadd.s32 @!p0 s3, s7;
	s7 =	simm.s32 @!p0 $0x108  }
0x21: {  	s3 =	sadd.s32 s3, s9;
	s6 =	sadd.s32 @!p0 $0x88, s6;
	s7 =	simm.s32 @p2 $0x1082  }
0x22: {  	[simem:s7], [sflag:s8] =	dma.local @!p0 [hbm:s6], $0xF7A  }
0x23: {  	s9 =	sor.u32 $0xD0000000, s2;
	s6 =	simm.s32 $0x108;
	_ =	swait.ge @!p0 [sflag:s8], $0x0  }
0x24: {  	s3 =	sadd.s32 $0x88, s3;
	s6 =	simm.s32 @!p1 $0x1082;
	[sflag:s4] =	ssyncset.s32 $0xFFFFF086  }
0x25: {  	[simem:s6], [sflag:s4] =	dma.local [hbm:s3], $0xF7A  }
0x26: {  	[smem:$0x3F97] =	sst s1;
	(tag) =	ssettag s2;
	_ =	strace s9  }
0x27: {  	s1 =	sld [smem:$0x3FA7]  }
0x28: {  	s2 =	sld [smem:$0x3FA8]  }
0x29: {  	s4 =	sld [smem:$0x3FAA]  }
0x2a: {  	p0 =	seq.s32 s5, $0x0;
	s5 =	sld [smem:$0x3FAB]  }
0x2b: {  	s6 =	sld [smem:$0x3FAC]  }
0x2c: {  	s7 =	sld [smem:$0x3FAD]  }
0x2d: {  	s3 =	simm.s32 $0x108;
	s8 =	sld [smem:$0x3FAE]  }
0x2e: {  	s3 =	simm.s32 @!p0 $0x1082;
	s9 =	sld [smem:$0x3FAF]  }
0x2f: {  	lr =	sadd.s32 s0, s3;
	s0 =	sld [smem:$0x3FA6]  }
0x30: {  	s3 =	sld [smem:$0x3FA9]  }
0x31: {  	[smem:$0x3FB2] =	sst s10  }
0x32: {  	s10 =	sld [smem:$0x3FB0];
	_ =	sdelay $0x3  }
0x33: {  	p0 =	seq.s32 s10, $0x1;
	s10 =	sld [smem:$0x3FB2];
	_ =	sdelay $0x3  }
0x34: {  	[smem:$0x3FB2] =	sst s10  }
0x35: {  	s10 =	sld [smem:$0x3FB1];
	_ =	sdelay $0x3  }
0x36: {  	p1 =	seq.s32 s10, $0x1;
	s10 =	sld [smem:$0x3FB2];
	_ =	sdelay $0x3  }
0x37: {  	[smem:$0x3FB2] =	sst s10  }
0x38: {  	s10 =	sld [smem:$0x3FB3]  }
0x39: {  	_ = 	snop;
	(pc) =	sbr.ind lr, $3  }
0x3a: {  	_ = 	snop  }
0x3b: {  	_ = 	snop  }
0x3c: {  	p2 =	seq.s32 s10, $0x1;
	s10 =	sld [smem:$0x3FB2]  }
0x3d: {  	_ =	shalt  }
0x3e: {  	_ =	shalt  }
0x3f: {  	_ =	shalt  }
0x40: {  	_ =	shalt  }
0x41: {  	_ =	shalt  }
0x42: {  	_ =	shalt  }
0x43: {  	_ =	shalt  }
0x44: {  	_ =	shalt  }
0x45: {  	_ =	shalt  }
0x46: {  	_ =	shalt  }
0x47: {  	_ =	shalt  }
0x48: {  	_ =	shalt  }
0x49: {  	_ =	shalt  }
0x4a: {  	_ =	shalt  }
0x4b: {  	_ =	shalt  }
0x4c: {  	_ =	shalt  }
0x4d: {  	_ =	shalt  }
0x4e: {  	_ =	shalt  }
0x4f: {  	_ =	shalt  }
0x50: {  	_ =	shalt  }
0x51: {  	_ =	shalt  }
0x52: {  	_ =	shalt  }
0x53: {  	_ =	shalt  }
0x54: {  	_ =	shalt  }
0x55: {  	_ =	shalt  }
0x56: {  	_ =	shalt  }
0x57: {  	_ =	shalt  }
0x58: {  	_ =	shalt  }
0x59: {  	_ =	shalt  }
0x5a: {  	_ =	shalt  }
0x5b: {  	_ =	shalt  }
0x5c: {  	_ =	shalt  }
0x5d: {  	_ =	shalt  }
0x5e: {  	_ =	shalt  }
0x5f: {  	_ =	shalt  }
0x60: {  	_ =	shalt  }
0x61: {  	_ =	shalt  }
0x62: {  	_ =	shalt  }
0x63: {  	_ =	shalt  }
0x64: {  	_ =	shalt  }
0x65: {  	_ =	shalt  }
0x66: {  	_ =	shalt  }
0x67: {  	_ =	shalt  }
0x68: {  	_ =	shalt  }
0x69: {  	_ =	shalt  }
0x6a: {  	_ =	shalt  }
0x6b: {  	_ =	shalt  }
0x6c: {  	_ =	shalt  }
0x6d: {  	_ =	shalt  }
0x6e: {  	_ =	shalt  }
0x6f: {  	_ =	shalt  }
0x70: {  	_ =	shalt  }
0x71: {  	_ =	shalt  }
0x72: {  	_ =	shalt  }
0x73: {  	_ =	shalt  }
0x74: {  	_ =	shalt  }
0x75: {  	_ =	shalt  }
0x76: {  	_ =	shalt  }
0x77: {  	_ =	shalt  }
0x78: {  	_ =	shalt  }
0x79: {  	_ =	shalt  }
0x7a: {  	_ =	shalt  }
0x7b: {  	_ =	shalt  }
0x7c: {  	_ =	shalt  }
0x7d: {  	_ =	shalt  }
0x7e: {  	_ =	shalt  }
0x7f: {  	_ =	shalt  }
0x80: {  	_ =	shalt  }
0x81: {  	_ =	shalt  }
0x82: {  	_ =	shalt  }
0x83: {  	_ =	shalt  }
0x84: {  	_ =	shalt  }
0x85: {  	_ =	shalt  }
0x86: {  	_ =	shalt  }
0x87: {  	_ =	shalt  }
.Lfunc_end0:
.L_simem_size_0:
called_computation_lowered:
.L_overlay_start_0:
0x88: {  	s2 =	sld [smem:$0x3FD9]  }
0x89: {  	s3 =	sld [smem:$0x3FFE];
	_ =	sdelay $0x1  }
0x8a: {  	s1 =	srdreg.scid  }
0x8b: {  	s0 =	sand.u32 $0x1, s1  }
0x8c: {  	s17 =	sshll.u32 s0, $0xA;
	s2 =	sadd.s32 s3, s2  }
0x8d: {  	s2 =	sadd.s32 s2, s17  }
0x8e: {  	[smem:$0x3FBE] =	sst s2  }
0x8f: {  	_ = 	snop  }
0x90: {  	s4 =	sld [smem:$0x3FC9]  }
0x91: {  	s5 =	sld [smem:$0x3FC8]  }
0x92: {  	s18 =	sld [smem:$0x3FD0];
	(tm) =	ssettm $0x1  }
0x93: {  	s19 =	sld [smem:$0x3FFB];
	_ =	sdelay $0x3  }
0x94: {  	_ =	strace s19  }
0x95: {  	s2 =	sld [smem:$0x3FFC];
	_ =	sdelay $0x3  }
0x96: {  	_ =	strace s2  }
0x97: {  	s2 =	sld [smem:$0x3FFD];
	_ =	sdelay $0x3  }
0x98: {  	_ =	strace s2  }
0x99: {  	_ =	strace $0x8FFFFFFF  }
0x9a: {  	s20 =	sld [smem:$0x3FDB];
	_ =	sdelay $0x1  }
0x9b: {  	s6 =	simm.s32 $_scs_section_size  }
0x9c: {  	s7 =	simm.s32 $_size__tile_overlayer_lowered;
	s8 =	simm.s32 $_tile_overlayer_lowered  }
0x9d: {  	s9 =	simm.s32 $0x1BFF;
	s21 =	sshll.u32 s8, $0x1;
	s6 =	sadd.s32 s6, s20  }
0x9e: {  	s22 =	simm.s32 $0x0;
	s7 =	sshll.u32 s7, $0x1;
	s8 =	sadd.s32 s21, s6  }
0x9f: {  	[timem:s22], [sflag:s9] =	dma.local [hbm:s8], s7  }
0xa0: {  	_ =	swait.ge [sflag:s9], s7  }
0xa1: {  	s7 =	ssub.s32 $0x0, s7;
	[sflag:s9] =	ssyncset.done $0x0  }
0xa2: {  	[sflag:s9] =	ssyncadd.s32 s7;
	_ =	sdelay $0x1  }
0xa3: {  	s23 =	simm.s32 $0x1B8B  }
0xa4: {  	_ =	swait.ge [sflag:s23], $0x1  }
0xa5: {  	[sflag:s23] =	ssyncset.done $0x0  }
0xa6: {  	[sflag:s23] =	ssyncadd.s32 $0xFFFFFFFF  }
0xa7: {  	s7 =	sld [smem:$0x0]  }
0xa8: {  	s8 =	sand.u32 $0xFFFFFFFE, s1  }
0xa9: {  	p0 =	sne.s32 s1, s8  }
0xaa: {  	s8 =	sshll.u32 @p0 s8, $0xE  }
0xab: {  	s8 =	sadd.s32 @p0 $0x11B8D, s8;
	s9 =	sshll.u32 @p0 s7, $0x11  }
0xac: {  	s8 =	sor.u32 @p0 s9, s8  }
0xad: {  	[sflag:s8] =	ssyncadd.remote.s32 @p0 $0x1;
	_ =	sdelay $0x1  }
0xae: {  	s8 =	simm.s32 @p0 $0x1B8D  }
0xaf: {  	_ =	swait.eq @p0 [sflag:s8], $0x1  }
0xb0: {  	[sflag:s8] =	ssyncadd.s32 @p0 $0xFFFFFFFF  }
0xb1: {  	s9 =	sshll.u32 @!p0 s1, $0xE  }
0xb2: {  	s9 =	sor.u32 @!p0 $0x4000, s9;
	s8 =	simm.s32 @!p0 $0x1B8D  }
0xb3: {  	s7 =	sshll.u32 @!p0 s7, $0x11;
	s9 =	sadd.s32 @!p0 $0x11B8D, s9;
	_ =	swait.eq @!p0 [sflag:s8], $0x1  }
0xb4: {  	s7 =	sor.u32 @!p0 s7, s9;
	[sflag:s8] =	ssyncadd.s32 @!p0 $0xFFFFFFFF  }
0xb5: {  	s25 =	simm.s32 $0x1B8E;
	s24 =	sld [smem:$0x3FFE];
	[sflag:s7] =	ssyncadd.remote.s32 @!p0 $0x1  }
0xb6: {  	s26 =	simm.s32 $execute0_lowered;
	[smem:$0x3FD2] =	sst s25  }
0xb7: {  	s8 =	sshll.u32 s26, $0x1;
	_ =	strace $0x8000004C;
	[dreg:$0x1] =	wrdreg $0xFFFFFFFF  }
0xb8: {  	s28 =	simm.s32 $_size_execute0_lowered;
	s6 =	sadd.s32 s6, s8;
	[dreg:$0x0] =	wrdreg $0x0  }
0xb9: {  	s8 =	sshll.u32 s28, $0x1;
	[dreg:$0x2] =	wrdreg s6  }
0xba: {  	[dreg:$0x3] =	wrdreg s8  }
0xbb: {  	[dreg:$0x4] =	wrdreg $0xC0  }
0xbc: {  	_ =	task [dreg:s22], $0x5FFFF  }
0xbd: {  	[dreg:$0x1] =	wrdreg $0xFFFFFFFF  }
0xbe: {  	[dreg:$0x0] =	wrdreg $0x60  }
0xbf: {  	[dreg:$0x2] =	wrdreg s4  }
0xc0: {  	[dreg:$0x3] =	wrdreg s5  }
0xc1: {  	[dreg:$0x4] =	wrdreg s24  }
0xc2: {  	[dreg:$0x5] =	wrdreg s18  }
0xc3: {  	[dreg:$0x6] =	wrdreg $0x9  }
0xc4: {  	_ =	task.clear_ibuf [dreg:s22], $0x7FFFF;
	_ =	strace $0x9000004C  }
0xc5: {  	s29 =	simm.s32 $0x9;
	_ =	strace $0x8000004E  }
0xc6: {  	_ =	swait.ge [sflag:s29], $0x1  }
0xc7: {  	[sflag:s29] =	ssyncadd.s32 $0xFFFFFFFF  }
0xc8: {  	_ =	strace $0x9000004E  }
0xc9: {  	_ =	sfence  }
0xca: {  	s30 =	sld [smem:$0x0];
	_ =	sdelay $0x2  }
0xcb: {  	s31 =	sshll.u32 s1, $0xD;
	s1 =	sshrl.u32 s1, $0x2  }
0xcc: {  	s4 =	sand.u32 $0x4000, s31;
	s1 =	sadd.s32 s1, s30  }
0xcd: {  	s0 =	sor.u32 s4, s0;
	s1 =	sshll.u32 s1, $0x11  }
0xce: {  	s0 =	sor.u32 s1, s0  }
0xcf: {  	s0 =	sadd.s32 $0x8F2B, s0  }
0xd0: {  	[sflag:s0] =	ssyncadd.remote.s32 $0x1  }
0xd1: {  	_ =	sfence.sel $0xFFFF  }
0xd2: {  	[dreg:$0x0] =	wrdreg $0xFFFFFFFF;
	(pc) =	sbr.abs _section_cstart, $3  }
0xd3: {  	[dreg:$0x1] =	wrdreg $0xFFFFFFFF  }
0xd4: {  	_ =	task.clear_ibuf [dreg:s22], $0x2FFFF;
	_ =	strace $0x9FFFFFFF  }
0xd5: {  	(tm) =	ssettm $0x7FFFFFFF  }
tec
execute0_lowered:
.L_overlay_start_1:
0x0: {  	(tag) =	ssettag $0x1  }
0x1: {  	s0 =	rddreg [dreg:$0x0]  }
0x2: {  	s2 =	rddreg [dreg:$0x1]  }
0x3: {  	s6 =	rddreg [dreg:$0x2]  }
0x4: {  	s9 =	rddreg [dreg:$0x3];
	s1 =	simm.s32 $0x0;
	s5 =	srdreg.scid  }
0x5: {  	s8 =	stileid.u32;
	s12 =	simm.s32 $0x200;
	s13 =	simm.s32 $0x80  }
0x6: {  	s23 =	simm.s32 $0x180;
	s24 =	simm.s32 $0x980;
	s25 =	simm.s32 $0x380  }
0x7: {  	s26 =	simm.s32 $0xB80;
	s28 =	simm.s32 $0x1;
	s29 =	simm.s32 $0x400  }
0x8: {  	s30 =	simm.s32 $0x600;
	s31 =	simm.s32 $0x10C00;
	[smem:$0x7FF] =	sst s1  }
0x9: {  	s3 =	sadd.s32 $0xA37C00, s6;
	s4 =	sadd.s32 $0x11D9000, s6;
	s5 =	sand.u32 $0x1, s5  }
0xa: {  	s8 =	sshll.u32 s8, $0x7;
	_ =	strace $0x8000004D;
	s7 =	ssub.s32 $0x2, s5  }
0xb: {  	s10 =	sshll.u32 s5, $0x6;
	s5 =	sadd.s32 $0x800, s6;
	s11 =	sshrl.u32 s7, $0x1  }
0xc: {  	s6 =	sadd.s32 $0x1F200, s6;
	s10 =	sor.u32 s10, s8;
	s11 =	ssub.s32 s7, s11  }
0xd: {  	s7 =	sadd.s32 s0, s10;
	s8 =	sadd.s32 s2, s10;
	s9 =	sadd.s32 s9, s10  }
0xe: {  	s0 =	simm.s32 $0x0;
	s10 =	smax.u32 s11, $0x1;
	s11 =	simm.s32 $0x2  }
.LBB2_1:
0xf: {  	[tilespmem:s1], [sflag:$0x2] =	stream.linear.gather [hbm4b:s7+s1], $0x200, $0x38;
	[tilespmem:$0x10E00] =	vst v63  }
0x10: {  	_ =	swait.ge [sflag:s11], $0x200  }
0x11: {  	[sflag:s11] =	ssyncset.done $0x0  }
0x12: {  	[sflag:s11] =	ssyncadd.s32 $0xFFFFFE00  }
0x13: {  	[tilespmem:s12], [sflag:$0x2] =	stream.linear.gather [hbm4b:s8+s1], $0x200, $0x38;
	[tilespmem:$0x10E00] =	vst v63  }
0x14: {  	_ =	swait.ge [sflag:s11], $0x200  }
0x15: {  	[sflag:s11] =	ssyncset.done $0x0  }
0x16: {  	s2 =	simm.s32 $0x800;
	[sflag:s11] =	ssyncadd.s32 $0xFFFFFE00  }
0x17: {  	[tilespmem:s2], [sflag:$0x1] =	stream.indirect.gather [hbm4b:s5+s13], $0x1, s1, s13, $0xb8;
	[tilespmem:$0x10E00] =	vst v63  }
0x18: {  	s16 =	simm.s32 $0xA00  }
0x19: {  	[tilespmem:s16], [sflag:$0x1] =	stream.indirect.gather [hbm4b:s6+s13], $0x1, s12, s13, $0xb8;
	[tilespmem:$0x10E00] =	vst v63  }
0x1a: {  	s17 =	simm.s32 $0x880  }
0x1b: {  	[tilespmem:s17], [sflag:$0x1] =	stream.indirect.gather [hbm4b:s5+s13], $0x1, s13, s13, $0xb8;
	[tilespmem:$0x10E00] =	vst v63  }
0x1c: {  	s18 =	simm.s32 $0x280;
	s14 =	simm.s32 $0xA80  }
0x1d: {  	[tilespmem:s14], [sflag:$0x1] =	stream.indirect.gather [hbm4b:s6+s13], $0x1, s18, s13, $0xb8;
	[tilespmem:$0x10E00] =	vst v63  }
0x1e: {  	s19 =	simm.s32 $0x100;
	s20 =	simm.s32 $0x900  }
0x1f: {  	[tilespmem:s20], [sflag:$0x1] =	stream.indirect.gather [hbm4b:s5+s13], $0x1, s19, s13, $0xb8;
	[tilespmem:$0x10E00] =	vst v63  }
0x20: {  	s21 =	simm.s32 $0x300;
	s22 =	simm.s32 $0xB00  }
0x21: {  	[tilespmem:s22], [sflag:$0x1] =	stream.indirect.gather [hbm4b:s6+s13], $0x1, s21, s13, $0xb8;
	[tilespmem:$0x10E00] =	vst v63  }
0x22: {  	_ = 	snop  }
0x23: {  	[tilespmem:s24], [sflag:$0x1] =	stream.indirect.gather [hbm4b:s5+s13], $0x1, s23, s13, $0xb8;
	[tilespmem:$0x10E00] =	vst v63  }
0x24: {  	_ = 	snop  }
0x25: {  	[tilespmem:s26], [sflag:$0x1] =	stream.indirect.gather [hbm4b:s6+s13], $0x1, s25, s13, $0xb8;
	[tilespmem:$0x10E00] =	vst v63  }
0x26: {  	_ =	swait.ge [sflag:s28], $0x80  }
0x27: {  	[sflag:s28] =	ssyncset.done $0x0  }
0x28: {  	[sflag:s28] =	ssyncadd.s32 $0xFFFFFF80  }
0x29: {  	_ =	swait.ge [sflag:s28], $0x80  }
0x2a: {  	[sflag:s28] =	ssyncset.done $0x0  }
0x2b: {  	[sflag:s28] =	ssyncadd.s32 $0xFFFFFF80  }
0x2c: {  	_ =	swait.ge [sflag:s28], $0x80  }
0x2d: {  	[sflag:s28] =	ssyncset.done $0x0  }
0x2e: {  	[sflag:s28] =	ssyncadd.s32 $0xFFFFFF80  }
0x2f: {  	_ =	swait.ge [sflag:s28], $0x80  }
0x30: {  	[sflag:s28] =	ssyncset.done $0x0  }
0x31: {  	[sflag:s28] =	ssyncadd.s32 $0xFFFFFF80  }
0x32: {  	_ =	swait.ge [sflag:s28], $0x80  }
0x33: {  	[sflag:s28] =	ssyncset.done $0x0  }
0x34: {  	[sflag:s28] =	ssyncadd.s32 $0xFFFFFF80  }
0x35: {  	_ =	swait.ge [sflag:s28], $0x80  }
0x36: {  	[sflag:s28] =	ssyncset.done $0x0  }
0x37: {  	[sflag:s28] =	ssyncadd.s32 $0xFFFFFF80  }
0x38: {  	_ =	swait.ge [sflag:s28], $0x80  }
0x39: {  	[sflag:s28] =	ssyncset.done $0x0  }
0x3a: {  	[sflag:s28] =	ssyncadd.s32 $0xFFFFFF80  }
0x3b: {  	_ =	swait.ge [sflag:s28], $0x80  }
0x3c: {  	[sflag:s28] =	ssyncset.done $0x0  }
0x3d: {  	s2 =	simm.s32 $0x0;
	[sflag:s28] =	ssyncadd.s32 $0xFFFFFF80  }
0x3e: {  	v1 =	vld [tilespmem:s2+$0x200]  }
0x3f: {  	v0 =	vld [tilespmem:s2+$0x0];
	_ =	sdelay $0x1  }
0x40: {  	s14 =	simm.s32 $0x40  }
.LBB2_2:
0x41: {  	p0 =	sne.s32 s14, $0x7C0  }
.Ltmp0:
0x42: {  	s15 =	sshra.s32 s14, $0x2;
	s14 =	sadd.s32 $0x40, s14;
	v2 =	vshll.u32 v1, $0x3;
	(pc) =	sbr.rel @p0 .LBB2_2-.Ltmp0, $4  }
0x43: {  	v4 =	vand.u32 $0x7F, v1;
	v3 =	vshll.u32 v0, $0x3;
	v2 =	vand.u32 $0xFFFFFC00, v2;
	v1 =	vld [tilespmem:s15+$0x200]  }
0x44: {  	v5 =	vand.u32 $0x7F, v0;
	v3 =	vand.u32 $0xFFFFFC00, v3;
	v0 =	vld [tilespmem:s15+$0x0];
	v2 =	vor.u32 v4, v2  }
0x45: {  	v3 =	vor.u32 v5, v3;
	[tilespmem:s2+$0x600] =	vst v2  }
0x46: {  	[tilespmem:s2+$0x400] =	vst v3;
	s2 =	smov.u32 s15  }
0x47: {  	s14 =	simm.s32 $0x0  }
0x48: {  	s15 =	simm.s32 $0x0;
	v2 =	vshll.u32 v1, $0x3;
	s16 =	smul.u32 $0x7A1400, s14  }
0x49: {  	v62 =	vand.u32 $0x7F, v1;
	s15 =	sand.u32 $0x380, s15;
	s14 =	smul.u32 $0xC3800, s14;
	v3 =	vshll.u32 v0, $0x3;
	v2 =	vand.u32 $0xFFFFFC00, v2  }
0x4a: {  	s21 =	simm.s32 $0xC00;
	v63 =	vand.u32 $0x7F, v0;
	v3 =	vand.u32 $0xFFFFFC00, v3;
	v1 =	vor.u32 v62, v2;
	s16 =	sor.u32 s15, s16  }
0x4b: {  	s22 =	simm.s32 $0x8C00;
	s14 =	sor.u32 s15, s14;
	v0 =	vor.u32 v63, v3;
	[tilespmem:s2+$0x600] =	vst v1;
	s20 =	sshrl.u32 s16, $0x3  }
0x4c: {  	p0 =	por $0x1, $0x1;
	s14 =	sshrl.u32 s14, $0x3;
	[tilespmem:s2+$0x400] =	vst v0;
	s15 =	sadd.s32 s3, s20  }
0x4d: {  	[tilespmem:s21], [sflag:$0x1] =	stream.indirect.gather [hbm4b:s15+s12], $0x1, s29, s12, $0xb8;
	[tilespmem:$0x10E00] =	vst v63  }
0x4e: {  	s18 =	simm.s32 $0x80;
	s17 =	simm.s32 @!p0 $0x1;
	s14 =	sadd.s32 s4, s14  }
0x4f: {  	[tilespmem:s22], [sflag:$0x1] =	stream.indirect.gather [hbm4b:s14+s12], $0x1, s30, s12, $0xb8;
	[tilespmem:$0x10E00] =	vst v63  }
0x50: {  	s16 =	simm.s32 $0x2;
	s2 =	simm.s32 $0x1;
	_ =	swait.ge @!p0 [sflag:s17], $0x200  }
0x51: {  	s20 =	sand.u32 $0x380, s18;
	s21 =	simm.s32 $0x0;
	[sflag:s17] =	ssyncset.done @!p0 $0x0  }
0x52: {  	s15 =	simm.s32 $0xE00;
	s19 =	smul.u32 $0x7A1400, s21;
	[sflag:s17] =	ssyncadd.s32 @!p0 $0xFFFFFE00  }
0x53: {  	s21 =	smul.u32 $0xC3800, s21;
	s14 =	simm.s32 $0x8E00;
	_ =	swait.ge @!p0 [sflag:s17], $0x200  }
.LBB2_4:
0x54: {  	s19 =	sor.u32 s20, s19  }
0x55: {  	[sflag:s17] =	ssyncset.done @!p0 $0x0;
	s22 =	smov.u32 s16;
	s16 =	sadd.s32 $0x1, s16  }
0x56: {  	s20 =	sor.u32 s20, s21;
	s19 =	sshrl.u32 s19, $0x3;
	[sflag:s17] =	ssyncadd.s32 @!p0 $0xFFFFFE00  }
0x57: {  	p1 =	sne.s32 s16, $0x40;
	s17 =	sadd.s32 s3, s19;
	s19 =	sshrl.u32 s20, $0x3  }
0x58: {  	[tilespmem:s15], [sflag:$0x1] =	stream.indirect.gather [hbm4b:s17+s12], $0x1, s29, s12, $0xb8;
	[tilespmem:$0x10E00] =	vst v63  }
0x59: {  	p0 =	slt.u32 s2, $0x10;
	s2 =	smov.u32 s22;
	s17 =	sadd.s32 s4, s19  }
0x5a: {  	[tilespmem:s14], [sflag:$0x1] =	stream.indirect.gather [hbm4b:s17+s12], $0x1, s30, s12, $0xb8;
	[tilespmem:$0x10E00] =	vst v63  }
.Ltmp1:
0x5b: {  	s17 =	simm.s32 @!p0 $0x1;
	(pc) =	sbr.rel @p1 .LBB2_4-.Ltmp1, $4  }
0x5c: {  	s14 =	sadd.s32 $0x200, s14;
	_ =	swait.ge @!p0 [sflag:s17], $0x200  }
0x5d: {  	s21 =	sshrl.u32 s2, $0x3;
	s15 =	sadd.s32 $0x200, s15;
	[sflag:s17] =	ssyncset.done @!p0 $0x0  }
0x5e: {  	s18 =	sadd.s32 $0x80, s18;
	s19 =	smul.u32 $0x7A1400, s21;
	[sflag:s17] =	ssyncadd.s32 @!p0 $0xFFFFFE00  }
0x5f: {  	s20 =	sand.u32 $0x380, s18;
	s21 =	smul.u32 $0xC3800, s21;
	_ =	swait.ge @!p0 [sflag:s17], $0x200  }
0x60: {  	s16 =	sor.u32 s20, s19;
	[sflag:s17] =	ssyncset.done @!p0 $0x0  }
0x61: {  	s18 =	sor.u32 s20, s21;
	s16 =	sshrl.u32 s16, $0x3;
	[sflag:s17] =	ssyncadd.s32 @!p0 $0xFFFFFE00  }
0x62: {  	p0 =	slt.u32 s2, $0x10;
	s16 =	sadd.s32 s3, s16;
	s21 =	sshrl.u32 s18, $0x3  }
0x63: {  	[tilespmem:s15], [sflag:$0x1] =	stream.indirect.gather [hbm4b:s16+s12], $0x1, s29, s12, $0xb8;
	[tilespmem:$0x10E00] =	vst v63  }
0x64: {  	s2 =	simm.s32 @!p0 $0x1;
	s22 =	sadd.s32 s4, s21  }
0x65: {  	[tilespmem:s14], [sflag:$0x1] =	stream.indirect.gather [hbm4b:s22+s12], $0x1, s30, s12, $0xb8;
	[tilespmem:$0x10E00] =	vst v63  }
0x66: {  	_ =	swait.ge @!p0 [sflag:s2], $0x200  }
0x67: {  	[sflag:s2] =	ssyncset.done @!p0 $0x0  }
0x68: {  	[sflag:s2] =	ssyncadd.s32 @!p0 $0xFFFFFE00  }
0x69: {  	_ =	swait.ge @!p0 [sflag:s2], $0x200  }
0x6a: {  	[sflag:s2] =	ssyncset.done @!p0 $0x0  }
0x6b: {  	[sflag:s2] =	ssyncadd.s32 @!p0 $0xFFFFFE00  }
0x6c: {  	_ =	swait.ge [sflag:s28], $0x200  }
0x6d: {  	[sflag:s28] =	ssyncset.done $0x0  }
0x6e: {  	[sflag:s28] =	ssyncadd.s32 $0xFFFFFE00  }
0x6f: {  	_ =	swait.ge [sflag:s28], $0x200  }
0x70: {  	[sflag:s28] =	ssyncset.done $0x0  }
0x71: {  	[sflag:s28] =	ssyncadd.s32 $0xFFFFFE00  }
0x72: {  	_ =	swait.ge [sflag:s28], $0x200  }
0x73: {  	[sflag:s28] =	ssyncset.done $0x0  }
0x74: {  	[sflag:s28] =	ssyncadd.s32 $0xFFFFFE00  }
0x75: {  	_ =	swait.ge [sflag:s28], $0x200  }
0x76: {  	[sflag:s28] =	ssyncset.done $0x0  }
0x77: {  	[sflag:s28] =	ssyncadd.s32 $0xFFFFFE00  }
0x78: {  	_ =	swait.ge [sflag:s28], $0x200  }
0x79: {  	[sflag:s28] =	ssyncset.done $0x0  }
0x7a: {  	[sflag:s28] =	ssyncadd.s32 $0xFFFFFE00  }
0x7b: {  	_ =	swait.ge [sflag:s28], $0x200  }
0x7c: {  	[sflag:s28] =	ssyncset.done $0x0  }
0x7d: {  	[sflag:s28] =	ssyncadd.s32 $0xFFFFFE00  }
0x7e: {  	_ =	swait.ge [sflag:s28], $0x200  }
0x7f: {  	[sflag:s28] =	ssyncset.done $0x0  }
0x80: {  	[sflag:s28] =	ssyncadd.s32 $0xFFFFFE00  }
0x81: {  	_ =	swait.ge [sflag:s28], $0x200  }
0x82: {  	[sflag:s28] =	ssyncset.done $0x0  }
0x83: {  	[sflag:s28] =	ssyncadd.s32 $0xFFFFFE00  }
0x84: {  	_ =	swait.ge [sflag:s28], $0x200  }
0x85: {  	[sflag:s28] =	ssyncset.done $0x0  }
0x86: {  	[sflag:s28] =	ssyncadd.s32 $0xFFFFFE00  }
0x87: {  	_ =	swait.ge [sflag:s28], $0x200  }
0x88: {  	[sflag:s28] =	ssyncset.done $0x0  }
0x89: {  	[sflag:s28] =	ssyncadd.s32 $0xFFFFFE00  }
0x8a: {  	_ =	swait.ge [sflag:s28], $0x200  }
0x8b: {  	[sflag:s28] =	ssyncset.done $0x0  }
0x8c: {  	[sflag:s28] =	ssyncadd.s32 $0xFFFFFE00  }
0x8d: {  	_ =	swait.ge [sflag:s28], $0x200  }
0x8e: {  	[sflag:s28] =	ssyncset.done $0x0  }
0x8f: {  	[sflag:s28] =	ssyncadd.s32 $0xFFFFFE00  }
0x90: {  	_ =	swait.ge [sflag:s28], $0x200  }
0x91: {  	[sflag:s28] =	ssyncset.done $0x0  }
0x92: {  	[sflag:s28] =	ssyncadd.s32 $0xFFFFFE00  }
0x93: {  	_ =	swait.ge [sflag:s28], $0x200  }
0x94: {  	[sflag:s28] =	ssyncset.done $0x0  }
0x95: {  	[sflag:s28] =	ssyncadd.s32 $0xFFFFFE00  }
0x96: {  	_ =	swait.ge [sflag:s28], $0x200  }
0x97: {  	[sflag:s28] =	ssyncset.done $0x0  }
0x98: {  	[sflag:s28] =	ssyncadd.s32 $0xFFFFFE00  }
0x99: {  	_ =	swait.ge [sflag:s28], $0x200  }
0x9a: {  	[sflag:s28] =	ssyncset.done $0x0  }
0x9b: {  	[sflag:s28] =	ssyncadd.s32 $0xFFFFFE00  }
0x9c: {  	_ =	swait.ge [sflag:s28], $0x200  }
0x9d: {  	[sflag:s28] =	ssyncset.done $0x0  }
0x9e: {  	[sflag:s28] =	ssyncadd.s32 $0xFFFFFE00  }
0x9f: {  	_ =	swait.ge [sflag:s28], $0x200  }
0xa0: {  	[sflag:s28] =	ssyncset.done $0x0  }
0xa1: {  	[sflag:s28] =	ssyncadd.s32 $0xFFFFFE00  }
0xa2: {  	_ =	swait.ge [sflag:s28], $0x200  }
0xa3: {  	[sflag:s28] =	ssyncset.done $0x0  }
0xa4: {  	[sflag:s28] =	ssyncadd.s32 $0xFFFFFE00  }
0xa5: {  	_ =	swait.ge [sflag:s28], $0x200  }
0xa6: {  	[sflag:s28] =	ssyncset.done $0x0  }
0xa7: {  	[sflag:s28] =	ssyncadd.s32 $0xFFFFFE00  }
0xa8: {  	_ =	swait.ge [sflag:s28], $0x200  }
0xa9: {  	[sflag:s28] =	ssyncset.done $0x0  }
0xaa: {  	[sflag:s28] =	ssyncadd.s32 $0xFFFFFE00  }
0xab: {  	_ =	swait.ge [sflag:s28], $0x200  }
0xac: {  	[sflag:s28] =	ssyncset.done $0x0  }
0xad: {  	[sflag:s28] =	ssyncadd.s32 $0xFFFFFE00  }
0xae: {  	_ =	swait.ge [sflag:s28], $0x200  }
0xaf: {  	[sflag:s28] =	ssyncset.done $0x0  }
0xb0: {  	[sflag:s28] =	ssyncadd.s32 $0xFFFFFE00  }
0xb1: {  	_ =	swait.ge [sflag:s28], $0x200  }
0xb2: {  	[sflag:s28] =	ssyncset.done $0x0  }
0xb3: {  	[sflag:s28] =	ssyncadd.s32 $0xFFFFFE00  }
0xb4: {  	_ =	swait.ge [sflag:s28], $0x200  }
0xb5: {  	[sflag:s28] =	ssyncset.done $0x0  }
0xb6: {  	[sflag:s28] =	ssyncadd.s32 $0xFFFFFE00  }
0xb7: {  	_ =	swait.ge [sflag:s28], $0x200  }
0xb8: {  	[sflag:s28] =	ssyncset.done $0x0  }
0xb9: {  	[sflag:s28] =	ssyncadd.s32 $0xFFFFFE00  }
0xba: {  	_ =	swait.ge [sflag:s28], $0x200  }
0xbb: {  	[sflag:s28] =	ssyncset.done $0x0  }
0xbc: {  	[sflag:s28] =	ssyncadd.s32 $0xFFFFFE00  }
0xbd: {  	_ =	swait.ge [sflag:s28], $0x200  }
0xbe: {  	[sflag:s28] =	ssyncset.done $0x0  }
0xbf: {  	[sflag:s28] =	ssyncadd.s32 $0xFFFFFE00  }
0xc0: {  	_ =	swait.ge [sflag:s28], $0x200  }
0xc1: {  	[sflag:s28] =	ssyncset.done $0x0  }
0xc2: {  	[sflag:s28] =	ssyncadd.s32 $0xFFFFFE00  }
0xc3: {  	_ =	swait.ge [sflag:s28], $0x200  }
0xc4: {  	[sflag:s28] =	ssyncset.done $0x0  }
0xc5: {  	[sflag:s28] =	ssyncadd.s32 $0xFFFFFE00  }
0xc6: {  	_ =	swait.ge [sflag:s28], $0x200  }
0xc7: {  	[sflag:s28] =	ssyncset.done $0x0  }
0xc8: {  	[sflag:s28] =	ssyncadd.s32 $0xFFFFFE00  }
0xc9: {  	_ =	swait.ge [sflag:s28], $0x200  }
0xca: {  	[sflag:s28] =	ssyncset.done $0x0  }
0xcb: {  	s2 =	simm.s32 $0x0;
	[sflag:s28] =	ssyncadd.s32 $0xFFFFFE00  }
0xcc: {  	v0 =	vld [tilespmem:s2+$0x800]  }
0xcd: {  	v1 =	vld [tilespmem:s2+$0xA00]  }
0xce: {  	v2 =	vld [tilespmem:s2+$0xC00]  }
0xcf: {  	v3 =	vld [tilespmem:s2+$0x8C00]  }
0xd0: {  	v4 =	vld [tilespmem:s2+$0xE00]  }
0xd1: {  	v5 =	vld [tilespmem:s2+$0x8E00]  }
0xd2: {  	v6 =	vld [tilespmem:s2+$0x1000]  }
0xd3: {  	v7 =	vld [tilespmem:s2+$0x9000]  }
0xd4: {  	v0 =	vadd.f32 v1, v0;
	v1 =	vmul.f32 v3, v2;
	v2 =	vld [tilespmem:s2+$0x1200]  }
0xd5: {  	v3 =	vld [tilespmem:s2+$0x9200]  }
0xd6: {  	v0 =	vadd.f32 v1, v0;
	v1 =	vmul.f32 v5, v4;
	v4 =	vld [tilespmem:s2+$0x1400]  }
0xd7: {  	v5 =	vld [tilespmem:s2+$0x9400]  }
0xd8: {  	v0 =	vadd.f32 v1, v0;
	v1 =	vmul.f32 v7, v6;
	v6 =	vld [tilespmem:s2+$0x1600]  }
0xd9: {  	v7 =	vld [tilespmem:s2+$0x9600]  }
0xda: {  	v0 =	vadd.f32 v1, v0;
	v1 =	vmul.f32 v3, v2;
	v2 =	vld [tilespmem:s2+$0x1800]  }
0xdb: {  	v3 =	vld [tilespmem:s2+$0x9800]  }
0xdc: {  	v0 =	vadd.f32 v1, v0;
	v1 =	vmul.f32 v5, v4;
	v4 =	vld [tilespmem:s2+$0x1A00]  }
0xdd: {  	v5 =	vld [tilespmem:s2+$0x9A00]  }
0xde: {  	v0 =	vadd.f32 v1, v0;
	v1 =	vmul.f32 v7, v6;
	v6 =	vld [tilespmem:s2+$0x1C00]  }
0xdf: {  	v7 =	vld [tilespmem:s2+$0x9C00]  }
0xe0: {  	v0 =	vadd.f32 v1, v0;
	v1 =	vmul.f32 v3, v2;
	v2 =	vld [tilespmem:s2+$0x1E00]  }
0xe1: {  	v3 =	vld [tilespmem:s2+$0x9E00]  }
0xe2: {  	v0 =	vadd.f32 v1, v0;
	v1 =	vmul.f32 v5, v4;
	v4 =	vld [tilespmem:s2+$0x2000]  }
0xe3: {  	v5 =	vld [tilespmem:s2+$0xA000]  }
0xe4: {  	v0 =	vadd.f32 v1, v0;
	v1 =	vmul.f32 v7, v6;
	v6 =	vld [tilespmem:s2+$0x2200]  }
0xe5: {  	v7 =	vld [tilespmem:s2+$0xA200]  }
0xe6: {  	v0 =	vadd.f32 v1, v0;
	v1 =	vmul.f32 v3, v2;
	v2 =	vld [tilespmem:s2+$0x2400]  }
0xe7: {  	v3 =	vld [tilespmem:s2+$0xA400]  }
0xe8: {  	v0 =	vadd.f32 v1, v0;
	v1 =	vmul.f32 v5, v4;
	v4 =	vld [tilespmem:s2+$0x2600]  }
0xe9: {  	v5 =	vld [tilespmem:s2+$0xA600]  }
0xea: {  	v0 =	vadd.f32 v1, v0;
	v1 =	vmul.f32 v7, v6;
	v6 =	vld [tilespmem:s2+$0x2800]  }
0xeb: {  	v7 =	vld [tilespmem:s2+$0xA800]  }
0xec: {  	v0 =	vadd.f32 v1, v0;
	v1 =	vmul.f32 v3, v2;
	v2 =	vld [tilespmem:s2+$0x2A00]  }
0xed: {  	v3 =	vld [tilespmem:s2+$0xAA00]  }
0xee: {  	v0 =	vadd.f32 v1, v0;
	v1 =	vmul.f32 v5, v4;
	v4 =	vld [tilespmem:s2+$0x2C00]  }
0xef: {  	v5 =	vld [tilespmem:s2+$0xAC00]  }
0xf0: {  	v0 =	vadd.f32 v1, v0;
	v1 =	vmul.f32 v7, v6;
	v6 =	vld [tilespmem:s2+$0x2E00]  }
0xf1: {  	v7 =	vld [tilespmem:s2+$0xAE00]  }
0xf2: {  	v0 =	vadd.f32 v1, v0;
	v1 =	vmul.f32 v3, v2;
	v2 =	vld [tilespmem:s2+$0x3000]  }
0xf3: {  	v3 =	vld [tilespmem:s2+$0xB000]  }
0xf4: {  	v0 =	vadd.f32 v1, v0;
	v1 =	vmul.f32 v5, v4;
	v4 =	vld [tilespmem:s2+$0x3200]  }
0xf5: {  	v5 =	vld [tilespmem:s2+$0xB200]  }
0xf6: {  	v0 =	vadd.f32 v1, v0;
	v1 =	vmul.f32 v7, v6;
	v6 =	vld [tilespmem:s2+$0x3400]  }
0xf7: {  	v7 =	vld [tilespmem:s2+$0xB400]  }
0xf8: {  	v0 =	vadd.f32 v1, v0;
	v1 =	vmul.f32 v3, v2;
	v2 =	vld [tilespmem:s2+$0x3600]  }
0xf9: {  	v3 =	vld [tilespmem:s2+$0xB600]  }
0xfa: {  	v0 =	vadd.f32 v1, v0;
	v1 =	vmul.f32 v5, v4;
	v4 =	vld [tilespmem:s2+$0x3800]  }
0xfb: {  	v5 =	vld [tilespmem:s2+$0xB800]  }
0xfc: {  	v0 =	vadd.f32 v1, v0;
	v1 =	vmul.f32 v7, v6;
	v6 =	vld [tilespmem:s2+$0x3A00]  }
0xfd: {  	v7 =	vld [tilespmem:s2+$0xBA00]  }
0xfe: {  	v0 =	vadd.f32 v1, v0;
	v1 =	vmul.f32 v3, v2;
	v2 =	vld [tilespmem:s2+$0x3C00]  }
0xff: {  	v3 =	vld [tilespmem:s2+$0xBC00]  }
0x100: {  	v0 =	vadd.f32 v1, v0;
	v1 =	vmul.f32 v5, v4;
	v4 =	vld [tilespmem:s2+$0x3E00]  }
0x101: {  	v5 =	vld [tilespmem:s2+$0xBE00]  }
0x102: {  	v0 =	vadd.f32 v1, v0;
	v1 =	vmul.f32 v7, v6;
	v6 =	vld [tilespmem:s2+$0x4000]  }
0x103: {  	v7 =	vld [tilespmem:s2+$0xC000]  }
0x104: {  	v0 =	vadd.f32 v1, v0;
	v1 =	vmul.f32 v3, v2;
	v2 =	vld [tilespmem:s2+$0x4200]  }
0x105: {  	v3 =	vld [tilespmem:s2+$0xC200]  }
0x106: {  	v0 =	vadd.f32 v1, v0;
	v1 =	vmul.f32 v5, v4;
	v4 =	vld [tilespmem:s2+$0x4400]  }
0x107: {  	v5 =	vld [tilespmem:s2+$0xC400]  }
0x108: {  	v0 =	vadd.f32 v1, v0;
	v1 =	vmul.f32 v7, v6;
	v6 =	vld [tilespmem:s2+$0x4600]  }
0x109: {  	v7 =	vld [tilespmem:s2+$0xC600]  }
0x10a: {  	v0 =	vadd.f32 v1, v0;
	v1 =	vmul.f32 v3, v2;
	v2 =	vld [tilespmem:s2+$0x4800]  }
0x10b: {  	v3 =	vld [tilespmem:s2+$0xC800]  }
0x10c: {  	v0 =	vadd.f32 v1, v0;
	v1 =	vmul.f32 v5, v4;
	v4 =	vld [tilespmem:s2+$0x4A00]  }
0x10d: {  	v5 =	vld [tilespmem:s2+$0xCA00]  }
0x10e: {  	v0 =	vadd.f32 v1, v0;
	v1 =	vmul.f32 v7, v6;
	v6 =	vld [tilespmem:s2+$0x4C00]  }
0x10f: {  	v7 =	vld [tilespmem:s2+$0xCC00]  }
0x110: {  	v0 =	vadd.f32 v1, v0;
	v1 =	vmul.f32 v3, v2;
	v2 =	vld [tilespmem:s2+$0x4E00]  }
0x111: {  	v3 =	vld [tilespmem:s2+$0xCE00]  }
0x112: {  	v0 =	vadd.f32 v1, v0;
	v1 =	vmul.f32 v5, v4;
	v4 =	vld [tilespmem:s2+$0x5000]  }
0x113: {  	v5 =	vld [tilespmem:s2+$0xD000]  }
0x114: {  	v0 =	vadd.f32 v1, v0;
	v1 =	vmul.f32 v7, v6;
	v6 =	vld [tilespmem:s2+$0x5200]  }
0x115: {  	v7 =	vld [tilespmem:s2+$0xD200]  }
0x116: {  	v0 =	vadd.f32 v1, v0;
	v1 =	vmul.f32 v3, v2;
	v2 =	vld [tilespmem:s2+$0x5400]  }
0x117: {  	v3 =	vld [tilespmem:s2+$0xD400]  }
0x118: {  	v0 =	vadd.f32 v1, v0;
	v1 =	vmul.f32 v5, v4;
	v4 =	vld [tilespmem:s2+$0x5600]  }
0x119: {  	v5 =	vld [tilespmem:s2+$0xD600]  }
0x11a: {  	v0 =	vadd.f32 v1, v0;
	v1 =	vmul.f32 v7, v6;
	v6 =	vld [tilespmem:s2+$0x5800]  }
0x11b: {  	v7 =	vld [tilespmem:s2+$0xD800]  }
0x11c: {  	v0 =	vadd.f32 v1, v0;
	v1 =	vmul.f32 v3, v2;
	v2 =	vld [tilespmem:s2+$0x5A00]  }
0x11d: {  	v3 =	vld [tilespmem:s2+$0xDA00]  }
0x11e: {  	v0 =	vadd.f32 v1, v0;
	v1 =	vmul.f32 v5, v4;
	v4 =	vld [tilespmem:s2+$0x5C00]  }
0x11f: {  	v5 =	vld [tilespmem:s2+$0xDC00]  }
0x120: {  	v0 =	vadd.f32 v1, v0;
	v1 =	vmul.f32 v7, v6;
	v6 =	vld [tilespmem:s2+$0x5E00]  }
0x121: {  	v7 =	vld [tilespmem:s2+$0xDE00]  }
0x122: {  	v0 =	vadd.f32 v1, v0;
	v1 =	vmul.f32 v3, v2;
	v2 =	vld [tilespmem:s2+$0x6000]  }
0x123: {  	v3 =	vld [tilespmem:s2+$0xE000]  }
0x124: {  	v0 =	vadd.f32 v1, v0;
	v1 =	vmul.f32 v5, v4;
	v4 =	vld [tilespmem:s2+$0x6200]  }
0x125: {  	v5 =	vld [tilespmem:s2+$0xE200]  }
0x126: {  	v0 =	vadd.f32 v1, v0;
	v1 =	vmul.f32 v7, v6;
	v6 =	vld [tilespmem:s2+$0x6400]  }
0x127: {  	v7 =	vld [tilespmem:s2+$0xE400]  }
0x128: {  	v0 =	vadd.f32 v1, v0;
	v1 =	vmul.f32 v3, v2;
	v2 =	vld [tilespmem:s2+$0x6600]  }
0x129: {  	v3 =	vld [tilespmem:s2+$0xE600]  }
0x12a: {  	v0 =	vadd.f32 v1, v0;
	v1 =	vmul.f32 v5, v4;
	v4 =	vld [tilespmem:s2+$0x6800]  }
0x12b: {  	v5 =	vld [tilespmem:s2+$0xE800]  }
0x12c: {  	v0 =	vadd.f32 v1, v0;
	v1 =	vmul.f32 v7, v6;
	v6 =	vld [tilespmem:s2+$0x6A00]  }
0x12d: {  	v7 =	vld [tilespmem:s2+$0xEA00]  }
0x12e: {  	v0 =	vadd.f32 v1, v0;
	v1 =	vmul.f32 v3, v2;
	v2 =	vld [tilespmem:s2+$0x6C00]  }
0x12f: {  	v3 =	vld [tilespmem:s2+$0xEC00]  }
0x130: {  	v0 =	vadd.f32 v1, v0;
	v1 =	vmul.f32 v5, v4;
	v4 =	vld [tilespmem:s2+$0x6E00]  }
0x131: {  	v5 =	vld [tilespmem:s2+$0xEE00]  }
0x132: {  	v0 =	vadd.f32 v1, v0;
	v1 =	vmul.f32 v7, v6;
	v6 =	vld [tilespmem:s2+$0x7000]  }
0x133: {  	v7 =	vld [tilespmem:s2+$0xF000]  }
0x134: {  	v0 =	vadd.f32 v1, v0;
	v1 =	vmul.f32 v3, v2;
	v2 =	vld [tilespmem:s2+$0x7200]  }
0x135: {  	v3 =	vld [tilespmem:s2+$0xF200]  }
0x136: {  	v0 =	vadd.f32 v1, v0;
	v1 =	vmul.f32 v5, v4;
	v4 =	vld [tilespmem:s2+$0x7400]  }
0x137: {  	v5 =	vld [tilespmem:s2+$0xF400]  }
0x138: {  	v0 =	vadd.f32 v1, v0;
	v1 =	vmul.f32 v7, v6;
	v6 =	vld [tilespmem:s2+$0x7600]  }
0x139: {  	v7 =	vld [tilespmem:s2+$0xF600]  }
0x13a: {  	v0 =	vadd.f32 v1, v0;
	v1 =	vmul.f32 v3, v2;
	v2 =	vld [tilespmem:s2+$0x7800]  }
0x13b: {  	v3 =	vld [tilespmem:s2+$0xF800]  }
0x13c: {  	v0 =	vadd.f32 v1, v0;
	v1 =	vmul.f32 v5, v4;
	v4 =	vld [tilespmem:s2+$0x7A00]  }
0x13d: {  	v5 =	vld [tilespmem:s2+$0xFA00]  }
0x13e: {  	v0 =	vadd.f32 v1, v0;
	v1 =	vmul.f32 v7, v6;
	v6 =	vld [tilespmem:s2+$0x7C00]  }
0x13f: {  	v7 =	vld [tilespmem:s2+$0xFC00]  }
0x140: {  	v0 =	vadd.f32 v1, v0;
	v1 =	vmul.f32 v3, v2;
	v2 =	vld [tilespmem:s2+$0x7E00]  }
0x141: {  	v3 =	vld [tilespmem:s2+$0xFE00]  }
0x142: {  	v0 =	vadd.f32 v1, v0;
	v1 =	vmul.f32 v5, v4;
	v4 =	vld [tilespmem:s2+$0x8000]  }
0x143: {  	v5 =	vld [tilespmem:s2+$0x10000]  }
0x144: {  	v0 =	vadd.f32 v1, v0;
	v1 =	vmul.f32 v7, v6;
	v6 =	vld [tilespmem:s2+$0x8200]  }
0x145: {  	v7 =	vld [tilespmem:s2+$0x10200]  }
0x146: {  	v0 =	vadd.f32 v1, v0;
	v1 =	vmul.f32 v3, v2;
	v2 =	vld [tilespmem:s2+$0x8400]  }
0x147: {  	v3 =	vld [tilespmem:s2+$0x10400]  }
0x148: {  	v8 =	vld [tilespmem:s2+$0x10600];
	v0 =	vadd.f32 v1, v0;
	v1 =	vmul.f32 v5, v4  }
0x149: {  	v5 =	vld [tilespmem:s2+$0x8600]  }
0x14a: {  	v0 =	vadd.f32 v1, v0;
	v1 =	vmul.f32 v7, v6;
	v6 =	vld [tilespmem:s2+$0x8800]  }
0x14b: {  	v7 =	vld [tilespmem:s2+$0x10800]  }
0x14c: {  	v4 =	vld [tilespmem:s2+$0x10A00];
	v2 =	vmul.f32 v3, v2;
	v9 =	vadd.f32 v1, v0  }
0x14d: {  	s15 =	simm.s32 $0x10;
	v1 =	vld [tilespmem:s2+$0x8A00]  }
0x14e: {  	v3 =	vld [tilespmem:s15+$0xC00];
	v5 =	vmul.f32 v8, v5;
	v9 =	vadd.f32 v2, v9  }
0x14f: {  	v0 =	vld [tilespmem:s15+$0x800]  }
0x150: {  	s14 =	simm.s32 $0x80;
	v2 =	vld [tilespmem:s15+$0xA00];
	v6 =	vmul.f32 v7, v6;
	v5 =	vadd.f32 v5, v9  }
.LBB2_6:
0x151: {  	p0 =	sne.s32 s14, $0x7C0;
	v7 =	vld [tilespmem:s15+$0x8C00]  }
0x152: {  	v8 =	vld [tilespmem:s15+$0xE00];
	v5 =	vadd.f32 v6, v5;
	v1 =	vmul.f32 v4, v1  }
0x153: {  	v4 =	vld [tilespmem:s15+$0x8E00]  }
0x154: {  	v6 =	vld [tilespmem:s15+$0x1000];
	v1 =	vadd.f32 v1, v5  }
0x155: {  	v5 =	vld [tilespmem:s15+$0x9000]  }
0x156: {  	v0 =	vadd.f32 v2, v0;
	v2 =	vmul.f32 v7, v3;
	v3 =	vld [tilespmem:s15+$0x1200];
	[tilespmem:s2+$0x10C00] =	vst v1;
	s2 =	smov.u32 s15  }
0x157: {  	v1 =	vld [tilespmem:s2+$0x9200]  }
0x158: {  	v0 =	vadd.f32 v2, v0;
	v2 =	vmul.f32 v4, v8;
	v4 =	vld [tilespmem:s2+$0x1400]  }
0x159: {  	v7 =	vld [tilespmem:s2+$0x9400]  }
0x15a: {  	v0 =	vadd.f32 v2, v0;
	v2 =	vmul.f32 v5, v6;
	v5 =	vld [tilespmem:s2+$0x1600]  }
0x15b: {  	v6 =	vld [tilespmem:s2+$0x9600]  }
0x15c: {  	v0 =	vadd.f32 v2, v0;
	v1 =	vmul.f32 v1, v3;
	v2 =	vld [tilespmem:s2+$0x1800]  }
0x15d: {  	v3 =	vld [tilespmem:s2+$0x9800]  }
0x15e: {  	v0 =	vadd.f32 v1, v0;
	v1 =	vmul.f32 v7, v4;
	v4 =	vld [tilespmem:s2+$0x1A00]  }
0x15f: {  	v7 =	vld [tilespmem:s2+$0x9A00]  }
0x160: {  	v0 =	vadd.f32 v1, v0;
	v1 =	vmul.f32 v6, v5;
	v5 =	vld [tilespmem:s2+$0x1C00]  }
0x161: {  	v6 =	vld [tilespmem:s2+$0x9C00]  }
0x162: {  	v0 =	vadd.f32 v1, v0;
	v1 =	vmul.f32 v3, v2;
	v2 =	vld [tilespmem:s2+$0x1E00]  }
0x163: {  	v3 =	vld [tilespmem:s2+$0x9E00]  }
0x164: {  	v0 =	vadd.f32 v1, v0;
	v1 =	vmul.f32 v7, v4;
	v4 =	vld [tilespmem:s2+$0x2000]  }
0x165: {  	v7 =	vld [tilespmem:s2+$0xA000]  }
0x166: {  	v0 =	vadd.f32 v1, v0;
	v1 =	vmul.f32 v6, v5;
	v5 =	vld [tilespmem:s2+$0x2200]  }
0x167: {  	v6 =	vld [tilespmem:s2+$0xA200]  }
0x168: {  	v0 =	vadd.f32 v1, v0;
	v1 =	vmul.f32 v3, v2;
	v2 =	vld [tilespmem:s2+$0x2400]  }
0x169: {  	v3 =	vld [tilespmem:s2+$0xA400]  }
0x16a: {  	v0 =	vadd.f32 v1, v0;
	v1 =	vmul.f32 v7, v4;
	v4 =	vld [tilespmem:s2+$0x2600]  }
0x16b: {  	v7 =	vld [tilespmem:s2+$0xA600]  }
0x16c: {  	v0 =	vadd.f32 v1, v0;
	v1 =	vmul.f32 v6, v5;
	v5 =	vld [tilespmem:s2+$0x2800]  }
0x16d: {  	v6 =	vld [tilespmem:s2+$0xA800]  }
0x16e: {  	v0 =	vadd.f32 v1, v0;
	v1 =	vmul.f32 v3, v2;
	v2 =	vld [tilespmem:s2+$0x2A00]  }
0x16f: {  	v3 =	vld [tilespmem:s2+$0xAA00]  }
0x170: {  	v0 =	vadd.f32 v1, v0;
	v1 =	vmul.f32 v7, v4;
	v4 =	vld [tilespmem:s2+$0x2C00]  }
0x171: {  	v7 =	vld [tilespmem:s2+$0xAC00]  }
0x172: {  	v0 =	vadd.f32 v1, v0;
	v1 =	vmul.f32 v6, v5;
	v5 =	vld [tilespmem:s2+$0x2E00]  }
0x173: {  	v6 =	vld [tilespmem:s2+$0xAE00]  }
0x174: {  	v0 =	vadd.f32 v1, v0;
	v1 =	vmul.f32 v3, v2;
	v2 =	vld [tilespmem:s2+$0x3000]  }
0x175: {  	v3 =	vld [tilespmem:s2+$0xB000]  }
0x176: {  	v0 =	vadd.f32 v1, v0;
	v1 =	vmul.f32 v7, v4;
	v4 =	vld [tilespmem:s2+$0x3200]  }
0x177: {  	v7 =	vld [tilespmem:s2+$0xB200]  }
0x178: {  	v0 =	vadd.f32 v1, v0;
	v1 =	vmul.f32 v6, v5;
	v5 =	vld [tilespmem:s2+$0x3400]  }
0x179: {  	v6 =	vld [tilespmem:s2+$0xB400]  }
0x17a: {  	v0 =	vadd.f32 v1, v0;
	v1 =	vmul.f32 v3, v2;
	v2 =	vld [tilespmem:s2+$0x3600]  }
0x17b: {  	v3 =	vld [tilespmem:s2+$0xB600]  }
0x17c: {  	v0 =	vadd.f32 v1, v0;
	v1 =	vmul.f32 v7, v4;
	v4 =	vld [tilespmem:s2+$0x3800]  }
0x17d: {  	v7 =	vld [tilespmem:s2+$0xB800]  }
0x17e: {  	v0 =	vadd.f32 v1, v0;
	v1 =	vmul.f32 v6, v5;
	v5 =	vld [tilespmem:s2+$0x3A00]  }
0x17f: {  	v6 =	vld [tilespmem:s2+$0xBA00]  }
0x180: {  	v0 =	vadd.f32 v1, v0;
	v1 =	vmul.f32 v3, v2;
	v2 =	vld [tilespmem:s2+$0x3C00]  }
0x181: {  	v3 =	vld [tilespmem:s2+$0xBC00]  }
0x182: {  	v0 =	vadd.f32 v1, v0;
	v1 =	vmul.f32 v7, v4;
	v4 =	vld [tilespmem:s2+$0x3E00]  }
0x183: {  	v7 =	vld [tilespmem:s2+$0xBE00]  }
0x184: {  	v0 =	vadd.f32 v1, v0;
	v1 =	vmul.f32 v6, v5;
	v5 =	vld [tilespmem:s2+$0x4000]  }
0x185: {  	v6 =	vld [tilespmem:s2+$0xC000]  }
0x186: {  	v0 =	vadd.f32 v1, v0;
	v1 =	vmul.f32 v3, v2;
	v2 =	vld [tilespmem:s2+$0x4200]  }
0x187: {  	v3 =	vld [tilespmem:s2+$0xC200]  }
0x188: {  	v0 =	vadd.f32 v1, v0;
	v1 =	vmul.f32 v7, v4;
	v4 =	vld [tilespmem:s2+$0x4400]  }
0x189: {  	v7 =	vld [tilespmem:s2+$0xC400]  }
0x18a: {  	v0 =	vadd.f32 v1, v0;
	v1 =	vmul.f32 v6, v5;
	v5 =	vld [tilespmem:s2+$0x4600]  }
0x18b: {  	v6 =	vld [tilespmem:s2+$0xC600]  }
0x18c: {  	v0 =	vadd.f32 v1, v0;
	v1 =	vmul.f32 v3, v2;
	v2 =	vld [tilespmem:s2+$0x4800]  }
0x18d: {  	v3 =	vld [tilespmem:s2+$0xC800]  }
0x18e: {  	v0 =	vadd.f32 v1, v0;
	v1 =	vmul.f32 v7, v4;
	v4 =	vld [tilespmem:s2+$0x4A00]  }
0x18f: {  	v7 =	vld [tilespmem:s2+$0xCA00]  }
0x190: {  	v0 =	vadd.f32 v1, v0;
	v1 =	vmul.f32 v6, v5;
	v5 =	vld [tilespmem:s2+$0x4C00]  }
0x191: {  	v6 =	vld [tilespmem:s2+$0xCC00]  }
0x192: {  	v0 =	vadd.f32 v1, v0;
	v1 =	vmul.f32 v3, v2;
	v2 =	vld [tilespmem:s2+$0x4E00]  }
0x193: {  	v3 =	vld [tilespmem:s2+$0xCE00]  }
0x194: {  	v0 =	vadd.f32 v1, v0;
	v1 =	vmul.f32 v7, v4;
	v4 =	vld [tilespmem:s2+$0x5000]  }
0x195: {  	v7 =	vld [tilespmem:s2+$0xD000]  }
0x196: {  	v0 =	vadd.f32 v1, v0;
	v1 =	vmul.f32 v6, v5;
	v5 =	vld [tilespmem:s2+$0x5200]  }
0x197: {  	v6 =	vld [tilespmem:s2+$0xD200]  }
0x198: {  	v0 =	vadd.f32 v1, v0;
	v1 =	vmul.f32 v3, v2;
	v2 =	vld [tilespmem:s2+$0x5400]  }
0x199: {  	v3 =	vld [tilespmem:s2+$0xD400]  }
0x19a: {  	v0 =	vadd.f32 v1, v0;
	v1 =	vmul.f32 v7, v4;
	v4 =	vld [tilespmem:s2+$0x5600]  }
0x19b: {  	v7 =	vld [tilespmem:s2+$0xD600]  }
0x19c: {  	v0 =	vadd.f32 v1, v0;
	v1 =	vmul.f32 v6, v5;
	v5 =	vld [tilespmem:s2+$0x5800]  }
0x19d: {  	v6 =	vld [tilespmem:s2+$0xD800]  }
0x19e: {  	v0 =	vadd.f32 v1, v0;
	v1 =	vmul.f32 v3, v2;
	v2 =	vld [tilespmem:s2+$0x5A00]  }
0x19f: {  	v3 =	vld [tilespmem:s2+$0xDA00]  }
0x1a0: {  	v0 =	vadd.f32 v1, v0;
	v1 =	vmul.f32 v7, v4;
	v4 =	vld [tilespmem:s2+$0x5C00]  }
0x1a1: {  	v7 =	vld [tilespmem:s2+$0xDC00]  }
0x1a2: {  	v0 =	vadd.f32 v1, v0;
	v1 =	vmul.f32 v6, v5;
	v5 =	vld [tilespmem:s2+$0x5E00]  }
0x1a3: {  	v6 =	vld [tilespmem:s2+$0xDE00]  }
0x1a4: {  	v0 =	vadd.f32 v1, v0;
	v1 =	vmul.f32 v3, v2;
	v2 =	vld [tilespmem:s2+$0x6000]  }
0x1a5: {  	v3 =	vld [tilespmem:s2+$0xE000]  }
0x1a6: {  	v0 =	vadd.f32 v1, v0;
	v1 =	vmul.f32 v7, v4;
	v4 =	vld [tilespmem:s2+$0x6200]  }
0x1a7: {  	v7 =	vld [tilespmem:s2+$0xE200]  }
0x1a8: {  	v0 =	vadd.f32 v1, v0;
	v1 =	vmul.f32 v6, v5;
	v5 =	vld [tilespmem:s2+$0x6400]  }
0x1a9: {  	v6 =	vld [tilespmem:s2+$0xE400]  }
0x1aa: {  	v0 =	vadd.f32 v1, v0;
	v1 =	vmul.f32 v3, v2;
	v2 =	vld [tilespmem:s2+$0x6600]  }
0x1ab: {  	v3 =	vld [tilespmem:s2+$0xE600]  }
0x1ac: {  	v0 =	vadd.f32 v1, v0;
	v1 =	vmul.f32 v7, v4;
	v4 =	vld [tilespmem:s2+$0x6800]  }
0x1ad: {  	v7 =	vld [tilespmem:s2+$0xE800]  }
0x1ae: {  	v0 =	vadd.f32 v1, v0;
	v1 =	vmul.f32 v6, v5;
	v5 =	vld [tilespmem:s2+$0x6A00]  }
0x1af: {  	v6 =	vld [tilespmem:s2+$0xEA00]  }
0x1b0: {  	v0 =	vadd.f32 v1, v0;
	v1 =	vmul.f32 v3, v2;
	v2 =	vld [tilespmem:s2+$0x6C00]  }
0x1b1: {  	v3 =	vld [tilespmem:s2+$0xEC00]  }
0x1b2: {  	v0 =	vadd.f32 v1, v0;
	v1 =	vmul.f32 v7, v4;
	v4 =	vld [tilespmem:s2+$0x6E00]  }
0x1b3: {  	v7 =	vld [tilespmem:s2+$0xEE00]  }
0x1b4: {  	v0 =	vadd.f32 v1, v0;
	v1 =	vmul.f32 v6, v5;
	v5 =	vld [tilespmem:s2+$0x7000]  }
0x1b5: {  	v6 =	vld [tilespmem:s2+$0xF000]  }
0x1b6: {  	v0 =	vadd.f32 v1, v0;
	v1 =	vmul.f32 v3, v2;
	v2 =	vld [tilespmem:s2+$0x7200]  }
0x1b7: {  	v3 =	vld [tilespmem:s2+$0xF200]  }
0x1b8: {  	v0 =	vadd.f32 v1, v0;
	v1 =	vmul.f32 v7, v4;
	v4 =	vld [tilespmem:s2+$0x7400]  }
0x1b9: {  	v7 =	vld [tilespmem:s2+$0xF400]  }
0x1ba: {  	v0 =	vadd.f32 v1, v0;
	v1 =	vmul.f32 v6, v5;
	v5 =	vld [tilespmem:s2+$0x7600]  }
0x1bb: {  	v6 =	vld [tilespmem:s2+$0xF600]  }
0x1bc: {  	v0 =	vadd.f32 v1, v0;
	v1 =	vmul.f32 v3, v2;
	v2 =	vld [tilespmem:s2+$0x7800]  }
0x1bd: {  	v3 =	vld [tilespmem:s2+$0xF800]  }
0x1be: {  	v0 =	vadd.f32 v1, v0;
	v1 =	vmul.f32 v7, v4;
	v4 =	vld [tilespmem:s2+$0x7A00]  }
0x1bf: {  	v7 =	vld [tilespmem:s2+$0xFA00]  }
0x1c0: {  	v0 =	vadd.f32 v1, v0;
	v1 =	vmul.f32 v6, v5;
	v5 =	vld [tilespmem:s2+$0x7C00]  }
0x1c1: {  	v6 =	vld [tilespmem:s2+$0xFC00]  }
0x1c2: {  	v0 =	vadd.f32 v1, v0;
	v1 =	vmul.f32 v3, v2;
	v2 =	vld [tilespmem:s2+$0x7E00]  }
0x1c3: {  	v3 =	vld [tilespmem:s2+$0xFE00]  }
0x1c4: {  	v0 =	vadd.f32 v1, v0;
	v1 =	vmul.f32 v7, v4;
	v4 =	vld [tilespmem:s2+$0x8000]  }
0x1c5: {  	v7 =	vld [tilespmem:s2+$0x10000]  }
0x1c6: {  	v0 =	vadd.f32 v1, v0;
	v1 =	vmul.f32 v6, v5;
	v5 =	vld [tilespmem:s2+$0x8200]  }
0x1c7: {  	v6 =	vld [tilespmem:s2+$0x10200]  }
0x1c8: {  	v0 =	vadd.f32 v1, v0;
	v1 =	vmul.f32 v3, v2;
	v2 =	vld [tilespmem:s2+$0x8400]  }
0x1c9: {  	v3 =	vld [tilespmem:s2+$0x10400]  }
0x1ca: {  	v0 =	vadd.f32 v1, v0;
	v1 =	vmul.f32 v7, v4;
	v7 =	vld [tilespmem:s2+$0x8600]  }
0x1cb: {  	v8 =	vld [tilespmem:s2+$0x10600]  }
0x1cc: {  	v0 =	vadd.f32 v1, v0;
	v1 =	vmul.f32 v6, v5;
	v6 =	vld [tilespmem:s2+$0x8800]  }
0x1cd: {  	v9 =	vld [tilespmem:s2+$0x10800]  }
.Ltmp2:
0x1ce: {  	v5 =	vadd.f32 v1, v0;
	v2 =	vmul.f32 v3, v2;
	v1 =	vld [tilespmem:s2+$0x8A00];
	(pc) =	sbr.rel @p0 .LBB2_6-.Ltmp2, $4  }
0x1cf: {  	s15 =	sshra.s32 s14, $0x2;
	v4 =	vld [tilespmem:s2+$0x10A00]  }
0x1d0: {  	v0 =	vld [tilespmem:s15+$0x800];
	v5 =	vadd.f32 v2, v5;
	v7 =	vmul.f32 v8, v7  }
0x1d1: {  	v2 =	vld [tilespmem:s15+$0xA00]  }
0x1d2: {  	s14 =	sadd.s32 $0x40, s14;
	v3 =	vld [tilespmem:s15+$0xC00];
	v5 =	vadd.f32 v7, v5;
	v6 =	vmul.f32 v9, v6  }
0x1d3: {  	v7 =	vld [tilespmem:s15+$0x8C00]  }
0x1d4: {  	v8 =	vld [tilespmem:s15+$0xE00];
	v5 =	vadd.f32 v6, v5;
	v1 =	vmul.f32 v4, v1  }
0x1d5: {  	v44 =	vld [tilespmem:s15+$0x8E00]  }
0x1d6: {  	v45 =	vld [tilespmem:s15+$0x1000];
	v1 =	vadd.f32 v1, v5  }
0x1d7: {  	v46 =	vld [tilespmem:s15+$0x9000]  }
0x1d8: {  	v9 =	vld [tilespmem:s15+$0x1200];
	v0 =	vadd.f32 v2, v0;
	v47 =	vmul.f32 v7, v3;
	[tilespmem:s2+$0x10C00] =	vst v1  }
0x1d9: {  	v1 =	vld [tilespmem:s15+$0x9200]  }
0x1da: {  	v48 =	vmul.f32 v44, v8;
	v49 =	vld [tilespmem:s15+$0x1400];
	v0 =	vadd.f32 v47, v0  }
0x1db: {  	v50 =	vld [tilespmem:s15+$0x9400]  }
0x1dc: {  	v51 =	vmul.f32 v46, v45;
	v52 =	vld [tilespmem:s15+$0x1600];
	v0 =	vadd.f32 v48, v0  }
0x1dd: {  	v53 =	vld [tilespmem:s15+$0x9600]  }
0x1de: {  	v54 =	vld [tilespmem:s15+$0x1800];
	v0 =	vadd.f32 v51, v0;
	v1 =	vmul.f32 v1, v9  }
0x1df: {  	v55 =	vld [tilespmem:s15+$0x9800]  }
0x1e0: {  	v57 =	vld [tilespmem:s15+$0x1A00];
	v56 =	vmul.f32 v50, v49;
	v0 =	vadd.f32 v1, v0  }
0x1e1: {  	v58 =	vld [tilespmem:s15+$0x9A00]  }
0x1e2: {  	v60 =	vld [tilespmem:s15+$0x1C00];
	v59 =	vmul.f32 v53, v52;
	v0 =	vadd.f32 v56, v0  }
0x1e3: {  	v61 =	vld [tilespmem:s15+$0x9C00]  }
0x1e4: {  	v63 =	vld [tilespmem:s15+$0x1E00];
	v62 =	vmul.f32 v55, v54;
	v0 =	vadd.f32 v59, v0  }
0x1e5: {  	v9 =	vld [tilespmem:s15+$0x9E00]  }
0x1e6: {  	v11 =	vld [tilespmem:s15+$0x2000];
	v10 =	vmul.f32 v58, v57;
	v0 =	vadd.f32 v62, v0  }
0x1e7: {  	v12 =	vld [tilespmem:s15+$0xA000]  }
0x1e8: {  	v14 =	vld [tilespmem:s15+$0x2200];
	v13 =	vmul.f32 v61, v60;
	v0 =	vadd.f32 v10, v0  }
0x1e9: {  	v15 =	vld [tilespmem:s15+$0xA200]  }
0x1ea: {  	v17 =	vld [tilespmem:s15+$0x2400];
	v16 =	vmul.f32 v9, v63;
	v0 =	vadd.f32 v13, v0  }
0x1eb: {  	v18 =	vld [tilespmem:s15+$0xA400]  }
0x1ec: {  	v20 =	vld [tilespmem:s15+$0x2600];
	v19 =	vmul.f32 v12, v11;
	v0 =	vadd.f32 v16, v0  }
0x1ed: {  	v21 =	vld [tilespmem:s15+$0xA600]  }
0x1ee: {  	v23 =	vld [tilespmem:s15+$0x2800];
	v22 =	vmul.f32 v15, v14;
	v0 =	vadd.f32 v19, v0  }
0x1ef: {  	v24 =	vld [tilespmem:s15+$0xA800]  }
0x1f0: {  	v26 =	vld [tilespmem:s15+$0x2A00];
	v25 =	vmul.f32 v18, v17;
	v0 =	vadd.f32 v22, v0  }
0x1f1: {  	v27 =	vld [tilespmem:s15+$0xAA00]  }
0x1f2: {  	v29 =	vld [tilespmem:s15+$0x2C00];
	v28 =	vmul.f32 v21, v20;
	v0 =	vadd.f32 v25, v0  }
0x1f3: {  	v30 =	vld [tilespmem:s15+$0xAC00]  }
0x1f4: {  	v32 =	vld [tilespmem:s15+$0x2E00];
	v31 =	vmul.f32 v24, v23;
	v0 =	vadd.f32 v28, v0  }
0x1f5: {  	v33 =	vld [tilespmem:s15+$0xAE00]  }
0x1f6: {  	v35 =	vld [tilespmem:s15+$0x3000];
	v34 =	vmul.f32 v27, v26;
	v0 =	vadd.f32 v31, v0  }
0x1f7: {  	v36 =	vld [tilespmem:s15+$0xB000]  }
0x1f8: {  	v38 =	vld [tilespmem:s15+$0x3200];
	v37 =	vmul.f32 v30, v29;
	v0 =	vadd.f32 v34, v0  }
0x1f9: {  	v39 =	vld [tilespmem:s15+$0xB200]  }
0x1fa: {  	v41 =	vld [tilespmem:s15+$0x3400];
	v40 =	vmul.f32 v33, v32;
	v0 =	vadd.f32 v37, v0  }
0x1fb: {  	v42 =	vld [tilespmem:s15+$0xB400]  }
0x1fc: {  	v44 =	vld [tilespmem:s15+$0x3600];
	v43 =	vmul.f32 v36, v35;
	v0 =	vadd.f32 v40, v0  }
0x1fd: {  	v45 =	vld [tilespmem:s15+$0xB600]  }
0x1fe: {  	v47 =	vld [tilespmem:s15+$0x3800];
	v46 =	vmul.f32 v39, v38;
	v0 =	vadd.f32 v43, v0  }
0x1ff: {  	v48 =	vld [tilespmem:s15+$0xB800]  }
0x200: {  	v49 =	vmul.f32 v42, v41;
	v50 =	vld [tilespmem:s15+$0x3A00];
	v0 =	vadd.f32 v46, v0  }
0x201: {  	v51 =	vld [tilespmem:s15+$0xBA00]  }
0x202: {  	v52 =	vmul.f32 v45, v44;
	v53 =	vld [tilespmem:s15+$0x3C00];
	v0 =	vadd.f32 v49, v0  }
0x203: {  	v54 =	vld [tilespmem:s15+$0xBC00]  }
0x204: {  	v57 =	vld [tilespmem:s15+$0xBE00];
	v55 =	vmul.f32 v48, v47;
	v0 =	vadd.f32 v52, v0  }
0x205: {  	v56 =	vld [tilespmem:s15+$0x3E00]  }
0x206: {  	v60 =	vld [tilespmem:s15+$0xC000];
	v58 =	vmul.f32 v51, v50;
	v0 =	vadd.f32 v55, v0  }
0x207: {  	v59 =	vld [tilespmem:s15+$0x4000]  }
0x208: {  	v61 =	vmul.f32 v54, v53;
	v63 =	vld [tilespmem:s15+$0xC200];
	v0 =	vadd.f32 v58, v0  }
0x209: {  	v62 =	vld [tilespmem:s15+$0x4200]  }
0x20a: {  	v9 =	vld [tilespmem:s15+$0x4400];
	v8 =	vmul.f32 v57, v56;
	v0 =	vadd.f32 v61, v0  }
0x20b: {  	v10 =	vld [tilespmem:s15+$0xC400]  }
0x20c: {  	v12 =	vld [tilespmem:s15+$0x4600];
	v11 =	vmul.f32 v60, v59;
	v0 =	vadd.f32 v8, v0  }
0x20d: {  	v13 =	vld [tilespmem:s15+$0xC600]  }
0x20e: {  	v15 =	vld [tilespmem:s15+$0x4800];
	v14 =	vmul.f32 v63, v62;
	v0 =	vadd.f32 v11, v0  }
0x20f: {  	v16 =	vld [tilespmem:s15+$0xC800]  }
0x210: {  	v18 =	vld [tilespmem:s15+$0x4A00];
	v17 =	vmul.f32 v10, v9;
	v0 =	vadd.f32 v14, v0  }
0x211: {  	v19 =	vld [tilespmem:s15+$0xCA00]  }
0x212: {  	v21 =	vld [tilespmem:s15+$0x4C00];
	v20 =	vmul.f32 v13, v12;
	v0 =	vadd.f32 v17, v0  }
0x213: {  	v22 =	vld [tilespmem:s15+$0xCC00]  }
0x214: {  	v24 =	vld [tilespmem:s15+$0x4E00];
	v23 =	vmul.f32 v16, v15;
	v0 =	vadd.f32 v20, v0  }
0x215: {  	v25 =	vld [tilespmem:s15+$0xCE00]  }
0x216: {  	v27 =	vld [tilespmem:s15+$0x5000];
	v26 =	vmul.f32 v19, v18;
	v0 =	vadd.f32 v23, v0  }
0x217: {  	v28 =	vld [tilespmem:s15+$0xD000]  }
0x218: {  	v30 =	vld [tilespmem:s15+$0x5200];
	v29 =	vmul.f32 v22, v21;
	v0 =	vadd.f32 v26, v0  }
0x219: {  	v31 =	vld [tilespmem:s15+$0xD200]  }
0x21a: {  	v33 =	vld [tilespmem:s15+$0x5400];
	v32 =	vmul.f32 v25, v24;
	v0 =	vadd.f32 v29, v0  }
0x21b: {  	v34 =	vld [tilespmem:s15+$0xD400]  }
0x21c: {  	v36 =	vld [tilespmem:s15+$0x5600];
	v35 =	vmul.f32 v28, v27;
	v0 =	vadd.f32 v32, v0  }
0x21d: {  	v37 =	vld [tilespmem:s15+$0xD600]  }
0x21e: {  	v39 =	vld [tilespmem:s15+$0x5800];
	v38 =	vmul.f32 v31, v30;
	v0 =	vadd.f32 v35, v0  }
0x21f: {  	v40 =	vld [tilespmem:s15+$0xD800]  }
0x220: {  	v42 =	vld [tilespmem:s15+$0x5A00];
	v41 =	vmul.f32 v34, v33;
	v0 =	vadd.f32 v38, v0  }
0x221: {  	v43 =	vld [tilespmem:s15+$0xDA00]  }
0x222: {  	v45 =	vld [tilespmem:s15+$0x5C00];
	v44 =	vmul.f32 v37, v36;
	v0 =	vadd.f32 v41, v0  }
0x223: {  	v46 =	vld [tilespmem:s15+$0xDC00]  }
0x224: {  	v48 =	vld [tilespmem:s15+$0x5E00];
	v47 =	vmul.f32 v40, v39;
	v0 =	vadd.f32 v44, v0  }
0x225: {  	v49 =	vld [tilespmem:s15+$0xDE00]  }
0x226: {  	v51 =	vld [tilespmem:s15+$0x6000];
	v50 =	vmul.f32 v43, v42;
	v0 =	vadd.f32 v47, v0  }
0x227: {  	v52 =	vld [tilespmem:s15+$0xE000]  }
0x228: {  	v54 =	vld [tilespmem:s15+$0x6200];
	v53 =	vmul.f32 v46, v45;
	v0 =	vadd.f32 v50, v0  }
0x229: {  	v55 =	vld [tilespmem:s15+$0xE200]  }
0x22a: {  	v57 =	vld [tilespmem:s15+$0x6400];
	v56 =	vmul.f32 v49, v48;
	v0 =	vadd.f32 v53, v0  }
0x22b: {  	v58 =	vld [tilespmem:s15+$0xE400]  }
0x22c: {  	v60 =	vld [tilespmem:s15+$0x6600];
	v59 =	vmul.f32 v52, v51;
	v0 =	vadd.f32 v56, v0  }
0x22d: {  	v61 =	vld [tilespmem:s15+$0xE600]  }
0x22e: {  	v63 =	vld [tilespmem:s15+$0x6800];
	v62 =	vmul.f32 v55, v54;
	v0 =	vadd.f32 v59, v0  }
0x22f: {  	v9 =	vld [tilespmem:s15+$0xE800]  }
0x230: {  	v12 =	vld [tilespmem:s15+$0xEA00];
	v10 =	vmul.f32 v58, v57;
	v0 =	vadd.f32 v62, v0  }
0x231: {  	v11 =	vld [tilespmem:s15+$0x6A00]  }
0x232: {  	v15 =	vld [tilespmem:s15+$0xEC00];
	v13 =	vmul.f32 v61, v60;
	v0 =	vadd.f32 v10, v0  }
0x233: {  	v14 =	vld [tilespmem:s15+$0x6C00]  }
0x234: {  	v16 =	vmul.f32 v9, v63;
	v18 =	vld [tilespmem:s15+$0xEE00];
	v0 =	vadd.f32 v13, v0  }
0x235: {  	v17 =	vld [tilespmem:s15+$0x6E00]  }
0x236: {  	v21 =	vld [tilespmem:s15+$0xF000];
	v19 =	vmul.f32 v12, v11;
	v0 =	vadd.f32 v16, v0  }
0x237: {  	v20 =	vld [tilespmem:s15+$0x7000]  }
0x238: {  	v24 =	vld [tilespmem:s15+$0xF200];
	v22 =	vmul.f32 v15, v14;
	v0 =	vadd.f32 v19, v0  }
0x239: {  	v23 =	vld [tilespmem:s15+$0x7200]  }
0x23a: {  	v27 =	vld [tilespmem:s15+$0xF400];
	v25 =	vmul.f32 v18, v17;
	v0 =	vadd.f32 v22, v0  }
0x23b: {  	v26 =	vld [tilespmem:s15+$0x7400]  }
0x23c: {  	v30 =	vld [tilespmem:s15+$0xF600];
	v28 =	vmul.f32 v21, v20;
	v0 =	vadd.f32 v25, v0  }
0x23d: {  	v29 =	vld [tilespmem:s15+$0x7600]  }
0x23e: {  	v33 =	vld [tilespmem:s15+$0xF800];
	v31 =	vmul.f32 v24, v23;
	v0 =	vadd.f32 v28, v0  }
0x23f: {  	v32 =	vld [tilespmem:s15+$0x7800]  }
0x240: {  	v36 =	vld [tilespmem:s15+$0xFA00];
	v34 =	vmul.f32 v27, v26;
	v0 =	vadd.f32 v31, v0  }
0x241: {  	v35 =	vld [tilespmem:s15+$0x7A00]  }
0x242: {  	v39 =	vld [tilespmem:s15+$0xFC00];
	v37 =	vmul.f32 v30, v29;
	v0 =	vadd.f32 v34, v0  }
0x243: {  	v38 =	vld [tilespmem:s15+$0x7C00]  }
0x244: {  	v42 =	vld [tilespmem:s15+$0xFE00];
	v40 =	vmul.f32 v33, v32;
	v0 =	vadd.f32 v37, v0  }
0x245: {  	v41 =	vld [tilespmem:s15+$0x7E00]  }
0x246: {  	v45 =	vld [tilespmem:s15+$0x10000];
	v43 =	vmul.f32 v36, v35;
	v0 =	vadd.f32 v40, v0  }
0x247: {  	v44 =	vld [tilespmem:s15+$0x8000]  }
0x248: {  	v48 =	vld [tilespmem:s15+$0x10200];
	v46 =	vmul.f32 v39, v38;
	v0 =	vadd.f32 v43, v0  }
0x249: {  	v47 =	vld [tilespmem:s15+$0x8200]  }
0x24a: {  	v51 =	vld [tilespmem:s15+$0x10400];
	v49 =	vmul.f32 v42, v41;
	v0 =	vadd.f32 v46, v0  }
0x24b: {  	v50 =	vld [tilespmem:s15+$0x8400]  }
0x24c: {  	v54 =	vld [tilespmem:s15+$0x10600];
	v52 =	vmul.f32 v45, v44;
	v0 =	vadd.f32 v49, v0  }
0x24d: {  	v53 =	vld [tilespmem:s15+$0x8600]  }
0x24e: {  	v57 =	vld [tilespmem:s15+$0x10800];
	v55 =	vmul.f32 v48, v47;
	v0 =	vadd.f32 v52, v0  }
0x24f: {  	v56 =	vld [tilespmem:s15+$0x8800]  }
0x250: {  	v60 =	vld [tilespmem:s15+$0x10A00];
	v58 =	vmul.f32 v51, v50;
	v0 =	vadd.f32 v55, v0  }
0x251: {  	v59 =	vld [tilespmem:s15+$0x8A00]  }
0x252: {  	v61 =	vmul.f32 v54, v53;
	v0 =	vadd.f32 v58, v0;
	_ =	sdelay $0x1  }
0x253: {  	v62 =	vmul.f32 v57, v56;
	v0 =	vadd.f32 v61, v0;
	_ =	sdelay $0x1  }
0x254: {  	v63 =	vmul.f32 v60, v59;
	v0 =	vadd.f32 v62, v0;
	_ =	sdelay $0x1  }
0x255: {  	s0 =	sadd.s32 $0x1, s0;
	v0 =	vadd.f32 v63, v0  }
0x256: {  	p0 =	sne.s32 s0, s10  }
.Ltmp3:
0x257: {  	[tilespmem:s15+$0x10C00] =	vst v0;
	(pc) =	sbr.rel @p0 .LBB2_1-.Ltmp3, $4  }
0x258: {  	[hbm4b:s9+s1] =	stream.linear.scatter [tilespmem:s31], [sflag:$0x2], $0x200, $0x38;
	[tilespmem:$0x10E00] =	vst v63  }
0x259: {  	_ =	swait.ge [sflag:s11], $0x200  }
0x25a: {  	[sflag:s11] =	ssyncset.done $0x0  }
0x25b: {  	[sflag:s11] =	ssyncadd.s32 $0xFFFFFE00  }
0x25c: {  	_ =	sfence.sel $0x180000  }
0x25d: {  	[bflag:$0x0] =	sbarrier.arrive $0xFFFF  }
0x25e: {  	_ =	strace $0x9000004D  }
0x25f: {  	s0 =	stileid.u32;
	[bflag:$0x2] =	sbarrier.arrive $0xFFFF  }
0x260: {  	p0 =	sne.s32 s0, $0x0;
	s0 =	rddreg [dreg:$0x4]  }
0x261: {  	s0 =	sadd.s32 @!p0 $0x100000, s0  }
0x262: {  	[sflag:s0] =	ssyncadd.tile.s32 @!p0 $0x1;
	_ =	shalt  }
.Lfunc_end2:
_tile_overlayer_lowered:
.L_overlay_start_2:
0x263: {  	(tag) =	ssettag $0x2  }
0x264: {  	s0 =	rddreg [dreg:$0x0];
	s2 =	stileid.u32  }
0x265: {  	s1 =	rddreg [dreg:$0x1];
	p0 =	sne.s32 s2, $0x0  }
0x266: {  	s3 =	rddreg [dreg:$0x2];
	[bflag:$0x3] =	sbarrier.arrive $0xFFFF;
	s2 =	simm.s32 @!p0 $0x1C02  }
0x267: {  	[timem:s3], [sflag:s2] =	dma.local @!p0 [hbm:s0], s1  }
0x268: {  	s0 =	simm.s32 @!p0 $0x2  }
0x269: {  	_ =	swait.ge @!p0 [sflag:s0], s1  }
0x26a: {  	s1 =	ssub.s32 @!p0 $0x0, s1;
	[sflag:s0] =	ssyncset.done @!p0 $0x0  }
0x26b: {  	[sflag:s0] =	ssyncadd.s32 @!p0 s1  }
0x26c: {  	[bflag:$0x3] =	sbarrier.arrive $0xFFFF  }
0x26d: {  	_ =	shalt  }

// kernel: kernel.13.cloned.1.call-start
scs
__scs_entry_jumppad:
0x0: {  	(pc) =	sbr.rel $0x88, $3  }
0x1: {  	(tag) =	ssettag $0x0;
	lr =	simm.s32 $0x1  }
0x2: {  	[smem:$0x3F97] =	sst lr;
	_ =	strace $0xD0000000  }
0x3: {  	_ = 	snop  }
0x4: {  	_ = 	snop  }
0x5: {  	_ = 	snop  }
0x6: {  	_ = 	snop  }
0x7: {  	_ = 	snop  }
__scs_overlays_trampoline_lowered:
0x8: {  	[smem:$0x3FA6] =	sst s0  }
0x9: {  	[smem:$0x3FA7] =	sst s1  }
0xa: {  	[smem:$0x3FA8] =	sst s2  }
0xb: {  	[smem:$0x3FA9] =	sst s3  }
0xc: {  	[smem:$0x3FAA] =	sst s4  }
0xd: {  	[smem:$0x3FAB] =	sst s5  }
0xe: {  	[smem:$0x3FAC] =	sst s6  }
0xf: {  	[smem:$0x3FAD] =	sst s7  }
0x10: {  	[smem:$0x3FAE] =	sst s8  }
0x11: {  	[smem:$0x3FAF] =	sst s9;
	s0 =	simm.s32 @!p0 $0x0  }
0x12: {  	s1 =	sld [smem:$0x3F95];
	s0 =	simm.s32 @p0 $0x1  }
0x13: {  	[smem:$0x3FB0] =	sst s0;
	s0 =	simm.s32 @!p1 $0x0  }
0x14: {  	s2 =	sld [smem:$0x3F94];
	s0 =	simm.s32 @p1 $0x1  }
0x15: {  	[smem:$0x3FB1] =	sst s0;
	s0 =	simm.s32 @!p2 $0x0  }
0x16: {  	s3 =	sld [smem:$0x3FDB];
	s0 =	simm.s32 @p2 $0x1  }
0x17: {  	s4 =	simm.s32 $0x1BF5;
	[smem:$0x3FB3] =	sst s0  }
0x18: {  	s0 =	sld [smem:$0x3F96];
	_ =	swait.ge [sflag:s4], $0x0  }
0x19: {  	s7 =	sld [smem:$0x3F97]  }
0x1a: {  	s8 =	sadd.s32 $0xFFFFE003, lr  }
0x1b: {  	s9 =	sadd.s32 $0xFFFFFEF7, lr;
	s5 =	simm.s32 $0xFFFFFFFF;
	p2 =	slt.u32 s8, $0xFFFFF086  }
0x1c: {  	p1 =	slt.u32 s9, $0xF7A;
	s5 =	simm.s32 @!p2 $0x0  }
0x1d: {  	s5 =	simm.s32 @p1 $0x1;
	p0 =	seq.s32 s7, s2  }
0x1e: {  	s7 =	smul.u32 @!p0 $0xF7A, s2;
	p2 =	seq.s32 @!p0 s5, $0x0  }
0x1f: {  	s9 =	smul.u32 $0xF7A, s1;
	s8 =	simm.s32 @!p0 $0x1BF5;
	p2 =	por !p2, p0  }
0x20: {  	[sflag:s8] =	ssyncset.s32 @!p0 $0xFFFFF086;
	s6 =	sadd.s32 @!p0 s3, s7;
	s7 =	simm.s32 @!p0 $0x108  }
0x21: {  	s3 =	sadd.s32 s3, s9;
	s6 =	sadd.s32 @!p0 $0x88, s6;
	s7 =	simm.s32 @p2 $0x1082  }
0x22: {  	[simem:s7], [sflag:s8] =	dma.local @!p0 [hbm:s6], $0xF7A  }
0x23: {  	s9 =	sor.u32 $0xD0000000, s2;
	s6 =	simm.s32 $0x108;
	_ =	swait.ge @!p0 [sflag:s8], $0x0  }
0x24: {  	s3 =	sadd.s32 $0x88, s3;
	s6 =	simm.s32 @!p1 $0x1082;
	[sflag:s4] =	ssyncset.s32 $0xFFFFF086  }
0x25: {  	[simem:s6], [sflag:s4] =	dma.local [hbm:s3], $0xF7A  }
0x26: {  	[smem:$0x3F97] =	sst s1;
	(tag) =	ssettag s2;
	_ =	strace s9  }
0x27: {  	s1 =	sld [smem:$0x3FA7]  }
0x28: {  	s2 =	sld [smem:$0x3FA8]  }
0x29: {  	s4 =	sld [smem:$0x3FAA]  }
0x2a: {  	p0 =	seq.s32 s5, $0x0;
	s5 =	sld [smem:$0x3FAB]  }
0x2b: {  	s6 =	sld [smem:$0x3FAC]  }
0x2c: {  	s7 =	sld [smem:$0x3FAD]  }
0x2d: {  	s3 =	simm.s32 $0x108;
	s8 =	sld [smem:$0x3FAE]  }
0x2e: {  	s3 =	simm.s32 @!p0 $0x1082;
	s9 =	sld [smem:$0x3FAF]  }
0x2f: {  	lr =	sadd.s32 s0, s3;
	s0 =	sld [smem:$0x3FA6]  }
0x30: {  	s3 =	sld [smem:$0x3FA9]  }
0x31: {  	[smem:$0x3FB2] =	sst s10  }
0x32: {  	s10 =	sld [smem:$0x3FB0];
	_ =	sdelay $0x3  }
0x33: {  	p0 =	seq.s32 s10, $0x1;
	s10 =	sld [smem:$0x3FB2];
	_ =	sdelay $0x3  }
0x34: {  	[smem:$0x3FB2] =	sst s10  }
0x35: {  	s10 =	sld [smem:$0x3FB1];
	_ =	sdelay $0x3  }
0x36: {  	p1 =	seq.s32 s10, $0x1;
	s10 =	sld [smem:$0x3FB2];
	_ =	sdelay $0x3  }
0x37: {  	[smem:$0x3FB2] =	sst s10  }
0x38: {  	s10 =	sld [smem:$0x3FB3]  }
0x39: {  	_ = 	snop;
	(pc) =	sbr.ind lr, $3  }
0x3a: {  	_ = 	snop  }
0x3b: {  	_ = 	snop  }
0x3c: {  	p2 =	seq.s32 s10, $0x1;
	s10 =	sld [smem:$0x3FB2]  }
0x3d: {  	_ =	shalt  }
0x3e: {  	_ =	shalt  }
0x3f: {  	_ =	shalt  }
0x40: {  	_ =	shalt  }
0x41: {  	_ =	shalt  }
0x42: {  	_ =	shalt  }
0x43: {  	_ =	shalt  }
0x44: {  	_ =	shalt  }
0x45: {  	_ =	shalt  }
0x46: {  	_ =	shalt  }
0x47: {  	_ =	shalt  }
0x48: {  	_ =	shalt  }
0x49: {  	_ =	shalt  }
0x4a: {  	_ =	shalt  }
0x4b: {  	_ =	shalt  }
0x4c: {  	_ =	shalt  }
0x4d: {  	_ =	shalt  }
0x4e: {  	_ =	shalt  }
0x4f: {  	_ =	shalt  }
0x50: {  	_ =	shalt  }
0x51: {  	_ =	shalt  }
0x52: {  	_ =	shalt  }
0x53: {  	_ =	shalt  }
0x54: {  	_ =	shalt  }
0x55: {  	_ =	shalt  }
0x56: {  	_ =	shalt  }
0x57: {  	_ =	shalt  }
0x58: {  	_ =	shalt  }
0x59: {  	_ =	shalt  }
0x5a: {  	_ =	shalt  }
0x5b: {  	_ =	shalt  }
0x5c: {  	_ =	shalt  }
0x5d: {  	_ =	shalt  }
0x5e: {  	_ =	shalt  }
0x5f: {  	_ =	shalt  }
0x60: {  	_ =	shalt  }
0x61: {  	_ =	shalt  }
0x62: {  	_ =	shalt  }
0x63: {  	_ =	shalt  }
0x64: {  	_ =	shalt  }
0x65: {  	_ =	shalt  }
0x66: {  	_ =	shalt  }
0x67: {  	_ =	shalt  }
0x68: {  	_ =	shalt  }
0x69: {  	_ =	shalt  }
0x6a: {  	_ =	shalt  }
0x6b: {  	_ =	shalt  }
0x6c: {  	_ =	shalt  }
0x6d: {  	_ =	shalt  }
0x6e: {  	_ =	shalt  }
0x6f: {  	_ =	shalt  }
0x70: {  	_ =	shalt  }
0x71: {  	_ =	shalt  }
0x72: {  	_ =	shalt  }
0x73: {  	_ =	shalt  }
0x74: {  	_ =	shalt  }
0x75: {  	_ =	shalt  }
0x76: {  	_ =	shalt  }
0x77: {  	_ =	shalt  }
0x78: {  	_ =	shalt  }
0x79: {  	_ =	shalt  }
0x7a: {  	_ =	shalt  }
0x7b: {  	_ =	shalt  }
0x7c: {  	_ =	shalt  }
0x7d: {  	_ =	shalt  }
0x7e: {  	_ =	shalt  }
0x7f: {  	_ =	shalt  }
0x80: {  	_ =	shalt  }
0x81: {  	_ =	shalt  }
0x82: {  	_ =	shalt  }
0x83: {  	_ =	shalt  }
0x84: {  	_ =	shalt  }
0x85: {  	_ =	shalt  }
0x86: {  	_ =	shalt  }
0x87: {  	_ =	shalt  }
.Lfunc_end0:
.L_simem_size_0:
called_computation.1_lowered:
.L_overlay_start_0:
0x88: {  	s2 =	sld [smem:$0x3FD9]  }
0x89: {  	s3 =	sld [smem:$0x3FFE];
	_ =	sdelay $0x1  }
0x8a: {  	s1 =	srdreg.scid  }
0x8b: {  	s0 =	sand.u32 $0x1, s1  }
0x8c: {  	s17 =	sshll.u32 s0, $0xA;
	s2 =	sadd.s32 s3, s2  }
0x8d: {  	s2 =	sadd.s32 s2, s17  }
0x8e: {  	[smem:$0x3FBE] =	sst s2  }
0x8f: {  	_ = 	snop  }
0x90: {  	s2 =	sld [smem:$0x3FC8];
	(tm) =	ssettm $0x1  }
0x91: {  	s18 =	sld [smem:$0x3FFB];
	_ =	sdelay $0x3  }
0x92: {  	_ =	strace s18  }
0x93: {  	s3 =	sld [smem:$0x3FFC];
	_ =	sdelay $0x3  }
0x94: {  	_ =	strace s3  }
0x95: {  	s3 =	sld [smem:$0x3FFD];
	_ =	sdelay $0x3  }
0x96: {  	_ =	strace s3  }
0x97: {  	_ =	strace $0x8FFFFFFF  }
0x98: {  	s19 =	sld [smem:$0x3FDB];
	_ =	sdelay $0x1  }
0x99: {  	s4 =	simm.s32 $_scs_section_size  }
0x9a: {  	s5 =	simm.s32 $_size__tile_overlayer_lowered;
	s6 =	simm.s32 $_tile_overlayer_lowered  }
0x9b: {  	s22 =	simm.s32 $0x1BFF;
	s21 =	sshll.u32 s6, $0x1;
	s3 =	sadd.s32 s4, s19  }
0x9c: {  	s7 =	simm.s32 $0x0;
	s20 =	sshll.u32 s5, $0x1;
	s5 =	sadd.s32 s21, s3  }
0x9d: {  	[timem:s7], [sflag:s22] =	dma.local [hbm:s5], s20  }
0x9e: {  	_ =	swait.ge [sflag:s22], s20  }
0x9f: {  	s4 =	ssub.s32 $0x0, s20;
	[sflag:s22] =	ssyncset.done $0x0  }
0xa0: {  	[sflag:s22] =	ssyncadd.s32 s4;
	_ =	sdelay $0x1  }
0xa1: {  	s23 =	simm.s32 $0x1B8B  }
0xa2: {  	_ =	swait.ge [sflag:s23], $0x1  }
0xa3: {  	[sflag:s23] =	ssyncset.done $0x0  }
0xa4: {  	s25 =	simm.s32 $0x1B8E;
	s24 =	sld [smem:$0x3FFE];
	[sflag:s23] =	ssyncadd.s32 $0xFFFFFFFF  }
0xa5: {  	s26 =	simm.s32 $execute0_lowered;
	[smem:$0x3FD2] =	sst s25  }
0xa6: {  	s5 =	sshll.u32 s26, $0x1;
	_ =	strace $0x80000046;
	[dreg:$0x1] =	wrdreg $0xFFFFFFFF  }
0xa7: {  	s28 =	simm.s32 $_size_execute0_lowered;
	s3 =	sadd.s32 s3, s5;
	[dreg:$0x0] =	wrdreg $0x0  }
0xa8: {  	s5 =	sshll.u32 s28, $0x1;
	[dreg:$0x2] =	wrdreg s3  }
0xa9: {  	[dreg:$0x3] =	wrdreg s5  }
0xaa: {  	[dreg:$0x4] =	wrdreg $0xC0  }
0xab: {  	_ =	task [dreg:s7], $0x5FFFF  }
0xac: {  	[dreg:$0x1] =	wrdreg $0xFFFFFFFF  }
0xad: {  	[dreg:$0x0] =	wrdreg $0x60  }
0xae: {  	[dreg:$0x2] =	wrdreg s2  }
0xaf: {  	[dreg:$0x3] =	wrdreg s24  }
0xb0: {  	[dreg:$0x4] =	wrdreg $0xA  }
0xb1: {  	_ =	task.clear_ibuf [dreg:s7], $0x5FFFF;
	_ =	strace $0x90000046  }
0xb2: {  	s29 =	simm.s32 $0xA;
	_ =	strace $0x80000048  }
0xb3: {  	_ =	swait.ge [sflag:s29], $0x1  }
0xb4: {  	[sflag:s29] =	ssyncadd.s32 $0xFFFFFFFF  }
0xb5: {  	_ =	strace $0x90000048  }
0xb6: {  	_ =	sfence  }
0xb7: {  	s30 =	sld [smem:$0x0];
	_ =	sdelay $0x2  }
0xb8: {  	s31 =	sshll.u32 s1, $0xD;
	s1 =	sshrl.u32 s1, $0x2  }
0xb9: {  	s3 =	sand.u32 $0x4000, s31;
	s1 =	sadd.s32 s1, s30  }
0xba: {  	s0 =	sor.u32 s3, s0;
	s1 =	sshll.u32 s1, $0x11  }
0xbb: {  	s0 =	sor.u32 s1, s0  }
0xbc: {  	s0 =	sadd.s32 $0x8F2B, s0  }
0xbd: {  	[sflag:s0] =	ssyncadd.remote.s32 $0x1  }
0xbe: {  	_ =	sfence.sel $0xFFFF  }
0xbf: {  	[dreg:$0x0] =	wrdreg $0xFFFFFFFF;
	(pc) =	sbr.abs _section_cstart, $3  }
0xc0: {  	[dreg:$0x1] =	wrdreg $0xFFFFFFFF  }
0xc1: {  	_ =	task.clear_ibuf [dreg:s7], $0x2FFFF;
	_ =	strace $0x9FFFFFFF  }
0xc2: {  	(tm) =	ssettm $0x7FFFFFFF  }
0xc3: {  	_ =	shalt  }
tec
execute0_lowered:
.L_overlay_start_1:
0x0: {  	(tag) =	ssettag $0x1  }
0x1: {  	s5 =	rddreg [dreg:$0x0]  }
0x2: {  	s6 =	rddreg [dreg:$0x1]  }
0x3: {  	s0 =	rddreg [dreg:$0x2]  }
0x4: {  	s2 =	simm.s32 $0x0;
	s3 =	srdreg.scid;
	s1 =	stileid.u32  }
0x5: {  	s11 =	simm.s32 $0x1;
	s12 =	simm.s32 $0x600;
	s13 =	simm.s32 $0x400  }
0x6: {  	s14 =	simm.s32 $0x2;
	s15 =	simm.s32 $0x10600;
	s16 =	simm.s32 $0x0  }
0x7: {  	[smem:$0x7FF] =	sst s2;
	s3 =	sand.u32 $0x1, s3;
	s4 =	sshll.u32 s1, $0x7  }
0x8: {  	_ =	strace $0x80000047;
	s7 =	sshll.u32 s3, $0x6;
	s8 =	ssub.s32 $0x2, s3  }
0x9: {  	s3 =	sadd.s32 $0x22400, s6;
	s7 =	sor.u32 s7, s4;
	s9 =	sshrl.u32 s8, $0x1  }
0xa: {  	s4 =	sadd.s32 $0x519000, s6;
	s10 =	sadd.s32 s7, s6;
	s8 =	ssub.s32 s8, s9  }
0xb: {  	s5 =	sadd.s32 s5, s7;
	s9 =	simm.s32 $0x3;
	s6 =	sadd.s32 $0x533000, s10  }
0xc: {  	v0 =	vimm.f32 $0.0e+00;
	s7 =	sadd.s32 $0x540000, s10;
	s8 =	smax.u32 s8, $0x1;
	s10 =	simm.s32 $0x200  }
.LBB2_1:
0xd: {  	[tilespmem:s2], [sflag:$0x3] =	stream.linear.gather [hbm4b:s5+s2], $0x200, $0x38;
	[tilespmem:$0x10800] =	vst v63  }
0xe: {  	s17 =	sand.u32 $0x600, s2;
	_ =	swait.ge [sflag:s9], $0x200  }
0xf: {  	s18 =	sand.u32 $0x70, s2;
	s17 =	sshrl.u32 s17, $0x2;
	[sflag:s9] =	ssyncset.done $0x0  }
0x10: {  	s17 =	sor.u32 s18, s17;
	[sflag:s9] =	ssyncadd.s32 $0xFFFFFE00  }
0x11: {  	v2 =	vld [tilespmem:s17+$0x0];
	_ =	sdelay $0x4  }
0x12: {  	s19 =	simm.s32 $0x80;
	s17 =	simm.s32 $0x40;
	v1 =	vshll.u32 v2, $0x3  }
0x13: {  	s21 =	simm.s32 $0x0;
	s18 =	simm.s32 $0x10;
	s20 =	sand.u32 $0x600, s17;
	v2 =	vand.u32 $0x7F, v2;
	v1 =	vand.u32 $0xFFFFFC00, v1  }
.LBB2_2:
0x14: {  	p0 =	sne.s32 s19, $0x7C0;
	s22 =	sand.u32 $0x70, s18;
	s20 =	sshrl.u32 s20, $0x2;
	v1 =	vor.u32 v2, v1  }
0x15: {  	s20 =	sor.u32 s22, s20;
	[tilespmem:s21+$0x200] =	vst v1;
	s21 =	smov.u32 s17;
	s17 =	smov.u32 s19  }
0x16: {  	v2 =	vld [tilespmem:s20+$0x0];
	_ =	sdelay $0x1  }
.Ltmp0:
0x17: {  	(pc) =	sbr.rel @p0 .LBB2_2-.Ltmp0, $3  }
0x18: {  	_ =	sdelay $0x1  }
0x19: {  	s18 =	sadd.s32 $0x10, s18;
	v1 =	vshll.u32 v2, $0x3  }
0x1a: {  	s19 =	sadd.s32 $0x40, s19;
	s20 =	sand.u32 $0x600, s17;
	s21 =	sshra.s32 s21, $0x2;
	v2 =	vand.u32 $0x7F, v2;
	v1 =	vand.u32 $0xFFFFFC00, v1  }
0x1b: {  	s18 =	sand.u32 $0x70, s18;
	s19 =	sshrl.u32 s20, $0x2;
	v1 =	vor.u32 v2, v1  }
0x1c: {  	s18 =	sor.u32 s18, s19;
	[tilespmem:s21+$0x200] =	vst v1  }
0x1d: {  	v1 =	vld [tilespmem:s18+$0x0];
	_ =	sdelay $0x4  }
0x1e: {  	v2 =	vshll.u32 v1, $0x3  }
0x1f: {  	v1 =	vand.u32 $0x7F, v1;
	v2 =	vand.u32 $0xFFFFFC00, v2  }
0x20: {  	s17 =	sshra.s32 s17, $0x2;
	v1 =	vor.u32 v1, v2  }
0x21: {  	[tilespmem:s17+$0x200] =	vst v1  }
0x22: {  	[tilespmem:$0x10600] =	vst v0  }
0x23: {  	[tilespmem:$0x10610] =	vst v0  }
0x24: {  	[tilespmem:$0x10620] =	vst v0  }
0x25: {  	[tilespmem:$0x10630] =	vst v0  }
0x26: {  	[tilespmem:$0x10640] =	vst v0  }
0x27: {  	[tilespmem:$0x10650] =	vst v0  }
0x28: {  	[tilespmem:$0x10660] =	vst v0  }
0x29: {  	[tilespmem:$0x10670] =	vst v0  }
0x2a: {  	[tilespmem:$0x10680] =	vst v0  }
0x2b: {  	[tilespmem:$0x10690] =	vst v0  }
0x2c: {  	[tilespmem:$0x106A0] =	vst v0  }
0x2d: {  	[tilespmem:$0x106B0] =	vst v0  }
0x2e: {  	[tilespmem:$0x106C0] =	vst v0  }
0x2f: {  	[tilespmem:$0x106D0] =	vst v0  }
0x30: {  	[tilespmem:$0x106E0] =	vst v0  }
0x31: {  	[tilespmem:$0x106F0] =	vst v0  }
0x32: {  	[tilespmem:$0x10700] =	vst v0  }
0x33: {  	[tilespmem:$0x10710] =	vst v0  }
0x34: {  	[tilespmem:$0x10720] =	vst v0  }
0x35: {  	[tilespmem:$0x10730] =	vst v0  }
0x36: {  	[tilespmem:$0x10740] =	vst v0  }
0x37: {  	[tilespmem:$0x10750] =	vst v0  }
0x38: {  	[tilespmem:$0x10760] =	vst v0  }
0x39: {  	[tilespmem:$0x10770] =	vst v0  }
0x3a: {  	[tilespmem:$0x10780] =	vst v0  }
0x3b: {  	[tilespmem:$0x10790] =	vst v0  }
0x3c: {  	[tilespmem:$0x107A0] =	vst v0  }
0x3d: {  	s29 =	simm.s32 $0x0;
	[tilespmem:$0x107B0] =	vst v0  }
0x3e: {  	s30 =	smul.u32 $0xC3800, s29;
	s17 =	simm.s32 $0x0;
	[tilespmem:$0x107C0] =	vst v0  }
0x3f: {  	[tilespmem:$0x107D0] =	vst v0;
	s31 =	sand.u32 $0x380, s17  }
0x40: {  	s19 =	simm.s32 $0x1;
	[tilespmem:$0x107E0] =	vst v0;
	s20 =	sor.u32 s31, s30  }
0x41: {  	s18 =	simm.s32 $0x8600;
	[tilespmem:$0x107F0] =	vst v0;
	s21 =	sshrl.u32 s20, $0x3;
	s20 =	simm.s32 $0x0  }
.LBB2_4:
0x42: {  	s22 =	sshrl.u32 s19, $0x3  }
0x43: {  	s21 =	sadd.s32 s3, s21;
	s20 =	sadd.s32 $0x80, s20;
	p0 =	sne.s32 s19, $0x1F  }
0x44: {  	[tilespmem:s18], [sflag:$0x1] =	stream.indirect.gather [hbm4b:s21+s10], $0x1, s10, s10, $0xb8;
	[tilespmem:$0x10800] =	vst v63  }
.Ltmp1:
0x45: {  	_ = 	snop;
	(pc) =	sbr.rel @p0 .LBB2_4-.Ltmp1, $4  }
0x46: {  	s19 =	sadd.s32 $0x1, s19;
	s21 =	smul.u32 $0xC3800, s22  }
0x47: {  	s22 =	sand.u32 $0x380, s20  }
0x48: {  	s21 =	sor.u32 s22, s21  }
0x49: {  	s18 =	sadd.s32 $0x200, s18;
	s21 =	sshrl.u32 s21, $0x3  }
0x4a: {  	s19 =	sadd.s32 s3, s21;
	p0 =	por $0x0, $0x0  }
0x4b: {  	[tilespmem:s18], [sflag:$0x1] =	stream.indirect.gather [hbm4b:s19+s10], $0x1, s10, s10, $0xb8;
	[tilespmem:$0x10800] =	vst v63  }
.LBB2_6:
0x4c: {  	s18 =	sshll.u32 s17, $0xC;
	s31 =	sshll.u32 s17, $0xB;
	p1 =	seq.s32 s17, $0xC  }
.Ltmp2:
0x4d: {  	s19 =	simm.s32 $0x1;
	s18 =	sadd.s32 s4, s18;
	(pc) =	sbr.rel @p1 .LBB2_10-.Ltmp2, $4  }
0x4e: {  	[tilespmem:s12], [sflag:$0x2] =	stream.linear.gather [hbm4b:s18+s2], $0x8000, $0x38;
	[tilespmem:$0x10800] =	vst v63  }
0x4f: {  	s19 =	simm.s32 @!p0 $0x0;
	s18 =	sadd.s32 s31, s6  }
0x50: {  	[tilespmem:s13], [sflag:$0x2] =	stream.linear.gather [hbm4b:s18+s2], $0x200, $0x38;
	[tilespmem:$0x10800] =	vst v63  }
0x51: {  	s18 =	sshll.u32 s19, $0x10  }
0x52: {  	s19 =	sshll.u32 s17, $0x2  }
0x53: {  	s19 =	sadd.s32 $0x4, s19  }
0x54: {  	s20 =	sadd.s32 $0x0, s19  }
0x55: {  	s21 =	simm.s32 $0x0;
	s22 =	ssub.s32 $0x0, s18;
	s20 =	smul.u32 $0xC3800, s20  }
0x56: {  	s21 =	sand.u32 $0x380, s21;
	s29 =	sshra.s32 s22, $0x2  }
0x57: {  	s22 =	simm.s32 $0x2;
	s23 =	sadd.s32 $0x0, s19;
	s20 =	sor.u32 s21, s20  }
0x58: {  	s23 =	smul.u32 $0xC3800, s23;
	s21 =	simm.s32 $0x80;
	s30 =	sshrl.u32 s20, $0x3  }
0x59: {  	s20 =	sadd.s32 $0xC600, s29;
	s24 =	sand.u32 $0x380, s21;
	s31 =	sadd.s32 s3, s30  }
0x5a: {  	[tilespmem:s20], [sflag:$0x1] =	stream.indirect.gather [hbm4b:s31+s10], $0x1, s10, s10, $0xb8;
	[tilespmem:$0x10800] =	vst v63  }
.LBB2_8:
0x5b: {  	s25 =	sshrl.u32 s22, $0x3  }
0x5c: {  	s23 =	sor.u32 s24, s23;
	s20 =	sadd.s32 $0x200, s20;
	p1 =	sne.s32 s22, $0x1F  }
.Ltmp3:
0x5d: {  	s24 =	sadd.s32 s19, s25;
	s23 =	sshrl.u32 s23, $0x3;
	(pc) =	sbr.rel @p1 .LBB2_8-.Ltmp3, $4  }
0x5e: {  	s22 =	sadd.s32 $0x1, s22;
	s23 =	sadd.s32 s3, s23  }
0x5f: {  	[tilespmem:s20], [sflag:$0x1] =	stream.indirect.gather [hbm4b:s23+s10], $0x1, s10, s10, $0xb8;
	[tilespmem:$0x10800] =	vst v63  }
0x60: {  	s21 =	sadd.s32 $0x80, s21;
	s23 =	smul.u32 $0xC3800, s24  }
0x61: {  	s24 =	sand.u32 $0x380, s21  }
0x62: {  	s19 =	sor.u32 s24, s23  }
0x63: {  	s19 =	sshrl.u32 s19, $0x3  }
0x64: {  	s20 =	sadd.s32 $0x200, s20;
	s19 =	sadd.s32 s3, s19  }
0x65: {  	[tilespmem:s20], [sflag:$0x1] =	stream.indirect.gather [hbm4b:s19+s10], $0x1, s10, s10, $0xb8;
	[tilespmem:$0x10800] =	vst v63  }
.LBB2_10:
0x66: {  	_ =	swait.ge [sflag:s11], $0x200  }
0x67: {  	[sflag:s11] =	ssyncset.done $0x0  }
0x68: {  	[sflag:s11] =	ssyncadd.s32 $0xFFFFFE00  }
0x69: {  	_ =	swait.ge [sflag:s11], $0x200  }
0x6a: {  	[sflag:s11] =	ssyncset.done $0x0  }
0x6b: {  	[sflag:s11] =	ssyncadd.s32 $0xFFFFFE00  }
0x6c: {  	_ =	swait.ge [sflag:s11], $0x200  }
0x6d: {  	[sflag:s11] =	ssyncset.done $0x0  }
0x6e: {  	[sflag:s11] =	ssyncadd.s32 $0xFFFFFE00  }
0x6f: {  	_ =	swait.ge [sflag:s11], $0x200  }
0x70: {  	[sflag:s11] =	ssyncset.done $0x0  }
0x71: {  	[sflag:s11] =	ssyncadd.s32 $0xFFFFFE00  }
0x72: {  	_ =	swait.ge [sflag:s11], $0x200  }
0x73: {  	[sflag:s11] =	ssyncset.done $0x0  }
0x74: {  	[sflag:s11] =	ssyncadd.s32 $0xFFFFFE00  }
0x75: {  	_ =	swait.ge [sflag:s11], $0x200  }
0x76: {  	[sflag:s11] =	ssyncset.done $0x0  }
0x77: {  	[sflag:s11] =	ssyncadd.s32 $0xFFFFFE00  }
0x78: {  	_ =	swait.ge [sflag:s11], $0x200  }
0x79: {  	[sflag:s11] =	ssyncset.done $0x0  }
0x7a: {  	[sflag:s11] =	ssyncadd.s32 $0xFFFFFE00  }
0x7b: {  	_ =	swait.ge [sflag:s11], $0x200  }
0x7c: {  	[sflag:s11] =	ssyncset.done $0x0  }
0x7d: {  	[sflag:s11] =	ssyncadd.s32 $0xFFFFFE00  }
0x7e: {  	_ =	swait.ge [sflag:s11], $0x200  }
0x7f: {  	[sflag:s11] =	ssyncset.done $0x0  }
0x80: {  	[sflag:s11] =	ssyncadd.s32 $0xFFFFFE00  }
0x81: {  	_ =	swait.ge [sflag:s11], $0x200  }
0x82: {  	[sflag:s11] =	ssyncset.done $0x0  }
0x83: {  	[sflag:s11] =	ssyncadd.s32 $0xFFFFFE00  }
0x84: {  	_ =	swait.ge [sflag:s11], $0x200  }
0x85: {  	[sflag:s11] =	ssyncset.done $0x0  }
0x86: {  	[sflag:s11] =	ssyncadd.s32 $0xFFFFFE00  }
0x87: {  	_ =	swait.ge [sflag:s11], $0x200  }
0x88: {  	[sflag:s11] =	ssyncset.done $0x0  }
0x89: {  	[sflag:s11] =	ssyncadd.s32 $0xFFFFFE00  }
0x8a: {  	_ =	swait.ge [sflag:s11], $0x200  }
0x8b: {  	[sflag:s11] =	ssyncset.done $0x0  }
0x8c: {  	[sflag:s11] =	ssyncadd.s32 $0xFFFFFE00  }
0x8d: {  	_ =	swait.ge [sflag:s11], $0x200  }
0x8e: {  	[sflag:s11] =	ssyncset.done $0x0  }
0x8f: {  	[sflag:s11] =	ssyncadd.s32 $0xFFFFFE00  }
0x90: {  	_ =	swait.ge [sflag:s11], $0x200  }
0x91: {  	[sflag:s11] =	ssyncset.done $0x0  }
0x92: {  	[sflag:s11] =	ssyncadd.s32 $0xFFFFFE00  }
0x93: {  	_ =	swait.ge [sflag:s11], $0x200  }
0x94: {  	[sflag:s11] =	ssyncset.done $0x0  }
0x95: {  	[sflag:s11] =	ssyncadd.s32 $0xFFFFFE00  }
0x96: {  	_ =	swait.ge [sflag:s11], $0x200  }
0x97: {  	[sflag:s11] =	ssyncset.done $0x0  }
0x98: {  	[sflag:s11] =	ssyncadd.s32 $0xFFFFFE00  }
0x99: {  	_ =	swait.ge [sflag:s11], $0x200  }
0x9a: {  	[sflag:s11] =	ssyncset.done $0x0  }
0x9b: {  	[sflag:s11] =	ssyncadd.s32 $0xFFFFFE00  }
0x9c: {  	_ =	swait.ge [sflag:s11], $0x200  }
0x9d: {  	[sflag:s11] =	ssyncset.done $0x0  }
0x9e: {  	[sflag:s11] =	ssyncadd.s32 $0xFFFFFE00  }
0x9f: {  	_ =	swait.ge [sflag:s11], $0x200  }
0xa0: {  	[sflag:s11] =	ssyncset.done $0x0  }
0xa1: {  	[sflag:s11] =	ssyncadd.s32 $0xFFFFFE00  }
0xa2: {  	_ =	swait.ge [sflag:s11], $0x200  }
0xa3: {  	[sflag:s11] =	ssyncset.done $0x0  }
0xa4: {  	[sflag:s11] =	ssyncadd.s32 $0xFFFFFE00  }
0xa5: {  	_ =	swait.ge [sflag:s11], $0x200  }
0xa6: {  	[sflag:s11] =	ssyncset.done $0x0  }
0xa7: {  	[sflag:s11] =	ssyncadd.s32 $0xFFFFFE00  }
0xa8: {  	_ =	swait.ge [sflag:s11], $0x200  }
0xa9: {  	[sflag:s11] =	ssyncset.done $0x0  }
0xaa: {  	[sflag:s11] =	ssyncadd.s32 $0xFFFFFE00  }
0xab: {  	_ =	swait.ge [sflag:s11], $0x200  }
0xac: {  	[sflag:s11] =	ssyncset.done $0x0  }
0xad: {  	[sflag:s11] =	ssyncadd.s32 $0xFFFFFE00  }
0xae: {  	_ =	swait.ge [sflag:s11], $0x200  }
0xaf: {  	[sflag:s11] =	ssyncset.done $0x0  }
0xb0: {  	[sflag:s11] =	ssyncadd.s32 $0xFFFFFE00  }
0xb1: {  	_ =	swait.ge [sflag:s11], $0x200  }
0xb2: {  	[sflag:s11] =	ssyncset.done $0x0  }
0xb3: {  	[sflag:s11] =	ssyncadd.s32 $0xFFFFFE00  }
0xb4: {  	_ =	swait.ge [sflag:s11], $0x200  }
0xb5: {  	[sflag:s11] =	ssyncset.done $0x0  }
0xb6: {  	[sflag:s11] =	ssyncadd.s32 $0xFFFFFE00  }
0xb7: {  	_ =	swait.ge [sflag:s11], $0x200  }
0xb8: {  	[sflag:s11] =	ssyncset.done $0x0  }
0xb9: {  	[sflag:s11] =	ssyncadd.s32 $0xFFFFFE00  }
0xba: {  	_ =	swait.ge [sflag:s11], $0x200  }
0xbb: {  	[sflag:s11] =	ssyncset.done $0x0  }
0xbc: {  	[sflag:s11] =	ssyncadd.s32 $0xFFFFFE00  }
0xbd: {  	_ =	swait.ge [sflag:s11], $0x200  }
0xbe: {  	[sflag:s11] =	ssyncset.done $0x0  }
0xbf: {  	[sflag:s11] =	ssyncadd.s32 $0xFFFFFE00  }
0xc0: {  	_ =	swait.ge [sflag:s11], $0x200  }
0xc1: {  	[sflag:s11] =	ssyncset.done $0x0  }
0xc2: {  	[sflag:s11] =	ssyncadd.s32 $0xFFFFFE00  }
0xc3: {  	_ =	swait.ge [sflag:s11], $0x200  }
0xc4: {  	[sflag:s11] =	ssyncset.done $0x0  }
0xc5: {  	[sflag:s11] =	ssyncadd.s32 $0xFFFFFE00  }
0xc6: {  	_ =	swait.ge [sflag:s14], $0x8000  }
0xc7: {  	[sflag:s14] =	ssyncset.done $0x0  }
0xc8: {  	s19 =	simm.s32 $0x0;
	[sflag:s14] =	ssyncadd.s32 $0xFFFF8000  }
0xc9: {  	s20 =	sand.u32 $0x600, s19;
	_ =	swait.ge [sflag:s14], $0x200  }
0xca: {  	s19 =	sand.u32 $0x70, s19;
	s20 =	sshrl.u32 s20, $0x2;
	[sflag:s14] =	ssyncset.done $0x0  }
0xcb: {  	s19 =	sor.u32 s19, s20;
	[sflag:s14] =	ssyncadd.s32 $0xFFFFFE00  }
0xcc: {  	v2 =	vld [tilespmem:s19+$0x400];
	_ =	sdelay $0x4  }
0xcd: {  	s18 =	sshrl.u32 s18, $0x2;
	v1 =	vshll.u32 v2, $0x3  }
0xce: {  	s18 =	sor.u32 $0xA600, s18;
	v3 =	vand.u32 $0x7F, v2;
	v1 =	vand.u32 $0xFFFFFC00, v1  }
0xcf: {  	v4 =	vor.u32 v3, v1;
	v1 =	vmov s18  }
0xd0: {  	v3 =	vand.u32 $0x7, v2;
	v5 =	vand.u32 $0xFFFFFC78, v4  }
0xd1: {  	v2 =	vor.u32 v3, v5  }
0xd2: {  	s18 =	simm.s32 $0x0  }
0xd3: {  	v11 =	vld [tilespmem:s18+$0x10600];
	v5 =	vor.u32 $0x80, v2  }
0xd4: {  	v6 =	vld.idx.msk [tilespmem:v1+s18+$0xFFFFE000 ss:$0x1], $0xffff  }
0xd5: {  	v7 =	vor.u32 $0x100, v2;
	v9 =	vld.idx.msk [tilespmem:v1+s18+$0xFFFFE200 ss:$0x1], $0xffff  }
0xd6: {  	v8 =	vld.idx.msk [tilespmem:v2+s12+$0x0], $0xffff  }
0xd7: {  	v10 =	vor.u32 $0x180, v2;
	v12 =	vld.idx.msk [tilespmem:v1+s18+$0xFFFFE400 ss:$0x1], $0xffff  }
0xd8: {  	v5 =	vld.idx.msk [tilespmem:v5+s12+$0x0], $0xffff  }
0xd9: {  	v13 =	vor.u32 $0x200, v2;
	v14 =	vld.idx.msk [tilespmem:v1+s18+$0xFFFFE600 ss:$0x1], $0xffff  }
0xda: {  	v7 =	vld.idx.msk [tilespmem:v7+s12+$0x0], $0xffff  }
0xdb: {  	v15 =	vor.u32 $0x280, v2;
	v44 =	vld.idx.msk [tilespmem:v1+s18+$0xFFFFE800 ss:$0x1], $0xffff;
	v6 =	vmul.f32 v6, v8  }
0xdc: {  	v43 =	vld.idx.msk [tilespmem:v10+s12+$0x0], $0xffff  }
0xdd: {  	v16 =	vor.u32 $0x300, v2;
	v46 =	vld.idx.msk [tilespmem:v1+s18+$0xFFFFEA00 ss:$0x1], $0xffff;
	v5 =	vmul.f32 v9, v5;
	v6 =	vadd.f32 v6, v11  }
0xde: {  	v45 =	vld.idx.msk [tilespmem:v13+s12+$0x0], $0xffff  }
0xdf: {  	v47 =	vor.u32 $0x380, v2;
	v17 =	vld.idx.msk [tilespmem:v1+s18+$0xFFFFEC00 ss:$0x1], $0xffff;
	v48 =	vmul.f32 v12, v7;
	v5 =	vadd.f32 v5, v6  }
0xe0: {  	v51 =	vadd.s32 $0x2080, v4;
	v49 =	vld.idx.msk [tilespmem:v15+s12+$0x0], $0xffff  }
0xe1: {  	v50 =	vadd.s32 $0x2000, v2;
	v56 =	vld.idx.msk [tilespmem:v1+s18+$0xFFFFEE00 ss:$0x1], $0xffff;
	v52 =	vmul.f32 v14, v43;
	v5 =	vadd.f32 v48, v5  }
0xe2: {  	v55 =	vadd.s32 $0x2100, v4;
	v53 =	vand.u32 $0xFFFFFCF8, v51;
	v54 =	vld.idx.msk [tilespmem:v16+s12+$0x0], $0xffff  }
0xe3: {  	v60 =	vld.idx.msk [tilespmem:v1+s18+$0xFFFFF000 ss:$0x1], $0xffff;
	v8 =	vor.u32 v3, v53;
	v57 =	vmul.f32 v44, v45;
	v5 =	vadd.f32 v52, v5  }
0xe4: {  	v61 =	vadd.s32 $0x2180, v4;
	v58 =	vand.u32 $0xFFFFFD78, v55;
	v59 =	vld.idx.msk [tilespmem:v47+s12+$0x0], $0xffff  }
0xe5: {  	v21 =	vld.idx.msk [tilespmem:v1+s18+$0xFFFFF200 ss:$0x1], $0xffff;
	v9 =	vor.u32 v3, v58;
	v62 =	vmul.f32 v46, v49;
	v5 =	vadd.f32 v57, v5  }
0xe6: {  	v20 =	vand.u32 $0xFFFFFDF8, v61;
	v63 =	vld.idx.msk [tilespmem:v50+s12+$0x0], $0xffff  }
0xe7: {  	v24 =	vld.idx.msk [tilespmem:v1+s18+$0xFFFFF400 ss:$0x1], $0xffff;
	v22 =	vmul.f32 v17, v54;
	v11 =	vor.u32 v3, v20;
	v5 =	vadd.f32 v62, v5  }
0xe8: {  	v25 =	vadd.s32 $0x2280, v4;
	v8 =	vld.idx.msk [tilespmem:v8+s12+$0x0], $0xffff  }
0xe9: {  	v23 =	vadd.s32 $0x2200, v2;
	v28 =	vld.idx.msk [tilespmem:v1+s18+$0xFFFFF600 ss:$0x1], $0xffff;
	v26 =	vmul.f32 v56, v59;
	v5 =	vadd.f32 v22, v5  }
0xea: {  	v27 =	vand.u32 $0xFFFFFEF8, v25;
	v9 =	vld.idx.msk [tilespmem:v9+s12+$0x0], $0xffff  }
0xeb: {  	v31 =	vld.idx.msk [tilespmem:v1+s18+$0xFFFFF800 ss:$0x1], $0xffff;
	v10 =	vor.u32 v3, v27;
	v29 =	vmul.f32 v60, v63;
	v5 =	vadd.f32 v26, v5  }
0xec: {  	v30 =	vld.idx.msk [tilespmem:v11+s12+$0x0], $0xffff  }
0xed: {  	v32 =	vadd.s32 $0x2300, v2;
	v35 =	vld.idx.msk [tilespmem:v1+s18+$0xFFFFFA00 ss:$0x1], $0xffff;
	v33 =	vmul.f32 v21, v8;
	v5 =	vadd.f32 v29, v5  }
0xee: {  	v34 =	vld.idx.msk [tilespmem:v23+s12+$0x0], $0xffff  }
0xef: {  	v36 =	vadd.s32 $0x2380, v2;
	v41 =	vld.idx.msk [tilespmem:v1+s18+$0xFFFFFC00 ss:$0x1], $0xffff;
	v37 =	vmul.f32 v24, v9;
	v5 =	vadd.f32 v33, v5  }
0xf0: {  	v40 =	vadd.s32 $0x4080, v4;
	v38 =	vld.idx.msk [tilespmem:v10+s12+$0x0], $0xffff  }
0xf1: {  	v39 =	vadd.s32 $0x4000, v2;
	v61 =	vld.idx.msk [tilespmem:v1+s18+$0x600 ss:$0x1], $0xffff;
	v42 =	vmul.f32 v28, v30;
	v5 =	vadd.f32 v37, v5  }
0xf2: {  	v13 =	vld.idx.msk [tilespmem:v32+s12+$0x0], $0xffff;
	v50 =	vadd.s32 $0x4180, v4;
	v43 =	vand.u32 $0xFFFFFCF8, v40;
	v44 =	vadd.s32 $0x4100, v4  }
0xf3: {  	v45 =	vld.idx.msk [tilespmem:v1+s18+$0xFFFFFE00 ss:$0x1], $0xffff;
	v46 =	vmul.f32 v31, v34;
	v7 =	vor.u32 v3, v43;
	v5 =	vadd.f32 v42, v5  }
0xf4: {  	v53 =	vand.u32 $0xFFFFFDF8, v50;
	v47 =	vand.u32 $0xFFFFFD78, v44;
	v48 =	vld.idx.msk [tilespmem:v36+s12+$0x0], $0xffff  }
0xf5: {  	v49 =	vld.idx.msk [tilespmem:v1+s18+$0x0 ss:$0x1], $0xffff;
	v51 =	vmul.f32 v35, v38;
	v8 =	vor.u32 v3, v47;
	v5 =	vadd.f32 v46, v5  }
0xf6: {  	v10 =	vor.u32 v3, v53;
	v52 =	vld.idx.msk [tilespmem:v39+s12+$0x0], $0xffff  }
0xf7: {  	v54 =	vld.idx.msk [tilespmem:v1+s18+$0x200 ss:$0x1], $0xffff;
	v55 =	vmul.f32 v41, v13;
	v5 =	vadd.f32 v51, v5  }
0xf8: {  	v56 =	vadd.s32 $0x4200, v2;
	v7 =	vld.idx.msk [tilespmem:v7+s12+$0x0], $0xffff  }
0xf9: {  	v58 =	vadd.s32 $0x4280, v4;
	v57 =	vld.idx.msk [tilespmem:v1+s18+$0x400 ss:$0x1], $0xffff;
	v59 =	vmul.f32 v45, v48;
	v5 =	vadd.f32 v55, v5  }
0xfa: {  	v60 =	vand.u32 $0xFFFFFEF8, v58;
	v8 =	vld.idx.msk [tilespmem:v8+s12+$0x0], $0xffff  }
0xfb: {  	v63 =	vld.idx.msk [tilespmem:v10+s12+$0x0], $0xffff;
	v11 =	vor.u32 v3, v60;
	v62 =	vmul.f32 v49, v52;
	v5 =	vadd.f32 v59, v5  }
0xfc: {  	v20 =	vld.idx.msk [tilespmem:v1+s18+$0x800 ss:$0x1], $0xffff  }
0xfd: {  	v23 =	vld.idx.msk [tilespmem:v56+s12+$0x0], $0xffff;
	v21 =	vadd.s32 $0x4300, v2;
	v22 =	vmul.f32 v54, v7;
	v5 =	vadd.f32 v62, v5;
	_ =	sdelay $0x1  }
0xfe: {  	v25 =	vadd.s32 $0x4380, v2;
	v24 =	vld.idx.msk [tilespmem:v1+s18+$0xA00 ss:$0x1], $0xffff;
	v26 =	vmul.f32 v57, v8;
	v5 =	vadd.f32 v22, v5  }
0xff: {  	v31 =	vmul.f32 v61, v63;
	v27 =	vld.idx.msk [tilespmem:v11+s12+$0x0], $0xffff  }
0x100: {  	v28 =	vadd.s32 $0x6000, v2;
	v30 =	vld.idx.msk [tilespmem:v1+s18+$0xC00 ss:$0x1], $0xffff;
	v29 =	vadd.s32 $0x6080, v4;
	v5 =	vadd.f32 v26, v5  }
0x101: {  	v35 =	vmul.f32 v20, v23;
	v14 =	vld.idx.msk [tilespmem:v21+s12+$0x0], $0xffff;
	v32 =	vand.u32 $0xFFFFFCF8, v29  }
0x102: {  	v34 =	vld.idx.msk [tilespmem:v1+s18+$0xE00 ss:$0x1], $0xffff;
	v9 =	vor.u32 v3, v32;
	v33 =	vadd.s32 $0x6100, v4;
	v5 =	vadd.f32 v31, v5  }
0x103: {  	v39 =	vadd.s32 $0x6180, v4;
	v36 =	vand.u32 $0xFFFFFD78, v33;
	v37 =	vld.idx.msk [tilespmem:v25+s12+$0x0], $0xffff  }
0x104: {  	v38 =	vld.idx.msk [tilespmem:v1+s18+$0x1000 ss:$0x1], $0xffff;
	v40 =	vmul.f32 v24, v27;
	v7 =	vor.u32 v3, v36;
	v5 =	vadd.f32 v35, v5  }
0x105: {  	v41 =	vld.idx.msk [tilespmem:v28+s12+$0x0], $0xffff;
	v42 =	vand.u32 $0xFFFFFDF8, v39  }
0x106: {  	v43 =	vld.idx.msk [tilespmem:v1+s18+$0x1200 ss:$0x1], $0xffff;
	v44 =	vmul.f32 v30, v14;
	v11 =	vor.u32 v3, v42;
	v5 =	vadd.f32 v40, v5  }
0x107: {  	v45 =	vadd.s32 $0x6200, v2;
	v9 =	vld.idx.msk [tilespmem:v9+s12+$0x0], $0xffff  }
0x108: {  	v4 =	vadd.s32 $0x6280, v4;
	v46 =	vld.idx.msk [tilespmem:v1+s18+$0x1400 ss:$0x1], $0xffff;
	v47 =	vmul.f32 v34, v37;
	v5 =	vadd.f32 v44, v5  }
0x109: {  	v4 =	vand.u32 $0xFFFFFEF8, v4;
	v7 =	vld.idx.msk [tilespmem:v7+s12+$0x0], $0xffff  }
0x10a: {  	v48 =	vld.idx.msk [tilespmem:v1+s18+$0x1600 ss:$0x1], $0xffff;
	v50 =	vmul.f32 v38, v41;
	v3 =	vor.u32 v3, v4;
	v49 =	vadd.f32 v47, v5  }
0x10b: {  	v51 =	vld.idx.msk [tilespmem:v11+s12+$0x0], $0xffff  }
0x10c: {  	v53 =	vadd.s32 $0x6300, v2;
	v52 =	vld.idx.msk [tilespmem:v1+s18+$0x1800 ss:$0x1], $0xffff;
	v54 =	vmul.f32 v43, v9;
	v4 =	vadd.f32 v50, v49  }
0x10d: {  	v55 =	vld.idx.msk [tilespmem:v45+s12+$0x0], $0xffff  }
0x10e: {  	v56 =	vld.idx.msk [tilespmem:v1+s18+$0x1A00 ss:$0x1], $0xffff;
	v2 =	vadd.s32 $0x6380, v2;
	v57 =	vmul.f32 v46, v7;
	v4 =	vadd.f32 v54, v4  }
0x10f: {  	v3 =	vld.idx.msk [tilespmem:v3+s12+$0x0], $0xffff  }
0x110: {  	v58 =	vld.idx.msk [tilespmem:v1+s18+$0x1C00 ss:$0x1], $0xffff;
	v59 =	vmul.f32 v48, v51;
	v4 =	vadd.f32 v57, v4  }
0x111: {  	v60 =	vld.idx.msk [tilespmem:v53+s12+$0x0], $0xffff  }
0x112: {  	v61 =	vld.idx.msk [tilespmem:v1+s18+$0x1E00 ss:$0x1], $0xffff;
	v62 =	vmul.f32 v52, v55;
	v4 =	vadd.f32 v59, v4  }
0x113: {  	v2 =	vld.idx.msk [tilespmem:v2+s12+$0x0], $0xffff  }
0x114: {  	v3 =	vmul.f32 v56, v3;
	v4 =	vadd.f32 v62, v4;
	_ =	sdelay $0x1  }
0x115: {  	v63 =	vmul.f32 v58, v60;
	v3 =	vadd.f32 v3, v4;
	_ =	sdelay $0x1  }
0x116: {  	v2 =	vmul.f32 v61, v2;
	v3 =	vadd.f32 v63, v3  }
0x117: {  	s19 =	simm.s32 $0x40  }
0x118: {  	s21 =	simm.s32 $0x10;
	s20 =	simm.s32 $0x20;
	s22 =	sand.u32 $0x600, s19;
	v2 =	vadd.f32 v2, v3  }
.LBB2_11:
0x119: {  	p1 =	sne.s32 s20, $0x1F0;
	s21 =	sand.u32 $0x70, s21;
	s22 =	sshrl.u32 s22, $0x2  }
0x11a: {  	s22 =	sor.u32 s21, s22;
	[tilespmem:s18+$0x10600] =	vst v2;
	s21 =	smov.u32 s20  }
0x11b: {  	v2 =	vld [tilespmem:s22+$0x400];
	_ =	sdelay $0x4  }
0x11c: {  	v3 =	vshll.u32 v2, $0x3  }
0x11d: {  	v4 =	vand.u32 $0x7F, v2;
	v3 =	vand.u32 $0xFFFFFC00, v3  }
0x11e: {  	v4 =	vor.u32 v4, v3  }
0x11f: {  	v3 =	vand.u32 $0x7, v2;
	v5 =	vand.u32 $0xFFFFFC78, v4  }
0x120: {  	v2 =	vor.u32 v3, v5;
	_ =	sdelay $0x1  }
0x121: {  	s18 =	sshra.s32 s19, $0x2;
	v5 =	vor.u32 $0x80, v2  }
0x122: {  	v6 =	vld.idx.msk [tilespmem:v1+s18+$0xFFFFE400 ss:$0x1], $0xffff  }
0x123: {  	v8 =	vor.u32 $0x100, v2;
	v7 =	vld.idx.msk [tilespmem:v1+s18+$0xFFFFE000 ss:$0x1], $0xffff  }
0x124: {  	v9 =	vld.idx.msk [tilespmem:v2+s12+$0x0], $0xffff  }
0x125: {  	v11 =	vor.u32 $0x180, v2;
	v10 =	vld.idx.msk [tilespmem:v1+s18+$0xFFFFE200 ss:$0x1], $0xffff  }
0x126: {  	v5 =	vld.idx.msk [tilespmem:v5+s12+$0x0], $0xffff  }
0x127: {  	v13 =	vor.u32 $0x200, v2;
	v12 =	vld [tilespmem:s18+$0x10600]  }
0x128: {  	v8 =	vld.idx.msk [tilespmem:v8+s12+$0x0], $0xffff  }
0x129: {  	v15 =	vor.u32 $0x280, v2;
	v14 =	vld.idx.msk [tilespmem:v1+s18+$0xFFFFE600 ss:$0x1], $0xffff  }
0x12a: {  	v7 =	vmul.f32 v7, v9;
	v9 =	vld.idx.msk [tilespmem:v11+s12+$0x0], $0xffff  }
0x12b: {  	v16 =	vor.u32 $0x300, v2;
	v11 =	vld.idx.msk [tilespmem:v1+s18+$0xFFFFE800 ss:$0x1], $0xffff  }
0x12c: {  	v5 =	vmul.f32 v10, v5;
	v7 =	vadd.f32 v7, v12;
	v10 =	vld.idx.msk [tilespmem:v13+s12+$0x0], $0xffff  }
0x12d: {  	v13 =	vor.u32 $0x380, v2;
	v12 =	vld.idx.msk [tilespmem:v1+s18+$0xFFFFEA00 ss:$0x1], $0xffff  }
0x12e: {  	v6 =	vmul.f32 v6, v8;
	v5 =	vadd.f32 v5, v7;
	v7 =	vld.idx.msk [tilespmem:v15+s12+$0x0], $0xffff  }
0x12f: {  	v17 =	vadd.s32 $0x2080, v4;
	v15 =	vadd.s32 $0x2000, v2;
	v8 =	vld.idx.msk [tilespmem:v1+s18+$0xFFFFEC00 ss:$0x1], $0xffff  }
0x130: {  	v5 =	vadd.f32 v6, v5;
	v6 =	vmul.f32 v14, v9;
	v9 =	vld.idx.msk [tilespmem:v16+s12+$0x0], $0xffff;
	v14 =	vand.u32 $0xFFFFFCF8, v17  }
0x131: {  	v17 =	vadd.s32 $0x2100, v4;
	v16 =	vld.idx.msk [tilespmem:v1+s18+$0xFFFFEE00 ss:$0x1], $0xffff;
	v14 =	vor.u32 v3, v14  }
0x132: {  	v5 =	vadd.f32 v6, v5;
	v6 =	vmul.f32 v11, v10;
	v10 =	vld.idx.msk [tilespmem:v13+s12+$0x0], $0xffff;
	v11 =	vand.u32 $0xFFFFFD78, v17  }
0x133: {  	v17 =	vadd.s32 $0x2180, v4;
	v13 =	vld.idx.msk [tilespmem:v1+s18+$0xFFFFF000 ss:$0x1], $0xffff;
	v11 =	vor.u32 v3, v11  }
0x134: {  	v5 =	vadd.f32 v6, v5;
	v6 =	vmul.f32 v12, v7;
	v7 =	vld.idx.msk [tilespmem:v15+s12+$0x0], $0xffff;
	v12 =	vand.u32 $0xFFFFFDF8, v17  }
0x135: {  	v15 =	vld.idx.msk [tilespmem:v1+s18+$0xFFFFF200 ss:$0x1], $0xffff;
	v12 =	vor.u32 v3, v12  }
0x136: {  	v5 =	vadd.f32 v6, v5;
	v6 =	vmul.f32 v8, v9;
	v8 =	vld.idx.msk [tilespmem:v14+s12+$0x0], $0xffff  }
0x137: {  	v17 =	vadd.s32 $0x2280, v4;
	v14 =	vadd.s32 $0x2200, v2;
	v9 =	vld.idx.msk [tilespmem:v1+s18+$0xFFFFF400 ss:$0x1], $0xffff  }
0x138: {  	v5 =	vadd.f32 v6, v5;
	v6 =	vmul.f32 v16, v10;
	v10 =	vld.idx.msk [tilespmem:v11+s12+$0x0], $0xffff;
	v11 =	vand.u32 $0xFFFFFEF8, v17  }
0x139: {  	v16 =	vld.idx.msk [tilespmem:v1+s18+$0xFFFFF600 ss:$0x1], $0xffff;
	v11 =	vor.u32 v3, v11  }
0x13a: {  	v5 =	vadd.f32 v6, v5;
	v6 =	vmul.f32 v13, v7;
	v7 =	vld.idx.msk [tilespmem:v12+s12+$0x0], $0xffff  }
0x13b: {  	v13 =	vadd.s32 $0x2300, v2;
	v12 =	vld.idx.msk [tilespmem:v1+s18+$0xFFFFF800 ss:$0x1], $0xffff  }
0x13c: {  	v5 =	vadd.f32 v6, v5;
	v6 =	vmul.f32 v15, v8;
	v8 =	vld.idx.msk [tilespmem:v14+s12+$0x0], $0xffff  }
0x13d: {  	v15 =	vadd.s32 $0x2380, v2;
	v14 =	vld.idx.msk [tilespmem:v1+s18+$0xFFFFFA00 ss:$0x1], $0xffff  }
0x13e: {  	v5 =	vadd.f32 v6, v5;
	v6 =	vmul.f32 v9, v10;
	v9 =	vld.idx.msk [tilespmem:v11+s12+$0x0], $0xffff  }
0x13f: {  	v17 =	vadd.s32 $0x4080, v4;
	v11 =	vadd.s32 $0x4000, v2;
	v10 =	vld.idx.msk [tilespmem:v1+s18+$0xFFFFFC00 ss:$0x1], $0xffff  }
0x140: {  	v5 =	vadd.f32 v6, v5;
	v6 =	vmul.f32 v16, v7;
	v7 =	vld.idx.msk [tilespmem:v13+s12+$0x0], $0xffff;
	v13 =	vand.u32 $0xFFFFFCF8, v17  }
0x141: {  	v17 =	vadd.s32 $0x4100, v4;
	v16 =	vld.idx.msk [tilespmem:v1+s18+$0xFFFFFE00 ss:$0x1], $0xffff;
	v13 =	vor.u32 v3, v13  }
0x142: {  	v5 =	vadd.f32 v6, v5;
	v6 =	vmul.f32 v12, v8;
	v8 =	vld.idx.msk [tilespmem:v15+s12+$0x0], $0xffff;
	v12 =	vand.u32 $0xFFFFFD78, v17  }
0x143: {  	v17 =	vadd.s32 $0x4180, v4;
	v15 =	vld.idx.msk [tilespmem:v1+s18+$0x0 ss:$0x1], $0xffff;
	v12 =	vor.u32 v3, v12  }
0x144: {  	v5 =	vadd.f32 v6, v5;
	v6 =	vmul.f32 v14, v9;
	v9 =	vld.idx.msk [tilespmem:v11+s12+$0x0], $0xffff;
	v11 =	vand.u32 $0xFFFFFDF8, v17  }
0x145: {  	v14 =	vld.idx.msk [tilespmem:v1+s18+$0x200 ss:$0x1], $0xffff;
	v11 =	vor.u32 v3, v11  }
0x146: {  	v5 =	vadd.f32 v6, v5;
	v6 =	vmul.f32 v10, v7;
	v7 =	vld.idx.msk [tilespmem:v13+s12+$0x0], $0xffff  }
0x147: {  	v17 =	vadd.s32 $0x4280, v4;
	v13 =	vadd.s32 $0x4200, v2;
	v10 =	vld.idx.msk [tilespmem:v1+s18+$0x400 ss:$0x1], $0xffff  }
0x148: {  	v5 =	vadd.f32 v6, v5;
	v6 =	vmul.f32 v16, v8;
	v8 =	vld.idx.msk [tilespmem:v12+s12+$0x0], $0xffff;
	v12 =	vand.u32 $0xFFFFFEF8, v17  }
0x149: {  	v16 =	vld.idx.msk [tilespmem:v1+s18+$0x600 ss:$0x1], $0xffff;
	v12 =	vor.u32 v3, v12  }
0x14a: {  	v5 =	vadd.f32 v6, v5;
	v6 =	vmul.f32 v15, v9;
	v9 =	vld.idx.msk [tilespmem:v11+s12+$0x0], $0xffff  }
0x14b: {  	v15 =	vadd.s32 $0x4300, v2;
	v11 =	vld.idx.msk [tilespmem:v1+s18+$0x800 ss:$0x1], $0xffff  }
0x14c: {  	v5 =	vadd.f32 v6, v5;
	v6 =	vmul.f32 v14, v7;
	v7 =	vld.idx.msk [tilespmem:v13+s12+$0x0], $0xffff  }
0x14d: {  	v14 =	vadd.s32 $0x4380, v2;
	v13 =	vld.idx.msk [tilespmem:v1+s18+$0xA00 ss:$0x1], $0xffff  }
0x14e: {  	v5 =	vadd.f32 v6, v5;
	v6 =	vmul.f32 v10, v8;
	v8 =	vld.idx.msk [tilespmem:v12+s12+$0x0], $0xffff  }
0x14f: {  	v17 =	vadd.s32 $0x6080, v4;
	v12 =	vadd.s32 $0x6000, v2;
	v10 =	vld.idx.msk [tilespmem:v1+s18+$0xC00 ss:$0x1], $0xffff  }
0x150: {  	v5 =	vadd.f32 v6, v5;
	v6 =	vmul.f32 v16, v9;
	v9 =	vld.idx.msk [tilespmem:v15+s12+$0x0], $0xffff;
	v15 =	vand.u32 $0xFFFFFCF8, v17  }
0x151: {  	v17 =	vadd.s32 $0x6100, v4;
	v16 =	vld.idx.msk [tilespmem:v1+s18+$0xE00 ss:$0x1], $0xffff;
	v15 =	vor.u32 v3, v15  }
0x152: {  	v5 =	vadd.f32 v6, v5;
	v6 =	vmul.f32 v11, v7;
	v7 =	vld.idx.msk [tilespmem:v14+s12+$0x0], $0xffff;
	v11 =	vand.u32 $0xFFFFFD78, v17  }
0x153: {  	v17 =	vadd.s32 $0x6180, v4;
	v14 =	vld.idx.msk [tilespmem:v1+s18+$0x1000 ss:$0x1], $0xffff;
	v11 =	vor.u32 v3, v11  }
0x154: {  	v5 =	vadd.f32 v6, v5;
	v6 =	vmul.f32 v13, v8;
	v8 =	vld.idx.msk [tilespmem:v12+s12+$0x0], $0xffff;
	v12 =	vand.u32 $0xFFFFFDF8, v17  }
0x155: {  	v13 =	vld.idx.msk [tilespmem:v1+s18+$0x1200 ss:$0x1], $0xffff;
	v12 =	vor.u32 v3, v12  }
0x156: {  	v5 =	vadd.f32 v6, v5;
	v6 =	vmul.f32 v10, v9;
	v9 =	vld.idx.msk [tilespmem:v15+s12+$0x0], $0xffff  }
0x157: {  	v4 =	vadd.s32 $0x6280, v4;
	v15 =	vadd.s32 $0x6200, v2;
	v10 =	vld.idx.msk [tilespmem:v1+s18+$0x1400 ss:$0x1], $0xffff  }
0x158: {  	v4 =	vand.u32 $0xFFFFFEF8, v4;
	v5 =	vadd.f32 v6, v5;
	v6 =	vmul.f32 v16, v7;
	v7 =	vld.idx.msk [tilespmem:v11+s12+$0x0], $0xffff  }
0x159: {  	v3 =	vor.u32 v3, v4;
	v11 =	vld.idx.msk [tilespmem:v1+s18+$0x1600 ss:$0x1], $0xffff  }
0x15a: {  	v4 =	vadd.f32 v6, v5;
	v5 =	vmul.f32 v14, v8;
	v6 =	vld.idx.msk [tilespmem:v12+s12+$0x0], $0xffff  }
0x15b: {  	v12 =	vadd.s32 $0x6300, v2;
	v8 =	vld.idx.msk [tilespmem:v1+s18+$0x1800 ss:$0x1], $0xffff  }
0x15c: {  	v4 =	vadd.f32 v5, v4;
	v5 =	vmul.f32 v13, v9;
	v9 =	vld.idx.msk [tilespmem:v15+s12+$0x0], $0xffff  }
0x15d: {  	v2 =	vadd.s32 $0x6380, v2;
	v13 =	vld.idx.msk [tilespmem:v1+s18+$0x1A00 ss:$0x1], $0xffff  }
0x15e: {  	v4 =	vadd.f32 v5, v4;
	v5 =	vmul.f32 v10, v7;
	v3 =	vld.idx.msk [tilespmem:v3+s12+$0x0], $0xffff  }
0x15f: {  	v7 =	vld.idx.msk [tilespmem:v1+s18+$0x1C00 ss:$0x1], $0xffff  }
0x160: {  	v4 =	vadd.f32 v5, v4;
	v5 =	vmul.f32 v11, v6;
	v6 =	vld.idx.msk [tilespmem:v12+s12+$0x0], $0xffff  }
0x161: {  	v10 =	vld.idx.msk [tilespmem:v1+s18+$0x1E00 ss:$0x1], $0xffff  }
0x162: {  	v4 =	vadd.f32 v5, v4;
	v5 =	vmul.f32 v8, v9;
	v2 =	vld.idx.msk [tilespmem:v2+s12+$0x0], $0xffff;
	_ =	sdelay $0x1  }
0x163: {  	v3 =	vmul.f32 v13, v3;
	v4 =	vadd.f32 v5, v4;
	_ =	sdelay $0x1  }
.Ltmp4:
0x164: {  	v3 =	vadd.f32 v3, v4;
	v4 =	vmul.f32 v7, v6;
	(pc) =	sbr.rel @p1 .LBB2_11-.Ltmp4, $4  }
0x165: {  	_ = 	snop  }
0x166: {  	v2 =	vmul.f32 v10, v2;
	v3 =	vadd.f32 v4, v3  }
0x167: {  	s19 =	sadd.s32 $0x40, s19  }
0x168: {  	s20 =	sadd.s32 $0x10, s20;
	s22 =	sand.u32 $0x600, s19;
	v2 =	vadd.f32 v2, v3  }
0x169: {  	s20 =	sand.u32 $0x70, s21;
	s30 =	sshrl.u32 s22, $0x2  }
0x16a: {  	s20 =	sor.u32 s20, s30;
	[tilespmem:s18+$0x10600] =	vst v2  }
0x16b: {  	v2 =	vld [tilespmem:s20+$0x400];
	_ =	sdelay $0x4  }
0x16c: {  	v3 =	vshll.u32 v2, $0x3  }
0x16d: {  	v4 =	vand.u32 $0x7F, v2;
	v3 =	vand.u32 $0xFFFFFC00, v3  }
0x16e: {  	v4 =	vor.u32 v4, v3  }
0x16f: {  	v3 =	vand.u32 $0x7, v2;
	v5 =	vand.u32 $0xFFFFFC78, v4  }
0x170: {  	v2 =	vor.u32 v3, v5;
	_ =	sdelay $0x1  }
0x171: {  	s31 =	sshra.s32 s19, $0x2;
	v5 =	vor.u32 $0x80, v2  }
0x172: {  	v6 =	vld.idx.msk [tilespmem:v1+s31+$0xFFFFE000 ss:$0x1], $0xffff  }
0x173: {  	v9 =	vld.idx.msk [tilespmem:v1+s31+$0xFFFFE200 ss:$0x1], $0xffff;
	v7 =	vor.u32 $0x100, v2  }
0x174: {  	v8 =	vld.idx.msk [tilespmem:v2+s12+$0x0], $0xffff  }
0x175: {  	v11 =	vld [tilespmem:s31+$0x10600];
	v10 =	vor.u32 $0x180, v2  }
0x176: {  	v5 =	vld.idx.msk [tilespmem:v5+s12+$0x0], $0xffff  }
0x177: {  	v12 =	vld.idx.msk [tilespmem:v1+s31+$0xFFFFE400 ss:$0x1], $0xffff;
	v13 =	vor.u32 $0x200, v2  }
0x178: {  	v7 =	vld.idx.msk [tilespmem:v7+s12+$0x0], $0xffff  }
0x179: {  	v14 =	vld.idx.msk [tilespmem:v1+s31+$0xFFFFE600 ss:$0x1], $0xffff;
	v15 =	vor.u32 $0x280, v2;
	v6 =	vmul.f32 v6, v8  }
0x17a: {  	v46 =	vld.idx.msk [tilespmem:v10+s12+$0x0], $0xffff  }
0x17b: {  	v47 =	vld.idx.msk [tilespmem:v1+s31+$0xFFFFE800 ss:$0x1], $0xffff;
	v16 =	vor.u32 $0x300, v2;
	v5 =	vmul.f32 v9, v5;
	v6 =	vadd.f32 v6, v11  }
0x17c: {  	v48 =	vld.idx.msk [tilespmem:v13+s12+$0x0], $0xffff  }
0x17d: {  	v49 =	vld.idx.msk [tilespmem:v1+s31+$0xFFFFEA00 ss:$0x1], $0xffff;
	v50 =	vor.u32 $0x380, v2;
	v51 =	vmul.f32 v12, v7;
	v5 =	vadd.f32 v5, v6  }
0x17e: {  	v54 =	vadd.s32 $0x2080, v4;
	v52 =	vld.idx.msk [tilespmem:v15+s12+$0x0], $0xffff  }
0x17f: {  	v17 =	vld.idx.msk [tilespmem:v1+s31+$0xFFFFEC00 ss:$0x1], $0xffff;
	v53 =	vadd.s32 $0x2000, v2;
	v55 =	vmul.f32 v14, v46;
	v5 =	vadd.f32 v51, v5  }
0x180: {  	v58 =	vadd.s32 $0x2100, v4;
	v56 =	vand.u32 $0xFFFFFCF8, v54;
	v57 =	vld.idx.msk [tilespmem:v16+s12+$0x0], $0xffff  }
0x181: {  	v59 =	vld.idx.msk [tilespmem:v1+s31+$0xFFFFEE00 ss:$0x1], $0xffff;
	v8 =	vor.u32 v3, v56;
	v60 =	vmul.f32 v47, v48;
	v5 =	vadd.f32 v55, v5  }
0x182: {  	v19 =	vadd.s32 $0x2180, v4;
	v61 =	vand.u32 $0xFFFFFD78, v58;
	v62 =	vld.idx.msk [tilespmem:v50+s12+$0x0], $0xffff  }
0x183: {  	v63 =	vld.idx.msk [tilespmem:v1+s31+$0xFFFFF000 ss:$0x1], $0xffff;
	v9 =	vor.u32 v3, v61;
	v20 =	vmul.f32 v49, v52;
	v5 =	vadd.f32 v60, v5  }
0x184: {  	v22 =	vand.u32 $0xFFFFFDF8, v19;
	v21 =	vld.idx.msk [tilespmem:v53+s12+$0x0], $0xffff  }
0x185: {  	v23 =	vld.idx.msk [tilespmem:v1+s31+$0xFFFFF200 ss:$0x1], $0xffff;
	v24 =	vmul.f32 v17, v57;
	v11 =	vor.u32 v3, v22;
	v5 =	vadd.f32 v20, v5  }
0x186: {  	v27 =	vadd.s32 $0x2280, v4;
	v8 =	vld.idx.msk [tilespmem:v8+s12+$0x0], $0xffff  }
0x187: {  	v26 =	vld.idx.msk [tilespmem:v1+s31+$0xFFFFF400 ss:$0x1], $0xffff;
	v25 =	vadd.s32 $0x2200, v2;
	v28 =	vmul.f32 v59, v62;
	v5 =	vadd.f32 v24, v5  }
0x188: {  	v29 =	vand.u32 $0xFFFFFEF8, v27;
	v9 =	vld.idx.msk [tilespmem:v9+s12+$0x0], $0xffff  }
0x189: {  	v30 =	vld.idx.msk [tilespmem:v1+s31+$0xFFFFF600 ss:$0x1], $0xffff;
	v10 =	vor.u32 v3, v29;
	v31 =	vmul.f32 v63, v21;
	v5 =	vadd.f32 v28, v5  }
0x18a: {  	v32 =	vld.idx.msk [tilespmem:v11+s12+$0x0], $0xffff  }
0x18b: {  	v33 =	vld.idx.msk [tilespmem:v1+s31+$0xFFFFF800 ss:$0x1], $0xffff;
	v34 =	vadd.s32 $0x2300, v2;
	v35 =	vmul.f32 v23, v8;
	v5 =	vadd.f32 v31, v5  }
0x18c: {  	v38 =	vadd.s32 $0x2380, v2;
	v36 =	vld.idx.msk [tilespmem:v25+s12+$0x0], $0xffff  }
0x18d: {  	v37 =	vld.idx.msk [tilespmem:v1+s31+$0xFFFFFA00 ss:$0x1], $0xffff;
	v39 =	vmul.f32 v26, v9;
	v5 =	vadd.f32 v35, v5  }
0x18e: {  	v42 =	vadd.s32 $0x4080, v4;
	v41 =	vadd.s32 $0x4000, v2;
	v40 =	vld.idx.msk [tilespmem:v10+s12+$0x0], $0xffff  }
0x18f: {  	v43 =	vld.idx.msk [tilespmem:v1+s31+$0xFFFFFC00 ss:$0x1], $0xffff;
	v45 =	vand.u32 $0xFFFFFCF8, v42;
	v44 =	vmul.f32 v30, v32;
	v5 =	vadd.f32 v39, v5  }
0x190: {  	v13 =	vld.idx.msk [tilespmem:v34+s12+$0x0], $0xffff;
	v7 =	vor.u32 v3, v45  }
0x191: {  	v50 =	vld.idx.msk [tilespmem:v38+s12+$0x0], $0xffff;
	v46 =	vadd.s32 $0x4100, v4;
	v48 =	vmul.f32 v33, v36;
	v5 =	vadd.f32 v44, v5  }
0x192: {  	v47 =	vld.idx.msk [tilespmem:v1+s31+$0xFFFFFE00 ss:$0x1], $0xffff;
	v52 =	vadd.s32 $0x4180, v4;
	v49 =	vand.u32 $0xFFFFFD78, v46  }
0x193: {  	v54 =	vld.idx.msk [tilespmem:v41+s12+$0x0], $0xffff;
	v53 =	vmul.f32 v37, v40;
	v8 =	vor.u32 v3, v49;
	v5 =	vadd.f32 v48, v5  }
0x194: {  	v51 =	vld.idx.msk [tilespmem:v1+s31+$0x0 ss:$0x1], $0xffff;
	v55 =	vand.u32 $0xFFFFFDF8, v52  }
0x195: {  	v56 =	vld.idx.msk [tilespmem:v1+s31+$0x200 ss:$0x1], $0xffff;
	v57 =	vmul.f32 v43, v13;
	v10 =	vor.u32 v3, v55;
	v5 =	vadd.f32 v53, v5  }
0x196: {  	v58 =	vadd.s32 $0x4200, v2;
	v7 =	vld.idx.msk [tilespmem:v7+s12+$0x0], $0xffff  }
0x197: {  	v59 =	vld.idx.msk [tilespmem:v1+s31+$0x400 ss:$0x1], $0xffff;
	v61 =	vmul.f32 v47, v50;
	v60 =	vadd.s32 $0x4280, v4;
	v5 =	vadd.f32 v57, v5  }
0x198: {  	v62 =	vand.u32 $0xFFFFFEF8, v60;
	v8 =	vld.idx.msk [tilespmem:v8+s12+$0x0], $0xffff  }
0x199: {  	v63 =	vld.idx.msk [tilespmem:v1+s31+$0x600 ss:$0x1], $0xffff;
	v19 =	vmul.f32 v51, v54;
	v11 =	vor.u32 v3, v62;
	v5 =	vadd.f32 v61, v5  }
0x19a: {  	v22 =	vadd.s32 $0x4300, v2;
	v20 =	vld.idx.msk [tilespmem:v10+s12+$0x0], $0xffff  }
0x19b: {  	v21 =	vld.idx.msk [tilespmem:v1+s31+$0x800 ss:$0x1], $0xffff;
	v23 =	vmul.f32 v56, v7;
	v5 =	vadd.f32 v19, v5  }
0x19c: {  	v26 =	vadd.s32 $0x4380, v2;
	v24 =	vld.idx.msk [tilespmem:v58+s12+$0x0], $0xffff  }
0x19d: {  	v25 =	vld.idx.msk [tilespmem:v1+s31+$0xA00 ss:$0x1], $0xffff;
	v27 =	vmul.f32 v59, v8;
	v5 =	vadd.f32 v23, v5  }
0x19e: {  	v29 =	vadd.s32 $0x6000, v2;
	v30 =	vadd.s32 $0x6080, v4;
	v28 =	vld.idx.msk [tilespmem:v11+s12+$0x0], $0xffff  }
0x19f: {  	v14 =	vld.idx.msk [tilespmem:v22+s12+$0x0], $0xffff;
	v33 =	vand.u32 $0xFFFFFCF8, v30;
	v32 =	vmul.f32 v63, v20;
	v5 =	vadd.f32 v27, v5  }
0x1a0: {  	v9 =	vor.u32 v3, v33;
	v31 =	vld.idx.msk [tilespmem:v1+s31+$0xC00 ss:$0x1], $0xffff  }
0x1a1: {  	v34 =	vadd.s32 $0x6100, v4;
	v38 =	vld.idx.msk [tilespmem:v26+s12+$0x0], $0xffff;
	v36 =	vmul.f32 v21, v24;
	v5 =	vadd.f32 v32, v5  }
0x1a2: {  	v37 =	vand.u32 $0xFFFFFD78, v34;
	v40 =	vadd.s32 $0x6180, v4;
	v35 =	vld.idx.msk [tilespmem:v1+s31+$0xE00 ss:$0x1], $0xffff  }
0x1a3: {  	v42 =	vld.idx.msk [tilespmem:v29+s12+$0x0], $0xffff;
	v7 =	vor.u32 v3, v37;
	v41 =	vmul.f32 v25, v28;
	v5 =	vadd.f32 v36, v5  }
0x1a4: {  	v43 =	vand.u32 $0xFFFFFDF8, v40;
	v39 =	vld.idx.msk [tilespmem:v1+s31+$0x1000 ss:$0x1], $0xffff  }
0x1a5: {  	v11 =	vor.u32 v3, v43;
	v9 =	vld.idx.msk [tilespmem:v9+s12+$0x0], $0xffff;
	v45 =	vmul.f32 v31, v14;
	v5 =	vadd.f32 v41, v5  }
0x1a6: {  	v46 =	vadd.s32 $0x6200, v2;
	v4 =	vadd.s32 $0x6280, v4;
	v44 =	vld.idx.msk [tilespmem:v1+s31+$0x1200 ss:$0x1], $0xffff  }
0x1a7: {  	v47 =	vld.idx.msk [tilespmem:v1+s31+$0x1400 ss:$0x1], $0xffff;
	v4 =	vand.u32 $0xFFFFFEF8, v4;
	v48 =	vmul.f32 v35, v38;
	v5 =	vadd.f32 v45, v5  }
0x1a8: {  	v7 =	vld.idx.msk [tilespmem:v7+s12+$0x0], $0xffff;
	v3 =	vor.u32 v3, v4  }
0x1a9: {  	v49 =	vld.idx.msk [tilespmem:v1+s31+$0x1600 ss:$0x1], $0xffff;
	v51 =	vmul.f32 v39, v42;
	v50 =	vadd.f32 v48, v5  }
0x1aa: {  	v52 =	vld.idx.msk [tilespmem:v11+s12+$0x0], $0xffff  }
0x1ab: {  	v54 =	vadd.s32 $0x6300, v2;
	v56 =	vld.idx.msk [tilespmem:v46+s12+$0x0], $0xffff;
	v55 =	vmul.f32 v44, v9;
	v4 =	vadd.f32 v51, v50  }
0x1ac: {  	v2 =	vadd.s32 $0x6380, v2;
	v53 =	vld.idx.msk [tilespmem:v1+s31+$0x1800 ss:$0x1], $0xffff  }
0x1ad: {  	v58 =	vmul.f32 v47, v7;
	v3 =	vld.idx.msk [tilespmem:v3+s12+$0x0], $0xffff;
	v4 =	vadd.f32 v55, v4  }
0x1ae: {  	v57 =	vld.idx.msk [tilespmem:v1+s31+$0x1A00 ss:$0x1], $0xffff  }
0x1af: {  	v59 =	vld.idx.msk [tilespmem:v1+s31+$0x1C00 ss:$0x1], $0xffff;
	v60 =	vmul.f32 v49, v52;
	v4 =	vadd.f32 v58, v4  }
0x1b0: {  	v61 =	vld.idx.msk [tilespmem:v54+s12+$0x0], $0xffff  }
0x1b1: {  	v2 =	vld.idx.msk [tilespmem:v2+s12+$0x0], $0xffff;
	v62 =	vmul.f32 v53, v56;
	v4 =	vadd.f32 v60, v4  }
0x1b2: {  	v1 =	vld.idx.msk [tilespmem:v1+s31+$0x1E00 ss:$0x1], $0xffff  }
0x1b3: {  	v3 =	vmul.f32 v57, v3;
	v4 =	vadd.f32 v62, v4;
	_ =	sdelay $0x1  }
0x1b4: {  	s17 =	sadd.s32 $0x1, s17;
	v63 =	vmul.f32 v59, v61;
	v3 =	vadd.f32 v3, v4  }
0x1b5: {  	p1 =	sne.s32 s17, $0xD  }
.Ltmp5:
0x1b6: {  	v1 =	vmul.f32 v1, v2;
	v3 =	vadd.f32 v63, v3;
	(pc) =	sbr.rel @p1 .LBB2_6-.Ltmp5, $3  }
0x1b7: {  	_ = 	snop  }
0x1b8: {  	v1 =	vadd.f32 v1, v3;
	_ =	sdelay $0x1  }
0x1b9: {  	p0 =	por !p0, !p0;
	[tilespmem:s31+$0x10600] =	vst v1  }
0x1ba: {  	s16 =	sadd.s32 $0x1, s16  }
0x1bb: {  	p0 =	sne.s32 s16, s8  }
.Ltmp6:
0x1bc: {  	_ = 	snop;
	(pc) =	sbr.rel @p0 .LBB2_1-.Ltmp6, $4  }
0x1bd: {  	[hbm4b:s7+s2] =	stream.linear.scatter [tilespmem:s15], [sflag:$0x3], $0x200, $0x38;
	[tilespmem:$0x10800] =	vst v63  }
0x1be: {  	_ =	swait.ge [sflag:s9], $0x200  }
0x1bf: {  	[sflag:s9] =	ssyncset.done $0x0  }
0x1c0: {  	[sflag:s9] =	ssyncadd.s32 $0xFFFFFE00  }
0x1c1: {  	_ =	sfence.sel $0x180000  }
0x1c2: {  	[bflag:$0x0] =	sbarrier.arrive $0xFFFF  }
0x1c3: {  	p0 =	sne.s32 s1, $0x0;
	_ =	strace $0x90000047  }
0x1c4: {  	s0 =	sadd.s32 @!p0 $0x100000, s0;
	[bflag:$0x2] =	sbarrier.arrive $0xFFFF  }
0x1c5: {  	[sflag:s0] =	ssyncadd.tile.s32 @!p0 $0x1;
	_ =	shalt  }
.Lfunc_end2:
_tile_overlayer_lowered:
.L_overlay_start_2:
0x1c6: {  	(tag) =	ssettag $0x2  }
0x1c7: {  	s0 =	rddreg [dreg:$0x0];
	s2 =	stileid.u32  }
0x1c8: {  	s1 =	rddreg [dreg:$0x1];
	p0 =	sne.s32 s2, $0x0  }
0x1c9: {  	s3 =	rddreg [dreg:$0x2];
	[bflag:$0x3] =	sbarrier.arrive $0xFFFF;
	s2 =	simm.s32 @!p0 $0x1C03  }
0x1ca: {  	[timem:s3], [sflag:s2] =	dma.local @!p0 [hbm:s0], s1  }
0x1cb: {  	s0 =	simm.s32 @!p0 $0x3  }
0x1cc: {  	_ =	swait.ge @!p0 [sflag:s0], s1  }
0x1cd: {  	s1 =	ssub.s32 @!p0 $0x0, s1;
	[sflag:s0] =	ssyncset.done @!p0 $0x0  }
0x1ce: {  	[sflag:s0] =	ssyncadd.s32 @!p0 s1  }
0x1cf: {  	[bflag:$0x3] =	sbarrier.arrive $0xFFFF  }
0x1d0: {  	_ =	shalt  }

// kernel: kernel.16.cloned.1.call-start
scs
__scs_entry_jumppad:
0x0: {  	(pc) =	sbr.rel $0x88, $3  }
0x1: {  	(tag) =	ssettag $0x0;
	lr =	simm.s32 $0x1  }
0x2: {  	[smem:$0x3F97] =	sst lr;
	_ =	strace $0xD0000000  }
0x3: {  	_ = 	snop  }
0x4: {  	_ = 	snop  }
0x5: {  	_ = 	snop  }
0x6: {  	_ = 	snop  }
0x7: {  	_ = 	snop  }
__scs_overlays_trampoline_lowered:
0x8: {  	[smem:$0x3FA6] =	sst s0  }
0x9: {  	[smem:$0x3FA7] =	sst s1  }
0xa: {  	[smem:$0x3FA8] =	sst s2  }
0xb: {  	[smem:$0x3FA9] =	sst s3  }
0xc: {  	[smem:$0x3FAA] =	sst s4  }
0xd: {  	[smem:$0x3FAB] =	sst s5  }
0xe: {  	[smem:$0x3FAC] =	sst s6  }
0xf: {  	[smem:$0x3FAD] =	sst s7  }
0x10: {  	[smem:$0x3FAE] =	sst s8  }
0x11: {  	[smem:$0x3FAF] =	sst s9;
	s0 =	simm.s32 @!p0 $0x0  }
0x12: {  	s1 =	sld [smem:$0x3F95];
	s0 =	simm.s32 @p0 $0x1  }
0x13: {  	[smem:$0x3FB0] =	sst s0;
	s0 =	simm.s32 @!p1 $0x0  }
0x14: {  	s2 =	sld [smem:$0x3F94];
	s0 =	simm.s32 @p1 $0x1  }
0x15: {  	[smem:$0x3FB1] =	sst s0;
	s0 =	simm.s32 @!p2 $0x0  }
0x16: {  	s3 =	sld [smem:$0x3FDB];
	s0 =	simm.s32 @p2 $0x1  }
0x17: {  	s4 =	simm.s32 $0x1BF5;
	[smem:$0x3FB3] =	sst s0  }
0x18: {  	s0 =	sld [smem:$0x3F96];
	_ =	swait.ge [sflag:s4], $0x0  }
0x19: {  	s7 =	sld [smem:$0x3F97]  }
0x1a: {  	s8 =	sadd.s32 $0xFFFFE003, lr  }
0x1b: {  	s9 =	sadd.s32 $0xFFFFFEF7, lr;
	s5 =	simm.s32 $0xFFFFFFFF;
	p2 =	slt.u32 s8, $0xFFFFF086  }
0x1c: {  	p1 =	slt.u32 s9, $0xF7A;
	s5 =	simm.s32 @!p2 $0x0  }
0x1d: {  	s5 =	simm.s32 @p1 $0x1;
	p0 =	seq.s32 s7, s2  }
0x1e: {  	s7 =	smul.u32 @!p0 $0xF7A, s2;
	p2 =	seq.s32 @!p0 s5, $0x0  }
0x1f: {  	s9 =	smul.u32 $0xF7A, s1;
	s8 =	simm.s32 @!p0 $0x1BF5;
	p2 =	por !p2, p0  }
0x20: {  	[sflag:s8] =	ssyncset.s32 @!p0 $0xFFFFF086;
	s6 =	sadd.s32 @!p0 s3, s7;
	s7 =	simm.s32 @!p0 $0x108  }
0x21: {  	s3 =	sadd.s32 s3, s9;
	s6 =	sadd.s32 @!p0 $0x88, s6;
	s7 =	simm.s32 @p2 $0x1082  }
0x22: {  	[simem:s7], [sflag:s8] =	dma.local @!p0 [hbm:s6], $0xF7A  }
0x23: {  	s9 =	sor.u32 $0xD0000000, s2;
	s6 =	simm.s32 $0x108;
	_ =	swait.ge @!p0 [sflag:s8], $0x0  }
0x24: {  	s3 =	sadd.s32 $0x88, s3;
	s6 =	simm.s32 @!p1 $0x1082;
	[sflag:s4] =	ssyncset.s32 $0xFFFFF086  }
0x25: {  	[simem:s6], [sflag:s4] =	dma.local [hbm:s3], $0xF7A  }
0x26: {  	[smem:$0x3F97] =	sst s1;
	(tag) =	ssettag s2;
	_ =	strace s9  }
0x27: {  	s1 =	sld [smem:$0x3FA7]  }
0x28: {  	s2 =	sld [smem:$0x3FA8]  }
0x29: {  	s4 =	sld [smem:$0x3FAA]  }
0x2a: {  	p0 =	seq.s32 s5, $0x0;
	s5 =	sld [smem:$0x3FAB]  }
0x2b: {  	s6 =	sld [smem:$0x3FAC]  }
0x2c: {  	s7 =	sld [smem:$0x3FAD]  }
0x2d: {  	s3 =	simm.s32 $0x108;
	s8 =	sld [smem:$0x3FAE]  }
0x2e: {  	s3 =	simm.s32 @!p0 $0x1082;
	s9 =	sld [smem:$0x3FAF]  }
0x2f: {  	lr =	sadd.s32 s0, s3;
	s0 =	sld [smem:$0x3FA6]  }
0x30: {  	s3 =	sld [smem:$0x3FA9]  }
0x31: {  	[smem:$0x3FB2] =	sst s10  }
0x32: {  	s10 =	sld [smem:$0x3FB0];
	_ =	sdelay $0x3  }
0x33: {  	p0 =	seq.s32 s10, $0x1;
	s10 =	sld [smem:$0x3FB2];
	_ =	sdelay $0x3  }
0x34: {  	[smem:$0x3FB2] =	sst s10  }
0x35: {  	s10 =	sld [smem:$0x3FB1];
	_ =	sdelay $0x3  }
0x36: {  	p1 =	seq.s32 s10, $0x1;
	s10 =	sld [smem:$0x3FB2];
	_ =	sdelay $0x3  }
0x37: {  	[smem:$0x3FB2] =	sst s10  }
0x38: {  	s10 =	sld [smem:$0x3FB3]  }
0x39: {  	_ = 	snop;
	(pc) =	sbr.ind lr, $3  }
0x3a: {  	_ = 	snop  }
0x3b: {  	_ = 	snop  }
0x3c: {  	p2 =	seq.s32 s10, $0x1;
	s10 =	sld [smem:$0x3FB2]  }
0x3d: {  	_ =	shalt  }
0x3e: {  	_ =	shalt  }
0x3f: {  	_ =	shalt  }
0x40: {  	_ =	shalt  }
0x41: {  	_ =	shalt  }
0x42: {  	_ =	shalt  }
0x43: {  	_ =	shalt  }
0x44: {  	_ =	shalt  }
0x45: {  	_ =	shalt  }
0x46: {  	_ =	shalt  }
0x47: {  	_ =	shalt  }
0x48: {  	_ =	shalt  }
0x49: {  	_ =	shalt  }
0x4a: {  	_ =	shalt  }
0x4b: {  	_ =	shalt  }
0x4c: {  	_ =	shalt  }
0x4d: {  	_ =	shalt  }
0x4e: {  	_ =	shalt  }
0x4f: {  	_ =	shalt  }
0x50: {  	_ =	shalt  }
0x51: {  	_ =	shalt  }
0x52: {  	_ =	shalt  }
0x53: {  	_ =	shalt  }
0x54: {  	_ =	shalt  }
0x55: {  	_ =	shalt  }
0x56: {  	_ =	shalt  }
0x57: {  	_ =	shalt  }
0x58: {  	_ =	shalt  }
0x59: {  	_ =	shalt  }
0x5a: {  	_ =	shalt  }
0x5b: {  	_ =	shalt  }
0x5c: {  	_ =	shalt  }
0x5d: {  	_ =	shalt  }
0x5e: {  	_ =	shalt  }
0x5f: {  	_ =	shalt  }
0x60: {  	_ =	shalt  }
0x61: {  	_ =	shalt  }
0x62: {  	_ =	shalt  }
0x63: {  	_ =	shalt  }
0x64: {  	_ =	shalt  }
0x65: {  	_ =	shalt  }
0x66: {  	_ =	shalt  }
0x67: {  	_ =	shalt  }
0x68: {  	_ =	shalt  }
0x69: {  	_ =	shalt  }
0x6a: {  	_ =	shalt  }
0x6b: {  	_ =	shalt  }
0x6c: {  	_ =	shalt  }
0x6d: {  	_ =	shalt  }
0x6e: {  	_ =	shalt  }
0x6f: {  	_ =	shalt  }
0x70: {  	_ =	shalt  }
0x71: {  	_ =	shalt  }
0x72: {  	_ =	shalt  }
0x73: {  	_ =	shalt  }
0x74: {  	_ =	shalt  }
0x75: {  	_ =	shalt  }
0x76: {  	_ =	shalt  }
0x77: {  	_ =	shalt  }
0x78: {  	_ =	shalt  }
0x79: {  	_ =	shalt  }
0x7a: {  	_ =	shalt  }
0x7b: {  	_ =	shalt  }
0x7c: {  	_ =	shalt  }
0x7d: {  	_ =	shalt  }
0x7e: {  	_ =	shalt  }
0x7f: {  	_ =	shalt  }
0x80: {  	_ =	shalt  }
0x81: {  	_ =	shalt  }
0x82: {  	_ =	shalt  }
0x83: {  	_ =	shalt  }
0x84: {  	_ =	shalt  }
0x85: {  	_ =	shalt  }
0x86: {  	_ =	shalt  }
0x87: {  	_ =	shalt  }
.Lfunc_end0:
.L_simem_size_0:
called_computation.2_lowered:
.L_overlay_start_0:
0x88: {  	s2 =	sld [smem:$0x3FD9]  }
0x89: {  	s3 =	sld [smem:$0x3FFE];
	_ =	sdelay $0x1  }
0x8a: {  	s1 =	srdreg.scid  }
0x8b: {  	s0 =	sand.u32 $0x1, s1  }
0x8c: {  	s17 =	sshll.u32 s0, $0xA;
	s2 =	sadd.s32 s3, s2  }
0x8d: {  	s2 =	sadd.s32 s2, s17  }
0x8e: {  	[smem:$0x3FBE] =	sst s2  }
0x8f: {  	_ = 	snop  }
0x90: {  	s18 =	sld [smem:$0x3FC8];
	(tm) =	ssettm $0x1  }
0x91: {  	s19 =	sld [smem:$0x3FFB];
	_ =	sdelay $0x3  }
0x92: {  	_ =	strace s19  }
0x93: {  	s2 =	sld [smem:$0x3FFC];
	_ =	sdelay $0x3  }
0x94: {  	_ =	strace s2  }
0x95: {  	s2 =	sld [smem:$0x3FFD];
	_ =	sdelay $0x3  }
0x96: {  	_ =	strace s2  }
0x97: {  	_ =	strace $0x8FFFFFFF  }
0x98: {  	s20 =	sld [smem:$0x3FDB];
	_ =	sdelay $0x1  }
0x99: {  	s4 =	simm.s32 $_scs_section_size  }
0x9a: {  	s5 =	simm.s32 $_size__tile_overlayer_lowered;
	s6 =	simm.s32 $_tile_overlayer_lowered  }
0x9b: {  	s7 =	simm.s32 $0x1BFF;
	s21 =	sshll.u32 s6, $0x1;
	s4 =	sadd.s32 s4, s20  }
0x9c: {  	s22 =	simm.s32 $0x0;
	s5 =	sshll.u32 s5, $0x1;
	s6 =	sadd.s32 s21, s4  }
0x9d: {  	[timem:s22], [sflag:s7] =	dma.local [hbm:s6], s5  }
0x9e: {  	_ =	swait.ge [sflag:s7], s5  }
0x9f: {  	s5 =	ssub.s32 $0x0, s5;
	[sflag:s7] =	ssyncset.done $0x0  }
0xa0: {  	[sflag:s7] =	ssyncadd.s32 s5;
	_ =	sdelay $0x1  }
0xa1: {  	s23 =	simm.s32 $0x1B8B  }
0xa2: {  	_ =	swait.ge [sflag:s23], $0x1  }
0xa3: {  	[sflag:s23] =	ssyncset.done $0x0  }
0xa4: {  	[sflag:s23] =	ssyncadd.s32 $0xFFFFFFFF  }
0xa5: {  	s5 =	sld [smem:$0x0]  }
0xa6: {  	s6 =	sand.u32 $0xFFFFFFFE, s1  }
0xa7: {  	p0 =	sne.s32 s1, s6  }
0xa8: {  	s6 =	sshll.u32 @p0 s6, $0xE  }
0xa9: {  	s6 =	sadd.s32 @p0 $0x11B8D, s6;
	s7 =	sshll.u32 @p0 s5, $0x11  }
0xaa: {  	s6 =	sor.u32 @p0 s7, s6  }
0xab: {  	[sflag:s6] =	ssyncadd.remote.s32 @p0 $0x1;
	_ =	sdelay $0x1  }
0xac: {  	s6 =	simm.s32 @p0 $0x1B8D  }
0xad: {  	_ =	swait.eq @p0 [sflag:s6], $0x1  }
0xae: {  	[sflag:s6] =	ssyncadd.s32 @p0 $0xFFFFFFFF  }
0xaf: {  	s7 =	sshll.u32 @!p0 s1, $0xE  }
0xb0: {  	s7 =	sor.u32 @!p0 $0x4000, s7;
	s6 =	simm.s32 @!p0 $0x1B8D  }
0xb1: {  	s5 =	sshll.u32 @!p0 s5, $0x11;
	s7 =	sadd.s32 @!p0 $0x11B8D, s7;
	_ =	swait.eq @!p0 [sflag:s6], $0x1  }
0xb2: {  	s5 =	sor.u32 @!p0 s5, s7;
	[sflag:s6] =	ssyncadd.s32 @!p0 $0xFFFFFFFF  }
0xb3: {  	s25 =	simm.s32 $0x1B8E;
	s24 =	sld [smem:$0x3FFE];
	[sflag:s5] =	ssyncadd.remote.s32 @!p0 $0x1  }
0xb4: {  	s26 =	simm.s32 $execute0_lowered;
	[smem:$0x3FD2] =	sst s25  }
0xb5: {  	s6 =	sshll.u32 s26, $0x1;
	_ =	strace $0x80000049;
	[dreg:$0x1] =	wrdreg $0xFFFFFFFF  }
0xb6: {  	s28 =	simm.s32 $_size_execute0_lowered;
	s4 =	sadd.s32 s4, s6;
	[dreg:$0x0] =	wrdreg $0x0  }
0xb7: {  	s6 =	sshll.u32 s28, $0x1;
	[dreg:$0x2] =	wrdreg s4  }
0xb8: {  	[dreg:$0x3] =	wrdreg s6  }
0xb9: {  	[dreg:$0x4] =	wrdreg $0xC0  }
0xba: {  	_ =	task [dreg:s22], $0x5FFFF  }
0xbb: {  	[dreg:$0x1] =	wrdreg $0xFFFFFFFF  }
0xbc: {  	[dreg:$0x0] =	wrdreg $0x60  }
0xbd: {  	[dreg:$0x2] =	wrdreg s18  }
0xbe: {  	[dreg:$0x3] =	wrdreg s24  }
0xbf: {  	[dreg:$0x4] =	wrdreg $0xB  }
0xc0: {  	_ =	task.clear_ibuf [dreg:s22], $0x5FFFF;
	_ =	strace $0x90000049  }
0xc1: {  	s29 =	simm.s32 $0xB;
	_ =	strace $0x8000004B  }
0xc2: {  	_ =	swait.ge [sflag:s29], $0x1  }
0xc3: {  	[sflag:s29] =	ssyncadd.s32 $0xFFFFFFFF  }
0xc4: {  	_ =	strace $0x9000004B  }
0xc5: {  	_ =	sfence  }
0xc6: {  	s30 =	sld [smem:$0x0];
	_ =	sdelay $0x2  }
0xc7: {  	s31 =	sshll.u32 s1, $0xD;
	s1 =	sshrl.u32 s1, $0x2  }
0xc8: {  	s4 =	sand.u32 $0x4000, s31;
	s1 =	sadd.s32 s1, s30  }
0xc9: {  	s0 =	sor.u32 s4, s0;
	s1 =	sshll.u32 s1, $0x11  }
0xca: {  	s0 =	sor.u32 s1, s0  }
0xcb: {  	s0 =	sadd.s32 $0x8F2B, s0  }
0xcc: {  	[sflag:s0] =	ssyncadd.remote.s32 $0x1  }
0xcd: {  	_ =	sfence.sel $0xFFFF  }
0xce: {  	[dreg:$0x0] =	wrdreg $0xFFFFFFFF;
	(pc) =	sbr.abs _section_cstart, $3  }
0xcf: {  	[dreg:$0x1] =	wrdreg $0xFFFFFFFF  }
0xd0: {  	_ =	task.clear_ibuf [dreg:s22], $0x2FFFF;
	_ =	strace $0x9FFFFFFF  }
0xd1: {  	(tm) =	ssettm $0x7FFFFFFF  }
tec
execute0_lowered:
.L_overlay_start_1:
0x0: {  	(tag) =	ssettag $0x1  }
0x1: {  	s5 =	rddreg [dreg:$0x0]  }
0x2: {  	s6 =	rddreg [dreg:$0x1]  }
0x3: {  	s0 =	rddreg [dreg:$0x2]  }
0x4: {  	s2 =	simm.s32 $0x0;
	s3 =	srdreg.scid;
	s1 =	stileid.u32  }
0x5: {  	s11 =	simm.s32 $0x1;
	s12 =	simm.s32 $0x600;
	s13 =	simm.s32 $0x400  }
0x6: {  	s14 =	simm.s32 $0x2;
	s15 =	simm.s32 $0x10600;
	s16 =	simm.s32 $0x0  }
0x7: {  	[smem:$0x7FF] =	sst s2;
	s3 =	sand.u32 $0x1, s3;
	s4 =	sshll.u32 s1, $0x7  }
0x8: {  	_ =	strace $0x8000004A;
	s7 =	sshll.u32 s3, $0x6;
	s8 =	ssub.s32 $0x2, s3  }
0x9: {  	s3 =	sadd.s32 $0x540800, s6;
	s7 =	sor.u32 s7, s4;
	s9 =	sshrl.u32 s8, $0x1  }
0xa: {  	s4 =	sadd.s32 $0x519000, s6;
	s10 =	sadd.s32 s7, s6;
	s8 =	ssub.s32 s8, s9  }
0xb: {  	s5 =	sadd.s32 s5, s7;
	s9 =	simm.s32 $0x3;
	s6 =	sadd.s32 $0x533000, s10  }
0xc: {  	v0 =	vimm.f32 $0.0e+00;
	s7 =	sadd.s32 $0xA37400, s10;
	s8 =	smax.u32 s8, $0x1;
	s10 =	simm.s32 $0x200  }
.LBB2_1:
0xd: {  	[tilespmem:s2], [sflag:$0x3] =	stream.linear.gather [hbm4b:s5+s2], $0x200, $0x38;
	[tilespmem:$0x10800] =	vst v63  }
0xe: {  	s17 =	sand.u32 $0x600, s2;
	_ =	swait.ge [sflag:s9], $0x200  }
0xf: {  	s18 =	sand.u32 $0x70, s2;
	s17 =	sshrl.u32 s17, $0x2;
	[sflag:s9] =	ssyncset.done $0x0  }
0x10: {  	s17 =	sor.u32 s18, s17;
	[sflag:s9] =	ssyncadd.s32 $0xFFFFFE00  }
0x11: {  	v2 =	vld [tilespmem:s17+$0x0];
	_ =	sdelay $0x4  }
0x12: {  	s19 =	simm.s32 $0x80;
	s17 =	simm.s32 $0x40;
	v1 =	vshll.u32 v2, $0x3  }
0x13: {  	s21 =	simm.s32 $0x0;
	s18 =	simm.s32 $0x10;
	s20 =	sand.u32 $0x600, s17;
	v2 =	vand.u32 $0x7F, v2;
	v1 =	vand.u32 $0xFFFFFC00, v1  }
.LBB2_2:
0x14: {  	p0 =	sne.s32 s19, $0x7C0;
	s22 =	sand.u32 $0x70, s18;
	s20 =	sshrl.u32 s20, $0x2;
	v1 =	vor.u32 v2, v1  }
0x15: {  	s20 =	sor.u32 s22, s20;
	[tilespmem:s21+$0x200] =	vst v1;
	s21 =	smov.u32 s17;
	s17 =	smov.u32 s19  }
0x16: {  	v2 =	vld [tilespmem:s20+$0x0];
	_ =	sdelay $0x1  }
.Ltmp0:
0x17: {  	(pc) =	sbr.rel @p0 .LBB2_2-.Ltmp0, $3  }
0x18: {  	_ =	sdelay $0x1  }
0x19: {  	s18 =	sadd.s32 $0x10, s18;
	v1 =	vshll.u32 v2, $0x3  }
0x1a: {  	s19 =	sadd.s32 $0x40, s19;
	s20 =	sand.u32 $0x600, s17;
	s21 =	sshra.s32 s21, $0x2;
	v2 =	vand.u32 $0x7F, v2;
	v1 =	vand.u32 $0xFFFFFC00, v1  }
0x1b: {  	s18 =	sand.u32 $0x70, s18;
	s19 =	sshrl.u32 s20, $0x2;
	v1 =	vor.u32 v2, v1  }
0x1c: {  	s18 =	sor.u32 s18, s19;
	[tilespmem:s21+$0x200] =	vst v1  }
0x1d: {  	v1 =	vld [tilespmem:s18+$0x0];
	_ =	sdelay $0x4  }
0x1e: {  	v2 =	vshll.u32 v1, $0x3  }
0x1f: {  	v1 =	vand.u32 $0x7F, v1;
	v2 =	vand.u32 $0xFFFFFC00, v2  }
0x20: {  	s17 =	sshra.s32 s17, $0x2;
	v1 =	vor.u32 v1, v2  }
0x21: {  	[tilespmem:s17+$0x200] =	vst v1  }
0x22: {  	[tilespmem:$0x10600] =	vst v0  }
0x23: {  	[tilespmem:$0x10610] =	vst v0  }
0x24: {  	[tilespmem:$0x10620] =	vst v0  }
0x25: {  	[tilespmem:$0x10630] =	vst v0  }
0x26: {  	[tilespmem:$0x10640] =	vst v0  }
0x27: {  	[tilespmem:$0x10650] =	vst v0  }
0x28: {  	[tilespmem:$0x10660] =	vst v0  }
0x29: {  	[tilespmem:$0x10670] =	vst v0  }
0x2a: {  	[tilespmem:$0x10680] =	vst v0  }
0x2b: {  	[tilespmem:$0x10690] =	vst v0  }
0x2c: {  	[tilespmem:$0x106A0] =	vst v0  }
0x2d: {  	[tilespmem:$0x106B0] =	vst v0  }
0x2e: {  	[tilespmem:$0x106C0] =	vst v0  }
0x2f: {  	[tilespmem:$0x106D0] =	vst v0  }
0x30: {  	[tilespmem:$0x106E0] =	vst v0  }
0x31: {  	[tilespmem:$0x106F0] =	vst v0  }
0x32: {  	[tilespmem:$0x10700] =	vst v0  }
0x33: {  	[tilespmem:$0x10710] =	vst v0  }
0x34: {  	[tilespmem:$0x10720] =	vst v0  }
0x35: {  	[tilespmem:$0x10730] =	vst v0  }
0x36: {  	[tilespmem:$0x10740] =	vst v0  }
0x37: {  	[tilespmem:$0x10750] =	vst v0  }
0x38: {  	[tilespmem:$0x10760] =	vst v0  }
0x39: {  	[tilespmem:$0x10770] =	vst v0  }
0x3a: {  	[tilespmem:$0x10780] =	vst v0  }
0x3b: {  	[tilespmem:$0x10790] =	vst v0  }
0x3c: {  	[tilespmem:$0x107A0] =	vst v0  }
0x3d: {  	s29 =	simm.s32 $0x0;
	[tilespmem:$0x107B0] =	vst v0  }
0x3e: {  	s30 =	smul.u32 $0xC3800, s29;
	s17 =	simm.s32 $0x0;
	[tilespmem:$0x107C0] =	vst v0  }
0x3f: {  	[tilespmem:$0x107D0] =	vst v0;
	s31 =	sand.u32 $0x380, s17  }
0x40: {  	s19 =	simm.s32 $0x1;
	[tilespmem:$0x107E0] =	vst v0;
	s20 =	sor.u32 s31, s30  }
0x41: {  	s18 =	simm.s32 $0x8600;
	[tilespmem:$0x107F0] =	vst v0;
	s21 =	sshrl.u32 s20, $0x3;
	s20 =	simm.s32 $0x0  }
.LBB2_4:
0x42: {  	s22 =	sshrl.u32 s19, $0x3  }
0x43: {  	s21 =	sadd.s32 s3, s21;
	s20 =	sadd.s32 $0x80, s20;
	p0 =	sne.s32 s19, $0x1F  }
0x44: {  	[tilespmem:s18], [sflag:$0x1] =	stream.indirect.gather [hbm4b:s21+s10], $0x1, s10, s10, $0xb8;
	[tilespmem:$0x10800] =	vst v63  }
.Ltmp1:
0x45: {  	_ = 	snop;
	(pc) =	sbr.rel @p0 .LBB2_4-.Ltmp1, $4  }
0x46: {  	s19 =	sadd.s32 $0x1, s19;
	s21 =	smul.u32 $0xC3800, s22  }
0x47: {  	s22 =	sand.u32 $0x380, s20  }
0x48: {  	s21 =	sor.u32 s22, s21  }
0x49: {  	s18 =	sadd.s32 $0x200, s18;
	s21 =	sshrl.u32 s21, $0x3  }
0x4a: {  	s19 =	sadd.s32 s3, s21;
	p0 =	por $0x0, $0x0  }
0x4b: {  	[tilespmem:s18], [sflag:$0x1] =	stream.indirect.gather [hbm4b:s19+s10], $0x1, s10, s10, $0xb8;
	[tilespmem:$0x10800] =	vst v63  }
.LBB2_6:
0x4c: {  	s18 =	sadd.s32 $0xD, s17  }
0x4d: {  	s19 =	sshll.u32 s18, $0xC  }
0x4e: {  	p1 =	seq.s32 s17, $0xC;
	s19 =	sadd.s32 s4, s19  }
0x4f: {  	[tilespmem:s12], [sflag:$0x2] =	stream.linear.gather [hbm4b:s19+s2], $0x8000, $0x38;
	[tilespmem:$0x10800] =	vst v63  }
.Ltmp2:
0x50: {  	_ = 	snop;
	(pc) =	sbr.rel @p1 .LBB2_10-.Ltmp2, $4  }
0x51: {  	s18 =	sshll.u32 s18, $0xB;
	s19 =	simm.s32 $0x1  }
0x52: {  	s18 =	sadd.s32 s18, s6;
	s19 =	simm.s32 @!p0 $0x0  }
0x53: {  	[tilespmem:s13], [sflag:$0x2] =	stream.linear.gather [hbm4b:s18+s2], $0x200, $0x38;
	[tilespmem:$0x10800] =	vst v63  }
0x54: {  	s18 =	sshll.u32 s19, $0x10  }
0x55: {  	s19 =	sshll.u32 s17, $0x2  }
0x56: {  	s19 =	sadd.s32 $0x4, s19  }
0x57: {  	s20 =	sadd.s32 $0x0, s19  }
0x58: {  	s21 =	simm.s32 $0x0;
	s22 =	ssub.s32 $0x0, s18;
	s20 =	smul.u32 $0xC3800, s20  }
0x59: {  	s21 =	sand.u32 $0x380, s21;
	s29 =	sshra.s32 s22, $0x2  }
0x5a: {  	s22 =	simm.s32 $0x2;
	s23 =	sadd.s32 $0x0, s19;
	s20 =	sor.u32 s21, s20  }
0x5b: {  	s23 =	smul.u32 $0xC3800, s23;
	s21 =	simm.s32 $0x80;
	s30 =	sshrl.u32 s20, $0x3  }
0x5c: {  	s20 =	sadd.s32 $0xC600, s29;
	s24 =	sand.u32 $0x380, s21;
	s31 =	sadd.s32 s3, s30  }
0x5d: {  	[tilespmem:s20], [sflag:$0x1] =	stream.indirect.gather [hbm4b:s31+s10], $0x1, s10, s10, $0xb8;
	[tilespmem:$0x10800] =	vst v63  }
.LBB2_8:
0x5e: {  	s25 =	sshrl.u32 s22, $0x3  }
0x5f: {  	s23 =	sor.u32 s24, s23;
	s20 =	sadd.s32 $0x200, s20;
	p1 =	sne.s32 s22, $0x1F  }
.Ltmp3:
0x60: {  	s24 =	sadd.s32 s19, s25;
	s23 =	sshrl.u32 s23, $0x3;
	(pc) =	sbr.rel @p1 .LBB2_8-.Ltmp3, $4  }
0x61: {  	s22 =	sadd.s32 $0x1, s22;
	s23 =	sadd.s32 s3, s23  }
0x62: {  	[tilespmem:s20], [sflag:$0x1] =	stream.indirect.gather [hbm4b:s23+s10], $0x1, s10, s10, $0xb8;
	[tilespmem:$0x10800] =	vst v63  }
0x63: {  	s21 =	sadd.s32 $0x80, s21;
	s23 =	smul.u32 $0xC3800, s24  }
0x64: {  	s24 =	sand.u32 $0x380, s21  }
0x65: {  	s19 =	sor.u32 s24, s23  }
0x66: {  	s19 =	sshrl.u32 s19, $0x3  }
0x67: {  	s20 =	sadd.s32 $0x200, s20;
	s19 =	sadd.s32 s3, s19  }
0x68: {  	[tilespmem:s20], [sflag:$0x1] =	stream.indirect.gather [hbm4b:s19+s10], $0x1, s10, s10, $0xb8;
	[tilespmem:$0x10800] =	vst v63  }
.LBB2_10:
0x69: {  	_ =	swait.ge [sflag:s11], $0x200  }
0x6a: {  	[sflag:s11] =	ssyncset.done $0x0  }
0x6b: {  	[sflag:s11] =	ssyncadd.s32 $0xFFFFFE00  }
0x6c: {  	_ =	swait.ge [sflag:s11], $0x200  }
0x6d: {  	[sflag:s11] =	ssyncset.done $0x0  }
0x6e: {  	[sflag:s11] =	ssyncadd.s32 $0xFFFFFE00  }
0x6f: {  	_ =	swait.ge [sflag:s11], $0x200  }
0x70: {  	[sflag:s11] =	ssyncset.done $0x0  }
0x71: {  	[sflag:s11] =	ssyncadd.s32 $0xFFFFFE00  }
0x72: {  	_ =	swait.ge [sflag:s11], $0x200  }
0x73: {  	[sflag:s11] =	ssyncset.done $0x0  }
0x74: {  	[sflag:s11] =	ssyncadd.s32 $0xFFFFFE00  }
0x75: {  	_ =	swait.ge [sflag:s11], $0x200  }
0x76: {  	[sflag:s11] =	ssyncset.done $0x0  }
0x77: {  	[sflag:s11] =	ssyncadd.s32 $0xFFFFFE00  }
0x78: {  	_ =	swait.ge [sflag:s11], $0x200  }
0x79: {  	[sflag:s11] =	ssyncset.done $0x0  }
0x7a: {  	[sflag:s11] =	ssyncadd.s32 $0xFFFFFE00  }
0x7b: {  	_ =	swait.ge [sflag:s11], $0x200  }
0x7c: {  	[sflag:s11] =	ssyncset.done $0x0  }
0x7d: {  	[sflag:s11] =	ssyncadd.s32 $0xFFFFFE00  }
0x7e: {  	_ =	swait.ge [sflag:s11], $0x200  }
0x7f: {  	[sflag:s11] =	ssyncset.done $0x0  }
0x80: {  	[sflag:s11] =	ssyncadd.s32 $0xFFFFFE00  }
0x81: {  	_ =	swait.ge [sflag:s11], $0x200  }
0x82: {  	[sflag:s11] =	ssyncset.done $0x0  }
0x83: {  	[sflag:s11] =	ssyncadd.s32 $0xFFFFFE00  }
0x84: {  	_ =	swait.ge [sflag:s11], $0x200  }
0x85: {  	[sflag:s11] =	ssyncset.done $0x0  }
0x86: {  	[sflag:s11] =	ssyncadd.s32 $0xFFFFFE00  }
0x87: {  	_ =	swait.ge [sflag:s11], $0x200  }
0x88: {  	[sflag:s11] =	ssyncset.done $0x0  }
0x89: {  	[sflag:s11] =	ssyncadd.s32 $0xFFFFFE00  }
0x8a: {  	_ =	swait.ge [sflag:s11], $0x200  }
0x8b: {  	[sflag:s11] =	ssyncset.done $0x0  }
0x8c: {  	[sflag:s11] =	ssyncadd.s32 $0xFFFFFE00  }
0x8d: {  	_ =	swait.ge [sflag:s11], $0x200  }
0x8e: {  	[sflag:s11] =	ssyncset.done $0x0  }
0x8f: {  	[sflag:s11] =	ssyncadd.s32 $0xFFFFFE00  }
0x90: {  	_ =	swait.ge [sflag:s11], $0x200  }
0x91: {  	[sflag:s11] =	ssyncset.done $0x0  }
0x92: {  	[sflag:s11] =	ssyncadd.s32 $0xFFFFFE00  }
0x93: {  	_ =	swait.ge [sflag:s11], $0x200  }
0x94: {  	[sflag:s11] =	ssyncset.done $0x0  }
0x95: {  	[sflag:s11] =	ssyncadd.s32 $0xFFFFFE00  }
0x96: {  	_ =	swait.ge [sflag:s11], $0x200  }
0x97: {  	[sflag:s11] =	ssyncset.done $0x0  }
0x98: {  	[sflag:s11] =	ssyncadd.s32 $0xFFFFFE00  }
0x99: {  	_ =	swait.ge [sflag:s11], $0x200  }
0x9a: {  	[sflag:s11] =	ssyncset.done $0x0  }
0x9b: {  	[sflag:s11] =	ssyncadd.s32 $0xFFFFFE00  }
0x9c: {  	_ =	swait.ge [sflag:s11], $0x200  }
0x9d: {  	[sflag:s11] =	ssyncset.done $0x0  }
0x9e: {  	[sflag:s11] =	ssyncadd.s32 $0xFFFFFE00  }
0x9f: {  	_ =	swait.ge [sflag:s11], $0x200  }
0xa0: {  	[sflag:s11] =	ssyncset.done $0x0  }
0xa1: {  	[sflag:s11] =	ssyncadd.s32 $0xFFFFFE00  }
0xa2: {  	_ =	swait.ge [sflag:s11], $0x200  }
0xa3: {  	[sflag:s11] =	ssyncset.done $0x0  }
0xa4: {  	[sflag:s11] =	ssyncadd.s32 $0xFFFFFE00  }
0xa5: {  	_ =	swait.ge [sflag:s11], $0x200  }
0xa6: {  	[sflag:s11] =	ssyncset.done $0x0  }
0xa7: {  	[sflag:s11] =	ssyncadd.s32 $0xFFFFFE00  }
0xa8: {  	_ =	swait.ge [sflag:s11], $0x200  }
0xa9: {  	[sflag:s11] =	ssyncset.done $0x0  }
0xaa: {  	[sflag:s11] =	ssyncadd.s32 $0xFFFFFE00  }
0xab: {  	_ =	swait.ge [sflag:s11], $0x200  }
0xac: {  	[sflag:s11] =	ssyncset.done $0x0  }
0xad: {  	[sflag:s11] =	ssyncadd.s32 $0xFFFFFE00  }
0xae: {  	_ =	swait.ge [sflag:s11], $0x200  }
0xaf: {  	[sflag:s11] =	ssyncset.done $0x0  }
0xb0: {  	[sflag:s11] =	ssyncadd.s32 $0xFFFFFE00  }
0xb1: {  	_ =	swait.ge [sflag:s11], $0x200  }
0xb2: {  	[sflag:s11] =	ssyncset.done $0x0  }
0xb3: {  	[sflag:s11] =	ssyncadd.s32 $0xFFFFFE00  }
0xb4: {  	_ =	swait.ge [sflag:s11], $0x200  }
0xb5: {  	[sflag:s11] =	ssyncset.done $0x0  }
0xb6: {  	[sflag:s11] =	ssyncadd.s32 $0xFFFFFE00  }
0xb7: {  	_ =	swait.ge [sflag:s11], $0x200  }
0xb8: {  	[sflag:s11] =	ssyncset.done $0x0  }
0xb9: {  	[sflag:s11] =	ssyncadd.s32 $0xFFFFFE00  }
0xba: {  	_ =	swait.ge [sflag:s11], $0x200  }
0xbb: {  	[sflag:s11] =	ssyncset.done $0x0  }
0xbc: {  	[sflag:s11] =	ssyncadd.s32 $0xFFFFFE00  }
0xbd: {  	_ =	swait.ge [sflag:s11], $0x200  }
0xbe: {  	[sflag:s11] =	ssyncset.done $0x0  }
0xbf: {  	[sflag:s11] =	ssyncadd.s32 $0xFFFFFE00  }
0xc0: {  	_ =	swait.ge [sflag:s11], $0x200  }
0xc1: {  	[sflag:s11] =	ssyncset.done $0x0  }
0xc2: {  	[sflag:s11] =	ssyncadd.s32 $0xFFFFFE00  }
0xc3: {  	_ =	swait.ge [sflag:s11], $0x200  }
0xc4: {  	[sflag:s11] =	ssyncset.done $0x0  }
0xc5: {  	[sflag:s11] =	ssyncadd.s32 $0xFFFFFE00  }
0xc6: {  	_ =	swait.ge [sflag:s11], $0x200  }
0xc7: {  	[sflag:s11] =	ssyncset.done $0x0  }
0xc8: {  	[sflag:s11] =	ssyncadd.s32 $0xFFFFFE00  }
0xc9: {  	_ =	swait.ge [sflag:s14], $0x8000  }
0xca: {  	[sflag:s14] =	ssyncset.done $0x0  }
0xcb: {  	s19 =	simm.s32 $0x0;
	[sflag:s14] =	ssyncadd.s32 $0xFFFF8000  }
0xcc: {  	s20 =	sand.u32 $0x600, s19;
	_ =	swait.ge [sflag:s14], $0x200  }
0xcd: {  	s19 =	sand.u32 $0x70, s19;
	s20 =	sshrl.u32 s20, $0x2;
	[sflag:s14] =	ssyncset.done $0x0  }
0xce: {  	s19 =	sor.u32 s19, s20;
	[sflag:s14] =	ssyncadd.s32 $0xFFFFFE00  }
0xcf: {  	v2 =	vld [tilespmem:s19+$0x400];
	_ =	sdelay $0x4  }
0xd0: {  	s18 =	sshrl.u32 s18, $0x2;
	v1 =	vshll.u32 v2, $0x3  }
0xd1: {  	s18 =	sor.u32 $0xA600, s18;
	v3 =	vand.u32 $0x7F, v2;
	v1 =	vand.u32 $0xFFFFFC00, v1  }
0xd2: {  	v4 =	vor.u32 v3, v1;
	v1 =	vmov s18  }
0xd3: {  	v3 =	vand.u32 $0x7, v2;
	v5 =	vand.u32 $0xFFFFFC78, v4  }
0xd4: {  	v2 =	vor.u32 v3, v5  }
0xd5: {  	s18 =	simm.s32 $0x0  }
0xd6: {  	v11 =	vld [tilespmem:s18+$0x10600];
	v5 =	vor.u32 $0x80, v2  }
0xd7: {  	v6 =	vld.idx.msk [tilespmem:v1+s18+$0xFFFFE000 ss:$0x1], $0xffff  }
0xd8: {  	v7 =	vor.u32 $0x100, v2;
	v9 =	vld.idx.msk [tilespmem:v1+s18+$0xFFFFE200 ss:$0x1], $0xffff  }
0xd9: {  	v8 =	vld.idx.msk [tilespmem:v2+s12+$0x0], $0xffff  }
0xda: {  	v10 =	vor.u32 $0x180, v2;
	v12 =	vld.idx.msk [tilespmem:v1+s18+$0xFFFFE400 ss:$0x1], $0xffff  }
0xdb: {  	v5 =	vld.idx.msk [tilespmem:v5+s12+$0x0], $0xffff  }
0xdc: {  	v13 =	vor.u32 $0x200, v2;
	v14 =	vld.idx.msk [tilespmem:v1+s18+$0xFFFFE600 ss:$0x1], $0xffff  }
0xdd: {  	v7 =	vld.idx.msk [tilespmem:v7+s12+$0x0], $0xffff  }
0xde: {  	v15 =	vor.u32 $0x280, v2;
	v44 =	vld.idx.msk [tilespmem:v1+s18+$0xFFFFE800 ss:$0x1], $0xffff;
	v6 =	vmul.f32 v6, v8  }
0xdf: {  	v43 =	vld.idx.msk [tilespmem:v10+s12+$0x0], $0xffff  }
0xe0: {  	v16 =	vor.u32 $0x300, v2;
	v46 =	vld.idx.msk [tilespmem:v1+s18+$0xFFFFEA00 ss:$0x1], $0xffff;
	v5 =	vmul.f32 v9, v5;
	v6 =	vadd.f32 v6, v11  }
0xe1: {  	v45 =	vld.idx.msk [tilespmem:v13+s12+$0x0], $0xffff  }
0xe2: {  	v47 =	vor.u32 $0x380, v2;
	v17 =	vld.idx.msk [tilespmem:v1+s18+$0xFFFFEC00 ss:$0x1], $0xffff;
	v48 =	vmul.f32 v12, v7;
	v5 =	vadd.f32 v5, v6  }
0xe3: {  	v51 =	vadd.s32 $0x2080, v4;
	v49 =	vld.idx.msk [tilespmem:v15+s12+$0x0], $0xffff  }
0xe4: {  	v50 =	vadd.s32 $0x2000, v2;
	v56 =	vld.idx.msk [tilespmem:v1+s18+$0xFFFFEE00 ss:$0x1], $0xffff;
	v52 =	vmul.f32 v14, v43;
	v5 =	vadd.f32 v48, v5  }
0xe5: {  	v55 =	vadd.s32 $0x2100, v4;
	v53 =	vand.u32 $0xFFFFFCF8, v51;
	v54 =	vld.idx.msk [tilespmem:v16+s12+$0x0], $0xffff  }
0xe6: {  	v60 =	vld.idx.msk [tilespmem:v1+s18+$0xFFFFF000 ss:$0x1], $0xffff;
	v8 =	vor.u32 v3, v53;
	v57 =	vmul.f32 v44, v45;
	v5 =	vadd.f32 v52, v5  }
0xe7: {  	v61 =	vadd.s32 $0x2180, v4;
	v58 =	vand.u32 $0xFFFFFD78, v55;
	v59 =	vld.idx.msk [tilespmem:v47+s12+$0x0], $0xffff  }
0xe8: {  	v21 =	vld.idx.msk [tilespmem:v1+s18+$0xFFFFF200 ss:$0x1], $0xffff;
	v9 =	vor.u32 v3, v58;
	v62 =	vmul.f32 v46, v49;
	v5 =	vadd.f32 v57, v5  }
0xe9: {  	v20 =	vand.u32 $0xFFFFFDF8, v61;
	v63 =	vld.idx.msk [tilespmem:v50+s12+$0x0], $0xffff  }
0xea: {  	v24 =	vld.idx.msk [tilespmem:v1+s18+$0xFFFFF400 ss:$0x1], $0xffff;
	v22 =	vmul.f32 v17, v54;
	v11 =	vor.u32 v3, v20;
	v5 =	vadd.f32 v62, v5  }
0xeb: {  	v25 =	vadd.s32 $0x2280, v4;
	v8 =	vld.idx.msk [tilespmem:v8+s12+$0x0], $0xffff  }
0xec: {  	v23 =	vadd.s32 $0x2200, v2;
	v28 =	vld.idx.msk [tilespmem:v1+s18+$0xFFFFF600 ss:$0x1], $0xffff;
	v26 =	vmul.f32 v56, v59;
	v5 =	vadd.f32 v22, v5  }
0xed: {  	v27 =	vand.u32 $0xFFFFFEF8, v25;
	v9 =	vld.idx.msk [tilespmem:v9+s12+$0x0], $0xffff  }
0xee: {  	v31 =	vld.idx.msk [tilespmem:v1+s18+$0xFFFFF800 ss:$0x1], $0xffff;
	v10 =	vor.u32 v3, v27;
	v29 =	vmul.f32 v60, v63;
	v5 =	vadd.f32 v26, v5  }
0xef: {  	v30 =	vld.idx.msk [tilespmem:v11+s12+$0x0], $0xffff  }
0xf0: {  	v32 =	vadd.s32 $0x2300, v2;
	v35 =	vld.idx.msk [tilespmem:v1+s18+$0xFFFFFA00 ss:$0x1], $0xffff;
	v33 =	vmul.f32 v21, v8;
	v5 =	vadd.f32 v29, v5  }
0xf1: {  	v34 =	vld.idx.msk [tilespmem:v23+s12+$0x0], $0xffff  }
0xf2: {  	v36 =	vadd.s32 $0x2380, v2;
	v41 =	vld.idx.msk [tilespmem:v1+s18+$0xFFFFFC00 ss:$0x1], $0xffff;
	v37 =	vmul.f32 v24, v9;
	v5 =	vadd.f32 v33, v5  }
0xf3: {  	v40 =	vadd.s32 $0x4080, v4;
	v38 =	vld.idx.msk [tilespmem:v10+s12+$0x0], $0xffff  }
0xf4: {  	v39 =	vadd.s32 $0x4000, v2;
	v61 =	vld.idx.msk [tilespmem:v1+s18+$0x600 ss:$0x1], $0xffff;
	v42 =	vmul.f32 v28, v30;
	v5 =	vadd.f32 v37, v5  }
0xf5: {  	v13 =	vld.idx.msk [tilespmem:v32+s12+$0x0], $0xffff;
	v50 =	vadd.s32 $0x4180, v4;
	v43 =	vand.u32 $0xFFFFFCF8, v40;
	v44 =	vadd.s32 $0x4100, v4  }
0xf6: {  	v45 =	vld.idx.msk [tilespmem:v1+s18+$0xFFFFFE00 ss:$0x1], $0xffff;
	v46 =	vmul.f32 v31, v34;
	v7 =	vor.u32 v3, v43;
	v5 =	vadd.f32 v42, v5  }
0xf7: {  	v53 =	vand.u32 $0xFFFFFDF8, v50;
	v47 =	vand.u32 $0xFFFFFD78, v44;
	v48 =	vld.idx.msk [tilespmem:v36+s12+$0x0], $0xffff  }
0xf8: {  	v49 =	vld.idx.msk [tilespmem:v1+s18+$0x0 ss:$0x1], $0xffff;
	v51 =	vmul.f32 v35, v38;
	v8 =	vor.u32 v3, v47;
	v5 =	vadd.f32 v46, v5  }
0xf9: {  	v10 =	vor.u32 v3, v53;
	v52 =	vld.idx.msk [tilespmem:v39+s12+$0x0], $0xffff  }
0xfa: {  	v54 =	vld.idx.msk [tilespmem:v1+s18+$0x200 ss:$0x1], $0xffff;
	v55 =	vmul.f32 v41, v13;
	v5 =	vadd.f32 v51, v5  }
0xfb: {  	v56 =	vadd.s32 $0x4200, v2;
	v7 =	vld.idx.msk [tilespmem:v7+s12+$0x0], $0xffff  }
0xfc: {  	v58 =	vadd.s32 $0x4280, v4;
	v57 =	vld.idx.msk [tilespmem:v1+s18+$0x400 ss:$0x1], $0xffff;
	v59 =	vmul.f32 v45, v48;
	v5 =	vadd.f32 v55, v5  }
0xfd: {  	v60 =	vand.u32 $0xFFFFFEF8, v58;
	v8 =	vld.idx.msk [tilespmem:v8+s12+$0x0], $0xffff  }
0xfe: {  	v63 =	vld.idx.msk [tilespmem:v10+s12+$0x0], $0xffff;
	v11 =	vor.u32 v3, v60;
	v62 =	vmul.f32 v49, v52;
	v5 =	vadd.f32 v59, v5  }
0xff: {  	v20 =	vld.idx.msk [tilespmem:v1+s18+$0x800 ss:$0x1], $0xffff  }
0x100: {  	v23 =	vld.idx.msk [tilespmem:v56+s12+$0x0], $0xffff;
	v21 =	vadd.s32 $0x4300, v2;
	v22 =	vmul.f32 v54, v7;
	v5 =	vadd.f32 v62, v5;
	_ =	sdelay $0x1  }
0x101: {  	v25 =	vadd.s32 $0x4380, v2;
	v24 =	vld.idx.msk [tilespmem:v1+s18+$0xA00 ss:$0x1], $0xffff;
	v26 =	vmul.f32 v57, v8;
	v5 =	vadd.f32 v22, v5  }
0x102: {  	v31 =	vmul.f32 v61, v63;
	v27 =	vld.idx.msk [tilespmem:v11+s12+$0x0], $0xffff  }
0x103: {  	v28 =	vadd.s32 $0x6000, v2;
	v30 =	vld.idx.msk [tilespmem:v1+s18+$0xC00 ss:$0x1], $0xffff;
	v29 =	vadd.s32 $0x6080, v4;
	v5 =	vadd.f32 v26, v5  }
0x104: {  	v35 =	vmul.f32 v20, v23;
	v14 =	vld.idx.msk [tilespmem:v21+s12+$0x0], $0xffff;
	v32 =	vand.u32 $0xFFFFFCF8, v29  }
0x105: {  	v34 =	vld.idx.msk [tilespmem:v1+s18+$0xE00 ss:$0x1], $0xffff;
	v9 =	vor.u32 v3, v32;
	v33 =	vadd.s32 $0x6100, v4;
	v5 =	vadd.f32 v31, v5  }
0x106: {  	v39 =	vadd.s32 $0x6180, v4;
	v36 =	vand.u32 $0xFFFFFD78, v33;
	v37 =	vld.idx.msk [tilespmem:v25+s12+$0x0], $0xffff  }
0x107: {  	v38 =	vld.idx.msk [tilespmem:v1+s18+$0x1000 ss:$0x1], $0xffff;
	v40 =	vmul.f32 v24, v27;
	v7 =	vor.u32 v3, v36;
	v5 =	vadd.f32 v35, v5  }
0x108: {  	v41 =	vld.idx.msk [tilespmem:v28+s12+$0x0], $0xffff;
	v42 =	vand.u32 $0xFFFFFDF8, v39  }
0x109: {  	v43 =	vld.idx.msk [tilespmem:v1+s18+$0x1200 ss:$0x1], $0xffff;
	v44 =	vmul.f32 v30, v14;
	v11 =	vor.u32 v3, v42;
	v5 =	vadd.f32 v40, v5  }
0x10a: {  	v45 =	vadd.s32 $0x6200, v2;
	v9 =	vld.idx.msk [tilespmem:v9+s12+$0x0], $0xffff  }
0x10b: {  	v4 =	vadd.s32 $0x6280, v4;
	v46 =	vld.idx.msk [tilespmem:v1+s18+$0x1400 ss:$0x1], $0xffff;
	v47 =	vmul.f32 v34, v37;
	v5 =	vadd.f32 v44, v5  }
0x10c: {  	v4 =	vand.u32 $0xFFFFFEF8, v4;
	v7 =	vld.idx.msk [tilespmem:v7+s12+$0x0], $0xffff  }
0x10d: {  	v48 =	vld.idx.msk [tilespmem:v1+s18+$0x1600 ss:$0x1], $0xffff;
	v50 =	vmul.f32 v38, v41;
	v3 =	vor.u32 v3, v4;
	v49 =	vadd.f32 v47, v5  }
0x10e: {  	v51 =	vld.idx.msk [tilespmem:v11+s12+$0x0], $0xffff  }
0x10f: {  	v53 =	vadd.s32 $0x6300, v2;
	v52 =	vld.idx.msk [tilespmem:v1+s18+$0x1800 ss:$0x1], $0xffff;
	v54 =	vmul.f32 v43, v9;
	v4 =	vadd.f32 v50, v49  }
0x110: {  	v55 =	vld.idx.msk [tilespmem:v45+s12+$0x0], $0xffff  }
0x111: {  	v56 =	vld.idx.msk [tilespmem:v1+s18+$0x1A00 ss:$0x1], $0xffff;
	v2 =	vadd.s32 $0x6380, v2;
	v57 =	vmul.f32 v46, v7;
	v4 =	vadd.f32 v54, v4  }
0x112: {  	v3 =	vld.idx.msk [tilespmem:v3+s12+$0x0], $0xffff  }
0x113: {  	v58 =	vld.idx.msk [tilespmem:v1+s18+$0x1C00 ss:$0x1], $0xffff;
	v59 =	vmul.f32 v48, v51;
	v4 =	vadd.f32 v57, v4  }
0x114: {  	v60 =	vld.idx.msk [tilespmem:v53+s12+$0x0], $0xffff  }
0x115: {  	v61 =	vld.idx.msk [tilespmem:v1+s18+$0x1E00 ss:$0x1], $0xffff;
	v62 =	vmul.f32 v52, v55;
	v4 =	vadd.f32 v59, v4  }
0x116: {  	v2 =	vld.idx.msk [tilespmem:v2+s12+$0x0], $0xffff  }
0x117: {  	v3 =	vmul.f32 v56, v3;
	v4 =	vadd.f32 v62, v4;
	_ =	sdelay $0x1  }
0x118: {  	v63 =	vmul.f32 v58, v60;
	v3 =	vadd.f32 v3, v4;
	_ =	sdelay $0x1  }
0x119: {  	v2 =	vmul.f32 v61, v2;
	v3 =	vadd.f32 v63, v3  }
0x11a: {  	s19 =	simm.s32 $0x40  }
0x11b: {  	s21 =	simm.s32 $0x10;
	s20 =	simm.s32 $0x20;
	s22 =	sand.u32 $0x600, s19;
	v2 =	vadd.f32 v2, v3  }
.LBB2_11:
0x11c: {  	p1 =	sne.s32 s20, $0x1F0;
	s21 =	sand.u32 $0x70, s21;
	s22 =	sshrl.u32 s22, $0x2  }
0x11d: {  	s22 =	sor.u32 s21, s22;
	[tilespmem:s18+$0x10600] =	vst v2;
	s21 =	smov.u32 s20  }
0x11e: {  	v2 =	vld [tilespmem:s22+$0x400];
	_ =	sdelay $0x4  }
0x11f: {  	v3 =	vshll.u32 v2, $0x3  }
0x120: {  	v4 =	vand.u32 $0x7F, v2;
	v3 =	vand.u32 $0xFFFFFC00, v3  }
0x121: {  	v4 =	vor.u32 v4, v3  }
0x122: {  	v3 =	vand.u32 $0x7, v2;
	v5 =	vand.u32 $0xFFFFFC78, v4  }
0x123: {  	v2 =	vor.u32 v3, v5;
	_ =	sdelay $0x1  }
0x124: {  	s18 =	sshra.s32 s19, $0x2;
	v5 =	vor.u32 $0x80, v2  }
0x125: {  	v6 =	vld.idx.msk [tilespmem:v1+s18+$0xFFFFE400 ss:$0x1], $0xffff  }
0x126: {  	v8 =	vor.u32 $0x100, v2;
	v7 =	vld.idx.msk [tilespmem:v1+s18+$0xFFFFE000 ss:$0x1], $0xffff  }
0x127: {  	v9 =	vld.idx.msk [tilespmem:v2+s12+$0x0], $0xffff  }
0x128: {  	v11 =	vor.u32 $0x180, v2;
	v10 =	vld.idx.msk [tilespmem:v1+s18+$0xFFFFE200 ss:$0x1], $0xffff  }
0x129: {  	v5 =	vld.idx.msk [tilespmem:v5+s12+$0x0], $0xffff  }
0x12a: {  	v13 =	vor.u32 $0x200, v2;
	v12 =	vld [tilespmem:s18+$0x10600]  }
0x12b: {  	v8 =	vld.idx.msk [tilespmem:v8+s12+$0x0], $0xffff  }
0x12c: {  	v15 =	vor.u32 $0x280, v2;
	v14 =	vld.idx.msk [tilespmem:v1+s18+$0xFFFFE600 ss:$0x1], $0xffff  }
0x12d: {  	v7 =	vmul.f32 v7, v9;
	v9 =	vld.idx.msk [tilespmem:v11+s12+$0x0], $0xffff  }
0x12e: {  	v16 =	vor.u32 $0x300, v2;
	v11 =	vld.idx.msk [tilespmem:v1+s18+$0xFFFFE800 ss:$0x1], $0xffff  }
0x12f: {  	v5 =	vmul.f32 v10, v5;
	v7 =	vadd.f32 v7, v12;
	v10 =	vld.idx.msk [tilespmem:v13+s12+$0x0], $0xffff  }
0x130: {  	v13 =	vor.u32 $0x380, v2;
	v12 =	vld.idx.msk [tilespmem:v1+s18+$0xFFFFEA00 ss:$0x1], $0xffff  }
0x131: {  	v6 =	vmul.f32 v6, v8;
	v5 =	vadd.f32 v5, v7;
	v7 =	vld.idx.msk [tilespmem:v15+s12+$0x0], $0xffff  }
0x132: {  	v17 =	vadd.s32 $0x2080, v4;
	v15 =	vadd.s32 $0x2000, v2;
	v8 =	vld.idx.msk [tilespmem:v1+s18+$0xFFFFEC00 ss:$0x1], $0xffff  }
0x133: {  	v5 =	vadd.f32 v6, v5;
	v6 =	vmul.f32 v14, v9;
	v9 =	vld.idx.msk [tilespmem:v16+s12+$0x0], $0xffff;
	v14 =	vand.u32 $0xFFFFFCF8, v17  }
0x134: {  	v17 =	vadd.s32 $0x2100, v4;
	v16 =	vld.idx.msk [tilespmem:v1+s18+$0xFFFFEE00 ss:$0x1], $0xffff;
	v14 =	vor.u32 v3, v14  }
0x135: {  	v5 =	vadd.f32 v6, v5;
	v6 =	vmul.f32 v11, v10;
	v10 =	vld.idx.msk [tilespmem:v13+s12+$0x0], $0xffff;
	v11 =	vand.u32 $0xFFFFFD78, v17  }
0x136: {  	v17 =	vadd.s32 $0x2180, v4;
	v13 =	vld.idx.msk [tilespmem:v1+s18+$0xFFFFF000 ss:$0x1], $0xffff;
	v11 =	vor.u32 v3, v11  }
0x137: {  	v5 =	vadd.f32 v6, v5;
	v6 =	vmul.f32 v12, v7;
	v7 =	vld.idx.msk [tilespmem:v15+s12+$0x0], $0xffff;
	v12 =	vand.u32 $0xFFFFFDF8, v17  }
0x138: {  	v15 =	vld.idx.msk [tilespmem:v1+s18+$0xFFFFF200 ss:$0x1], $0xffff;
	v12 =	vor.u32 v3, v12  }
0x139: {  	v5 =	vadd.f32 v6, v5;
	v6 =	vmul.f32 v8, v9;
	v8 =	vld.idx.msk [tilespmem:v14+s12+$0x0], $0xffff  }
0x13a: {  	v17 =	vadd.s32 $0x2280, v4;
	v14 =	vadd.s32 $0x2200, v2;
	v9 =	vld.idx.msk [tilespmem:v1+s18+$0xFFFFF400 ss:$0x1], $0xffff  }
0x13b: {  	v5 =	vadd.f32 v6, v5;
	v6 =	vmul.f32 v16, v10;
	v10 =	vld.idx.msk [tilespmem:v11+s12+$0x0], $0xffff;
	v11 =	vand.u32 $0xFFFFFEF8, v17  }
0x13c: {  	v16 =	vld.idx.msk [tilespmem:v1+s18+$0xFFFFF600 ss:$0x1], $0xffff;
	v11 =	vor.u32 v3, v11  }
0x13d: {  	v5 =	vadd.f32 v6, v5;
	v6 =	vmul.f32 v13, v7;
	v7 =	vld.idx.msk [tilespmem:v12+s12+$0x0], $0xffff  }
0x13e: {  	v13 =	vadd.s32 $0x2300, v2;
	v12 =	vld.idx.msk [tilespmem:v1+s18+$0xFFFFF800 ss:$0x1], $0xffff  }
0x13f: {  	v5 =	vadd.f32 v6, v5;
	v6 =	vmul.f32 v15, v8;
	v8 =	vld.idx.msk [tilespmem:v14+s12+$0x0], $0xffff  }
0x140: {  	v15 =	vadd.s32 $0x2380, v2;
	v14 =	vld.idx.msk [tilespmem:v1+s18+$0xFFFFFA00 ss:$0x1], $0xffff  }
0x141: {  	v5 =	vadd.f32 v6, v5;
	v6 =	vmul.f32 v9, v10;
	v9 =	vld.idx.msk [tilespmem:v11+s12+$0x0], $0xffff  }
0x142: {  	v17 =	vadd.s32 $0x4080, v4;
	v11 =	vadd.s32 $0x4000, v2;
	v10 =	vld.idx.msk [tilespmem:v1+s18+$0xFFFFFC00 ss:$0x1], $0xffff  }
0x143: {  	v5 =	vadd.f32 v6, v5;
	v6 =	vmul.f32 v16, v7;
	v7 =	vld.idx.msk [tilespmem:v13+s12+$0x0], $0xffff;
	v13 =	vand.u32 $0xFFFFFCF8, v17  }
0x144: {  	v17 =	vadd.s32 $0x4100, v4;
	v16 =	vld.idx.msk [tilespmem:v1+s18+$0xFFFFFE00 ss:$0x1], $0xffff;
	v13 =	vor.u32 v3, v13  }
0x145: {  	v5 =	vadd.f32 v6, v5;
	v6 =	vmul.f32 v12, v8;
	v8 =	vld.idx.msk [tilespmem:v15+s12+$0x0], $0xffff;
	v12 =	vand.u32 $0xFFFFFD78, v17  }
0x146: {  	v17 =	vadd.s32 $0x4180, v4;
	v15 =	vld.idx.msk [tilespmem:v1+s18+$0x0 ss:$0x1], $0xffff;
	v12 =	vor.u32 v3, v12  }
0x147: {  	v5 =	vadd.f32 v6, v5;
	v6 =	vmul.f32 v14, v9;
	v9 =	vld.idx.msk [tilespmem:v11+s12+$0x0], $0xffff;
	v11 =	vand.u32 $0xFFFFFDF8, v17  }
0x148: {  	v14 =	vld.idx.msk [tilespmem:v1+s18+$0x200 ss:$0x1], $0xffff;
	v11 =	vor.u32 v3, v11  }
0x149: {  	v5 =	vadd.f32 v6, v5;
	v6 =	vmul.f32 v10, v7;
	v7 =	vld.idx.msk [tilespmem:v13+s12+$0x0], $0xffff  }
0x14a: {  	v17 =	vadd.s32 $0x4280, v4;
	v13 =	vadd.s32 $0x4200, v2;
	v10 =	vld.idx.msk [tilespmem:v1+s18+$0x400 ss:$0x1], $0xffff  }
0x14b: {  	v5 =	vadd.f32 v6, v5;
	v6 =	vmul.f32 v16, v8;
	v8 =	vld.idx.msk [tilespmem:v12+s12+$0x0], $0xffff;
	v12 =	vand.u32 $0xFFFFFEF8, v17  }
0x14c: {  	v16 =	vld.idx.msk [tilespmem:v1+s18+$0x600 ss:$0x1], $0xffff;
	v12 =	vor.u32 v3, v12  }
0x14d: {  	v5 =	vadd.f32 v6, v5;
	v6 =	vmul.f32 v15, v9;
	v9 =	vld.idx.msk [tilespmem:v11+s12+$0x0], $0xffff  }
0x14e: {  	v15 =	vadd.s32 $0x4300, v2;
	v11 =	vld.idx.msk [tilespmem:v1+s18+$0x800 ss:$0x1], $0xffff  }
0x14f: {  	v5 =	vadd.f32 v6, v5;
	v6 =	vmul.f32 v14, v7;
	v7 =	vld.idx.msk [tilespmem:v13+s12+$0x0], $0xffff  }
0x150: {  	v14 =	vadd.s32 $0x4380, v2;
	v13 =	vld.idx.msk [tilespmem:v1+s18+$0xA00 ss:$0x1], $0xffff  }
0x151: {  	v5 =	vadd.f32 v6, v5;
	v6 =	vmul.f32 v10, v8;
	v8 =	vld.idx.msk [tilespmem:v12+s12+$0x0], $0xffff  }
0x152: {  	v17 =	vadd.s32 $0x6080, v4;
	v12 =	vadd.s32 $0x6000, v2;
	v10 =	vld.idx.msk [tilespmem:v1+s18+$0xC00 ss:$0x1], $0xffff  }
0x153: {  	v5 =	vadd.f32 v6, v5;
	v6 =	vmul.f32 v16, v9;
	v9 =	vld.idx.msk [tilespmem:v15+s12+$0x0], $0xffff;
	v15 =	vand.u32 $0xFFFFFCF8, v17  }
0x154: {  	v17 =	vadd.s32 $0x6100, v4;
	v16 =	vld.idx.msk [tilespmem:v1+s18+$0xE00 ss:$0x1], $0xffff;
	v15 =	vor.u32 v3, v15  }
0x155: {  	v5 =	vadd.f32 v6, v5;
	v6 =	vmul.f32 v11, v7;
	v7 =	vld.idx.msk [tilespmem:v14+s12+$0x0], $0xffff;
	v11 =	vand.u32 $0xFFFFFD78, v17  }
0x156: {  	v17 =	vadd.s32 $0x6180, v4;
	v14 =	vld.idx.msk [tilespmem:v1+s18+$0x1000 ss:$0x1], $0xffff;
	v11 =	vor.u32 v3, v11  }
0x157: {  	v5 =	vadd.f32 v6, v5;
	v6 =	vmul.f32 v13, v8;
	v8 =	vld.idx.msk [tilespmem:v12+s12+$0x0], $0xffff;
	v12 =	vand.u32 $0xFFFFFDF8, v17  }
0x158: {  	v13 =	vld.idx.msk [tilespmem:v1+s18+$0x1200 ss:$0x1], $0xffff;
	v12 =	vor.u32 v3, v12  }
0x159: {  	v5 =	vadd.f32 v6, v5;
	v6 =	vmul.f32 v10, v9;
	v9 =	vld.idx.msk [tilespmem:v15+s12+$0x0], $0xffff  }
0x15a: {  	v4 =	vadd.s32 $0x6280, v4;
	v15 =	vadd.s32 $0x6200, v2;
	v10 =	vld.idx.msk [tilespmem:v1+s18+$0x1400 ss:$0x1], $0xffff  }
0x15b: {  	v4 =	vand.u32 $0xFFFFFEF8, v4;
	v5 =	vadd.f32 v6, v5;
	v6 =	vmul.f32 v16, v7;
	v7 =	vld.idx.msk [tilespmem:v11+s12+$0x0], $0xffff  }
0x15c: {  	v3 =	vor.u32 v3, v4;
	v11 =	vld.idx.msk [tilespmem:v1+s18+$0x1600 ss:$0x1], $0xffff  }
0x15d: {  	v4 =	vadd.f32 v6, v5;
	v5 =	vmul.f32 v14, v8;
	v6 =	vld.idx.msk [tilespmem:v12+s12+$0x0], $0xffff  }
0x15e: {  	v12 =	vadd.s32 $0x6300, v2;
	v8 =	vld.idx.msk [tilespmem:v1+s18+$0x1800 ss:$0x1], $0xffff  }
0x15f: {  	v4 =	vadd.f32 v5, v4;
	v5 =	vmul.f32 v13, v9;
	v9 =	vld.idx.msk [tilespmem:v15+s12+$0x0], $0xffff  }
0x160: {  	v2 =	vadd.s32 $0x6380, v2;
	v13 =	vld.idx.msk [tilespmem:v1+s18+$0x1A00 ss:$0x1], $0xffff  }
0x161: {  	v4 =	vadd.f32 v5, v4;
	v5 =	vmul.f32 v10, v7;
	v3 =	vld.idx.msk [tilespmem:v3+s12+$0x0], $0xffff  }
0x162: {  	v7 =	vld.idx.msk [tilespmem:v1+s18+$0x1C00 ss:$0x1], $0xffff  }
0x163: {  	v4 =	vadd.f32 v5, v4;
	v5 =	vmul.f32 v11, v6;
	v6 =	vld.idx.msk [tilespmem:v12+s12+$0x0], $0xffff  }
0x164: {  	v10 =	vld.idx.msk [tilespmem:v1+s18+$0x1E00 ss:$0x1], $0xffff  }
0x165: {  	v4 =	vadd.f32 v5, v4;
	v5 =	vmul.f32 v8, v9;
	v2 =	vld.idx.msk [tilespmem:v2+s12+$0x0], $0xffff;
	_ =	sdelay $0x1  }
0x166: {  	v3 =	vmul.f32 v13, v3;
	v4 =	vadd.f32 v5, v4;
	_ =	sdelay $0x1  }
.Ltmp4:
0x167: {  	v3 =	vadd.f32 v3, v4;
	v4 =	vmul.f32 v7, v6;
	(pc) =	sbr.rel @p1 .LBB2_11-.Ltmp4, $4  }
0x168: {  	_ = 	snop  }
0x169: {  	v2 =	vmul.f32 v10, v2;
	v3 =	vadd.f32 v4, v3  }
0x16a: {  	s19 =	sadd.s32 $0x40, s19  }
0x16b: {  	s20 =	sadd.s32 $0x10, s20;
	s22 =	sand.u32 $0x600, s19;
	v2 =	vadd.f32 v2, v3  }
0x16c: {  	s20 =	sand.u32 $0x70, s21;
	s30 =	sshrl.u32 s22, $0x2  }
0x16d: {  	s20 =	sor.u32 s20, s30;
	[tilespmem:s18+$0x10600] =	vst v2  }
0x16e: {  	v2 =	vld [tilespmem:s20+$0x400];
	_ =	sdelay $0x4  }
0x16f: {  	v3 =	vshll.u32 v2, $0x3  }
0x170: {  	v4 =	vand.u32 $0x7F, v2;
	v3 =	vand.u32 $0xFFFFFC00, v3  }
0x171: {  	v4 =	vor.u32 v4, v3  }
0x172: {  	v3 =	vand.u32 $0x7, v2;
	v5 =	vand.u32 $0xFFFFFC78, v4  }
0x173: {  	v2 =	vor.u32 v3, v5;
	_ =	sdelay $0x1  }
0x174: {  	s31 =	sshra.s32 s19, $0x2;
	v5 =	vor.u32 $0x80, v2  }
0x175: {  	v6 =	vld.idx.msk [tilespmem:v1+s31+$0xFFFFE000 ss:$0x1], $0xffff  }
0x176: {  	v9 =	vld.idx.msk [tilespmem:v1+s31+$0xFFFFE200 ss:$0x1], $0xffff;
	v7 =	vor.u32 $0x100, v2  }
0x177: {  	v8 =	vld.idx.msk [tilespmem:v2+s12+$0x0], $0xffff  }
0x178: {  	v11 =	vld [tilespmem:s31+$0x10600];
	v10 =	vor.u32 $0x180, v2  }
0x179: {  	v5 =	vld.idx.msk [tilespmem:v5+s12+$0x0], $0xffff  }
0x17a: {  	v12 =	vld.idx.msk [tilespmem:v1+s31+$0xFFFFE400 ss:$0x1], $0xffff;
	v13 =	vor.u32 $0x200, v2  }
0x17b: {  	v7 =	vld.idx.msk [tilespmem:v7+s12+$0x0], $0xffff  }
0x17c: {  	v14 =	vld.idx.msk [tilespmem:v1+s31+$0xFFFFE600 ss:$0x1], $0xffff;
	v15 =	vor.u32 $0x280, v2;
	v6 =	vmul.f32 v6, v8  }
0x17d: {  	v46 =	vld.idx.msk [tilespmem:v10+s12+$0x0], $0xffff  }
0x17e: {  	v47 =	vld.idx.msk [tilespmem:v1+s31+$0xFFFFE800 ss:$0x1], $0xffff;
	v16 =	vor.u32 $0x300, v2;
	v5 =	vmul.f32 v9, v5;
	v6 =	vadd.f32 v6, v11  }
0x17f: {  	v48 =	vld.idx.msk [tilespmem:v13+s12+$0x0], $0xffff  }
0x180: {  	v49 =	vld.idx.msk [tilespmem:v1+s31+$0xFFFFEA00 ss:$0x1], $0xffff;
	v50 =	vor.u32 $0x380, v2;
	v51 =	vmul.f32 v12, v7;
	v5 =	vadd.f32 v5, v6  }
0x181: {  	v54 =	vadd.s32 $0x2080, v4;
	v52 =	vld.idx.msk [tilespmem:v15+s12+$0x0], $0xffff  }
0x182: {  	v17 =	vld.idx.msk [tilespmem:v1+s31+$0xFFFFEC00 ss:$0x1], $0xffff;
	v53 =	vadd.s32 $0x2000, v2;
	v55 =	vmul.f32 v14, v46;
	v5 =	vadd.f32 v51, v5  }
0x183: {  	v58 =	vadd.s32 $0x2100, v4;
	v56 =	vand.u32 $0xFFFFFCF8, v54;
	v57 =	vld.idx.msk [tilespmem:v16+s12+$0x0], $0xffff  }
0x184: {  	v59 =	vld.idx.msk [tilespmem:v1+s31+$0xFFFFEE00 ss:$0x1], $0xffff;
	v8 =	vor.u32 v3, v56;
	v60 =	vmul.f32 v47, v48;
	v5 =	vadd.f32 v55, v5  }
0x185: {  	v19 =	vadd.s32 $0x2180, v4;
	v61 =	vand.u32 $0xFFFFFD78, v58;
	v62 =	vld.idx.msk [tilespmem:v50+s12+$0x0], $0xffff  }
0x186: {  	v63 =	vld.idx.msk [tilespmem:v1+s31+$0xFFFFF000 ss:$0x1], $0xffff;
	v9 =	vor.u32 v3, v61;
	v20 =	vmul.f32 v49, v52;
	v5 =	vadd.f32 v60, v5  }
0x187: {  	v22 =	vand.u32 $0xFFFFFDF8, v19;
	v21 =	vld.idx.msk [tilespmem:v53+s12+$0x0], $0xffff  }
0x188: {  	v23 =	vld.idx.msk [tilespmem:v1+s31+$0xFFFFF200 ss:$0x1], $0xffff;
	v24 =	vmul.f32 v17, v57;
	v11 =	vor.u32 v3, v22;
	v5 =	vadd.f32 v20, v5  }
0x189: {  	v27 =	vadd.s32 $0x2280, v4;
	v8 =	vld.idx.msk [tilespmem:v8+s12+$0x0], $0xffff  }
0x18a: {  	v26 =	vld.idx.msk [tilespmem:v1+s31+$0xFFFFF400 ss:$0x1], $0xffff;
	v25 =	vadd.s32 $0x2200, v2;
	v28 =	vmul.f32 v59, v62;
	v5 =	vadd.f32 v24, v5  }
0x18b: {  	v29 =	vand.u32 $0xFFFFFEF8, v27;
	v9 =	vld.idx.msk [tilespmem:v9+s12+$0x0], $0xffff  }
0x18c: {  	v30 =	vld.idx.msk [tilespmem:v1+s31+$0xFFFFF600 ss:$0x1], $0xffff;
	v10 =	vor.u32 v3, v29;
	v31 =	vmul.f32 v63, v21;
	v5 =	vadd.f32 v28, v5  }
0x18d: {  	v32 =	vld.idx.msk [tilespmem:v11+s12+$0x0], $0xffff  }
0x18e: {  	v33 =	vld.idx.msk [tilespmem:v1+s31+$0xFFFFF800 ss:$0x1], $0xffff;
	v34 =	vadd.s32 $0x2300, v2;
	v35 =	vmul.f32 v23, v8;
	v5 =	vadd.f32 v31, v5  }
0x18f: {  	v38 =	vadd.s32 $0x2380, v2;
	v36 =	vld.idx.msk [tilespmem:v25+s12+$0x0], $0xffff  }
0x190: {  	v37 =	vld.idx.msk [tilespmem:v1+s31+$0xFFFFFA00 ss:$0x1], $0xffff;
	v39 =	vmul.f32 v26, v9;
	v5 =	vadd.f32 v35, v5  }
0x191: {  	v42 =	vadd.s32 $0x4080, v4;
	v41 =	vadd.s32 $0x4000, v2;
	v40 =	vld.idx.msk [tilespmem:v10+s12+$0x0], $0xffff  }
0x192: {  	v43 =	vld.idx.msk [tilespmem:v1+s31+$0xFFFFFC00 ss:$0x1], $0xffff;
	v45 =	vand.u32 $0xFFFFFCF8, v42;
	v44 =	vmul.f32 v30, v32;
	v5 =	vadd.f32 v39, v5  }
0x193: {  	v13 =	vld.idx.msk [tilespmem:v34+s12+$0x0], $0xffff;
	v7 =	vor.u32 v3, v45  }
0x194: {  	v50 =	vld.idx.msk [tilespmem:v38+s12+$0x0], $0xffff;
	v46 =	vadd.s32 $0x4100, v4;
	v48 =	vmul.f32 v33, v36;
	v5 =	vadd.f32 v44, v5  }
0x195: {  	v47 =	vld.idx.msk [tilespmem:v1+s31+$0xFFFFFE00 ss:$0x1], $0xffff;
	v52 =	vadd.s32 $0x4180, v4;
	v49 =	vand.u32 $0xFFFFFD78, v46  }
0x196: {  	v54 =	vld.idx.msk [tilespmem:v41+s12+$0x0], $0xffff;
	v53 =	vmul.f32 v37, v40;
	v8 =	vor.u32 v3, v49;
	v5 =	vadd.f32 v48, v5  }
0x197: {  	v51 =	vld.idx.msk [tilespmem:v1+s31+$0x0 ss:$0x1], $0xffff;
	v55 =	vand.u32 $0xFFFFFDF8, v52  }
0x198: {  	v56 =	vld.idx.msk [tilespmem:v1+s31+$0x200 ss:$0x1], $0xffff;
	v57 =	vmul.f32 v43, v13;
	v10 =	vor.u32 v3, v55;
	v5 =	vadd.f32 v53, v5  }
0x199: {  	v58 =	vadd.s32 $0x4200, v2;
	v7 =	vld.idx.msk [tilespmem:v7+s12+$0x0], $0xffff  }
0x19a: {  	v59 =	vld.idx.msk [tilespmem:v1+s31+$0x400 ss:$0x1], $0xffff;
	v61 =	vmul.f32 v47, v50;
	v60 =	vadd.s32 $0x4280, v4;
	v5 =	vadd.f32 v57, v5  }
0x19b: {  	v62 =	vand.u32 $0xFFFFFEF8, v60;
	v8 =	vld.idx.msk [tilespmem:v8+s12+$0x0], $0xffff  }
0x19c: {  	v63 =	vld.idx.msk [tilespmem:v1+s31+$0x600 ss:$0x1], $0xffff;
	v19 =	vmul.f32 v51, v54;
	v11 =	vor.u32 v3, v62;
	v5 =	vadd.f32 v61, v5  }
0x19d: {  	v22 =	vadd.s32 $0x4300, v2;
	v20 =	vld.idx.msk [tilespmem:v10+s12+$0x0], $0xffff  }
0x19e: {  	v21 =	vld.idx.msk [tilespmem:v1+s31+$0x800 ss:$0x1], $0xffff;
	v23 =	vmul.f32 v56, v7;
	v5 =	vadd.f32 v19, v5  }
0x19f: {  	v26 =	vadd.s32 $0x4380, v2;
	v24 =	vld.idx.msk [tilespmem:v58+s12+$0x0], $0xffff  }
0x1a0: {  	v25 =	vld.idx.msk [tilespmem:v1+s31+$0xA00 ss:$0x1], $0xffff;
	v27 =	vmul.f32 v59, v8;
	v5 =	vadd.f32 v23, v5  }
0x1a1: {  	v29 =	vadd.s32 $0x6000, v2;
	v30 =	vadd.s32 $0x6080, v4;
	v28 =	vld.idx.msk [tilespmem:v11+s12+$0x0], $0xffff  }
0x1a2: {  	v14 =	vld.idx.msk [tilespmem:v22+s12+$0x0], $0xffff;
	v33 =	vand.u32 $0xFFFFFCF8, v30;
	v32 =	vmul.f32 v63, v20;
	v5 =	vadd.f32 v27, v5  }
0x1a3: {  	v9 =	vor.u32 v3, v33;
	v31 =	vld.idx.msk [tilespmem:v1+s31+$0xC00 ss:$0x1], $0xffff  }
0x1a4: {  	v34 =	vadd.s32 $0x6100, v4;
	v38 =	vld.idx.msk [tilespmem:v26+s12+$0x0], $0xffff;
	v36 =	vmul.f32 v21, v24;
	v5 =	vadd.f32 v32, v5  }
0x1a5: {  	v37 =	vand.u32 $0xFFFFFD78, v34;
	v40 =	vadd.s32 $0x6180, v4;
	v35 =	vld.idx.msk [tilespmem:v1+s31+$0xE00 ss:$0x1], $0xffff  }
0x1a6: {  	v42 =	vld.idx.msk [tilespmem:v29+s12+$0x0], $0xffff;
	v7 =	vor.u32 v3, v37;
	v41 =	vmul.f32 v25, v28;
	v5 =	vadd.f32 v36, v5  }
0x1a7: {  	v43 =	vand.u32 $0xFFFFFDF8, v40;
	v39 =	vld.idx.msk [tilespmem:v1+s31+$0x1000 ss:$0x1], $0xffff  }
0x1a8: {  	v11 =	vor.u32 v3, v43;
	v9 =	vld.idx.msk [tilespmem:v9+s12+$0x0], $0xffff;
	v45 =	vmul.f32 v31, v14;
	v5 =	vadd.f32 v41, v5  }
0x1a9: {  	v46 =	vadd.s32 $0x6200, v2;
	v4 =	vadd.s32 $0x6280, v4;
	v44 =	vld.idx.msk [tilespmem:v1+s31+$0x1200 ss:$0x1], $0xffff  }
0x1aa: {  	v47 =	vld.idx.msk [tilespmem:v1+s31+$0x1400 ss:$0x1], $0xffff;
	v4 =	vand.u32 $0xFFFFFEF8, v4;
	v48 =	vmul.f32 v35, v38;
	v5 =	vadd.f32 v45, v5  }
0x1ab: {  	v7 =	vld.idx.msk [tilespmem:v7+s12+$0x0], $0xffff;
	v3 =	vor.u32 v3, v4  }
0x1ac: {  	v49 =	vld.idx.msk [tilespmem:v1+s31+$0x1600 ss:$0x1], $0xffff;
	v51 =	vmul.f32 v39, v42;
	v50 =	vadd.f32 v48, v5  }
0x1ad: {  	v52 =	vld.idx.msk [tilespmem:v11+s12+$0x0], $0xffff  }
0x1ae: {  	v54 =	vadd.s32 $0x6300, v2;
	v56 =	vld.idx.msk [tilespmem:v46+s12+$0x0], $0xffff;
	v55 =	vmul.f32 v44, v9;
	v4 =	vadd.f32 v51, v50  }
0x1af: {  	v2 =	vadd.s32 $0x6380, v2;
	v53 =	vld.idx.msk [tilespmem:v1+s31+$0x1800 ss:$0x1], $0xffff  }
0x1b0: {  	v58 =	vmul.f32 v47, v7;
	v3 =	vld.idx.msk [tilespmem:v3+s12+$0x0], $0xffff;
	v4 =	vadd.f32 v55, v4  }
0x1b1: {  	v57 =	vld.idx.msk [tilespmem:v1+s31+$0x1A00 ss:$0x1], $0xffff  }
0x1b2: {  	v59 =	vld.idx.msk [tilespmem:v1+s31+$0x1C00 ss:$0x1], $0xffff;
	v60 =	vmul.f32 v49, v52;
	v4 =	vadd.f32 v58, v4  }
0x1b3: {  	v61 =	vld.idx.msk [tilespmem:v54+s12+$0x0], $0xffff  }
0x1b4: {  	v2 =	vld.idx.msk [tilespmem:v2+s12+$0x0], $0xffff;
	v62 =	vmul.f32 v53, v56;
	v4 =	vadd.f32 v60, v4  }
0x1b5: {  	v1 =	vld.idx.msk [tilespmem:v1+s31+$0x1E00 ss:$0x1], $0xffff  }
0x1b6: {  	v3 =	vmul.f32 v57, v3;
	v4 =	vadd.f32 v62, v4;
	_ =	sdelay $0x1  }
0x1b7: {  	s17 =	sadd.s32 $0x1, s17;
	v63 =	vmul.f32 v59, v61;
	v3 =	vadd.f32 v3, v4  }
0x1b8: {  	p1 =	sne.s32 s17, $0xD  }
.Ltmp5:
0x1b9: {  	v1 =	vmul.f32 v1, v2;
	v3 =	vadd.f32 v63, v3;
	(pc) =	sbr.rel @p1 .LBB2_6-.Ltmp5, $3  }
0x1ba: {  	_ = 	snop  }
0x1bb: {  	v1 =	vadd.f32 v1, v3;
	_ =	sdelay $0x1  }
0x1bc: {  	p0 =	por !p0, !p0;
	[tilespmem:s31+$0x10600] =	vst v1  }
0x1bd: {  	s16 =	sadd.s32 $0x1, s16  }
0x1be: {  	p0 =	sne.s32 s16, s8  }
.Ltmp6:
0x1bf: {  	_ = 	snop;
	(pc) =	sbr.rel @p0 .LBB2_1-.Ltmp6, $4  }
0x1c0: {  	[hbm4b:s7+s2] =	stream.linear.scatter [tilespmem:s15], [sflag:$0x3], $0x200, $0x38;
	[tilespmem:$0x10800] =	vst v63  }
0x1c1: {  	_ =	swait.ge [sflag:s9], $0x200  }
0x1c2: {  	[sflag:s9] =	ssyncset.done $0x0  }
0x1c3: {  	[sflag:s9] =	ssyncadd.s32 $0xFFFFFE00  }
0x1c4: {  	_ =	sfence.sel $0x180000  }
0x1c5: {  	[bflag:$0x0] =	sbarrier.arrive $0xFFFF  }
0x1c6: {  	p0 =	sne.s32 s1, $0x0;
	_ =	strace $0x9000004A  }
0x1c7: {  	s0 =	sadd.s32 @!p0 $0x100000, s0;
	[bflag:$0x2] =	sbarrier.arrive $0xFFFF  }
0x1c8: {  	[sflag:s0] =	ssyncadd.tile.s32 @!p0 $0x1;
	_ =	shalt  }
.Lfunc_end2:
_tile_overlayer_lowered:
.L_overlay_start_2:
0x1c9: {  	(tag) =	ssettag $0x2  }
0x1ca: {  	s0 =	rddreg [dreg:$0x0];
	s2 =	stileid.u32  }
0x1cb: {  	s1 =	rddreg [dreg:$0x1];
	p0 =	sne.s32 s2, $0x0  }
0x1cc: {  	s3 =	rddreg [dreg:$0x2];
	[bflag:$0x3] =	sbarrier.arrive $0xFFFF;
	s2 =	simm.s32 @!p0 $0x1C03  }
0x1cd: {  	[timem:s3], [sflag:s2] =	dma.local @!p0 [hbm:s0], s1  }
0x1ce: {  	s0 =	simm.s32 @!p0 $0x3  }
0x1cf: {  	_ =	swait.ge @!p0 [sflag:s0], s1  }
0x1d0: {  	s1 =	ssub.s32 @!p0 $0x0, s1;
	[sflag:s0] =	ssyncset.done @!p0 $0x0  }
0x1d1: {  	[sflag:s0] =	ssyncadd.s32 @!p0 s1  }
0x1d2: {  	[bflag:$0x3] =	sbarrier.arrive $0xFFFF  }
0x1d3: {  	_ =	shalt  }

</sc_bundles>
